<compile_context>
chip_gen: v7x
topology: tpu7x:2x2x1
jax: 0.10.2.dev20260603
libtpu: 0.0.44.dev20260713+nightly
codegen_flags: <defaults>
</compile_context>

<pallas_src>
import functools

import jax
import jax.numpy as jnp
from jax import lax
from jax.experimental import pallas as pl
from jax.experimental.pallas import tpu as pltpu
from jax.experimental.pallas import tpu_sc as plsc

_NC = 2
_NS = 16
_NW = _NC * _NS

_LANES = 16
_NUM_LM = 68
_LM_PAD = 80
_N_CHUNKS = _LM_PAD // _LANES
_NB = 128
_JH_CHUNKS = 3
_PK = 2 * _LM_PAD

_GATHER_DNUMS = lax.GatherDimensionNumbers(
    offset_dims=(), collapsed_slice_dims=(0,), start_index_map=(0,))


def _splat(vec, idx_scalar):
    rr = jnp.full((_LANES, 1), idx_scalar, jnp.int32)
    return lax.gather(vec, rr, _GATHER_DNUMS, slice_sizes=(1,),
                      mode=lax.GatherScatterMode.PROMISE_IN_BOUNDS)


def _loss_kernel(n, v, m2_hbm, lm_hbm, pk_hbm, out_hbm,
                 lm_v, pk_v, idx0_v, idx1_v, idx2_v, v0_v, v1_v, v2_v,
                 acc_v, sem):
    idx_refs = (idx0_v, idx1_v, idx2_v)
    val_refs = (v0_v, v1_v, v2_v)
    wid = lax.axis_index("s") * _NC + lax.axis_index("c")
    nt = wid // 4
    ch = (wid // 2) % 2
    jh = wid % 2
    is_c1 = ch == 1
    is_h1 = jh == 1

    pltpu.sync_copy(lm_hbm, lm_v)
    pltpu.sync_copy(pk_hbm, pk_v)

    rows_per_ch = (v // 8) * 64

    def chunk_pair(ref, base, q):
        a = ref[pl.ds(base + q * _LANES, _LANES)]
        b = ref[pl.ds(base + min(q + _JH_CHUNKS, _N_CHUNKS - 1) * _LANES,
                      _LANES)]
        return jnp.where(is_h1, b, a)

    for q in range(_JH_CHUNKS):
        lmj = chunk_pair(lm_v, 0, q)
        idx_refs[q][...] = (ch * rows_per_ch + (lmj >> 3) * 64
                            + nt * 8 + (lmj & 7))
        pltpu.async_copy(m2_hbm.at[idx_refs[q]], val_refs[q], sem)

    zeros = jnp.zeros((_LANES,), jnp.float32)
    tail_valid = _NUM_LM - _JH_CHUNKS * _LANES
    acc_a = zeros
    acc_b = zeros
    for g in range(_JH_CHUNKS):
        pltpu.make_async_copy(m2_hbm.at[idx_refs[g]], val_refs[g],
                              sem).wait()
        tvec = jnp.where(is_c1, chunk_pair(pk_v, _LM_PAD, g),
                         chunk_pair(pk_v, 0, g))
        vals = val_refs[g]
        for r in range(_LANES):
            t = _splat(tvec, r)
            racc = zeros
            for k in range(_NB // _LANES):
                d = vals[r, pl.ds(k * _LANES, _LANES)] - t
                racc = racc + d * d
            if g * _LANES + r < tail_valid:
                acc_a = acc_a + racc
            else:
                acc_b = acc_b + racc

    acc_v[...] = acc_a + jnp.where(is_h1, zeros, acc_b)
    pltpu.sync_copy(acc_v, out_hbm.at[wid])


def kernel(mapping, lm, landmarks):
    n, two, v = mapping.shape
    num_lm = lm.shape[0]

    m2 = (mapping
          .reshape(n // _NB, _NB, two, v // 8, 8)
          .transpose(2, 3, 0, 4, 1)
          .reshape(two * (v // 8) * (n // _NB) * 8, _NB))

    lm_pad = jnp.zeros((_LM_PAD,), jnp.int32).at[:num_lm].set(
        lm.astype(jnp.int32))
    pk = jnp.zeros((2, _LM_PAD), jnp.float32)
    pk = pk.at[0, :num_lm].set(landmarks[:, 0])
    pk = pk.at[1, :num_lm].set(landmarks[:, 1])
    pk = pk.reshape(_PK)

    mesh = plsc.VectorSubcoreMesh(core_axis_name="c", subcore_axis_name="s",
                                  num_cores=_NC, num_subcores=_NS)
    partials = pl.kernel(
        functools.partial(_loss_kernel, n, v),
        out_type=jax.ShapeDtypeStruct((_NW, _LANES), jnp.float32),
        mesh=mesh,
        scratch_types=[
            pltpu.VMEM((_LM_PAD,), jnp.int32),
            pltpu.VMEM((_PK,), jnp.float32),
            pltpu.VMEM((_LANES,), jnp.int32),
            pltpu.VMEM((_LANES,), jnp.int32),
            pltpu.VMEM((_LANES,), jnp.int32),
            pltpu.VMEM((_LANES, _NB), jnp.float32),
            pltpu.VMEM((_LANES, _NB), jnp.float32),
            pltpu.VMEM((_LANES, _NB), jnp.float32),
            pltpu.VMEM((_LANES,), jnp.float32),
            pltpu.SemaphoreType.DMA,
        ],
    )(m2, lm_pad, pk)
    return jnp.sum(partials) / n

# --- scband reference (transcript-rebuilt; emitter-appended) ---
"""Pipeline reference for scband-lm-loss-89550068121975 (READ-ONLY COPY).

The authoritative reference and input builder live on the scoring server;
editing this copy changes nothing except your own understanding.
"""

import jax, jax.numpy as jnp
import numpy as np

N = 1024
V = 10000
NUM_LM = 68

def setup_inputs(seed: int = 0) -> dict:
    key = jax.random.key(seed)
    k1, k2, k3 = jax.random.split(key, 3)
    mapping = jax.random.normal(k1, (N, 2, V), dtype=jnp.float32)
    lm = jax.random.randint(k2, (NUM_LM,), 0, V, dtype=jnp.int64 if jax.config.jax_enable_x64 else jnp.int32)
    landmarks = jax.random.normal(k3, (NUM_LM, 2), dtype=jnp.float32)
    return {"mapping": mapping, "lm": lm, "landmarks": landmarks}

def reference(mapping, lm, landmarks):
    n = mapping.shape[0]
    num_of_vertex = mapping.shape[2]
    mapping_trans = jnp.transpose(mapping, (0, 2, 1))
    mapping_inline = mapping_trans.reshape(n * num_of_vertex, 2)
    bias = jnp.arange(n).reshape((n, 1)) * num_of_vertex
    idx = lm + bias  # [N, NUM_LM] via broadcasting
    LM_after = mapping_inline[idx, :]  # gather -> [N, NUM_LM, 2]
    landmarks_b = jnp.expand_dims(landmarks, 0)  # [1, NUM_LM, 2]
    LM_diff = LM_after - landmarks_b
    LM_diff_sum_pow = jnp.sum(jnp.power(LM_diff, 2)) / n
    return LM_diff_sum_pow

if __name__ == "__main__":
    import jax
    _d = setup_inputs()
    print(jax.jit(kernel)(*tuple(_d.values())))

</pallas_src>

<mosaic_0001>
#map = affine_map<(d0, d1) -> (0, 0)>
#map1 = affine_map<(d0, d1) -> (0)>
module attributes {stable_mosaic.version = 14 : i64} {
  func.func @_loss_kernel(%arg0: i32, %arg1: i32, %arg2: memref<160000x128xf32, #tpu.memory_space<hbm>>, %arg3: memref<80xi32, #tpu.memory_space<hbm>>, %arg4: memref<160xf32, #tpu.memory_space<hbm>>, %arg5: memref<32x16xf32, #tpu.memory_space<hbm>>, %arg6: memref<80xi32, #tpu.memory_space<vmem>>, %arg7: memref<160xf32, #tpu.memory_space<vmem>>, %arg8: memref<16xi32, #tpu.memory_space<vmem>>, %arg9: memref<16xi32, #tpu.memory_space<vmem>>, %arg10: memref<16xi32, #tpu.memory_space<vmem>>, %arg11: memref<16x128xf32, #tpu.memory_space<vmem>>, %arg12: memref<16x128xf32, #tpu.memory_space<vmem>>, %arg13: memref<16x128xf32, #tpu.memory_space<vmem>>, %arg14: memref<16xf32, #tpu.memory_space<vmem>>, %arg15: memref<!tpu.dma_semaphore, #tpu.memory_space<semaphore_mem>>) attributes {dimension_semantics = [#tpu.dimension_semantics<core_parallel>, #tpu.dimension_semantics<subcore_parallel>], iteration_bounds = array<i64: 2, 16>, scalar_prefetch = 0 : i64, scratch_operands = 10 : i64, tpu.core_type = #tpu.core_type<sc_vector_subcore>, window_params = [{transform_indices = #map}, {transform_indices = #map1}, {transform_indices = #map1}, {transform_indices = #map}]} {
    %mul3A = arith.constant 2 : i32
    %mul3A_0 = arith.muli %arg1, %mul3A : i32
    %add3A = arith.addi %mul3A_0, %arg0 : i32
    %jit3A = arith.constant 4 : i32
    %div3A = arith.divsi %add3A, %jit3A : i32
    %sign3A = arith.constant 0 : i32
    %sign3A_1 = arith.cmpi sgt, %add3A, %sign3A : i32
    %sign3A_2 = arith.extui %sign3A_1 : i1 to i32
    %sign3A_3 = arith.constant 0 : i32
    %sign3A_4 = arith.cmpi slt, %add3A, %sign3A_3 : i32
    %sign3A_5 = arith.extui %sign3A_4 : i1 to i32
    %sign3A_6 = arith.subi %sign3A_2, %sign3A_5 : i32
    %sign3A_7 = arith.constant 0 : i32
    %sign3A_8 = arith.cmpi sgt, %jit3A, %sign3A_7 : i32
    %sign3A_9 = arith.extui %sign3A_8 : i1 to i32
    %sign3A_10 = arith.constant 0 : i32
    %sign3A_11 = arith.cmpi slt, %jit3A, %sign3A_10 : i32
    %sign3A_12 = arith.extui %sign3A_11 : i1 to i32
    %sign3A_13 = arith.subi %sign3A_9, %sign3A_12 : i32
    %ne3A = arith.cmpi ne, %sign3A_6, %sign3A_13 : i32
    %rem3A = arith.remsi %add3A, %jit3A : i32
    %ne3A_14 = arith.constant 0 : i32
    %ne3A_15 = arith.cmpi ne, %rem3A, %ne3A_14 : i32
    %and3A = arith.andi %ne3A, %ne3A_15 : i1
    %sub3A = arith.constant 1 : i32
    %sub3A_16 = arith.subi %div3A, %sub3A : i32
    %select_n3A = arith.select %and3A, %sub3A_16, %div3A : i32
    %jit3A_17 = arith.constant 2 : i32
    %div3A_18 = arith.divsi %add3A, %jit3A_17 : i32
    %sign3A_19 = arith.constant 0 : i32
    %sign3A_20 = arith.cmpi sgt, %add3A, %sign3A_19 : i32
    %sign3A_21 = arith.extui %sign3A_20 : i1 to i32
    %sign3A_22 = arith.constant 0 : i32
    %sign3A_23 = arith.cmpi slt, %add3A, %sign3A_22 : i32
    %sign3A_24 = arith.extui %sign3A_23 : i1 to i32
    %sign3A_25 = arith.subi %sign3A_21, %sign3A_24 : i32
    %sign3A_26 = arith.constant 0 : i32
    %sign3A_27 = arith.cmpi sgt, %jit3A_17, %sign3A_26 : i32
    %sign3A_28 = arith.extui %sign3A_27 : i1 to i32
    %sign3A_29 = arith.constant 0 : i32
    %sign3A_30 = arith.cmpi slt, %jit3A_17, %sign3A_29 : i32
    %sign3A_31 = arith.extui %sign3A_30 : i1 to i32
    %sign3A_32 = arith.subi %sign3A_28, %sign3A_31 : i32
    %ne3A_33 = arith.cmpi ne, %sign3A_25, %sign3A_32 : i32
    %rem3A_34 = arith.remsi %add3A, %jit3A_17 : i32
    %ne3A_35 = arith.constant 0 : i32
    %ne3A_36 = arith.cmpi ne, %rem3A_34, %ne3A_35 : i32
    %and3A_37 = arith.andi %ne3A_33, %ne3A_36 : i1
    %sub3A_38 = arith.constant 1 : i32
    %sub3A_39 = arith.subi %div3A_18, %sub3A_38 : i32
    %select_n3A_40 = arith.select %and3A_37, %sub3A_39, %div3A_18 : i32
    %jit3A_41 = arith.constant 2 : i32
    %eq3A = arith.constant 0 : i32
    %eq3A_42 = arith.cmpi eq, %jit3A_41, %eq3A : i32
    %jit3A_43 = arith.constant 1 : i32
    %select_n3A_44 = arith.select %eq3A_42, %jit3A_43, %jit3A_41 : i32
    %rem3A_45 = arith.remsi %select_n3A_40, %select_n3A_44 : i32
    %ne3A_46 = arith.constant 0 : i32
    %ne3A_47 = arith.cmpi ne, %rem3A_45, %ne3A_46 : i32
    %lt3A = arith.constant 0 : i32
    %lt3A_48 = arith.cmpi slt, %rem3A_45, %lt3A : i32
    %lt3A_49 = arith.constant 0 : i32
    %lt3A_50 = arith.cmpi slt, %select_n3A_44, %lt3A_49 : i32
    %ne3A_51 = arith.xori %lt3A_48, %lt3A_50 : i1
    %and3A_52 = arith.andi %ne3A_51, %ne3A_47 : i1
    %add3A_53 = arith.addi %rem3A_45, %select_n3A_44 : i32
    %select_n3A_54 = arith.select %and3A_52, %add3A_53, %rem3A_45 : i32
    %jit3A_55 = arith.constant 2 : i32
    %eq3A_56 = arith.constant 0 : i32
    %eq3A_57 = arith.cmpi eq, %jit3A_55, %eq3A_56 : i32
    %jit3A_58 = arith.constant 1 : i32
    %select_n3A_59 = arith.select %eq3A_57, %jit3A_58, %jit3A_55 : i32
    %rem3A_60 = arith.remsi %add3A, %select_n3A_59 : i32
    %ne3A_61 = arith.constant 0 : i32
    %ne3A_62 = arith.cmpi ne, %rem3A_60, %ne3A_61 : i32
    %lt3A_63 = arith.constant 0 : i32
    %lt3A_64 = arith.cmpi slt, %rem3A_60, %lt3A_63 : i32
    %lt3A_65 = arith.constant 0 : i32
    %lt3A_66 = arith.cmpi slt, %select_n3A_59, %lt3A_65 : i32
    %ne3A_67 = arith.xori %lt3A_64, %lt3A_66 : i1
    %and3A_68 = arith.andi %ne3A_67, %ne3A_62 : i1
    %add3A_69 = arith.addi %rem3A_60, %select_n3A_59 : i32
    %select_n3A_70 = arith.select %and3A_68, %add3A_69, %rem3A_60 : i32
    %eq3A_71 = arith.constant 1 : i32
    %eq3A_72 = arith.cmpi eq, %select_n3A_54, %eq3A_71 : i32
    %eq3A_73 = arith.constant 1 : i32
    %eq3A_74 = arith.cmpi eq, %select_n3A_70, %eq3A_73 : i32
    "tpu.region"() ({
      %run_scoped3A = tpu.sem_alloc : memref<!tpu.dma_semaphore, #tpu.memory_space<semaphore_mem>>
      tpu.enqueue_dma source(%arg3 : memref<80xi32, #tpu.memory_space<hbm>>) target(%arg6 : memref<80xi32, #tpu.memory_space<vmem>>) target_semaphore(%run_scoped3A : memref<!tpu.dma_semaphore, #tpu.memory_space<semaphore_mem>>)
      tpu.wait_dma2 semaphore(%run_scoped3A : memref<!tpu.dma_semaphore, #tpu.memory_space<semaphore_mem>>) src(%arg3 : memref<80xi32, #tpu.memory_space<hbm>>) dst(%arg6 : memref<80xi32, #tpu.memory_space<vmem>>)
      tpu.yield
    }) : () -> ()
    "tpu.region"() ({
      %run_scoped3A = tpu.sem_alloc : memref<!tpu.dma_semaphore, #tpu.memory_space<semaphore_mem>>
      tpu.enqueue_dma source(%arg4 : memref<160xf32, #tpu.memory_space<hbm>>) target(%arg7 : memref<160xf32, #tpu.memory_space<vmem>>) target_semaphore(%run_scoped3A : memref<!tpu.dma_semaphore, #tpu.memory_space<semaphore_mem>>)
      tpu.wait_dma2 semaphore(%run_scoped3A : memref<!tpu.dma_semaphore, #tpu.memory_space<semaphore_mem>>) src(%arg4 : memref<160xf32, #tpu.memory_space<hbm>>) dst(%arg7 : memref<160xf32, #tpu.memory_space<vmem>>)
      tpu.yield
    }) : () -> ()
    %get3A = arith.constant 0 : index
    %get3A_75 = tpu.vector_load %arg6[%get3A] {strides = array<i32>} : memref<80xi32, #tpu.memory_space<vmem>>, vector<16xi32>,
    %get3A_76 = vector.shape_cast %get3A_75 : vector<16xi32> to vector<16xi32>
    %get3A_77 = arith.constant 48 : index
    %get3A_78 = tpu.vector_load %arg6[%get3A_77] {strides = array<i32>} : memref<80xi32, #tpu.memory_space<vmem>>, vector<16xi32>,
    %get3A_79 = vector.shape_cast %get3A_78 : vector<16xi32> to vector<16xi32>
    %select_n3A_80 = arith.select %eq3A_74, %get3A_79, %get3A_76 : vector<16xi32>
    %mul3A_81 = arith.constant 80000 : i32
    %mul3A_82 = arith.muli %select_n3A_54, %mul3A_81 : i32
    %shift_right_arithmetic3A = arith.constant 3 : i32
    %shift_right_arithmetic3A_83 = vector.broadcast %shift_right_arithmetic3A : i32 to vector<16xi32>
    %shift_right_arithmetic3A_84 = arith.shrsi %select_n3A_80, %shift_right_arithmetic3A_83 : vector<16xi32>
    %mul3A_85 = arith.constant 64 : i32
    %mul3A_86 = vector.broadcast %mul3A_85 : i32 to vector<16xi32>
    %mul3A_87 = arith.muli %shift_right_arithmetic3A_84, %mul3A_86 : vector<16xi32>
    %add3A_88 = vector.broadcast %mul3A_82 : i32 to vector<16xi32>
    %add3A_89 = arith.addi %add3A_88, %mul3A_87 : vector<16xi32>
    %mul3A_90 = arith.constant 8 : i32
    %mul3A_91 = arith.muli %select_n3A, %mul3A_90 : i32
    %add3A_92 = vector.broadcast %mul3A_91 : i32 to vector<16xi32>
    %add3A_93 = arith.addi %add3A_89, %add3A_92 : vector<16xi32>
    %and3A_94 = arith.constant 7 : i32
    %and3A_95 = vector.broadcast %and3A_94 : i32 to vector<16xi32>
    %and3A_96 = arith.andi %select_n3A_80, %and3A_95 : vector<16xi32>
    %add3A_97 = arith.addi %add3A_93, %and3A_96 : vector<16xi32>
    %swap3A = arith.constant 0 : index
    %swap3A_98 = tpu.vector_load %arg8[%swap3A] {strides = array<i32>} : memref<16xi32, #tpu.memory_space<vmem>>, vector<16xi32>,
    %swap3A_99 = vector.shape_cast %swap3A_98 : vector<16xi32> to vector<16xi32>
    %swap3A_100 = vector.shape_cast %add3A_97 : vector<16xi32> to vector<16xi32>
    tpu.vector_store %arg8[%swap3A], %swap3A_100 {strides = array<i32>} : memref<16xi32, #tpu.memory_space<vmem>>, vector<16xi32>,
    %dma_start3A = arith.constant 0 : i32
    %dma_start3A_101 = arith.constant 0 : i32
    %dma_start3A_102 = tpu.memref_slice %arg2[%dma_start3A, %dma_start3A_101] : memref<160000x128xf32, #tpu.memory_space<hbm>> -> memref<160000x128xf32, #tpu.memory_space<hbm>>
    tpu.enqueue_indirect_dma source(%dma_start3A_102 : memref<160000x128xf32, #tpu.memory_space<hbm>>) target(%arg11 : memref<16x128xf32, #tpu.memory_space<vmem>>) offsets(%arg8 : memref<16xi32, #tpu.memory_space<vmem>>) semaphore(%arg15 : memref<!tpu.dma_semaphore, #tpu.memory_space<semaphore_mem>>)
    %get3A_103 = arith.constant 16 : index
    %get3A_104 = tpu.vector_load %arg6[%get3A_103] {strides = array<i32>} : memref<80xi32, #tpu.memory_space<vmem>>, vector<16xi32>,
    %get3A_105 = vector.shape_cast %get3A_104 : vector<16xi32> to vector<16xi32>
    %get3A_106 = arith.constant 64 : index
    %get3A_107 = tpu.vector_load %arg6[%get3A_106] {strides = array<i32>} : memref<80xi32, #tpu.memory_space<vmem>>, vector<16xi32>,
    %get3A_108 = vector.shape_cast %get3A_107 : vector<16xi32> to vector<16xi32>
    %select_n3A_109 = arith.select %eq3A_74, %get3A_108, %get3A_105 : vector<16xi32>
    %mul3A_110 = arith.constant 80000 : i32
    %mul3A_111 = arith.muli %select_n3A_54, %mul3A_110 : i32
    %shift_right_arithmetic3A_112 = arith.constant 3 : i32
    %shift_right_arithmetic3A_113 = vector.broadcast %shift_right_arithmetic3A_112 : i32 to vector<16xi32>
    %shift_right_arithmetic3A_114 = arith.shrsi %select_n3A_109, %shift_right_arithmetic3A_113 : vector<16xi32>
    %mul3A_115 = arith.constant 64 : i32
    %mul3A_116 = vector.broadcast %mul3A_115 : i32 to vector<16xi32>
    %mul3A_117 = arith.muli %shift_right_arithmetic3A_114, %mul3A_116 : vector<16xi32>
    %add3A_118 = vector.broadcast %mul3A_111 : i32 to vector<16xi32>
    %add3A_119 = arith.addi %add3A_118, %mul3A_117 : vector<16xi32>
    %mul3A_120 = arith.constant 8 : i32
    %mul3A_121 = arith.muli %select_n3A, %mul3A_120 : i32
    %add3A_122 = vector.broadcast %mul3A_121 : i32 to vector<16xi32>
    %add3A_123 = arith.addi %add3A_119, %add3A_122 : vector<16xi32>
    %and3A_124 = arith.constant 7 : i32
    %and3A_125 = vector.broadcast %and3A_124 : i32 to vector<16xi32>
    %and3A_126 = arith.andi %select_n3A_109, %and3A_125 : vector<16xi32>
    %add3A_127 = arith.addi %add3A_123, %and3A_126 : vector<16xi32>
    %swap3A_128 = arith.constant 0 : index
    %swap3A_129 = tpu.vector_load %arg9[%swap3A_128] {strides = array<i32>} : memref<16xi32, #tpu.memory_space<vmem>>, vector<16xi32>,
    %swap3A_130 = vector.shape_cast %swap3A_129 : vector<16xi32> to vector<16xi32>
    %swap3A_131 = vector.shape_cast %add3A_127 : vector<16xi32> to vector<16xi32>
    tpu.vector_store %arg9[%swap3A_128], %swap3A_131 {strides = array<i32>} : memref<16xi32, #tpu.memory_space<vmem>>, vector<16xi32>,
    %dma_start3A_132 = arith.constant 0 : i32
    %dma_start3A_133 = arith.constant 0 : i32
    %dma_start3A_134 = tpu.memref_slice %arg2[%dma_start3A_132, %dma_start3A_133] : memref<160000x128xf32, #tpu.memory_space<hbm>> -> memref<160000x128xf32, #tpu.memory_space<hbm>>
    tpu.enqueue_indirect_dma source(%dma_start3A_134 : memref<160000x128xf32, #tpu.memory_space<hbm>>) target(%arg12 : memref<16x128xf32, #tpu.memory_space<vmem>>) offsets(%arg9 : memref<16xi32, #tpu.memory_space<vmem>>) semaphore(%arg15 : memref<!tpu.dma_semaphore, #tpu.memory_space<semaphore_mem>>)
    %get3A_135 = arith.constant 32 : index
    %get3A_136 = tpu.vector_load %arg6[%get3A_135] {strides = array<i32>} : memref<80xi32, #tpu.memory_space<vmem>>, vector<16xi32>,
    %get3A_137 = vector.shape_cast %get3A_136 : vector<16xi32> to vector<16xi32>
    %get3A_138 = arith.constant 64 : index
    %get3A_139 = tpu.vector_load %arg6[%get3A_138] {strides = array<i32>} : memref<80xi32, #tpu.memory_space<vmem>>, vector<16xi32>,
    %get3A_140 = vector.shape_cast %get3A_139 : vector<16xi32> to vector<16xi32>
    %select_n3A_141 = arith.select %eq3A_74, %get3A_140, %get3A_137 : vector<16xi32>
    %mul3A_142 = arith.constant 80000 : i32
    %mul3A_143 = arith.muli %select_n3A_54, %mul3A_142 : i32
    %shift_right_arithmetic3A_144 = arith.constant 3 : i32
    %shift_right_arithmetic3A_145 = vector.broadcast %shift_right_arithmetic3A_144 : i32 to vector<16xi32>
    %shift_right_arithmetic3A_146 = arith.shrsi %select_n3A_141, %shift_right_arithmetic3A_145 : vector<16xi32>
    %mul3A_147 = arith.constant 64 : i32
    %mul3A_148 = vector.broadcast %mul3A_147 : i32 to vector<16xi32>
    %mul3A_149 = arith.muli %shift_right_arithmetic3A_146, %mul3A_148 : vector<16xi32>
    %add3A_150 = vector.broadcast %mul3A_143 : i32 to vector<16xi32>
    %add3A_151 = arith.addi %add3A_150, %mul3A_149 : vector<16xi32>
    %mul3A_152 = arith.constant 8 : i32
    %mul3A_153 = arith.muli %select_n3A, %mul3A_152 : i32
    %add3A_154 = vector.broadcast %mul3A_153 : i32 to vector<16xi32>
    %add3A_155 = arith.addi %add3A_151, %add3A_154 : vector<16xi32>
    %and3A_156 = arith.constant 7 : i32
    %and3A_157 = vector.broadcast %and3A_156 : i32 to vector<16xi32>
    %and3A_158 = arith.andi %select_n3A_141, %and3A_157 : vector<16xi32>
    %add3A_159 = arith.addi %add3A_155, %and3A_158 : vector<16xi32>
    %swap3A_160 = arith.constant 0 : index
    %swap3A_161 = tpu.vector_load %arg10[%swap3A_160] {strides = array<i32>} : memref<16xi32, #tpu.memory_space<vmem>>, vector<16xi32>,
    %swap3A_162 = vector.shape_cast %swap3A_161 : vector<16xi32> to vector<16xi32>
    %swap3A_163 = vector.shape_cast %add3A_159 : vector<16xi32> to vector<16xi32>
    tpu.vector_store %arg10[%swap3A_160], %swap3A_163 {strides = array<i32>} : memref<16xi32, #tpu.memory_space<vmem>>, vector<16xi32>,
    %dma_start3A_164 = arith.constant 0 : i32
    %dma_start3A_165 = arith.constant 0 : i32
    %dma_start3A_166 = tpu.memref_slice %arg2[%dma_start3A_164, %dma_start3A_165] : memref<160000x128xf32, #tpu.memory_space<hbm>> -> memref<160000x128xf32, #tpu.memory_space<hbm>>
    tpu.enqueue_indirect_dma source(%dma_start3A_166 : memref<160000x128xf32, #tpu.memory_space<hbm>>) target(%arg13 : memref<16x128xf32, #tpu.memory_space<vmem>>) offsets(%arg10 : memref<16xi32, #tpu.memory_space<vmem>>) semaphore(%arg15 : memref<!tpu.dma_semaphore, #tpu.memory_space<semaphore_mem>>)
    %broadcast_in_dim3A = arith.constant 0.000000e+00 : f32
    %broadcast_in_dim3A_167 = vector.broadcast %broadcast_in_dim3A : f32 to vector<16xf32>
    %dma_wait3A = arith.constant 0 : i32
    %dma_wait3A_168 = arith.constant 0 : i32
    %dma_wait3A_169 = tpu.memref_slice %arg2[%dma_wait3A, %dma_wait3A_168] : memref<160000x128xf32, #tpu.memory_space<hbm>> -> memref<160000x128xf32, #tpu.memory_space<hbm>>
    tpu.wait_indirect_dma semaphore(%arg15 : memref<!tpu.dma_semaphore, #tpu.memory_space<semaphore_mem>>) src(%dma_wait3A_169 : memref<160000x128xf32, #tpu.memory_space<hbm>>) dst(%arg11 : memref<16x128xf32, #tpu.memory_space<vmem>>)
    %get3A_170 = arith.constant 80 : index
    %get3A_171 = tpu.vector_load %arg7[%get3A_170] {strides = array<i32>} : memref<160xf32, #tpu.memory_space<vmem>>, vector<16xf32>,
    %get3A_172 = vector.shape_cast %get3A_171 : vector<16xf32> to vector<16xf32>
    %get3A_173 = arith.constant 128 : index
    %get3A_174 = tpu.vector_load %arg7[%get3A_173] {strides = array<i32>} : memref<160xf32, #tpu.memory_space<vmem>>, vector<16xf32>,
    %get3A_175 = vector.shape_cast %get3A_174 : vector<16xf32> to vector<16xf32>
    %select_n3A_176 = arith.select %eq3A_74, %get3A_175, %get3A_172 : vector<16xf32>
    %get3A_177 = arith.constant 0 : index
    %get3A_178 = tpu.vector_load %arg7[%get3A_177] {strides = array<i32>} : memref<160xf32, #tpu.memory_space<vmem>>, vector<16xf32>,
    %get3A_179 = vector.shape_cast %get3A_178 : vector<16xf32> to vector<16xf32>
    %get3A_180 = arith.constant 48 : index
    %get3A_181 = tpu.vector_load %arg7[%get3A_180] {strides = array<i32>} : memref<160xf32, #tpu.memory_space<vmem>>, vector<16xf32>,
    %get3A_182 = vector.shape_cast %get3A_181 : vector<16xf32> to vector<16xf32>
    %select_n3A_183 = arith.select %eq3A_74, %get3A_182, %get3A_179 : vector<16xf32>
    %select_n3A_184 = arith.select %eq3A_72, %select_n3A_176, %select_n3A_183 : vector<16xf32>
    %broadcast_in_dim3A_185 = arith.constant 0 : i32
    %broadcast_in_dim3A_186 = vector.broadcast %broadcast_in_dim3A_185 : i32 to vector<16x1xi32>
    %gather3A = vector.shape_cast %broadcast_in_dim3A_186 : vector<16x1xi32> to vector<16xi32>
    %gather3A_187 = tpu.dynamic_gather %select_n3A_184[%gather3A] in [0] : vector<16xf32>, vector<16xi32> -> vector<16xf32>
    %get3A_188 = arith.constant 0 : i32
    %get3A_189 = arith.index_cast %get3A_188 : i32 to index
    %get3A_190 = arith.constant 0 : index
    %get3A_191 = tpu.vector_load %arg11[%get3A_189, %get3A_190] {strides = array<i32>} : memref<16x128xf32, #tpu.memory_space<vmem>>, vector<1x16xf32>,
    %get3A_192 = vector.shape_cast %get3A_191 : vector<1x16xf32> to vector<16xf32>
    %sub3A_193 = arith.subf %get3A_192, %gather3A_187 : vector<16xf32>
    %mul3A_194 = arith.mulf %sub3A_193, %sub3A_193 : vector<16xf32>
    %add3A_195 = arith.addf %broadcast_in_dim3A_167, %mul3A_194 : vector<16xf32>
    %get3A_196 = arith.constant 0 : i32
    %get3A_197 = arith.index_cast %get3A_196 : i32 to index
    %get3A_198 = arith.constant 16 : index
    %get3A_199 = tpu.vector_load %arg11[%get3A_197, %get3A_198] {strides = array<i32>} : memref<16x128xf32, #tpu.memory_space<vmem>>, vector<1x16xf32>,
    %get3A_200 = vector.shape_cast %get3A_199 : vector<1x16xf32> to vector<16xf32>
    %sub3A_201 = arith.subf %get3A_200, %gather3A_187 : vector<16xf32>
    %mul3A_202 = arith.mulf %sub3A_201, %sub3A_201 : vector<16xf32>
    %add3A_203 = arith.addf %add3A_195, %mul3A_202 : vector<16xf32>
    %get3A_204 = arith.constant 0 : i32
    %get3A_205 = arith.index_cast %get3A_204 : i32 to index
    %get3A_206 = arith.constant 32 : index
    %get3A_207 = tpu.vector_load %arg11[%get3A_205, %get3A_206] {strides = array<i32>} : memref<16x128xf32, #tpu.memory_space<vmem>>, vector<1x16xf32>,
    %get3A_208 = vector.shape_cast %get3A_207 : vector<1x16xf32> to vector<16xf32>
    %sub3A_209 = arith.subf %get3A_208, %gather3A_187 : vector<16xf32>
    %mul3A_210 = arith.mulf %sub3A_209, %sub3A_209 : vector<16xf32>
    %add3A_211 = arith.addf %add3A_203, %mul3A_210 : vector<16xf32>
    %get3A_212 = arith.constant 0 : i32
    %get3A_213 = arith.index_cast %get3A_212 : i32 to index
    %get3A_214 = arith.constant 48 : index
    %get3A_215 = tpu.vector_load %arg11[%get3A_213, %get3A_214] {strides = array<i32>} : memref<16x128xf32, #tpu.memory_space<vmem>>, vector<1x16xf32>,
    %get3A_216 = vector.shape_cast %get3A_215 : vector<1x16xf32> to vector<16xf32>
    %sub3A_217 = arith.subf %get3A_216, %gather3A_187 : vector<16xf32>
    %mul3A_218 = arith.mulf %sub3A_217, %sub3A_217 : vector<16xf32>
    %add3A_219 = arith.addf %add3A_211, %mul3A_218 : vector<16xf32>
    %get3A_220 = arith.constant 0 : i32
    %get3A_221 = arith.index_cast %get3A_220 : i32 to index
    %get3A_222 = arith.constant 64 : index
    %get3A_223 = tpu.vector_load %arg11[%get3A_221, %get3A_222] {strides = array<i32>} : memref<16x128xf32, #tpu.memory_space<vmem>>, vector<1x16xf32>,
    %get3A_224 = vector.shape_cast %get3A_223 : vector<1x16xf32> to vector<16xf32>
    %sub3A_225 = arith.subf %get3A_224, %gather3A_187 : vector<16xf32>
    %mul3A_226 = arith.mulf %sub3A_225, %sub3A_225 : vector<16xf32>
    %add3A_227 = arith.addf %add3A_219, %mul3A_226 : vector<16xf32>
    %get3A_228 = arith.constant 0 : i32
    %get3A_229 = arith.index_cast %get3A_228 : i32 to index
    %get3A_230 = arith.constant 80 : index
    %get3A_231 = tpu.vector_load %arg11[%get3A_229, %get3A_230] {strides = array<i32>} : memref<16x128xf32, #tpu.memory_space<vmem>>, vector<1x16xf32>,
    %get3A_232 = vector.shape_cast %get3A_231 : vector<1x16xf32> to vector<16xf32>
    %sub3A_233 = arith.subf %get3A_232, %gather3A_187 : vector<16xf32>
    %mul3A_234 = arith.mulf %sub3A_233, %sub3A_233 : vector<16xf32>
    %add3A_235 = arith.addf %add3A_227, %mul3A_234 : vector<16xf32>
    %get3A_236 = arith.constant 0 : i32
    %get3A_237 = arith.index_cast %get3A_236 : i32 to index
    %get3A_238 = arith.constant 96 : index
    %get3A_239 = tpu.vector_load %arg11[%get3A_237, %get3A_238] {strides = array<i32>} : memref<16x128xf32, #tpu.memory_space<vmem>>, vector<1x16xf32>,
    %get3A_240 = vector.shape_cast %get3A_239 : vector<1x16xf32> to vector<16xf32>
    %sub3A_241 = arith.subf %get3A_240, %gather3A_187 : vector<16xf32>
    %mul3A_242 = arith.mulf %sub3A_241, %sub3A_241 : vector<16xf32>
    %add3A_243 = arith.addf %add3A_235, %mul3A_242 : vector<16xf32>
    %get3A_244 = arith.constant 0 : i32
    %get3A_245 = arith.index_cast %get3A_244 : i32 to index
    %get3A_246 = arith.constant 112 : index
    %get3A_247 = tpu.vector_load %arg11[%get3A_245, %get3A_246] {strides = array<i32>} : memref<16x128xf32, #tpu.memory_space<vmem>>, vector<1x16xf32>,
    %get3A_248 = vector.shape_cast %get3A_247 : vector<1x16xf32> to vector<16xf32>
    %sub3A_249 = arith.subf %get3A_248, %gather3A_187 : vector<16xf32>
    %mul3A_250 = arith.mulf %sub3A_249, %sub3A_249 : vector<16xf32>
    %add3A_251 = arith.addf %add3A_243, %mul3A_250 : vector<16xf32>
    %add3A_252 = arith.addf %broadcast_in_dim3A_167, %add3A_251 : vector<16xf32>
    %broadcast_in_dim3A_253 = arith.constant 1 : i32
    %broadcast_in_dim3A_254 = vector.broadcast %broadcast_in_dim3A_253 : i32 to vector<16x1xi32>
    %gather3A_255 = vector.shape_cast %broadcast_in_dim3A_254 : vector<16x1xi32> to vector<16xi32>
    %gather3A_256 = tpu.dynamic_gather %select_n3A_184[%gather3A_255] in [0] : vector<16xf32>, vector<16xi32> -> vector<16xf32>
    %get3A_257 = arith.constant 1 : i32
    %get3A_258 = arith.index_cast %get3A_257 : i32 to index
    %get3A_259 = arith.constant 0 : index
    %get3A_260 = tpu.vector_load %arg11[%get3A_258, %get3A_259] {strides = array<i32>} : memref<16x128xf32, #tpu.memory_space<vmem>>, vector<1x16xf32>,
    %get3A_261 = vector.shape_cast %get3A_260 : vector<1x16xf32> to vector<16xf32>
    %sub3A_262 = arith.subf %get3A_261, %gather3A_256 : vector<16xf32>
    %mul3A_263 = arith.mulf %sub3A_262, %sub3A_262 : vector<16xf32>
    %add3A_264 = arith.addf %broadcast_in_dim3A_167, %mul3A_263 : vector<16xf32>
    %get3A_265 = arith.constant 1 : i32
    %get3A_266 = arith.index_cast %get3A_265 : i32 to index
    %get3A_267 = arith.constant 16 : index
    %get3A_268 = tpu.vector_load %arg11[%get3A_266, %get3A_267] {strides = array<i32>} : memref<16x128xf32, #tpu.memory_space<vmem>>, vector<1x16xf32>,
    %get3A_269 = vector.shape_cast %get3A_268 : vector<1x16xf32> to vector<16xf32>
    %sub3A_270 = arith.subf %get3A_269, %gather3A_256 : vector<16xf32>
    %mul3A_271 = arith.mulf %sub3A_270, %sub3A_270 : vector<16xf32>
    %add3A_272 = arith.addf %add3A_264, %mul3A_271 : vector<16xf32>
    %get3A_273 = arith.constant 1 : i32
    %get3A_274 = arith.index_cast %get3A_273 : i32 to index
    %get3A_275 = arith.constant 32 : index
    %get3A_276 = tpu.vector_load %arg11[%get3A_274, %get3A_275] {strides = array<i32>} : memref<16x128xf32, #tpu.memory_space<vmem>>, vector<1x16xf32>,
    %get3A_277 = vector.shape_cast %get3A_276 : vector<1x16xf32> to vector<16xf32>
    %sub3A_278 = arith.subf %get3A_277, %gather3A_256 : vector<16xf32>
    %mul3A_279 = arith.mulf %sub3A_278, %sub3A_278 : vector<16xf32>
    %add3A_280 = arith.addf %add3A_272, %mul3A_279 : vector<16xf32>
    %get3A_281 = arith.constant 1 : i32
    %get3A_282 = arith.index_cast %get3A_281 : i32 to index
    %get3A_283 = arith.constant 48 : index
    %get3A_284 = tpu.vector_load %arg11[%get3A_282, %get3A_283] {strides = array<i32>} : memref<16x128xf32, #tpu.memory_space<vmem>>, vector<1x16xf32>,
    %get3A_285 = vector.shape_cast %get3A_284 : vector<1x16xf32> to vector<16xf32>
    %sub3A_286 = arith.subf %get3A_285, %gather3A_256 : vector<16xf32>
    %mul3A_287 = arith.mulf %sub3A_286, %sub3A_286 : vector<16xf32>
    %add3A_288 = arith.addf %add3A_280, %mul3A_287 : vector<16xf32>
    %get3A_289 = arith.constant 1 : i32
    %get3A_290 = arith.index_cast %get3A_289 : i32 to index
    %get3A_291 = arith.constant 64 : index
    %get3A_292 = tpu.vector_load %arg11[%get3A_290, %get3A_291] {strides = array<i32>} : memref<16x128xf32, #tpu.memory_space<vmem>>, vector<1x16xf32>,
    %get3A_293 = vector.shape_cast %get3A_292 : vector<1x16xf32> to vector<16xf32>
    %sub3A_294 = arith.subf %get3A_293, %gather3A_256 : vector<16xf32>
    %mul3A_295 = arith.mulf %sub3A_294, %sub3A_294 : vector<16xf32>
    %add3A_296 = arith.addf %add3A_288, %mul3A_295 : vector<16xf32>
    %get3A_297 = arith.constant 1 : i32
    %get3A_298 = arith.index_cast %get3A_297 : i32 to index
    %get3A_299 = arith.constant 80 : index
    %get3A_300 = tpu.vector_load %arg11[%get3A_298, %get3A_299] {strides = array<i32>} : memref<16x128xf32, #tpu.memory_space<vmem>>, vector<1x16xf32>,
    %get3A_301 = vector.shape_cast %get3A_300 : vector<1x16xf32> to vector<16xf32>
    %sub3A_302 = arith.subf %get3A_301, %gather3A_256 : vector<16xf32>
    %mul3A_303 = arith.mulf %sub3A_302, %sub3A_302 : vector<16xf32>
    %add3A_304 = arith.addf %add3A_296, %mul3A_303 : vector<16xf32>
    %get3A_305 = arith.constant 1 : i32
    %get3A_306 = arith.index_cast %get3A_305 : i32 to index
    %get3A_307 = arith.constant 96 : index
    %get3A_308 = tpu.vector_load %arg11[%get3A_306, %get3A_307] {strides = array<i32>} : memref<16x128xf32, #tpu.memory_space<vmem>>, vector<1x16xf32>,
    %get3A_309 = vector.shape_cast %get3A_308 : vector<1x16xf32> to vector<16xf32>
    %sub3A_310 = arith.subf %get3A_309, %gather3A_256 : vector<16xf32>
    %mul3A_311 = arith.mulf %sub3A_310, %sub3A_310 : vector<16xf32>
    %add3A_312 = arith.addf %add3A_304, %mul3A_311 : vector<16xf32>
    %get3A_313 = arith.constant 1 : i32
    %get3A_314 = arith.index_cast %get3A_313 : i32 to index
    %get3A_315 = arith.constant 112 : index
    %get3A_316 = tpu.vector_load %arg11[%get3A_314, %get3A_315] {strides = array<i32>} : memref<16x128xf32, #tpu.memory_space<vmem>>, vector<1x16xf32>,
    %get3A_317 = vector.shape_cast %get3A_316 : vector<1x16xf32> to vector<16xf32>
    %sub3A_318 = arith.subf %get3A_317, %gather3A_256 : vector<16xf32>
    %mul3A_319 = arith.mulf %sub3A_318, %sub3A_318 : vector<16xf32>
    %add3A_320 = arith.addf %add3A_312, %mul3A_319 : vector<16xf32>
    %add3A_321 = arith.addf %add3A_252, %add3A_320 : vector<16xf32>
    %broadcast_in_dim3A_322 = arith.constant 2 : i32
    %broadcast_in_dim3A_323 = vector.broadcast %broadcast_in_dim3A_322 : i32 to vector<16x1xi32>
    %gather3A_324 = vector.shape_cast %broadcast_in_dim3A_323 : vector<16x1xi32> to vector<16xi32>
    %gather3A_325 = tpu.dynamic_gather %select_n3A_184[%gather3A_324] in [0] : vector<16xf32>, vector<16xi32> -> vector<16xf32>
    %get3A_326 = arith.constant 2 : i32
    %get3A_327 = arith.index_cast %get3A_326 : i32 to index
    %get3A_328 = arith.constant 0 : index
    %get3A_329 = tpu.vector_load %arg11[%get3A_327, %get3A_328] {strides = array<i32>} : memref<16x128xf32, #tpu.memory_space<vmem>>, vector<1x16xf32>,
    %get3A_330 = vector.shape_cast %get3A_329 : vector<1x16xf32> to vector<16xf32>
    %sub3A_331 = arith.subf %get3A_330, %gather3A_325 : vector<16xf32>
    %mul3A_332 = arith.mulf %sub3A_331, %sub3A_331 : vector<16xf32>
    %add3A_333 = arith.addf %broadcast_in_dim3A_167, %mul3A_332 : vector<16xf32>
    %get3A_334 = arith.constant 2 : i32
    %get3A_335 = arith.index_cast %get3A_334 : i32 to index
    %get3A_336 = arith.constant 16 : index
    %get3A_337 = tpu.vector_load %arg11[%get3A_335, %get3A_336] {strides = array<i32>} : memref<16x128xf32, #tpu.memory_space<vmem>>, vector<1x16xf32>,
    %get3A_338 = vector.shape_cast %get3A_337 : vector<1x16xf32> to vector<16xf32>
    %sub3A_339 = arith.subf %get3A_338, %gather3A_325 : vector<16xf32>
    %mul3A_340 = arith.mulf %sub3A_339, %sub3A_339 : vector<16xf32>
    %add3A_341 = arith.addf %add3A_333, %mul3A_340 : vector<16xf32>
    %get3A_342 = arith.constant 2 : i32
    %get3A_343 = arith.index_cast %get3A_342 : i32 to index
    %get3A_344 = arith.constant 32 : index
    %get3A_345 = tpu.vector_load %arg11[%get3A_343, %get3A_344] {strides = array<i32>} : memref<16x128xf32, #tpu.memory_space<vmem>>, vector<1x16xf32>,
    %get3A_346 = vector.shape_cast %get3A_345 : vector<1x16xf32> to vector<16xf32>
    %sub3A_347 = arith.subf %get3A_346, %gather3A_325 : vector<16xf32>
    %mul3A_348 = arith.mulf %sub3A_347, %sub3A_347 : vector<16xf32>
    %add3A_349 = arith.addf %add3A_341, %mul3A_348 : vector<16xf32>
    %get3A_350 = arith.constant 2 : i32
    %get3A_351 = arith.index_cast %get3A_350 : i32 to index
    %get3A_352 = arith.constant 48 : index
    %get3A_353 = tpu.vector_load %arg11[%get3A_351, %get3A_352] {strides = array<i32>} : memref<16x128xf32, #tpu.memory_space<vmem>>, vector<1x16xf32>,
    %get3A_354 = vector.shape_cast %get3A_353 : vector<1x16xf32> to vector<16xf32>
    %sub3A_355 = arith.subf %get3A_354, %gather3A_325 : vector<16xf32>
    %mul3A_356 = arith.mulf %sub3A_355, %sub3A_355 : vector<16xf32>
    %add3A_357 = arith.addf %add3A_349, %mul3A_356 : vector<16xf32>
    %get3A_358 = arith.constant 2 : i32
    %get3A_359 = arith.index_cast %get3A_358 : i32 to index
    %get3A_360 = arith.constant 64 : index
    %get3A_361 = tpu.vector_load %arg11[%get3A_359, %get3A_360] {strides = array<i32>} : memref<16x128xf32, #tpu.memory_space<vmem>>, vector<1x16xf32>,
    %get3A_362 = vector.shape_cast %get3A_361 : vector<1x16xf32> to vector<16xf32>
    %sub3A_363 = arith.subf %get3A_362, %gather3A_325 : vector<16xf32>
    %mul3A_364 = arith.mulf %sub3A_363, %sub3A_363 : vector<16xf32>
    %add3A_365 = arith.addf %add3A_357, %mul3A_364 : vector<16xf32>
    %get3A_366 = arith.constant 2 : i32
    %get3A_367 = arith.index_cast %get3A_366 : i32 to index
    %get3A_368 = arith.constant 80 : index
    %get3A_369 = tpu.vector_load %arg11[%get3A_367, %get3A_368] {strides = array<i32>} : memref<16x128xf32, #tpu.memory_space<vmem>>, vector<1x16xf32>,
    %get3A_370 = vector.shape_cast %get3A_369 : vector<1x16xf32> to vector<16xf32>
    %sub3A_371 = arith.subf %get3A_370, %gather3A_325 : vector<16xf32>
    %mul3A_372 = arith.mulf %sub3A_371, %sub3A_371 : vector<16xf32>
    %add3A_373 = arith.addf %add3A_365, %mul3A_372 : vector<16xf32>
    %get3A_374 = arith.constant 2 : i32
    %get3A_375 = arith.index_cast %get3A_374 : i32 to index
    %get3A_376 = arith.constant 96 : index
    %get3A_377 = tpu.vector_load %arg11[%get3A_375, %get3A_376] {strides = array<i32>} : memref<16x128xf32, #tpu.memory_space<vmem>>, vector<1x16xf32>,
    %get3A_378 = vector.shape_cast %get3A_377 : vector<1x16xf32> to vector<16xf32>
    %sub3A_379 = arith.subf %get3A_378, %gather3A_325 : vector<16xf32>
    %mul3A_380 = arith.mulf %sub3A_379, %sub3A_379 : vector<16xf32>
    %add3A_381 = arith.addf %add3A_373, %mul3A_380 : vector<16xf32>
    %get3A_382 = arith.constant 2 : i32
    %get3A_383 = arith.index_cast %get3A_382 : i32 to index
    %get3A_384 = arith.constant 112 : index
    %get3A_385 = tpu.vector_load %arg11[%get3A_383, %get3A_384] {strides = array<i32>} : memref<16x128xf32, #tpu.memory_space<vmem>>, vector<1x16xf32>,
    %get3A_386 = vector.shape_cast %get3A_385 : vector<1x16xf32> to vector<16xf32>
    %sub3A_387 = arith.subf %get3A_386, %gather3A_325 : vector<16xf32>
    %mul3A_388 = arith.mulf %sub3A_387, %sub3A_387 : vector<16xf32>
    %add3A_389 = arith.addf %add3A_381, %mul3A_388 : vector<16xf32>
    %add3A_390 = arith.addf %add3A_321, %add3A_389 : vector<16xf32>
    %broadcast_in_dim3A_391 = arith.constant 3 : i32
    %broadcast_in_dim3A_392 = vector.broadcast %broadcast_in_dim3A_391 : i32 to vector<16x1xi32>
    %gather3A_393 = vector.shape_cast %broadcast_in_dim3A_392 : vector<16x1xi32> to vector<16xi32>
    %gather3A_394 = tpu.dynamic_gather %select_n3A_184[%gather3A_393] in [0] : vector<16xf32>, vector<16xi32> -> vector<16xf32>
    %get3A_395 = arith.constant 3 : i32
    %get3A_396 = arith.index_cast %get3A_395 : i32 to index
    %get3A_397 = arith.constant 0 : index
    %get3A_398 = tpu.vector_load %arg11[%get3A_396, %get3A_397] {strides = array<i32>} : memref<16x128xf32, #tpu.memory_space<vmem>>, vector<1x16xf32>,
    %get3A_399 = vector.shape_cast %get3A_398 : vector<1x16xf32> to vector<16xf32>
    %sub3A_400 = arith.subf %get3A_399, %gather3A_394 : vector<16xf32>
    %mul3A_401 = arith.mulf %sub3A_400, %sub3A_400 : vector<16xf32>
    %add3A_402 = arith.addf %broadcast_in_dim3A_167, %mul3A_401 : vector<16xf32>
    %get3A_403 = arith.constant 3 : i32
    %get3A_404 = arith.index_cast %get3A_403 : i32 to index
    %get3A_405 = arith.constant 16 : index
    %get3A_406 = tpu.vector_load %arg11[%get3A_404, %get3A_405] {strides = array<i32>} : memref<16x128xf32, #tpu.memory_space<vmem>>, vector<1x16xf32>,
    %get3A_407 = vector.shape_cast %get3A_406 : vector<1x16xf32> to vector<16xf32>
    %sub3A_408 = arith.subf %get3A_407, %gather3A_394 : vector<16xf32>
    %mul3A_409 = arith.mulf %sub3A_408, %sub3A_408 : vector<16xf32>
    %add3A_410 = arith.addf %add3A_402, %mul3A_409 : vector<16xf32>
    %get3A_411 = arith.constant 3 : i32
    %get3A_412 = arith.index_cast %get3A_411 : i32 to index
    %get3A_413 = arith.constant 32 : index
    %get3A_414 = tpu.vector_load %arg11[%get3A_412, %get3A_413] {strides = array<i32>} : memref<16x128xf32, #tpu.memory_space<vmem>>, vector<1x16xf32>,
    %get3A_415 = vector.shape_cast %get3A_414 : vector<1x16xf32> to vector<16xf32>
    %sub3A_416 = arith.subf %get3A_415, %gather3A_394 : vector<16xf32>
    %mul3A_417 = arith.mulf %sub3A_416, %sub3A_416 : vector<16xf32>
    %add3A_418 = arith.addf %add3A_410, %mul3A_417 : vector<16xf32>
    %get3A_419 = arith.constant 3 : i32
    %get3A_420 = arith.index_cast %get3A_419 : i32 to index
    %get3A_421 = arith.constant 48 : index
    %get3A_422 = tpu.vector_load %arg11[%get3A_420, %get3A_421] {strides = array<i32>} : memref<16x128xf32, #tpu.memory_space<vmem>>, vector<1x16xf32>,
    %get3A_423 = vector.shape_cast %get3A_422 : vector<1x16xf32> to vector<16xf32>
    %sub3A_424 = arith.subf %get3A_423, %gather3A_394 : vector<16xf32>
    %mul3A_425 = arith.mulf %sub3A_424, %sub3A_424 : vector<16xf32>
    %add3A_426 = arith.addf %add3A_418, %mul3A_425 : vector<16xf32>
    %get3A_427 = arith.constant 3 : i32
    %get3A_428 = arith.index_cast %get3A_427 : i32 to index
    %get3A_429 = arith.constant 64 : index
    %get3A_430 = tpu.vector_load %arg11[%get3A_428, %get3A_429] {strides = array<i32>} : memref<16x128xf32, #tpu.memory_space<vmem>>, vector<1x16xf32>,
    %get3A_431 = vector.shape_cast %get3A_430 : vector<1x16xf32> to vector<16xf32>
    %sub3A_432 = arith.subf %get3A_431, %gather3A_394 : vector<16xf32>
    %mul3A_433 = arith.mulf %sub3A_432, %sub3A_432 : vector<16xf32>
    %add3A_434 = arith.addf %add3A_426, %mul3A_433 : vector<16xf32>
    %get3A_435 = arith.constant 3 : i32
    %get3A_436 = arith.index_cast %get3A_435 : i32 to index
    %get3A_437 = arith.constant 80 : index
    %get3A_438 = tpu.vector_load %arg11[%get3A_436, %get3A_437] {strides = array<i32>} : memref<16x128xf32, #tpu.memory_space<vmem>>, vector<1x16xf32>,
    %get3A_439 = vector.shape_cast %get3A_438 : vector<1x16xf32> to vector<16xf32>
    %sub3A_440 = arith.subf %get3A_439, %gather3A_394 : vector<16xf32>
    %mul3A_441 = arith.mulf %sub3A_440, %sub3A_440 : vector<16xf32>
    %add3A_442 = arith.addf %add3A_434, %mul3A_441 : vector<16xf32>
    %get3A_443 = arith.constant 3 : i32
    %get3A_444 = arith.index_cast %get3A_443 : i32 to index
    %get3A_445 = arith.constant 96 : index
    %get3A_446 = tpu.vector_load %arg11[%get3A_444, %get3A_445] {strides = array<i32>} : memref<16x128xf32, #tpu.memory_space<vmem>>, vector<1x16xf32>,
    %get3A_447 = vector.shape_cast %get3A_446 : vector<1x16xf32> to vector<16xf32>
    %sub3A_448 = arith.subf %get3A_447, %gather3A_394 : vector<16xf32>
    %mul3A_449 = arith.mulf %sub3A_448, %sub3A_448 : vector<16xf32>
    %add3A_450 = arith.addf %add3A_442, %mul3A_449 : vector<16xf32>
    %get3A_451 = arith.constant 3 : i32
    %get3A_452 = arith.index_cast %get3A_451 : i32 to index
    %get3A_453 = arith.constant 112 : index
    %get3A_454 = tpu.vector_load %arg11[%get3A_452, %get3A_453] {strides = array<i32>} : memref<16x128xf32, #tpu.memory_space<vmem>>, vector<1x16xf32>,
    %get3A_455 = vector.shape_cast %get3A_454 : vector<1x16xf32> to vector<16xf32>
    %sub3A_456 = arith.subf %get3A_455, %gather3A_394 : vector<16xf32>
    %mul3A_457 = arith.mulf %sub3A_456, %sub3A_456 : vector<16xf32>
    %add3A_458 = arith.addf %add3A_450, %mul3A_457 : vector<16xf32>
    %add3A_459 = arith.addf %add3A_390, %add3A_458 : vector<16xf32>
    %broadcast_in_dim3A_460 = arith.constant 4 : i32
    %broadcast_in_dim3A_461 = vector.broadcast %broadcast_in_dim3A_460 : i32 to vector<16x1xi32>
    %gather3A_462 = vector.shape_cast %broadcast_in_dim3A_461 : vector<16x1xi32> to vector<16xi32>
    %gather3A_463 = tpu.dynamic_gather %select_n3A_184[%gather3A_462] in [0] : vector<16xf32>, vector<16xi32> -> vector<16xf32>
    %get3A_464 = arith.constant 4 : i32
    %get3A_465 = arith.index_cast %get3A_464 : i32 to index
    %get3A_466 = arith.constant 0 : index
    %get3A_467 = tpu.vector_load %arg11[%get3A_465, %get3A_466] {strides = array<i32>} : memref<16x128xf32, #tpu.memory_space<vmem>>, vector<1x16xf32>,
    %get3A_468 = vector.shape_cast %get3A_467 : vector<1x16xf32> to vector<16xf32>
    %sub3A_469 = arith.subf %get3A_468, %gather3A_463 : vector<16xf32>
    %mul3A_470 = arith.mulf %sub3A_469, %sub3A_469 : vector<16xf32>
    %add3A_471 = arith.addf %broadcast_in_dim3A_167, %mul3A_470 : vector<16xf32>
    %get3A_472 = arith.constant 4 : i32
    %get3A_473 = arith.index_cast %get3A_472 : i32 to index
    %get3A_474 = arith.constant 16 : index
    %get3A_475 = tpu.vector_load %arg11[%get3A_473, %get3A_474] {strides = array<i32>} : memref<16x128xf32, #tpu.memory_space<vmem>>, vector<1x16xf32>,
    %get3A_476 = vector.shape_cast %get3A_475 : vector<1x16xf32> to vector<16xf32>
    %sub3A_477 = arith.subf %get3A_476, %gather3A_463 : vector<16xf32>
    %mul3A_478 = arith.mulf %sub3A_477, %sub3A_477 : vector<16xf32>
    %add3A_479 = arith.addf %add3A_471, %mul3A_478 : vector<16xf32>
    %get3A_480 = arith.constant 4 : i32
    %get3A_481 = arith.index_cast %get3A_480 : i32 to index
    %get3A_482 = arith.constant 32 : index
    %get3A_483 = tpu.vector_load %arg11[%get3A_481, %get3A_482] {strides = array<i32>} : memref<16x128xf32, #tpu.memory_space<vmem>>, vector<1x16xf32>,
    %get3A_484 = vector.shape_cast %get3A_483 : vector<1x16xf32> to vector<16xf32>
    %sub3A_485 = arith.subf %get3A_484, %gather3A_463 : vector<16xf32>
    %mul3A_486 = arith.mulf %sub3A_485, %sub3A_485 : vector<16xf32>
    %add3A_487 = arith.addf %add3A_479, %mul3A_486 : vector<16xf32>
    %get3A_488 = arith.constant 4 : i32
    %get3A_489 = arith.index_cast %get3A_488 : i32 to index
    %get3A_490 = arith.constant 48 : index
    %get3A_491 = tpu.vector_load %arg11[%get3A_489, %get3A_490] {strides = array<i32>} : memref<16x128xf32, #tpu.memory_space<vmem>>, vector<1x16xf32>,
    %get3A_492 = vector.shape_cast %get3A_491 : vector<1x16xf32> to vector<16xf32>
    %sub3A_493 = arith.subf %get3A_492, %gather3A_463 : vector<16xf32>
    %mul3A_494 = arith.mulf %sub3A_493, %sub3A_493 : vector<16xf32>
    %add3A_495 = arith.addf %add3A_487, %mul3A_494 : vector<16xf32>
    %get3A_496 = arith.constant 4 : i32
    %get3A_497 = arith.index_cast %get3A_496 : i32 to index
    %get3A_498 = arith.constant 64 : index
    %get3A_499 = tpu.vector_load %arg11[%get3A_497, %get3A_498] {strides = array<i32>} : memref<16x128xf32, #tpu.memory_space<vmem>>, vector<1x16xf32>,
    %get3A_500 = vector.shape_cast %get3A_499 : vector<1x16xf32> to vector<16xf32>
    %sub3A_501 = arith.subf %get3A_500, %gather3A_463 : vector<16xf32>
    %mul3A_502 = arith.mulf %sub3A_501, %sub3A_501 : vector<16xf32>
    %add3A_503 = arith.addf %add3A_495, %mul3A_502 : vector<16xf32>
    %get3A_504 = arith.constant 4 : i32
    %get3A_505 = arith.index_cast %get3A_504 : i32 to index
    %get3A_506 = arith.constant 80 : index
    %get3A_507 = tpu.vector_load %arg11[%get3A_505, %get3A_506] {strides = array<i32>} : memref<16x128xf32, #tpu.memory_space<vmem>>, vector<1x16xf32>,
    %get3A_508 = vector.shape_cast %get3A_507 : vector<1x16xf32> to vector<16xf32>
    %sub3A_509 = arith.subf %get3A_508, %gather3A_463 : vector<16xf32>
    %mul3A_510 = arith.mulf %sub3A_509, %sub3A_509 : vector<16xf32>
    %add3A_511 = arith.addf %add3A_503, %mul3A_510 : vector<16xf32>
    %get3A_512 = arith.constant 4 : i32
    %get3A_513 = arith.index_cast %get3A_512 : i32 to index
    %get3A_514 = arith.constant 96 : index
    %get3A_515 = tpu.vector_load %arg11[%get3A_513, %get3A_514] {strides = array<i32>} : memref<16x128xf32, #tpu.memory_space<vmem>>, vector<1x16xf32>,
    %get3A_516 = vector.shape_cast %get3A_515 : vector<1x16xf32> to vector<16xf32>
    %sub3A_517 = arith.subf %get3A_516, %gather3A_463 : vector<16xf32>
    %mul3A_518 = arith.mulf %sub3A_517, %sub3A_517 : vector<16xf32>
    %add3A_519 = arith.addf %add3A_511, %mul3A_518 : vector<16xf32>
    %get3A_520 = arith.constant 4 : i32
    %get3A_521 = arith.index_cast %get3A_520 : i32 to index
    %get3A_522 = arith.constant 112 : index
    %get3A_523 = tpu.vector_load %arg11[%get3A_521, %get3A_522] {strides = array<i32>} : memref<16x128xf32, #tpu.memory_space<vmem>>, vector<1x16xf32>,
    %get3A_524 = vector.shape_cast %get3A_523 : vector<1x16xf32> to vector<16xf32>
    %sub3A_525 = arith.subf %get3A_524, %gather3A_463 : vector<16xf32>
    %mul3A_526 = arith.mulf %sub3A_525, %sub3A_525 : vector<16xf32>
    %add3A_527 = arith.addf %add3A_519, %mul3A_526 : vector<16xf32>
    %add3A_528 = arith.addf %add3A_459, %add3A_527 : vector<16xf32>
    %broadcast_in_dim3A_529 = arith.constant 5 : i32
    %broadcast_in_dim3A_530 = vector.broadcast %broadcast_in_dim3A_529 : i32 to vector<16x1xi32>
    %gather3A_531 = vector.shape_cast %broadcast_in_dim3A_530 : vector<16x1xi32> to vector<16xi32>
    %gather3A_532 = tpu.dynamic_gather %select_n3A_184[%gather3A_531] in [0] : vector<16xf32>, vector<16xi32> -> vector<16xf32>
    %get3A_533 = arith.constant 5 : i32
    %get3A_534 = arith.index_cast %get3A_533 : i32 to index
    %get3A_535 = arith.constant 0 : index
    %get3A_536 = tpu.vector_load %arg11[%get3A_534, %get3A_535] {strides = array<i32>} : memref<16x128xf32, #tpu.memory_space<vmem>>, vector<1x16xf32>,
    %get3A_537 = vector.shape_cast %get3A_536 : vector<1x16xf32> to vector<16xf32>
    %sub3A_538 = arith.subf %get3A_537, %gather3A_532 : vector<16xf32>
    %mul3A_539 = arith.mulf %sub3A_538, %sub3A_538 : vector<16xf32>
    %add3A_540 = arith.addf %broadcast_in_dim3A_167, %mul3A_539 : vector<16xf32>
    %get3A_541 = arith.constant 5 : i32
    %get3A_542 = arith.index_cast %get3A_541 : i32 to index
    %get3A_543 = arith.constant 16 : index
    %get3A_544 = tpu.vector_load %arg11[%get3A_542, %get3A_543] {strides = array<i32>} : memref<16x128xf32, #tpu.memory_space<vmem>>, vector<1x16xf32>,
    %get3A_545 = vector.shape_cast %get3A_544 : vector<1x16xf32> to vector<16xf32>
    %sub3A_546 = arith.subf %get3A_545, %gather3A_532 : vector<16xf32>
    %mul3A_547 = arith.mulf %sub3A_546, %sub3A_546 : vector<16xf32>
    %add3A_548 = arith.addf %add3A_540, %mul3A_547 : vector<16xf32>
    %get3A_549 = arith.constant 5 : i32
    %get3A_550 = arith.index_cast %get3A_549 : i32 to index
    %get3A_551 = arith.constant 32 : index
    %get3A_552 = tpu.vector_load %arg11[%get3A_550, %get3A_551] {strides = array<i32>} : memref<16x128xf32, #tpu.memory_space<vmem>>, vector<1x16xf32>,
    %get3A_553 = vector.shape_cast %get3A_552 : vector<1x16xf32> to vector<16xf32>
    %sub3A_554 = arith.subf %get3A_553, %gather3A_532 : vector<16xf32>
    %mul3A_555 = arith.mulf %sub3A_554, %sub3A_554 : vector<16xf32>
    %add3A_556 = arith.addf %add3A_548, %mul3A_555 : vector<16xf32>
    %get3A_557 = arith.constant 5 : i32
    %get3A_558 = arith.index_cast %get3A_557 : i32 to index
    %get3A_559 = arith.constant 48 : index
    %get3A_560 = tpu.vector_load %arg11[%get3A_558, %get3A_559] {strides = array<i32>} : memref<16x128xf32, #tpu.memory_space<vmem>>, vector<1x16xf32>,
    %get3A_561 = vector.shape_cast %get3A_560 : vector<1x16xf32> to vector<16xf32>
    %sub3A_562 = arith.subf %get3A_561, %gather3A_532 : vector<16xf32>
    %mul3A_563 = arith.mulf %sub3A_562, %sub3A_562 : vector<16xf32>
    %add3A_564 = arith.addf %add3A_556, %mul3A_563 : vector<16xf32>
    %get3A_565 = arith.constant 5 : i32
    %get3A_566 = arith.index_cast %get3A_565 : i32 to index
    %get3A_567 = arith.constant 64 : index
    %get3A_568 = tpu.vector_load %arg11[%get3A_566, %get3A_567] {strides = array<i32>} : memref<16x128xf32, #tpu.memory_space<vmem>>, vector<1x16xf32>,
    %get3A_569 = vector.shape_cast %get3A_568 : vector<1x16xf32> to vector<16xf32>
    %sub3A_570 = arith.subf %get3A_569, %gather3A_532 : vector<16xf32>
    %mul3A_571 = arith.mulf %sub3A_570, %sub3A_570 : vector<16xf32>
    %add3A_572 = arith.addf %add3A_564, %mul3A_571 : vector<16xf32>
    %get3A_573 = arith.constant 5 : i32
    %get3A_574 = arith.index_cast %get3A_573 : i32 to index
    %get3A_575 = arith.constant 80 : index
    %get3A_576 = tpu.vector_load %arg11[%get3A_574, %get3A_575] {strides = array<i32>} : memref<16x128xf32, #tpu.memory_space<vmem>>, vector<1x16xf32>,
    %get3A_577 = vector.shape_cast %get3A_576 : vector<1x16xf32> to vector<16xf32>
    %sub3A_578 = arith.subf %get3A_577, %gather3A_532 : vector<16xf32>
    %mul3A_579 = arith.mulf %sub3A_578, %sub3A_578 : vector<16xf32>
    %add3A_580 = arith.addf %add3A_572, %mul3A_579 : vector<16xf32>
    %get3A_581 = arith.constant 5 : i32
    %get3A_582 = arith.index_cast %get3A_581 : i32 to index
    %get3A_583 = arith.constant 96 : index
    %get3A_584 = tpu.vector_load %arg11[%get3A_582, %get3A_583] {strides = array<i32>} : memref<16x128xf32, #tpu.memory_space<vmem>>, vector<1x16xf32>,
    %get3A_585 = vector.shape_cast %get3A_584 : vector<1x16xf32> to vector<16xf32>
    %sub3A_586 = arith.subf %get3A_585, %gather3A_532 : vector<16xf32>
    %mul3A_587 = arith.mulf %sub3A_586, %sub3A_586 : vector<16xf32>
    %add3A_588 = arith.addf %add3A_580, %mul3A_587 : vector<16xf32>
    %get3A_589 = arith.constant 5 : i32
    %get3A_590 = arith.index_cast %get3A_589 : i32 to index
    %get3A_591 = arith.constant 112 : index
    %get3A_592 = tpu.vector_load %arg11[%get3A_590, %get3A_591] {strides = array<i32>} : memref<16x128xf32, #tpu.memory_space<vmem>>, vector<1x16xf32>,
    %get3A_593 = vector.shape_cast %get3A_592 : vector<1x16xf32> to vector<16xf32>
    %sub3A_594 = arith.subf %get3A_593, %gather3A_532 : vector<16xf32>
    %mul3A_595 = arith.mulf %sub3A_594, %sub3A_594 : vector<16xf32>
    %add3A_596 = arith.addf %add3A_588, %mul3A_595 : vector<16xf32>
    %add3A_597 = arith.addf %add3A_528, %add3A_596 : vector<16xf32>
    %broadcast_in_dim3A_598 = arith.constant 6 : i32
    %broadcast_in_dim3A_599 = vector.broadcast %broadcast_in_dim3A_598 : i32 to vector<16x1xi32>
    %gather3A_600 = vector.shape_cast %broadcast_in_dim3A_599 : vector<16x1xi32> to vector<16xi32>
    %gather3A_601 = tpu.dynamic_gather %select_n3A_184[%gather3A_600] in [0] : vector<16xf32>, vector<16xi32> -> vector<16xf32>
    %get3A_602 = arith.constant 6 : i32
    %get3A_603 = arith.index_cast %get3A_602 : i32 to index
    %get3A_604 = arith.constant 0 : index
    %get3A_605 = tpu.vector_load %arg11[%get3A_603, %get3A_604] {strides = array<i32>} : memref<16x128xf32, #tpu.memory_space<vmem>>, vector<1x16xf32>,
    %get3A_606 = vector.shape_cast %get3A_605 : vector<1x16xf32> to vector<16xf32>
    %sub3A_607 = arith.subf %get3A_606, %gather3A_601 : vector<16xf32>
    %mul3A_608 = arith.mulf %sub3A_607, %sub3A_607 : vector<16xf32>
    %add3A_609 = arith.addf %broadcast_in_dim3A_167, %mul3A_608 : vector<16xf32>
    %get3A_610 = arith.constant 6 : i32
    %get3A_611 = arith.index_cast %get3A_610 : i32 to index
    %get3A_612 = arith.constant 16 : index
    %get3A_613 = tpu.vector_load %arg11[%get3A_611, %get3A_612] {strides = array<i32>} : memref<16x128xf32, #tpu.memory_space<vmem>>, vector<1x16xf32>,
    %get3A_614 = vector.shape_cast %get3A_613 : vector<1x16xf32> to vector<16xf32>
    %sub3A_615 = arith.subf %get3A_614, %gather3A_601 : vector<16xf32>
    %mul3A_616 = arith.mulf %sub3A_615, %sub3A_615 : vector<16xf32>
    %add3A_617 = arith.addf %add3A_609, %mul3A_616 : vector<16xf32>
    %get3A_618 = arith.constant 6 : i32
    %get3A_619 = arith.index_cast %get3A_618 : i32 to index
    %get3A_620 = arith.constant 32 : index
    %get3A_621 = tpu.vector_load %arg11[%get3A_619, %get3A_620] {strides = array<i32>} : memref<16x128xf32, #tpu.memory_space<vmem>>, vector<1x16xf32>,
    %get3A_622 = vector.shape_cast %get3A_621 : vector<1x16xf32> to vector<16xf32>
    %sub3A_623 = arith.subf %get3A_622, %gather3A_601 : vector<16xf32>
    %mul3A_624 = arith.mulf %sub3A_623, %sub3A_623 : vector<16xf32>
    %add3A_625 = arith.addf %add3A_617, %mul3A_624 : vector<16xf32>
    %get3A_626 = arith.constant 6 : i32
    %get3A_627 = arith.index_cast %get3A_626 : i32 to index
    %get3A_628 = arith.constant 48 : index
    %get3A_629 = tpu.vector_load %arg11[%get3A_627, %get3A_628] {strides = array<i32>} : memref<16x128xf32, #tpu.memory_space<vmem>>, vector<1x16xf32>,
    %get3A_630 = vector.shape_cast %get3A_629 : vector<1x16xf32> to vector<16xf32>
    %sub3A_631 = arith.subf %get3A_630, %gather3A_601 : vector<16xf32>
    %mul3A_632 = arith.mulf %sub3A_631, %sub3A_631 : vector<16xf32>
    %add3A_633 = arith.addf %add3A_625, %mul3A_632 : vector<16xf32>
    %get3A_634 = arith.constant 6 : i32
    %get3A_635 = arith.index_cast %get3A_634 : i32 to index
    %get3A_636 = arith.constant 64 : index
    %get3A_637 = tpu.vector_load %arg11[%get3A_635, %get3A_636] {strides = array<i32>} : memref<16x128xf32, #tpu.memory_space<vmem>>, vector<1x16xf32>,
    %get3A_638 = vector.shape_cast %get3A_637 : vector<1x16xf32> to vector<16xf32>
    %sub3A_639 = arith.subf %get3A_638, %gather3A_601 : vector<16xf32>
    %mul3A_640 = arith.mulf %sub3A_639, %sub3A_639 : vector<16xf32>
    %add3A_641 = arith.addf %add3A_633, %mul3A_640 : vector<16xf32>
    %get3A_642 = arith.constant 6 : i32
    %get3A_643 = arith.index_cast %get3A_642 : i32 to index
    %get3A_644 = arith.constant 80 : index
    %get3A_645 = tpu.vector_load %arg11[%get3A_643, %get3A_644] {strides = array<i32>} : memref<16x128xf32, #tpu.memory_space<vmem>>, vector<1x16xf32>,
    %get3A_646 = vector.shape_cast %get3A_645 : vector<1x16xf32> to vector<16xf32>
    %sub3A_647 = arith.subf %get3A_646, %gather3A_601 : vector<16xf32>
    %mul3A_648 = arith.mulf %sub3A_647, %sub3A_647 : vector<16xf32>
    %add3A_649 = arith.addf %add3A_641, %mul3A_648 : vector<16xf32>
    %get3A_650 = arith.constant 6 : i32
    %get3A_651 = arith.index_cast %get3A_650 : i32 to index
    %get3A_652 = arith.constant 96 : index
    %get3A_653 = tpu.vector_load %arg11[%get3A_651, %get3A_652] {strides = array<i32>} : memref<16x128xf32, #tpu.memory_space<vmem>>, vector<1x16xf32>,
    %get3A_654 = vector.shape_cast %get3A_653 : vector<1x16xf32> to vector<16xf32>
    %sub3A_655 = arith.subf %get3A_654, %gather3A_601 : vector<16xf32>
    %mul3A_656 = arith.mulf %sub3A_655, %sub3A_655 : vector<16xf32>
    %add3A_657 = arith.addf %add3A_649, %mul3A_656 : vector<16xf32>
    %get3A_658 = arith.constant 6 : i32
    %get3A_659 = arith.index_cast %get3A_658 : i32 to index
    %get3A_660 = arith.constant 112 : index
    %get3A_661 = tpu.vector_load %arg11[%get3A_659, %get3A_660] {strides = array<i32>} : memref<16x128xf32, #tpu.memory_space<vmem>>, vector<1x16xf32>,
    %get3A_662 = vector.shape_cast %get3A_661 : vector<1x16xf32> to vector<16xf32>
    %sub3A_663 = arith.subf %get3A_662, %gather3A_601 : vector<16xf32>
    %mul3A_664 = arith.mulf %sub3A_663, %sub3A_663 : vector<16xf32>
    %add3A_665 = arith.addf %add3A_657, %mul3A_664 : vector<16xf32>
    %add3A_666 = arith.addf %add3A_597, %add3A_665 : vector<16xf32>
    %broadcast_in_dim3A_667 = arith.constant 7 : i32
    %broadcast_in_dim3A_668 = vector.broadcast %broadcast_in_dim3A_667 : i32 to vector<16x1xi32>
    %gather3A_669 = vector.shape_cast %broadcast_in_dim3A_668 : vector<16x1xi32> to vector<16xi32>
    %gather3A_670 = tpu.dynamic_gather %select_n3A_184[%gather3A_669] in [0] : vector<16xf32>, vector<16xi32> -> vector<16xf32>
    %get3A_671 = arith.constant 7 : i32
    %get3A_672 = arith.index_cast %get3A_671 : i32 to index
    %get3A_673 = arith.constant 0 : index
    %get3A_674 = tpu.vector_load %arg11[%get3A_672, %get3A_673] {strides = array<i32>} : memref<16x128xf32, #tpu.memory_space<vmem>>, vector<1x16xf32>,
    %get3A_675 = vector.shape_cast %get3A_674 : vector<1x16xf32> to vector<16xf32>
    %sub3A_676 = arith.subf %get3A_675, %gather3A_670 : vector<16xf32>
    %mul3A_677 = arith.mulf %sub3A_676, %sub3A_676 : vector<16xf32>
    %add3A_678 = arith.addf %broadcast_in_dim3A_167, %mul3A_677 : vector<16xf32>
    %get3A_679 = arith.constant 7 : i32
    %get3A_680 = arith.index_cast %get3A_679 : i32 to index
    %get3A_681 = arith.constant 16 : index
    %get3A_682 = tpu.vector_load %arg11[%get3A_680, %get3A_681] {strides = array<i32>} : memref<16x128xf32, #tpu.memory_space<vmem>>, vector<1x16xf32>,
    %get3A_683 = vector.shape_cast %get3A_682 : vector<1x16xf32> to vector<16xf32>
    %sub3A_684 = arith.subf %get3A_683, %gather3A_670 : vector<16xf32>
    %mul3A_685 = arith.mulf %sub3A_684, %sub3A_684 : vector<16xf32>
    %add3A_686 = arith.addf %add3A_678, %mul3A_685 : vector<16xf32>
    %get3A_687 = arith.constant 7 : i32
    %get3A_688 = arith.index_cast %get3A_687 : i32 to index
    %get3A_689 = arith.constant 32 : index
    %get3A_690 = tpu.vector_load %arg11[%get3A_688, %get3A_689] {strides = array<i32>} : memref<16x128xf32, #tpu.memory_space<vmem>>, vector<1x16xf32>,
    %get3A_691 = vector.shape_cast %get3A_690 : vector<1x16xf32> to vector<16xf32>
    %sub3A_692 = arith.subf %get3A_691, %gather3A_670 : vector<16xf32>
    %mul3A_693 = arith.mulf %sub3A_692, %sub3A_692 : vector<16xf32>
    %add3A_694 = arith.addf %add3A_686, %mul3A_693 : vector<16xf32>
    %get3A_695 = arith.constant 7 : i32
    %get3A_696 = arith.index_cast %get3A_695 : i32 to index
    %get3A_697 = arith.constant 48 : index
    %get3A_698 = tpu.vector_load %arg11[%get3A_696, %get3A_697] {strides = array<i32>} : memref<16x128xf32, #tpu.memory_space<vmem>>, vector<1x16xf32>,
    %get3A_699 = vector.shape_cast %get3A_698 : vector<1x16xf32> to vector<16xf32>
    %sub3A_700 = arith.subf %get3A_699, %gather3A_670 : vector<16xf32>
    %mul3A_701 = arith.mulf %sub3A_700, %sub3A_700 : vector<16xf32>
    %add3A_702 = arith.addf %add3A_694, %mul3A_701 : vector<16xf32>
    %get3A_703 = arith.constant 7 : i32
    %get3A_704 = arith.index_cast %get3A_703 : i32 to index
    %get3A_705 = arith.constant 64 : index
    %get3A_706 = tpu.vector_load %arg11[%get3A_704, %get3A_705] {strides = array<i32>} : memref<16x128xf32, #tpu.memory_space<vmem>>, vector<1x16xf32>,
    %get3A_707 = vector.shape_cast %get3A_706 : vector<1x16xf32> to vector<16xf32>
    %sub3A_708 = arith.subf %get3A_707, %gather3A_670 : vector<16xf32>
    %mul3A_709 = arith.mulf %sub3A_708, %sub3A_708 : vector<16xf32>
    %add3A_710 = arith.addf %add3A_702, %mul3A_709 : vector<16xf32>
    %get3A_711 = arith.constant 7 : i32
    %get3A_712 = arith.index_cast %get3A_711 : i32 to index
    %get3A_713 = arith.constant 80 : index
    %get3A_714 = tpu.vector_load %arg11[%get3A_712, %get3A_713] {strides = array<i32>} : memref<16x128xf32, #tpu.memory_space<vmem>>, vector<1x16xf32>,
    %get3A_715 = vector.shape_cast %get3A_714 : vector<1x16xf32> to vector<16xf32>
    %sub3A_716 = arith.subf %get3A_715, %gather3A_670 : vector<16xf32>
    %mul3A_717 = arith.mulf %sub3A_716, %sub3A_716 : vector<16xf32>
    %add3A_718 = arith.addf %add3A_710, %mul3A_717 : vector<16xf32>
    %get3A_719 = arith.constant 7 : i32
    %get3A_720 = arith.index_cast %get3A_719 : i32 to index
    %get3A_721 = arith.constant 96 : index
    %get3A_722 = tpu.vector_load %arg11[%get3A_720, %get3A_721] {strides = array<i32>} : memref<16x128xf32, #tpu.memory_space<vmem>>, vector<1x16xf32>,
    %get3A_723 = vector.shape_cast %get3A_722 : vector<1x16xf32> to vector<16xf32>
    %sub3A_724 = arith.subf %get3A_723, %gather3A_670 : vector<16xf32>
    %mul3A_725 = arith.mulf %sub3A_724, %sub3A_724 : vector<16xf32>
    %add3A_726 = arith.addf %add3A_718, %mul3A_725 : vector<16xf32>
    %get3A_727 = arith.constant 7 : i32
    %get3A_728 = arith.index_cast %get3A_727 : i32 to index
    %get3A_729 = arith.constant 112 : index
    %get3A_730 = tpu.vector_load %arg11[%get3A_728, %get3A_729] {strides = array<i32>} : memref<16x128xf32, #tpu.memory_space<vmem>>, vector<1x16xf32>,
    %get3A_731 = vector.shape_cast %get3A_730 : vector<1x16xf32> to vector<16xf32>
    %sub3A_732 = arith.subf %get3A_731, %gather3A_670 : vector<16xf32>
    %mul3A_733 = arith.mulf %sub3A_732, %sub3A_732 : vector<16xf32>
    %add3A_734 = arith.addf %add3A_726, %mul3A_733 : vector<16xf32>
    %add3A_735 = arith.addf %add3A_666, %add3A_734 : vector<16xf32>
    %broadcast_in_dim3A_736 = arith.constant 8 : i32
    %broadcast_in_dim3A_737 = vector.broadcast %broadcast_in_dim3A_736 : i32 to vector<16x1xi32>
    %gather3A_738 = vector.shape_cast %broadcast_in_dim3A_737 : vector<16x1xi32> to vector<16xi32>
    %gather3A_739 = tpu.dynamic_gather %select_n3A_184[%gather3A_738] in [0] : vector<16xf32>, vector<16xi32> -> vector<16xf32>
    %get3A_740 = arith.constant 8 : i32
    %get3A_741 = arith.index_cast %get3A_740 : i32 to index
    %get3A_742 = arith.constant 0 : index
    %get3A_743 = tpu.vector_load %arg11[%get3A_741, %get3A_742] {strides = array<i32>} : memref<16x128xf32, #tpu.memory_space<vmem>>, vector<1x16xf32>,
    %get3A_744 = vector.shape_cast %get3A_743 : vector<1x16xf32> to vector<16xf32>
    %sub3A_745 = arith.subf %get3A_744, %gather3A_739 : vector<16xf32>
    %mul3A_746 = arith.mulf %sub3A_745, %sub3A_745 : vector<16xf32>
    %add3A_747 = arith.addf %broadcast_in_dim3A_167, %mul3A_746 : vector<16xf32>
    %get3A_748 = arith.constant 8 : i32
    %get3A_749 = arith.index_cast %get3A_748 : i32 to index
    %get3A_750 = arith.constant 16 : index
    %get3A_751 = tpu.vector_load %arg11[%get3A_749, %get3A_750] {strides = array<i32>} : memref<16x128xf32, #tpu.memory_space<vmem>>, vector<1x16xf32>,
    %get3A_752 = vector.shape_cast %get3A_751 : vector<1x16xf32> to vector<16xf32>
    %sub3A_753 = arith.subf %get3A_752, %gather3A_739 : vector<16xf32>
    %mul3A_754 = arith.mulf %sub3A_753, %sub3A_753 : vector<16xf32>
    %add3A_755 = arith.addf %add3A_747, %mul3A_754 : vector<16xf32>
    %get3A_756 = arith.constant 8 : i32
    %get3A_757 = arith.index_cast %get3A_756 : i32 to index
    %get3A_758 = arith.constant 32 : index
    %get3A_759 = tpu.vector_load %arg11[%get3A_757, %get3A_758] {strides = array<i32>} : memref<16x128xf32, #tpu.memory_space<vmem>>, vector<1x16xf32>,
    %get3A_760 = vector.shape_cast %get3A_759 : vector<1x16xf32> to vector<16xf32>
    %sub3A_761 = arith.subf %get3A_760, %gather3A_739 : vector<16xf32>
    %mul3A_762 = arith.mulf %sub3A_761, %sub3A_761 : vector<16xf32>
    %add3A_763 = arith.addf %add3A_755, %mul3A_762 : vector<16xf32>
    %get3A_764 = arith.constant 8 : i32
    %get3A_765 = arith.index_cast %get3A_764 : i32 to index
    %get3A_766 = arith.constant 48 : index
    %get3A_767 = tpu.vector_load %arg11[%get3A_765, %get3A_766] {strides = array<i32>} : memref<16x128xf32, #tpu.memory_space<vmem>>, vector<1x16xf32>,
    %get3A_768 = vector.shape_cast %get3A_767 : vector<1x16xf32> to vector<16xf32>
    %sub3A_769 = arith.subf %get3A_768, %gather3A_739 : vector<16xf32>
    %mul3A_770 = arith.mulf %sub3A_769, %sub3A_769 : vector<16xf32>
    %add3A_771 = arith.addf %add3A_763, %mul3A_770 : vector<16xf32>
    %get3A_772 = arith.constant 8 : i32
    %get3A_773 = arith.index_cast %get3A_772 : i32 to index
    %get3A_774 = arith.constant 64 : index
    %get3A_775 = tpu.vector_load %arg11[%get3A_773, %get3A_774] {strides = array<i32>} : memref<16x128xf32, #tpu.memory_space<vmem>>, vector<1x16xf32>,
    %get3A_776 = vector.shape_cast %get3A_775 : vector<1x16xf32> to vector<16xf32>
    %sub3A_777 = arith.subf %get3A_776, %gather3A_739 : vector<16xf32>
    %mul3A_778 = arith.mulf %sub3A_777, %sub3A_777 : vector<16xf32>
    %add3A_779 = arith.addf %add3A_771, %mul3A_778 : vector<16xf32>
    %get3A_780 = arith.constant 8 : i32
    %get3A_781 = arith.index_cast %get3A_780 : i32 to index
    %get3A_782 = arith.constant 80 : index
    %get3A_783 = tpu.vector_load %arg11[%get3A_781, %get3A_782] {strides = array<i32>} : memref<16x128xf32, #tpu.memory_space<vmem>>, vector<1x16xf32>,
    %get3A_784 = vector.shape_cast %get3A_783 : vector<1x16xf32> to vector<16xf32>
    %sub3A_785 = arith.subf %get3A_784, %gather3A_739 : vector<16xf32>
    %mul3A_786 = arith.mulf %sub3A_785, %sub3A_785 : vector<16xf32>
    %add3A_787 = arith.addf %add3A_779, %mul3A_786 : vector<16xf32>
    %get3A_788 = arith.constant 8 : i32
    %get3A_789 = arith.index_cast %get3A_788 : i32 to index
    %get3A_790 = arith.constant 96 : index
    %get3A_791 = tpu.vector_load %arg11[%get3A_789, %get3A_790] {strides = array<i32>} : memref<16x128xf32, #tpu.memory_space<vmem>>, vector<1x16xf32>,
    %get3A_792 = vector.shape_cast %get3A_791 : vector<1x16xf32> to vector<16xf32>
    %sub3A_793 = arith.subf %get3A_792, %gather3A_739 : vector<16xf32>
    %mul3A_794 = arith.mulf %sub3A_793, %sub3A_793 : vector<16xf32>
    %add3A_795 = arith.addf %add3A_787, %mul3A_794 : vector<16xf32>
    %get3A_796 = arith.constant 8 : i32
    %get3A_797 = arith.index_cast %get3A_796 : i32 to index
    %get3A_798 = arith.constant 112 : index
    %get3A_799 = tpu.vector_load %arg11[%get3A_797, %get3A_798] {strides = array<i32>} : memref<16x128xf32, #tpu.memory_space<vmem>>, vector<1x16xf32>,
    %get3A_800 = vector.shape_cast %get3A_799 : vector<1x16xf32> to vector<16xf32>
    %sub3A_801 = arith.subf %get3A_800, %gather3A_739 : vector<16xf32>
    %mul3A_802 = arith.mulf %sub3A_801, %sub3A_801 : vector<16xf32>
    %add3A_803 = arith.addf %add3A_795, %mul3A_802 : vector<16xf32>
    %add3A_804 = arith.addf %add3A_735, %add3A_803 : vector<16xf32>
    %broadcast_in_dim3A_805 = arith.constant 9 : i32
    %broadcast_in_dim3A_806 = vector.broadcast %broadcast_in_dim3A_805 : i32 to vector<16x1xi32>
    %gather3A_807 = vector.shape_cast %broadcast_in_dim3A_806 : vector<16x1xi32> to vector<16xi32>
    %gather3A_808 = tpu.dynamic_gather %select_n3A_184[%gather3A_807] in [0] : vector<16xf32>, vector<16xi32> -> vector<16xf32>
    %get3A_809 = arith.constant 9 : i32
    %get3A_810 = arith.index_cast %get3A_809 : i32 to index
    %get3A_811 = arith.constant 0 : index
    %get3A_812 = tpu.vector_load %arg11[%get3A_810, %get3A_811] {strides = array<i32>} : memref<16x128xf32, #tpu.memory_space<vmem>>, vector<1x16xf32>,
    %get3A_813 = vector.shape_cast %get3A_812 : vector<1x16xf32> to vector<16xf32>
    %sub3A_814 = arith.subf %get3A_813, %gather3A_808 : vector<16xf32>
    %mul3A_815 = arith.mulf %sub3A_814, %sub3A_814 : vector<16xf32>
    %add3A_816 = arith.addf %broadcast_in_dim3A_167, %mul3A_815 : vector<16xf32>
    %get3A_817 = arith.constant 9 : i32
    %get3A_818 = arith.index_cast %get3A_817 : i32 to index
    %get3A_819 = arith.constant 16 : index
    %get3A_820 = tpu.vector_load %arg11[%get3A_818, %get3A_819] {strides = array<i32>} : memref<16x128xf32, #tpu.memory_space<vmem>>, vector<1x16xf32>,
    %get3A_821 = vector.shape_cast %get3A_820 : vector<1x16xf32> to vector<16xf32>
    %sub3A_822 = arith.subf %get3A_821, %gather3A_808 : vector<16xf32>
    %mul3A_823 = arith.mulf %sub3A_822, %sub3A_822 : vector<16xf32>
    %add3A_824 = arith.addf %add3A_816, %mul3A_823 : vector<16xf32>
    %get3A_825 = arith.constant 9 : i32
    %get3A_826 = arith.index_cast %get3A_825 : i32 to index
    %get3A_827 = arith.constant 32 : index
    %get3A_828 = tpu.vector_load %arg11[%get3A_826, %get3A_827] {strides = array<i32>} : memref<16x128xf32, #tpu.memory_space<vmem>>, vector<1x16xf32>,
    %get3A_829 = vector.shape_cast %get3A_828 : vector<1x16xf32> to vector<16xf32>
    %sub3A_830 = arith.subf %get3A_829, %gather3A_808 : vector<16xf32>
    %mul3A_831 = arith.mulf %sub3A_830, %sub3A_830 : vector<16xf32>
    %add3A_832 = arith.addf %add3A_824, %mul3A_831 : vector<16xf32>
    %get3A_833 = arith.constant 9 : i32
    %get3A_834 = arith.index_cast %get3A_833 : i32 to index
    %get3A_835 = arith.constant 48 : index
    %get3A_836 = tpu.vector_load %arg11[%get3A_834, %get3A_835] {strides = array<i32>} : memref<16x128xf32, #tpu.memory_space<vmem>>, vector<1x16xf32>,
    %get3A_837 = vector.shape_cast %get3A_836 : vector<1x16xf32> to vector<16xf32>
    %sub3A_838 = arith.subf %get3A_837, %gather3A_808 : vector<16xf32>
    %mul3A_839 = arith.mulf %sub3A_838, %sub3A_838 : vector<16xf32>
    %add3A_840 = arith.addf %add3A_832, %mul3A_839 : vector<16xf32>
    %get3A_841 = arith.constant 9 : i32
    %get3A_842 = arith.index_cast %get3A_841 : i32 to index
    %get3A_843 = arith.constant 64 : index
    %get3A_844 = tpu.vector_load %arg11[%get3A_842, %get3A_843] {strides = array<i32>} : memref<16x128xf32, #tpu.memory_space<vmem>>, vector<1x16xf32>,
    %get3A_845 = vector.shape_cast %get3A_844 : vector<1x16xf32> to vector<16xf32>
    %sub3A_846 = arith.subf %get3A_845, %gather3A_808 : vector<16xf32>
    %mul3A_847 = arith.mulf %sub3A_846, %sub3A_846 : vector<16xf32>
    %add3A_848 = arith.addf %add3A_840, %mul3A_847 : vector<16xf32>
    %get3A_849 = arith.constant 9 : i32
    %get3A_850 = arith.index_cast %get3A_849 : i32 to index
    %get3A_851 = arith.constant 80 : index
    %get3A_852 = tpu.vector_load %arg11[%get3A_850, %get3A_851] {strides = array<i32>} : memref<16x128xf32, #tpu.memory_space<vmem>>, vector<1x16xf32>,
    %get3A_853 = vector.shape_cast %get3A_852 : vector<1x16xf32> to vector<16xf32>
    %sub3A_854 = arith.subf %get3A_853, %gather3A_808 : vector<16xf32>
    %mul3A_855 = arith.mulf %sub3A_854, %sub3A_854 : vector<16xf32>
    %add3A_856 = arith.addf %add3A_848, %mul3A_855 : vector<16xf32>
    %get3A_857 = arith.constant 9 : i32
    %get3A_858 = arith.index_cast %get3A_857 : i32 to index
    %get3A_859 = arith.constant 96 : index
    %get3A_860 = tpu.vector_load %arg11[%get3A_858, %get3A_859] {strides = array<i32>} : memref<16x128xf32, #tpu.memory_space<vmem>>, vector<1x16xf32>,
    %get3A_861 = vector.shape_cast %get3A_860 : vector<1x16xf32> to vector<16xf32>
    %sub3A_862 = arith.subf %get3A_861, %gather3A_808 : vector<16xf32>
    %mul3A_863 = arith.mulf %sub3A_862, %sub3A_862 : vector<16xf32>
    %add3A_864 = arith.addf %add3A_856, %mul3A_863 : vector<16xf32>
    %get3A_865 = arith.constant 9 : i32
    %get3A_866 = arith.index_cast %get3A_865 : i32 to index
    %get3A_867 = arith.constant 112 : index
    %get3A_868 = tpu.vector_load %arg11[%get3A_866, %get3A_867] {strides = array<i32>} : memref<16x128xf32, #tpu.memory_space<vmem>>, vector<1x16xf32>,
    %get3A_869 = vector.shape_cast %get3A_868 : vector<1x16xf32> to vector<16xf32>
    %sub3A_870 = arith.subf %get3A_869, %gather3A_808 : vector<16xf32>
    %mul3A_871 = arith.mulf %sub3A_870, %sub3A_870 : vector<16xf32>
    %add3A_872 = arith.addf %add3A_864, %mul3A_871 : vector<16xf32>
    %add3A_873 = arith.addf %add3A_804, %add3A_872 : vector<16xf32>
    %broadcast_in_dim3A_874 = arith.constant 10 : i32
    %broadcast_in_dim3A_875 = vector.broadcast %broadcast_in_dim3A_874 : i32 to vector<16x1xi32>
    %gather3A_876 = vector.shape_cast %broadcast_in_dim3A_875 : vector<16x1xi32> to vector<16xi32>
    %gather3A_877 = tpu.dynamic_gather %select_n3A_184[%gather3A_876] in [0] : vector<16xf32>, vector<16xi32> -> vector<16xf32>
    %get3A_878 = arith.constant 10 : i32
    %get3A_879 = arith.index_cast %get3A_878 : i32 to index
    %get3A_880 = arith.constant 0 : index
    %get3A_881 = tpu.vector_load %arg11[%get3A_879, %get3A_880] {strides = array<i32>} : memref<16x128xf32, #tpu.memory_space<vmem>>, vector<1x16xf32>,
    %get3A_882 = vector.shape_cast %get3A_881 : vector<1x16xf32> to vector<16xf32>
    %sub3A_883 = arith.subf %get3A_882, %gather3A_877 : vector<16xf32>
    %mul3A_884 = arith.mulf %sub3A_883, %sub3A_883 : vector<16xf32>
    %add3A_885 = arith.addf %broadcast_in_dim3A_167, %mul3A_884 : vector<16xf32>
    %get3A_886 = arith.constant 10 : i32
    %get3A_887 = arith.index_cast %get3A_886 : i32 to index
    %get3A_888 = arith.constant 16 : index
    %get3A_889 = tpu.vector_load %arg11[%get3A_887, %get3A_888] {strides = array<i32>} : memref<16x128xf32, #tpu.memory_space<vmem>>, vector<1x16xf32>,
    %get3A_890 = vector.shape_cast %get3A_889 : vector<1x16xf32> to vector<16xf32>
    %sub3A_891 = arith.subf %get3A_890, %gather3A_877 : vector<16xf32>
    %mul3A_892 = arith.mulf %sub3A_891, %sub3A_891 : vector<16xf32>
    %add3A_893 = arith.addf %add3A_885, %mul3A_892 : vector<16xf32>
    %get3A_894 = arith.constant 10 : i32
    %get3A_895 = arith.index_cast %get3A_894 : i32 to index
    %get3A_896 = arith.constant 32 : index
    %get3A_897 = tpu.vector_load %arg11[%get3A_895, %get3A_896] {strides = array<i32>} : memref<16x128xf32, #tpu.memory_space<vmem>>, vector<1x16xf32>,
    %get3A_898 = vector.shape_cast %get3A_897 : vector<1x16xf32> to vector<16xf32>
    %sub3A_899 = arith.subf %get3A_898, %gather3A_877 : vector<16xf32>
    %mul3A_900 = arith.mulf %sub3A_899, %sub3A_899 : vector<16xf32>
    %add3A_901 = arith.addf %add3A_893, %mul3A_900 : vector<16xf32>
    %get3A_902 = arith.constant 10 : i32
    %get3A_903 = arith.index_cast %get3A_902 : i32 to index
    %get3A_904 = arith.constant 48 : index
    %get3A_905 = tpu.vector_load %arg11[%get3A_903, %get3A_904] {strides = array<i32>} : memref<16x128xf32, #tpu.memory_space<vmem>>, vector<1x16xf32>,
    %get3A_906 = vector.shape_cast %get3A_905 : vector<1x16xf32> to vector<16xf32>
    %sub3A_907 = arith.subf %get3A_906, %gather3A_877 : vector<16xf32>
    %mul3A_908 = arith.mulf %sub3A_907, %sub3A_907 : vector<16xf32>
    %add3A_909 = arith.addf %add3A_901, %mul3A_908 : vector<16xf32>
    %get3A_910 = arith.constant 10 : i32
    %get3A_911 = arith.index_cast %get3A_910 : i32 to index
    %get3A_912 = arith.constant 64 : index
    %get3A_913 = tpu.vector_load %arg11[%get3A_911, %get3A_912] {strides = array<i32>} : memref<16x128xf32, #tpu.memory_space<vmem>>, vector<1x16xf32>,
    %get3A_914 = vector.shape_cast %get3A_913 : vector<1x16xf32> to vector<16xf32>
    %sub3A_915 = arith.subf %get3A_914, %gather3A_877 : vector<16xf32>
    %mul3A_916 = arith.mulf %sub3A_915, %sub3A_915 : vector<16xf32>
    %add3A_917 = arith.addf %add3A_909, %mul3A_916 : vector<16xf32>
    %get3A_918 = arith.constant 10 : i32
    %get3A_919 = arith.index_cast %get3A_918 : i32 to index
    %get3A_920 = arith.constant 80 : index
    %get3A_921 = tpu.vector_load %arg11[%get3A_919, %get3A_920] {strides = array<i32>} : memref<16x128xf32, #tpu.memory_space<vmem>>, vector<1x16xf32>,
    %get3A_922 = vector.shape_cast %get3A_921 : vector<1x16xf32> to vector<16xf32>
    %sub3A_923 = arith.subf %get3A_922, %gather3A_877 : vector<16xf32>
    %mul3A_924 = arith.mulf %sub3A_923, %sub3A_923 : vector<16xf32>
    %add3A_925 = arith.addf %add3A_917, %mul3A_924 : vector<16xf32>
    %get3A_926 = arith.constant 10 : i32
    %get3A_927 = arith.index_cast %get3A_926 : i32 to index
    %get3A_928 = arith.constant 96 : index
    %get3A_929 = tpu.vector_load %arg11[%get3A_927, %get3A_928] {strides = array<i32>} : memref<16x128xf32, #tpu.memory_space<vmem>>, vector<1x16xf32>,
    %get3A_930 = vector.shape_cast %get3A_929 : vector<1x16xf32> to vector<16xf32>
    %sub3A_931 = arith.subf %get3A_930, %gather3A_877 : vector<16xf32>
    %mul3A_932 = arith.mulf %sub3A_931, %sub3A_931 : vector<16xf32>
    %add3A_933 = arith.addf %add3A_925, %mul3A_932 : vector<16xf32>
    %get3A_934 = arith.constant 10 : i32
    %get3A_935 = arith.index_cast %get3A_934 : i32 to index
    %get3A_936 = arith.constant 112 : index
    %get3A_937 = tpu.vector_load %arg11[%get3A_935, %get3A_936] {strides = array<i32>} : memref<16x128xf32, #tpu.memory_space<vmem>>, vector<1x16xf32>,
    %get3A_938 = vector.shape_cast %get3A_937 : vector<1x16xf32> to vector<16xf32>
    %sub3A_939 = arith.subf %get3A_938, %gather3A_877 : vector<16xf32>
    %mul3A_940 = arith.mulf %sub3A_939, %sub3A_939 : vector<16xf32>
    %add3A_941 = arith.addf %add3A_933, %mul3A_940 : vector<16xf32>
    %add3A_942 = arith.addf %add3A_873, %add3A_941 : vector<16xf32>
    %broadcast_in_dim3A_943 = arith.constant 11 : i32
    %broadcast_in_dim3A_944 = vector.broadcast %broadcast_in_dim3A_943 : i32 to vector<16x1xi32>
    %gather3A_945 = vector.shape_cast %broadcast_in_dim3A_944 : vector<16x1xi32> to vector<16xi32>
    %gather3A_946 = tpu.dynamic_gather %select_n3A_184[%gather3A_945] in [0] : vector<16xf32>, vector<16xi32> -> vector<16xf32>
    %get3A_947 = arith.constant 11 : i32
    %get3A_948 = arith.index_cast %get3A_947 : i32 to index
    %get3A_949 = arith.constant 0 : index
    %get3A_950 = tpu.vector_load %arg11[%get3A_948, %get3A_949] {strides = array<i32>} : memref<16x128xf32, #tpu.memory_space<vmem>>, vector<1x16xf32>,
    %get3A_951 = vector.shape_cast %get3A_950 : vector<1x16xf32> to vector<16xf32>
    %sub3A_952 = arith.subf %get3A_951, %gather3A_946 : vector<16xf32>
    %mul3A_953 = arith.mulf %sub3A_952, %sub3A_952 : vector<16xf32>
    %add3A_954 = arith.addf %broadcast_in_dim3A_167, %mul3A_953 : vector<16xf32>
    %get3A_955 = arith.constant 11 : i32
    %get3A_956 = arith.index_cast %get3A_955 : i32 to index
    %get3A_957 = arith.constant 16 : index
    %get3A_958 = tpu.vector_load %arg11[%get3A_956, %get3A_957] {strides = array<i32>} : memref<16x128xf32, #tpu.memory_space<vmem>>, vector<1x16xf32>,
    %get3A_959 = vector.shape_cast %get3A_958 : vector<1x16xf32> to vector<16xf32>
    %sub3A_960 = arith.subf %get3A_959, %gather3A_946 : vector<16xf32>
    %mul3A_961 = arith.mulf %sub3A_960, %sub3A_960 : vector<16xf32>
    %add3A_962 = arith.addf %add3A_954, %mul3A_961 : vector<16xf32>
    %get3A_963 = arith.constant 11 : i32
    %get3A_964 = arith.index_cast %get3A_963 : i32 to index
    %get3A_965 = arith.constant 32 : index
    %get3A_966 = tpu.vector_load %arg11[%get3A_964, %get3A_965] {strides = array<i32>} : memref<16x128xf32, #tpu.memory_space<vmem>>, vector<1x16xf32>,
    %get3A_967 = vector.shape_cast %get3A_966 : vector<1x16xf32> to vector<16xf32>
    %sub3A_968 = arith.subf %get3A_967, %gather3A_946 : vector<16xf32>
    %mul3A_969 = arith.mulf %sub3A_968, %sub3A_968 : vector<16xf32>
    %add3A_970 = arith.addf %add3A_962, %mul3A_969 : vector<16xf32>
    %get3A_971 = arith.constant 11 : i32
    %get3A_972 = arith.index_cast %get3A_971 : i32 to index
    %get3A_973 = arith.constant 48 : index
    %get3A_974 = tpu.vector_load %arg11[%get3A_972, %get3A_973] {strides = array<i32>} : memref<16x128xf32, #tpu.memory_space<vmem>>, vector<1x16xf32>,
    %get3A_975 = vector.shape_cast %get3A_974 : vector<1x16xf32> to vector<16xf32>
    %sub3A_976 = arith.subf %get3A_975, %gather3A_946 : vector<16xf32>
    %mul3A_977 = arith.mulf %sub3A_976, %sub3A_976 : vector<16xf32>
    %add3A_978 = arith.addf %add3A_970, %mul3A_977 : vector<16xf32>
    %get3A_979 = arith.constant 11 : i32
    %get3A_980 = arith.index_cast %get3A_979 : i32 to index
    %get3A_981 = arith.constant 64 : index
    %get3A_982 = tpu.vector_load %arg11[%get3A_980, %get3A_981] {strides = array<i32>} : memref<16x128xf32, #tpu.memory_space<vmem>>, vector<1x16xf32>,
    %get3A_983 = vector.shape_cast %get3A_982 : vector<1x16xf32> to vector<16xf32>
    %sub3A_984 = arith.subf %get3A_983, %gather3A_946 : vector<16xf32>
    %mul3A_985 = arith.mulf %sub3A_984, %sub3A_984 : vector<16xf32>
    %add3A_986 = arith.addf %add3A_978, %mul3A_985 : vector<16xf32>
    %get3A_987 = arith.constant 11 : i32
    %get3A_988 = arith.index_cast %get3A_987 : i32 to index
    %get3A_989 = arith.constant 80 : index
    %get3A_990 = tpu.vector_load %arg11[%get3A_988, %get3A_989] {strides = array<i32>} : memref<16x128xf32, #tpu.memory_space<vmem>>, vector<1x16xf32>,
    %get3A_991 = vector.shape_cast %get3A_990 : vector<1x16xf32> to vector<16xf32>
    %sub3A_992 = arith.subf %get3A_991, %gather3A_946 : vector<16xf32>
    %mul3A_993 = arith.mulf %sub3A_992, %sub3A_992 : vector<16xf32>
    %add3A_994 = arith.addf %add3A_986, %mul3A_993 : vector<16xf32>
    %get3A_995 = arith.constant 11 : i32
    %get3A_996 = arith.index_cast %get3A_995 : i32 to index
    %get3A_997 = arith.constant 96 : index
    %get3A_998 = tpu.vector_load %arg11[%get3A_996, %get3A_997] {strides = array<i32>} : memref<16x128xf32, #tpu.memory_space<vmem>>, vector<1x16xf32>,
    %get3A_999 = vector.shape_cast %get3A_998 : vector<1x16xf32> to vector<16xf32>
    %sub3A_1000 = arith.subf %get3A_999, %gather3A_946 : vector<16xf32>
    %mul3A_1001 = arith.mulf %sub3A_1000, %sub3A_1000 : vector<16xf32>
    %add3A_1002 = arith.addf %add3A_994, %mul3A_1001 : vector<16xf32>
    %get3A_1003 = arith.constant 11 : i32
    %get3A_1004 = arith.index_cast %get3A_1003 : i32 to index
    %get3A_1005 = arith.constant 112 : index
    %get3A_1006 = tpu.vector_load %arg11[%get3A_1004, %get3A_1005] {strides = array<i32>} : memref<16x128xf32, #tpu.memory_space<vmem>>, vector<1x16xf32>,
    %get3A_1007 = vector.shape_cast %get3A_1006 : vector<1x16xf32> to vector<16xf32>
    %sub3A_1008 = arith.subf %get3A_1007, %gather3A_946 : vector<16xf32>
    %mul3A_1009 = arith.mulf %sub3A_1008, %sub3A_1008 : vector<16xf32>
    %add3A_1010 = arith.addf %add3A_1002, %mul3A_1009 : vector<16xf32>
    %add3A_1011 = arith.addf %add3A_942, %add3A_1010 : vector<16xf32>
    %broadcast_in_dim3A_1012 = arith.constant 12 : i32
    %broadcast_in_dim3A_1013 = vector.broadcast %broadcast_in_dim3A_1012 : i32 to vector<16x1xi32>
    %gather3A_1014 = vector.shape_cast %broadcast_in_dim3A_1013 : vector<16x1xi32> to vector<16xi32>
    %gather3A_1015 = tpu.dynamic_gather %select_n3A_184[%gather3A_1014] in [0] : vector<16xf32>, vector<16xi32> -> vector<16xf32>
    %get3A_1016 = arith.constant 12 : i32
    %get3A_1017 = arith.index_cast %get3A_1016 : i32 to index
    %get3A_1018 = arith.constant 0 : index
    %get3A_1019 = tpu.vector_load %arg11[%get3A_1017, %get3A_1018] {strides = array<i32>} : memref<16x128xf32, #tpu.memory_space<vmem>>, vector<1x16xf32>,
    %get3A_1020 = vector.shape_cast %get3A_1019 : vector<1x16xf32> to vector<16xf32>
    %sub3A_1021 = arith.subf %get3A_1020, %gather3A_1015 : vector<16xf32>
    %mul3A_1022 = arith.mulf %sub3A_1021, %sub3A_1021 : vector<16xf32>
    %add3A_1023 = arith.addf %broadcast_in_dim3A_167, %mul3A_1022 : vector<16xf32>
    %get3A_1024 = arith.constant 12 : i32
    %get3A_1025 = arith.index_cast %get3A_1024 : i32 to index
    %get3A_1026 = arith.constant 16 : index
    %get3A_1027 = tpu.vector_load %arg11[%get3A_1025, %get3A_1026] {strides = array<i32>} : memref<16x128xf32, #tpu.memory_space<vmem>>, vector<1x16xf32>,
    %get3A_1028 = vector.shape_cast %get3A_1027 : vector<1x16xf32> to vector<16xf32>
    %sub3A_1029 = arith.subf %get3A_1028, %gather3A_1015 : vector<16xf32>
    %mul3A_1030 = arith.mulf %sub3A_1029, %sub3A_1029 : vector<16xf32>
    %add3A_1031 = arith.addf %add3A_1023, %mul3A_1030 : vector<16xf32>
    %get3A_1032 = arith.constant 12 : i32
    %get3A_1033 = arith.index_cast %get3A_1032 : i32 to index
    %get3A_1034 = arith.constant 32 : index
    %get3A_1035 = tpu.vector_load %arg11[%get3A_1033, %get3A_1034] {strides = array<i32>} : memref<16x128xf32, #tpu.memory_space<vmem>>, vector<1x16xf32>,
    %get3A_1036 = vector.shape_cast %get3A_1035 : vector<1x16xf32> to vector<16xf32>
    %sub3A_1037 = arith.subf %get3A_1036, %gather3A_1015 : vector<16xf32>
    %mul3A_1038 = arith.mulf %sub3A_1037, %sub3A_1037 : vector<16xf32>
    %add3A_1039 = arith.addf %add3A_1031, %mul3A_1038 : vector<16xf32>
    %get3A_1040 = arith.constant 12 : i32
    %get3A_1041 = arith.index_cast %get3A_1040 : i32 to index
    %get3A_1042 = arith.constant 48 : index
    %get3A_1043 = tpu.vector_load %arg11[%get3A_1041, %get3A_1042] {strides = array<i32>} : memref<16x128xf32, #tpu.memory_space<vmem>>, vector<1x16xf32>,
    %get3A_1044 = vector.shape_cast %get3A_1043 : vector<1x16xf32> to vector<16xf32>
    %sub3A_1045 = arith.subf %get3A_1044, %gather3A_1015 : vector<16xf32>
    %mul3A_1046 = arith.mulf %sub3A_1045, %sub3A_1045 : vector<16xf32>
    %add3A_1047 = arith.addf %add3A_1039, %mul3A_1046 : vector<16xf32>
    %get3A_1048 = arith.constant 12 : i32
    %get3A_1049 = arith.index_cast %get3A_1048 : i32 to index
    %get3A_1050 = arith.constant 64 : index
    %get3A_1051 = tpu.vector_load %arg11[%get3A_1049, %get3A_1050] {strides = array<i32>} : memref<16x128xf32, #tpu.memory_space<vmem>>, vector<1x16xf32>,
    %get3A_1052 = vector.shape_cast %get3A_1051 : vector<1x16xf32> to vector<16xf32>
    %sub3A_1053 = arith.subf %get3A_1052, %gather3A_1015 : vector<16xf32>
    %mul3A_1054 = arith.mulf %sub3A_1053, %sub3A_1053 : vector<16xf32>
    %add3A_1055 = arith.addf %add3A_1047, %mul3A_1054 : vector<16xf32>
    %get3A_1056 = arith.constant 12 : i32
    %get3A_1057 = arith.index_cast %get3A_1056 : i32 to index
    %get3A_1058 = arith.constant 80 : index
    %get3A_1059 = tpu.vector_load %arg11[%get3A_1057, %get3A_1058] {strides = array<i32>} : memref<16x128xf32, #tpu.memory_space<vmem>>, vector<1x16xf32>,
    %get3A_1060 = vector.shape_cast %get3A_1059 : vector<1x16xf32> to vector<16xf32>
    %sub3A_1061 = arith.subf %get3A_1060, %gather3A_1015 : vector<16xf32>
    %mul3A_1062 = arith.mulf %sub3A_1061, %sub3A_1061 : vector<16xf32>
    %add3A_1063 = arith.addf %add3A_1055, %mul3A_1062 : vector<16xf32>
    %get3A_1064 = arith.constant 12 : i32
    %get3A_1065 = arith.index_cast %get3A_1064 : i32 to index
    %get3A_1066 = arith.constant 96 : index
    %get3A_1067 = tpu.vector_load %arg11[%get3A_1065, %get3A_1066] {strides = array<i32>} : memref<16x128xf32, #tpu.memory_space<vmem>>, vector<1x16xf32>,
    %get3A_1068 = vector.shape_cast %get3A_1067 : vector<1x16xf32> to vector<16xf32>
    %sub3A_1069 = arith.subf %get3A_1068, %gather3A_1015 : vector<16xf32>
    %mul3A_1070 = arith.mulf %sub3A_1069, %sub3A_1069 : vector<16xf32>
    %add3A_1071 = arith.addf %add3A_1063, %mul3A_1070 : vector<16xf32>
    %get3A_1072 = arith.constant 12 : i32
    %get3A_1073 = arith.index_cast %get3A_1072 : i32 to index
    %get3A_1074 = arith.constant 112 : index
    %get3A_1075 = tpu.vector_load %arg11[%get3A_1073, %get3A_1074] {strides = array<i32>} : memref<16x128xf32, #tpu.memory_space<vmem>>, vector<1x16xf32>,
    %get3A_1076 = vector.shape_cast %get3A_1075 : vector<1x16xf32> to vector<16xf32>
    %sub3A_1077 = arith.subf %get3A_1076, %gather3A_1015 : vector<16xf32>
    %mul3A_1078 = arith.mulf %sub3A_1077, %sub3A_1077 : vector<16xf32>
    %add3A_1079 = arith.addf %add3A_1071, %mul3A_1078 : vector<16xf32>
    %add3A_1080 = arith.addf %add3A_1011, %add3A_1079 : vector<16xf32>
    %broadcast_in_dim3A_1081 = arith.constant 13 : i32
    %broadcast_in_dim3A_1082 = vector.broadcast %broadcast_in_dim3A_1081 : i32 to vector<16x1xi32>
    %gather3A_1083 = vector.shape_cast %broadcast_in_dim3A_1082 : vector<16x1xi32> to vector<16xi32>
    %gather3A_1084 = tpu.dynamic_gather %select_n3A_184[%gather3A_1083] in [0] : vector<16xf32>, vector<16xi32> -> vector<16xf32>
    %get3A_1085 = arith.constant 13 : i32
    %get3A_1086 = arith.index_cast %get3A_1085 : i32 to index
    %get3A_1087 = arith.constant 0 : index
    %get3A_1088 = tpu.vector_load %arg11[%get3A_1086, %get3A_1087] {strides = array<i32>} : memref<16x128xf32, #tpu.memory_space<vmem>>, vector<1x16xf32>,
    %get3A_1089 = vector.shape_cast %get3A_1088 : vector<1x16xf32> to vector<16xf32>
    %sub3A_1090 = arith.subf %get3A_1089, %gather3A_1084 : vector<16xf32>
    %mul3A_1091 = arith.mulf %sub3A_1090, %sub3A_1090 : vector<16xf32>
    %add3A_1092 = arith.addf %broadcast_in_dim3A_167, %mul3A_1091 : vector<16xf32>
    %get3A_1093 = arith.constant 13 : i32
    %get3A_1094 = arith.index_cast %get3A_1093 : i32 to index
    %get3A_1095 = arith.constant 16 : index
    %get3A_1096 = tpu.vector_load %arg11[%get3A_1094, %get3A_1095] {strides = array<i32>} : memref<16x128xf32, #tpu.memory_space<vmem>>, vector<1x16xf32>,
    %get3A_1097 = vector.shape_cast %get3A_1096 : vector<1x16xf32> to vector<16xf32>
    %sub3A_1098 = arith.subf %get3A_1097, %gather3A_1084 : vector<16xf32>
    %mul3A_1099 = arith.mulf %sub3A_1098, %sub3A_1098 : vector<16xf32>
    %add3A_1100 = arith.addf %add3A_1092, %mul3A_1099 : vector<16xf32>
    %get3A_1101 = arith.constant 13 : i32
    %get3A_1102 = arith.index_cast %get3A_1101 : i32 to index
    %get3A_1103 = arith.constant 32 : index
    %get3A_1104 = tpu.vector_load %arg11[%get3A_1102, %get3A_1103] {strides = array<i32>} : memref<16x128xf32, #tpu.memory_space<vmem>>, vector<1x16xf32>,
    %get3A_1105 = vector.shape_cast %get3A_1104 : vector<1x16xf32> to vector<16xf32>
    %sub3A_1106 = arith.subf %get3A_1105, %gather3A_1084 : vector<16xf32>
    %mul3A_1107 = arith.mulf %sub3A_1106, %sub3A_1106 : vector<16xf32>
    %add3A_1108 = arith.addf %add3A_1100, %mul3A_1107 : vector<16xf32>
    %get3A_1109 = arith.constant 13 : i32
    %get3A_1110 = arith.index_cast %get3A_1109 : i32 to index
    %get3A_1111 = arith.constant 48 : index
    %get3A_1112 = tpu.vector_load %arg11[%get3A_1110, %get3A_1111] {strides = array<i32>} : memref<16x128xf32, #tpu.memory_space<vmem>>, vector<1x16xf32>,
    %get3A_1113 = vector.shape_cast %get3A_1112 : vector<1x16xf32> to vector<16xf32>
    %sub3A_1114 = arith.subf %get3A_1113, %gather3A_1084 : vector<16xf32>
    %mul3A_1115 = arith.mulf %sub3A_1114, %sub3A_1114 : vector<16xf32>
    %add3A_1116 = arith.addf %add3A_1108, %mul3A_1115 : vector<16xf32>
    %get3A_1117 = arith.constant 13 : i32
    %get3A_1118 = arith.index_cast %get3A_1117 : i32 to index
    %get3A_1119 = arith.constant 64 : index
    %get3A_1120 = tpu.vector_load %arg11[%get3A_1118, %get3A_1119] {strides = array<i32>} : memref<16x128xf32, #tpu.memory_space<vmem>>, vector<1x16xf32>,
    %get3A_1121 = vector.shape_cast %get3A_1120 : vector<1x16xf32> to vector<16xf32>
    %sub3A_1122 = arith.subf %get3A_1121, %gather3A_1084 : vector<16xf32>
    %mul3A_1123 = arith.mulf %sub3A_1122, %sub3A_1122 : vector<16xf32>
    %add3A_1124 = arith.addf %add3A_1116, %mul3A_1123 : vector<16xf32>
    %get3A_1125 = arith.constant 13 : i32
    %get3A_1126 = arith.index_cast %get3A_1125 : i32 to index
    %get3A_1127 = arith.constant 80 : index
    %get3A_1128 = tpu.vector_load %arg11[%get3A_1126, %get3A_1127] {strides = array<i32>} : memref<16x128xf32, #tpu.memory_space<vmem>>, vector<1x16xf32>,
    %get3A_1129 = vector.shape_cast %get3A_1128 : vector<1x16xf32> to vector<16xf32>
    %sub3A_1130 = arith.subf %get3A_1129, %gather3A_1084 : vector<16xf32>
    %mul3A_1131 = arith.mulf %sub3A_1130, %sub3A_1130 : vector<16xf32>
    %add3A_1132 = arith.addf %add3A_1124, %mul3A_1131 : vector<16xf32>
    %get3A_1133 = arith.constant 13 : i32
    %get3A_1134 = arith.index_cast %get3A_1133 : i32 to index
    %get3A_1135 = arith.constant 96 : index
    %get3A_1136 = tpu.vector_load %arg11[%get3A_1134, %get3A_1135] {strides = array<i32>} : memref<16x128xf32, #tpu.memory_space<vmem>>, vector<1x16xf32>,
    %get3A_1137 = vector.shape_cast %get3A_1136 : vector<1x16xf32> to vector<16xf32>
    %sub3A_1138 = arith.subf %get3A_1137, %gather3A_1084 : vector<16xf32>
    %mul3A_1139 = arith.mulf %sub3A_1138, %sub3A_1138 : vector<16xf32>
    %add3A_1140 = arith.addf %add3A_1132, %mul3A_1139 : vector<16xf32>
    %get3A_1141 = arith.constant 13 : i32
    %get3A_1142 = arith.index_cast %get3A_1141 : i32 to index
    %get3A_1143 = arith.constant 112 : index
    %get3A_1144 = tpu.vector_load %arg11[%get3A_1142, %get3A_1143] {strides = array<i32>} : memref<16x128xf32, #tpu.memory_space<vmem>>, vector<1x16xf32>,
    %get3A_1145 = vector.shape_cast %get3A_1144 : vector<1x16xf32> to vector<16xf32>
    %sub3A_1146 = arith.subf %get3A_1145, %gather3A_1084 : vector<16xf32>
    %mul3A_1147 = arith.mulf %sub3A_1146, %sub3A_1146 : vector<16xf32>
    %add3A_1148 = arith.addf %add3A_1140, %mul3A_1147 : vector<16xf32>
    %add3A_1149 = arith.addf %add3A_1080, %add3A_1148 : vector<16xf32>
    %broadcast_in_dim3A_1150 = arith.constant 14 : i32
    %broadcast_in_dim3A_1151 = vector.broadcast %broadcast_in_dim3A_1150 : i32 to vector<16x1xi32>
    %gather3A_1152 = vector.shape_cast %broadcast_in_dim3A_1151 : vector<16x1xi32> to vector<16xi32>
    %gather3A_1153 = tpu.dynamic_gather %select_n3A_184[%gather3A_1152] in [0] : vector<16xf32>, vector<16xi32> -> vector<16xf32>
    %get3A_1154 = arith.constant 14 : i32
    %get3A_1155 = arith.index_cast %get3A_1154 : i32 to index
    %get3A_1156 = arith.constant 0 : index
    %get3A_1157 = tpu.vector_load %arg11[%get3A_1155, %get3A_1156] {strides = array<i32>} : memref<16x128xf32, #tpu.memory_space<vmem>>, vector<1x16xf32>,
    %get3A_1158 = vector.shape_cast %get3A_1157 : vector<1x16xf32> to vector<16xf32>
    %sub3A_1159 = arith.subf %get3A_1158, %gather3A_1153 : vector<16xf32>
    %mul3A_1160 = arith.mulf %sub3A_1159, %sub3A_1159 : vector<16xf32>
    %add3A_1161 = arith.addf %broadcast_in_dim3A_167, %mul3A_1160 : vector<16xf32>
    %get3A_1162 = arith.constant 14 : i32
    %get3A_1163 = arith.index_cast %get3A_1162 : i32 to index
    %get3A_1164 = arith.constant 16 : index
    %get3A_1165 = tpu.vector_load %arg11[%get3A_1163, %get3A_1164] {strides = array<i32>} : memref<16x128xf32, #tpu.memory_space<vmem>>, vector<1x16xf32>,
    %get3A_1166 = vector.shape_cast %get3A_1165 : vector<1x16xf32> to vector<16xf32>
    %sub3A_1167 = arith.subf %get3A_1166, %gather3A_1153 : vector<16xf32>
    %mul3A_1168 = arith.mulf %sub3A_1167, %sub3A_1167 : vector<16xf32>
    %add3A_1169 = arith.addf %add3A_1161, %mul3A_1168 : vector<16xf32>
    %get3A_1170 = arith.constant 14 : i32
    %get3A_1171 = arith.index_cast %get3A_1170 : i32 to index
    %get3A_1172 = arith.constant 32 : index
    %get3A_1173 = tpu.vector_load %arg11[%get3A_1171, %get3A_1172] {strides = array<i32>} : memref<16x128xf32, #tpu.memory_space<vmem>>, vector<1x16xf32>,
    %get3A_1174 = vector.shape_cast %get3A_1173 : vector<1x16xf32> to vector<16xf32>
    %sub3A_1175 = arith.subf %get3A_1174, %gather3A_1153 : vector<16xf32>
    %mul3A_1176 = arith.mulf %sub3A_1175, %sub3A_1175 : vector<16xf32>
    %add3A_1177 = arith.addf %add3A_1169, %mul3A_1176 : vector<16xf32>
    %get3A_1178 = arith.constant 14 : i32
    %get3A_1179 = arith.index_cast %get3A_1178 : i32 to index
    %get3A_1180 = arith.constant 48 : index
    %get3A_1181 = tpu.vector_load %arg11[%get3A_1179, %get3A_1180] {strides = array<i32>} : memref<16x128xf32, #tpu.memory_space<vmem>>, vector<1x16xf32>,
    %get3A_1182 = vector.shape_cast %get3A_1181 : vector<1x16xf32> to vector<16xf32>
    %sub3A_1183 = arith.subf %get3A_1182, %gather3A_1153 : vector<16xf32>
    %mul3A_1184 = arith.mulf %sub3A_1183, %sub3A_1183 : vector<16xf32>
    %add3A_1185 = arith.addf %add3A_1177, %mul3A_1184 : vector<16xf32>
    %get3A_1186 = arith.constant 14 : i32
    %get3A_1187 = arith.index_cast %get3A_1186 : i32 to index
    %get3A_1188 = arith.constant 64 : index
    %get3A_1189 = tpu.vector_load %arg11[%get3A_1187, %get3A_1188] {strides = array<i32>} : memref<16x128xf32, #tpu.memory_space<vmem>>, vector<1x16xf32>,
    %get3A_1190 = vector.shape_cast %get3A_1189 : vector<1x16xf32> to vector<16xf32>
    %sub3A_1191 = arith.subf %get3A_1190, %gather3A_1153 : vector<16xf32>
    %mul3A_1192 = arith.mulf %sub3A_1191, %sub3A_1191 : vector<16xf32>
    %add3A_1193 = arith.addf %add3A_1185, %mul3A_1192 : vector<16xf32>
    %get3A_1194 = arith.constant 14 : i32
    %get3A_1195 = arith.index_cast %get3A_1194 : i32 to index
    %get3A_1196 = arith.constant 80 : index
    %get3A_1197 = tpu.vector_load %arg11[%get3A_1195, %get3A_1196] {strides = array<i32>} : memref<16x128xf32, #tpu.memory_space<vmem>>, vector<1x16xf32>,
    %get3A_1198 = vector.shape_cast %get3A_1197 : vector<1x16xf32> to vector<16xf32>
    %sub3A_1199 = arith.subf %get3A_1198, %gather3A_1153 : vector<16xf32>
    %mul3A_1200 = arith.mulf %sub3A_1199, %sub3A_1199 : vector<16xf32>
    %add3A_1201 = arith.addf %add3A_1193, %mul3A_1200 : vector<16xf32>
    %get3A_1202 = arith.constant 14 : i32
    %get3A_1203 = arith.index_cast %get3A_1202 : i32 to index
    %get3A_1204 = arith.constant 96 : index
    %get3A_1205 = tpu.vector_load %arg11[%get3A_1203, %get3A_1204] {strides = array<i32>} : memref<16x128xf32, #tpu.memory_space<vmem>>, vector<1x16xf32>,
    %get3A_1206 = vector.shape_cast %get3A_1205 : vector<1x16xf32> to vector<16xf32>
    %sub3A_1207 = arith.subf %get3A_1206, %gather3A_1153 : vector<16xf32>
    %mul3A_1208 = arith.mulf %sub3A_1207, %sub3A_1207 : vector<16xf32>
    %add3A_1209 = arith.addf %add3A_1201, %mul3A_1208 : vector<16xf32>
    %get3A_1210 = arith.constant 14 : i32
    %get3A_1211 = arith.index_cast %get3A_1210 : i32 to index
    %get3A_1212 = arith.constant 112 : index
    %get3A_1213 = tpu.vector_load %arg11[%get3A_1211, %get3A_1212] {strides = array<i32>} : memref<16x128xf32, #tpu.memory_space<vmem>>, vector<1x16xf32>,
    %get3A_1214 = vector.shape_cast %get3A_1213 : vector<1x16xf32> to vector<16xf32>
    %sub3A_1215 = arith.subf %get3A_1214, %gather3A_1153 : vector<16xf32>
    %mul3A_1216 = arith.mulf %sub3A_1215, %sub3A_1215 : vector<16xf32>
    %add3A_1217 = arith.addf %add3A_1209, %mul3A_1216 : vector<16xf32>
    %add3A_1218 = arith.addf %add3A_1149, %add3A_1217 : vector<16xf32>
    %broadcast_in_dim3A_1219 = arith.constant 15 : i32
    %broadcast_in_dim3A_1220 = vector.broadcast %broadcast_in_dim3A_1219 : i32 to vector<16x1xi32>
    %gather3A_1221 = vector.shape_cast %broadcast_in_dim3A_1220 : vector<16x1xi32> to vector<16xi32>
    %gather3A_1222 = tpu.dynamic_gather %select_n3A_184[%gather3A_1221] in [0] : vector<16xf32>, vector<16xi32> -> vector<16xf32>
    %get3A_1223 = arith.constant 15 : i32
    %get3A_1224 = arith.index_cast %get3A_1223 : i32 to index
    %get3A_1225 = arith.constant 0 : index
    %get3A_1226 = tpu.vector_load %arg11[%get3A_1224, %get3A_1225] {strides = array<i32>} : memref<16x128xf32, #tpu.memory_space<vmem>>, vector<1x16xf32>,
    %get3A_1227 = vector.shape_cast %get3A_1226 : vector<1x16xf32> to vector<16xf32>
    %sub3A_1228 = arith.subf %get3A_1227, %gather3A_1222 : vector<16xf32>
    %mul3A_1229 = arith.mulf %sub3A_1228, %sub3A_1228 : vector<16xf32>
    %add3A_1230 = arith.addf %broadcast_in_dim3A_167, %mul3A_1229 : vector<16xf32>
    %get3A_1231 = arith.constant 15 : i32
    %get3A_1232 = arith.index_cast %get3A_1231 : i32 to index
    %get3A_1233 = arith.constant 16 : index
    %get3A_1234 = tpu.vector_load %arg11[%get3A_1232, %get3A_1233] {strides = array<i32>} : memref<16x128xf32, #tpu.memory_space<vmem>>, vector<1x16xf32>,
    %get3A_1235 = vector.shape_cast %get3A_1234 : vector<1x16xf32> to vector<16xf32>
    %sub3A_1236 = arith.subf %get3A_1235, %gather3A_1222 : vector<16xf32>
    %mul3A_1237 = arith.mulf %sub3A_1236, %sub3A_1236 : vector<16xf32>
    %add3A_1238 = arith.addf %add3A_1230, %mul3A_1237 : vector<16xf32>
    %get3A_1239 = arith.constant 15 : i32
    %get3A_1240 = arith.index_cast %get3A_1239 : i32 to index
    %get3A_1241 = arith.constant 32 : index
    %get3A_1242 = tpu.vector_load %arg11[%get3A_1240, %get3A_1241] {strides = array<i32>} : memref<16x128xf32, #tpu.memory_space<vmem>>, vector<1x16xf32>,
    %get3A_1243 = vector.shape_cast %get3A_1242 : vector<1x16xf32> to vector<16xf32>
    %sub3A_1244 = arith.subf %get3A_1243, %gather3A_1222 : vector<16xf32>
    %mul3A_1245 = arith.mulf %sub3A_1244, %sub3A_1244 : vector<16xf32>
    %add3A_1246 = arith.addf %add3A_1238, %mul3A_1245 : vector<16xf32>
    %get3A_1247 = arith.constant 15 : i32
    %get3A_1248 = arith.index_cast %get3A_1247 : i32 to index
    %get3A_1249 = arith.constant 48 : index
    %get3A_1250 = tpu.vector_load %arg11[%get3A_1248, %get3A_1249] {strides = array<i32>} : memref<16x128xf32, #tpu.memory_space<vmem>>, vector<1x16xf32>,
    %get3A_1251 = vector.shape_cast %get3A_1250 : vector<1x16xf32> to vector<16xf32>
    %sub3A_1252 = arith.subf %get3A_1251, %gather3A_1222 : vector<16xf32>
    %mul3A_1253 = arith.mulf %sub3A_1252, %sub3A_1252 : vector<16xf32>
    %add3A_1254 = arith.addf %add3A_1246, %mul3A_1253 : vector<16xf32>
    %get3A_1255 = arith.constant 15 : i32
    %get3A_1256 = arith.index_cast %get3A_1255 : i32 to index
    %get3A_1257 = arith.constant 64 : index
    %get3A_1258 = tpu.vector_load %arg11[%get3A_1256, %get3A_1257] {strides = array<i32>} : memref<16x128xf32, #tpu.memory_space<vmem>>, vector<1x16xf32>,
    %get3A_1259 = vector.shape_cast %get3A_1258 : vector<1x16xf32> to vector<16xf32>
    %sub3A_1260 = arith.subf %get3A_1259, %gather3A_1222 : vector<16xf32>
    %mul3A_1261 = arith.mulf %sub3A_1260, %sub3A_1260 : vector<16xf32>
    %add3A_1262 = arith.addf %add3A_1254, %mul3A_1261 : vector<16xf32>
    %get3A_1263 = arith.constant 15 : i32
    %get3A_1264 = arith.index_cast %get3A_1263 : i32 to index
    %get3A_1265 = arith.constant 80 : index
    %get3A_1266 = tpu.vector_load %arg11[%get3A_1264, %get3A_1265] {strides = array<i32>} : memref<16x128xf32, #tpu.memory_space<vmem>>, vector<1x16xf32>,
    %get3A_1267 = vector.shape_cast %get3A_1266 : vector<1x16xf32> to vector<16xf32>
    %sub3A_1268 = arith.subf %get3A_1267, %gather3A_1222 : vector<16xf32>
    %mul3A_1269 = arith.mulf %sub3A_1268, %sub3A_1268 : vector<16xf32>
    %add3A_1270 = arith.addf %add3A_1262, %mul3A_1269 : vector<16xf32>
    %get3A_1271 = arith.constant 15 : i32
    %get3A_1272 = arith.index_cast %get3A_1271 : i32 to index
    %get3A_1273 = arith.constant 96 : index
    %get3A_1274 = tpu.vector_load %arg11[%get3A_1272, %get3A_1273] {strides = array<i32>} : memref<16x128xf32, #tpu.memory_space<vmem>>, vector<1x16xf32>,
    %get3A_1275 = vector.shape_cast %get3A_1274 : vector<1x16xf32> to vector<16xf32>
    %sub3A_1276 = arith.subf %get3A_1275, %gather3A_1222 : vector<16xf32>
    %mul3A_1277 = arith.mulf %sub3A_1276, %sub3A_1276 : vector<16xf32>
    %add3A_1278 = arith.addf %add3A_1270, %mul3A_1277 : vector<16xf32>
    %get3A_1279 = arith.constant 15 : i32
    %get3A_1280 = arith.index_cast %get3A_1279 : i32 to index
    %get3A_1281 = arith.constant 112 : index
    %get3A_1282 = tpu.vector_load %arg11[%get3A_1280, %get3A_1281] {strides = array<i32>} : memref<16x128xf32, #tpu.memory_space<vmem>>, vector<1x16xf32>,
    %get3A_1283 = vector.shape_cast %get3A_1282 : vector<1x16xf32> to vector<16xf32>
    %sub3A_1284 = arith.subf %get3A_1283, %gather3A_1222 : vector<16xf32>
    %mul3A_1285 = arith.mulf %sub3A_1284, %sub3A_1284 : vector<16xf32>
    %add3A_1286 = arith.addf %add3A_1278, %mul3A_1285 : vector<16xf32>
    %add3A_1287 = arith.addf %add3A_1218, %add3A_1286 : vector<16xf32>
    %dma_wait3A_1288 = arith.constant 0 : i32
    %dma_wait3A_1289 = arith.constant 0 : i32
    %dma_wait3A_1290 = tpu.memref_slice %arg2[%dma_wait3A_1288, %dma_wait3A_1289] : memref<160000x128xf32, #tpu.memory_space<hbm>> -> memref<160000x128xf32, #tpu.memory_space<hbm>>
    tpu.wait_indirect_dma semaphore(%arg15 : memref<!tpu.dma_semaphore, #tpu.memory_space<semaphore_mem>>) src(%dma_wait3A_1290 : memref<160000x128xf32, #tpu.memory_space<hbm>>) dst(%arg12 : memref<16x128xf32, #tpu.memory_space<vmem>>)
    %get3A_1291 = arith.constant 96 : index
    %get3A_1292 = tpu.vector_load %arg7[%get3A_1291] {strides = array<i32>} : memref<160xf32, #tpu.memory_space<vmem>>, vector<16xf32>,
    %get3A_1293 = vector.shape_cast %get3A_1292 : vector<16xf32> to vector<16xf32>
    %get3A_1294 = arith.constant 144 : index
    %get3A_1295 = tpu.vector_load %arg7[%get3A_1294] {strides = array<i32>} : memref<160xf32, #tpu.memory_space<vmem>>, vector<16xf32>,
    %get3A_1296 = vector.shape_cast %get3A_1295 : vector<16xf32> to vector<16xf32>
    %select_n3A_1297 = arith.select %eq3A_74, %get3A_1296, %get3A_1293 : vector<16xf32>
    %get3A_1298 = arith.constant 16 : index
    %get3A_1299 = tpu.vector_load %arg7[%get3A_1298] {strides = array<i32>} : memref<160xf32, #tpu.memory_space<vmem>>, vector<16xf32>,
    %get3A_1300 = vector.shape_cast %get3A_1299 : vector<16xf32> to vector<16xf32>
    %get3A_1301 = arith.constant 64 : index
    %get3A_1302 = tpu.vector_load %arg7[%get3A_1301] {strides = array<i32>} : memref<160xf32, #tpu.memory_space<vmem>>, vector<16xf32>,
    %get3A_1303 = vector.shape_cast %get3A_1302 : vector<16xf32> to vector<16xf32>
    %select_n3A_1304 = arith.select %eq3A_74, %get3A_1303, %get3A_1300 : vector<16xf32>
    %select_n3A_1305 = arith.select %eq3A_72, %select_n3A_1297, %select_n3A_1304 : vector<16xf32>
    %broadcast_in_dim3A_1306 = arith.constant 0 : i32
    %broadcast_in_dim3A_1307 = vector.broadcast %broadcast_in_dim3A_1306 : i32 to vector<16x1xi32>
    %gather3A_1308 = vector.shape_cast %broadcast_in_dim3A_1307 : vector<16x1xi32> to vector<16xi32>
    %gather3A_1309 = tpu.dynamic_gather %select_n3A_1305[%gather3A_1308] in [0] : vector<16xf32>, vector<16xi32> -> vector<16xf32>
    %get3A_1310 = arith.constant 0 : i32
    %get3A_1311 = arith.index_cast %get3A_1310 : i32 to index
    %get3A_1312 = arith.constant 0 : index
    %get3A_1313 = tpu.vector_load %arg12[%get3A_1311, %get3A_1312] {strides = array<i32>} : memref<16x128xf32, #tpu.memory_space<vmem>>, vector<1x16xf32>,
    %get3A_1314 = vector.shape_cast %get3A_1313 : vector<1x16xf32> to vector<16xf32>
    %sub3A_1315 = arith.subf %get3A_1314, %gather3A_1309 : vector<16xf32>
    %mul3A_1316 = arith.mulf %sub3A_1315, %sub3A_1315 : vector<16xf32>
    %add3A_1317 = arith.addf %broadcast_in_dim3A_167, %mul3A_1316 : vector<16xf32>
    %get3A_1318 = arith.constant 0 : i32
    %get3A_1319 = arith.index_cast %get3A_1318 : i32 to index
    %get3A_1320 = arith.constant 16 : index
    %get3A_1321 = tpu.vector_load %arg12[%get3A_1319, %get3A_1320] {strides = array<i32>} : memref<16x128xf32, #tpu.memory_space<vmem>>, vector<1x16xf32>,
    %get3A_1322 = vector.shape_cast %get3A_1321 : vector<1x16xf32> to vector<16xf32>
    %sub3A_1323 = arith.subf %get3A_1322, %gather3A_1309 : vector<16xf32>
    %mul3A_1324 = arith.mulf %sub3A_1323, %sub3A_1323 : vector<16xf32>
    %add3A_1325 = arith.addf %add3A_1317, %mul3A_1324 : vector<16xf32>
    %get3A_1326 = arith.constant 0 : i32
    %get3A_1327 = arith.index_cast %get3A_1326 : i32 to index
    %get3A_1328 = arith.constant 32 : index
    %get3A_1329 = tpu.vector_load %arg12[%get3A_1327, %get3A_1328] {strides = array<i32>} : memref<16x128xf32, #tpu.memory_space<vmem>>, vector<1x16xf32>,
    %get3A_1330 = vector.shape_cast %get3A_1329 : vector<1x16xf32> to vector<16xf32>
    %sub3A_1331 = arith.subf %get3A_1330, %gather3A_1309 : vector<16xf32>
    %mul3A_1332 = arith.mulf %sub3A_1331, %sub3A_1331 : vector<16xf32>
    %add3A_1333 = arith.addf %add3A_1325, %mul3A_1332 : vector<16xf32>
    %get3A_1334 = arith.constant 0 : i32
    %get3A_1335 = arith.index_cast %get3A_1334 : i32 to index
    %get3A_1336 = arith.constant 48 : index
    %get3A_1337 = tpu.vector_load %arg12[%get3A_1335, %get3A_1336] {strides = array<i32>} : memref<16x128xf32, #tpu.memory_space<vmem>>, vector<1x16xf32>,
    %get3A_1338 = vector.shape_cast %get3A_1337 : vector<1x16xf32> to vector<16xf32>
    %sub3A_1339 = arith.subf %get3A_1338, %gather3A_1309 : vector<16xf32>
    %mul3A_1340 = arith.mulf %sub3A_1339, %sub3A_1339 : vector<16xf32>
    %add3A_1341 = arith.addf %add3A_1333, %mul3A_1340 : vector<16xf32>
    %get3A_1342 = arith.constant 0 : i32
    %get3A_1343 = arith.index_cast %get3A_1342 : i32 to index
    %get3A_1344 = arith.constant 64 : index
    %get3A_1345 = tpu.vector_load %arg12[%get3A_1343, %get3A_1344] {strides = array<i32>} : memref<16x128xf32, #tpu.memory_space<vmem>>, vector<1x16xf32>,
    %get3A_1346 = vector.shape_cast %get3A_1345 : vector<1x16xf32> to vector<16xf32>
    %sub3A_1347 = arith.subf %get3A_1346, %gather3A_1309 : vector<16xf32>
    %mul3A_1348 = arith.mulf %sub3A_1347, %sub3A_1347 : vector<16xf32>
    %add3A_1349 = arith.addf %add3A_1341, %mul3A_1348 : vector<16xf32>
    %get3A_1350 = arith.constant 0 : i32
    %get3A_1351 = arith.index_cast %get3A_1350 : i32 to index
    %get3A_1352 = arith.constant 80 : index
    %get3A_1353 = tpu.vector_load %arg12[%get3A_1351, %get3A_1352] {strides = array<i32>} : memref<16x128xf32, #tpu.memory_space<vmem>>, vector<1x16xf32>,
    %get3A_1354 = vector.shape_cast %get3A_1353 : vector<1x16xf32> to vector<16xf32>
    %sub3A_1355 = arith.subf %get3A_1354, %gather3A_1309 : vector<16xf32>
    %mul3A_1356 = arith.mulf %sub3A_1355, %sub3A_1355 : vector<16xf32>
    %add3A_1357 = arith.addf %add3A_1349, %mul3A_1356 : vector<16xf32>
    %get3A_1358 = arith.constant 0 : i32
    %get3A_1359 = arith.index_cast %get3A_1358 : i32 to index
    %get3A_1360 = arith.constant 96 : index
    %get3A_1361 = tpu.vector_load %arg12[%get3A_1359, %get3A_1360] {strides = array<i32>} : memref<16x128xf32, #tpu.memory_space<vmem>>, vector<1x16xf32>,
    %get3A_1362 = vector.shape_cast %get3A_1361 : vector<1x16xf32> to vector<16xf32>
    %sub3A_1363 = arith.subf %get3A_1362, %gather3A_1309 : vector<16xf32>
    %mul3A_1364 = arith.mulf %sub3A_1363, %sub3A_1363 : vector<16xf32>
    %add3A_1365 = arith.addf %add3A_1357, %mul3A_1364 : vector<16xf32>
    %get3A_1366 = arith.constant 0 : i32
    %get3A_1367 = arith.index_cast %get3A_1366 : i32 to index
    %get3A_1368 = arith.constant 112 : index
    %get3A_1369 = tpu.vector_load %arg12[%get3A_1367, %get3A_1368] {strides = array<i32>} : memref<16x128xf32, #tpu.memory_space<vmem>>, vector<1x16xf32>,
    %get3A_1370 = vector.shape_cast %get3A_1369 : vector<1x16xf32> to vector<16xf32>
    %sub3A_1371 = arith.subf %get3A_1370, %gather3A_1309 : vector<16xf32>
    %mul3A_1372 = arith.mulf %sub3A_1371, %sub3A_1371 : vector<16xf32>
    %add3A_1373 = arith.addf %add3A_1365, %mul3A_1372 : vector<16xf32>
    %add3A_1374 = arith.addf %add3A_1287, %add3A_1373 : vector<16xf32>
    %broadcast_in_dim3A_1375 = arith.constant 1 : i32
    %broadcast_in_dim3A_1376 = vector.broadcast %broadcast_in_dim3A_1375 : i32 to vector<16x1xi32>
    %gather3A_1377 = vector.shape_cast %broadcast_in_dim3A_1376 : vector<16x1xi32> to vector<16xi32>
    %gather3A_1378 = tpu.dynamic_gather %select_n3A_1305[%gather3A_1377] in [0] : vector<16xf32>, vector<16xi32> -> vector<16xf32>
    %get3A_1379 = arith.constant 1 : i32
    %get3A_1380 = arith.index_cast %get3A_1379 : i32 to index
    %get3A_1381 = arith.constant 0 : index
    %get3A_1382 = tpu.vector_load %arg12[%get3A_1380, %get3A_1381] {strides = array<i32>} : memref<16x128xf32, #tpu.memory_space<vmem>>, vector<1x16xf32>,
    %get3A_1383 = vector.shape_cast %get3A_1382 : vector<1x16xf32> to vector<16xf32>
    %sub3A_1384 = arith.subf %get3A_1383, %gather3A_1378 : vector<16xf32>
    %mul3A_1385 = arith.mulf %sub3A_1384, %sub3A_1384 : vector<16xf32>
    %add3A_1386 = arith.addf %broadcast_in_dim3A_167, %mul3A_1385 : vector<16xf32>
    %get3A_1387 = arith.constant 1 : i32
    %get3A_1388 = arith.index_cast %get3A_1387 : i32 to index
    %get3A_1389 = arith.constant 16 : index
    %get3A_1390 = tpu.vector_load %arg12[%get3A_1388, %get3A_1389] {strides = array<i32>} : memref<16x128xf32, #tpu.memory_space<vmem>>, vector<1x16xf32>,
    %get3A_1391 = vector.shape_cast %get3A_1390 : vector<1x16xf32> to vector<16xf32>
    %sub3A_1392 = arith.subf %get3A_1391, %gather3A_1378 : vector<16xf32>
    %mul3A_1393 = arith.mulf %sub3A_1392, %sub3A_1392 : vector<16xf32>
    %add3A_1394 = arith.addf %add3A_1386, %mul3A_1393 : vector<16xf32>
    %get3A_1395 = arith.constant 1 : i32
    %get3A_1396 = arith.index_cast %get3A_1395 : i32 to index
    %get3A_1397 = arith.constant 32 : index
    %get3A_1398 = tpu.vector_load %arg12[%get3A_1396, %get3A_1397] {strides = array<i32>} : memref<16x128xf32, #tpu.memory_space<vmem>>, vector<1x16xf32>,
    %get3A_1399 = vector.shape_cast %get3A_1398 : vector<1x16xf32> to vector<16xf32>
    %sub3A_1400 = arith.subf %get3A_1399, %gather3A_1378 : vector<16xf32>
    %mul3A_1401 = arith.mulf %sub3A_1400, %sub3A_1400 : vector<16xf32>
    %add3A_1402 = arith.addf %add3A_1394, %mul3A_1401 : vector<16xf32>
    %get3A_1403 = arith.constant 1 : i32
    %get3A_1404 = arith.index_cast %get3A_1403 : i32 to index
    %get3A_1405 = arith.constant 48 : index
    %get3A_1406 = tpu.vector_load %arg12[%get3A_1404, %get3A_1405] {strides = array<i32>} : memref<16x128xf32, #tpu.memory_space<vmem>>, vector<1x16xf32>,
    %get3A_1407 = vector.shape_cast %get3A_1406 : vector<1x16xf32> to vector<16xf32>
    %sub3A_1408 = arith.subf %get3A_1407, %gather3A_1378 : vector<16xf32>
    %mul3A_1409 = arith.mulf %sub3A_1408, %sub3A_1408 : vector<16xf32>
    %add3A_1410 = arith.addf %add3A_1402, %mul3A_1409 : vector<16xf32>
    %get3A_1411 = arith.constant 1 : i32
    %get3A_1412 = arith.index_cast %get3A_1411 : i32 to index
    %get3A_1413 = arith.constant 64 : index
    %get3A_1414 = tpu.vector_load %arg12[%get3A_1412, %get3A_1413] {strides = array<i32>} : memref<16x128xf32, #tpu.memory_space<vmem>>, vector<1x16xf32>,
    %get3A_1415 = vector.shape_cast %get3A_1414 : vector<1x16xf32> to vector<16xf32>
    %sub3A_1416 = arith.subf %get3A_1415, %gather3A_1378 : vector<16xf32>
    %mul3A_1417 = arith.mulf %sub3A_1416, %sub3A_1416 : vector<16xf32>
    %add3A_1418 = arith.addf %add3A_1410, %mul3A_1417 : vector<16xf32>
    %get3A_1419 = arith.constant 1 : i32
    %get3A_1420 = arith.index_cast %get3A_1419 : i32 to index
    %get3A_1421 = arith.constant 80 : index
    %get3A_1422 = tpu.vector_load %arg12[%get3A_1420, %get3A_1421] {strides = array<i32>} : memref<16x128xf32, #tpu.memory_space<vmem>>, vector<1x16xf32>,
    %get3A_1423 = vector.shape_cast %get3A_1422 : vector<1x16xf32> to vector<16xf32>
    %sub3A_1424 = arith.subf %get3A_1423, %gather3A_1378 : vector<16xf32>
    %mul3A_1425 = arith.mulf %sub3A_1424, %sub3A_1424 : vector<16xf32>
    %add3A_1426 = arith.addf %add3A_1418, %mul3A_1425 : vector<16xf32>
    %get3A_1427 = arith.constant 1 : i32
    %get3A_1428 = arith.index_cast %get3A_1427 : i32 to index
    %get3A_1429 = arith.constant 96 : index
    %get3A_1430 = tpu.vector_load %arg12[%get3A_1428, %get3A_1429] {strides = array<i32>} : memref<16x128xf32, #tpu.memory_space<vmem>>, vector<1x16xf32>,
    %get3A_1431 = vector.shape_cast %get3A_1430 : vector<1x16xf32> to vector<16xf32>
    %sub3A_1432 = arith.subf %get3A_1431, %gather3A_1378 : vector<16xf32>
    %mul3A_1433 = arith.mulf %sub3A_1432, %sub3A_1432 : vector<16xf32>
    %add3A_1434 = arith.addf %add3A_1426, %mul3A_1433 : vector<16xf32>
    %get3A_1435 = arith.constant 1 : i32
    %get3A_1436 = arith.index_cast %get3A_1435 : i32 to index
    %get3A_1437 = arith.constant 112 : index
    %get3A_1438 = tpu.vector_load %arg12[%get3A_1436, %get3A_1437] {strides = array<i32>} : memref<16x128xf32, #tpu.memory_space<vmem>>, vector<1x16xf32>,
    %get3A_1439 = vector.shape_cast %get3A_1438 : vector<1x16xf32> to vector<16xf32>
    %sub3A_1440 = arith.subf %get3A_1439, %gather3A_1378 : vector<16xf32>
    %mul3A_1441 = arith.mulf %sub3A_1440, %sub3A_1440 : vector<16xf32>
    %add3A_1442 = arith.addf %add3A_1434, %mul3A_1441 : vector<16xf32>
    %add3A_1443 = arith.addf %add3A_1374, %add3A_1442 : vector<16xf32>
    %broadcast_in_dim3A_1444 = arith.constant 2 : i32
    %broadcast_in_dim3A_1445 = vector.broadcast %broadcast_in_dim3A_1444 : i32 to vector<16x1xi32>
    %gather3A_1446 = vector.shape_cast %broadcast_in_dim3A_1445 : vector<16x1xi32> to vector<16xi32>
    %gather3A_1447 = tpu.dynamic_gather %select_n3A_1305[%gather3A_1446] in [0] : vector<16xf32>, vector<16xi32> -> vector<16xf32>
    %get3A_1448 = arith.constant 2 : i32
    %get3A_1449 = arith.index_cast %get3A_1448 : i32 to index
    %get3A_1450 = arith.constant 0 : index
    %get3A_1451 = tpu.vector_load %arg12[%get3A_1449, %get3A_1450] {strides = array<i32>} : memref<16x128xf32, #tpu.memory_space<vmem>>, vector<1x16xf32>,
    %get3A_1452 = vector.shape_cast %get3A_1451 : vector<1x16xf32> to vector<16xf32>
    %sub3A_1453 = arith.subf %get3A_1452, %gather3A_1447 : vector<16xf32>
    %mul3A_1454 = arith.mulf %sub3A_1453, %sub3A_1453 : vector<16xf32>
    %add3A_1455 = arith.addf %broadcast_in_dim3A_167, %mul3A_1454 : vector<16xf32>
    %get3A_1456 = arith.constant 2 : i32
    %get3A_1457 = arith.index_cast %get3A_1456 : i32 to index
    %get3A_1458 = arith.constant 16 : index
    %get3A_1459 = tpu.vector_load %arg12[%get3A_1457, %get3A_1458] {strides = array<i32>} : memref<16x128xf32, #tpu.memory_space<vmem>>, vector<1x16xf32>,
    %get3A_1460 = vector.shape_cast %get3A_1459 : vector<1x16xf32> to vector<16xf32>
    %sub3A_1461 = arith.subf %get3A_1460, %gather3A_1447 : vector<16xf32>
    %mul3A_1462 = arith.mulf %sub3A_1461, %sub3A_1461 : vector<16xf32>
    %add3A_1463 = arith.addf %add3A_1455, %mul3A_1462 : vector<16xf32>
    %get3A_1464 = arith.constant 2 : i32
    %get3A_1465 = arith.index_cast %get3A_1464 : i32 to index
    %get3A_1466 = arith.constant 32 : index
    %get3A_1467 = tpu.vector_load %arg12[%get3A_1465, %get3A_1466] {strides = array<i32>} : memref<16x128xf32, #tpu.memory_space<vmem>>, vector<1x16xf32>,
    %get3A_1468 = vector.shape_cast %get3A_1467 : vector<1x16xf32> to vector<16xf32>
    %sub3A_1469 = arith.subf %get3A_1468, %gather3A_1447 : vector<16xf32>
    %mul3A_1470 = arith.mulf %sub3A_1469, %sub3A_1469 : vector<16xf32>
    %add3A_1471 = arith.addf %add3A_1463, %mul3A_1470 : vector<16xf32>
    %get3A_1472 = arith.constant 2 : i32
    %get3A_1473 = arith.index_cast %get3A_1472 : i32 to index
    %get3A_1474 = arith.constant 48 : index
    %get3A_1475 = tpu.vector_load %arg12[%get3A_1473, %get3A_1474] {strides = array<i32>} : memref<16x128xf32, #tpu.memory_space<vmem>>, vector<1x16xf32>,
    %get3A_1476 = vector.shape_cast %get3A_1475 : vector<1x16xf32> to vector<16xf32>
    %sub3A_1477 = arith.subf %get3A_1476, %gather3A_1447 : vector<16xf32>
    %mul3A_1478 = arith.mulf %sub3A_1477, %sub3A_1477 : vector<16xf32>
    %add3A_1479 = arith.addf %add3A_1471, %mul3A_1478 : vector<16xf32>
    %get3A_1480 = arith.constant 2 : i32
    %get3A_1481 = arith.index_cast %get3A_1480 : i32 to index
    %get3A_1482 = arith.constant 64 : index
    %get3A_1483 = tpu.vector_load %arg12[%get3A_1481, %get3A_1482] {strides = array<i32>} : memref<16x128xf32, #tpu.memory_space<vmem>>, vector<1x16xf32>,
    %get3A_1484 = vector.shape_cast %get3A_1483 : vector<1x16xf32> to vector<16xf32>
    %sub3A_1485 = arith.subf %get3A_1484, %gather3A_1447 : vector<16xf32>
    %mul3A_1486 = arith.mulf %sub3A_1485, %sub3A_1485 : vector<16xf32>
    %add3A_1487 = arith.addf %add3A_1479, %mul3A_1486 : vector<16xf32>
    %get3A_1488 = arith.constant 2 : i32
    %get3A_1489 = arith.index_cast %get3A_1488 : i32 to index
    %get3A_1490 = arith.constant 80 : index
    %get3A_1491 = tpu.vector_load %arg12[%get3A_1489, %get3A_1490] {strides = array<i32>} : memref<16x128xf32, #tpu.memory_space<vmem>>, vector<1x16xf32>,
    %get3A_1492 = vector.shape_cast %get3A_1491 : vector<1x16xf32> to vector<16xf32>
    %sub3A_1493 = arith.subf %get3A_1492, %gather3A_1447 : vector<16xf32>
    %mul3A_1494 = arith.mulf %sub3A_1493, %sub3A_1493 : vector<16xf32>
    %add3A_1495 = arith.addf %add3A_1487, %mul3A_1494 : vector<16xf32>
    %get3A_1496 = arith.constant 2 : i32
    %get3A_1497 = arith.index_cast %get3A_1496 : i32 to index
    %get3A_1498 = arith.constant 96 : index
    %get3A_1499 = tpu.vector_load %arg12[%get3A_1497, %get3A_1498] {strides = array<i32>} : memref<16x128xf32, #tpu.memory_space<vmem>>, vector<1x16xf32>,
    %get3A_1500 = vector.shape_cast %get3A_1499 : vector<1x16xf32> to vector<16xf32>
    %sub3A_1501 = arith.subf %get3A_1500, %gather3A_1447 : vector<16xf32>
    %mul3A_1502 = arith.mulf %sub3A_1501, %sub3A_1501 : vector<16xf32>
    %add3A_1503 = arith.addf %add3A_1495, %mul3A_1502 : vector<16xf32>
    %get3A_1504 = arith.constant 2 : i32
    %get3A_1505 = arith.index_cast %get3A_1504 : i32 to index
    %get3A_1506 = arith.constant 112 : index
    %get3A_1507 = tpu.vector_load %arg12[%get3A_1505, %get3A_1506] {strides = array<i32>} : memref<16x128xf32, #tpu.memory_space<vmem>>, vector<1x16xf32>,
    %get3A_1508 = vector.shape_cast %get3A_1507 : vector<1x16xf32> to vector<16xf32>
    %sub3A_1509 = arith.subf %get3A_1508, %gather3A_1447 : vector<16xf32>
    %mul3A_1510 = arith.mulf %sub3A_1509, %sub3A_1509 : vector<16xf32>
    %add3A_1511 = arith.addf %add3A_1503, %mul3A_1510 : vector<16xf32>
    %add3A_1512 = arith.addf %add3A_1443, %add3A_1511 : vector<16xf32>
    %broadcast_in_dim3A_1513 = arith.constant 3 : i32
    %broadcast_in_dim3A_1514 = vector.broadcast %broadcast_in_dim3A_1513 : i32 to vector<16x1xi32>
    %gather3A_1515 = vector.shape_cast %broadcast_in_dim3A_1514 : vector<16x1xi32> to vector<16xi32>
    %gather3A_1516 = tpu.dynamic_gather %select_n3A_1305[%gather3A_1515] in [0] : vector<16xf32>, vector<16xi32> -> vector<16xf32>
    %get3A_1517 = arith.constant 3 : i32
    %get3A_1518 = arith.index_cast %get3A_1517 : i32 to index
    %get3A_1519 = arith.constant 0 : index
    %get3A_1520 = tpu.vector_load %arg12[%get3A_1518, %get3A_1519] {strides = array<i32>} : memref<16x128xf32, #tpu.memory_space<vmem>>, vector<1x16xf32>,
    %get3A_1521 = vector.shape_cast %get3A_1520 : vector<1x16xf32> to vector<16xf32>
    %sub3A_1522 = arith.subf %get3A_1521, %gather3A_1516 : vector<16xf32>
    %mul3A_1523 = arith.mulf %sub3A_1522, %sub3A_1522 : vector<16xf32>
    %add3A_1524 = arith.addf %broadcast_in_dim3A_167, %mul3A_1523 : vector<16xf32>
    %get3A_1525 = arith.constant 3 : i32
    %get3A_1526 = arith.index_cast %get3A_1525 : i32 to index
    %get3A_1527 = arith.constant 16 : index
    %get3A_1528 = tpu.vector_load %arg12[%get3A_1526, %get3A_1527] {strides = array<i32>} : memref<16x128xf32, #tpu.memory_space<vmem>>, vector<1x16xf32>,
    %get3A_1529 = vector.shape_cast %get3A_1528 : vector<1x16xf32> to vector<16xf32>
    %sub3A_1530 = arith.subf %get3A_1529, %gather3A_1516 : vector<16xf32>
    %mul3A_1531 = arith.mulf %sub3A_1530, %sub3A_1530 : vector<16xf32>
    %add3A_1532 = arith.addf %add3A_1524, %mul3A_1531 : vector<16xf32>
    %get3A_1533 = arith.constant 3 : i32
    %get3A_1534 = arith.index_cast %get3A_1533 : i32 to index
    %get3A_1535 = arith.constant 32 : index
    %get3A_1536 = tpu.vector_load %arg12[%get3A_1534, %get3A_1535] {strides = array<i32>} : memref<16x128xf32, #tpu.memory_space<vmem>>, vector<1x16xf32>,
    %get3A_1537 = vector.shape_cast %get3A_1536 : vector<1x16xf32> to vector<16xf32>
    %sub3A_1538 = arith.subf %get3A_1537, %gather3A_1516 : vector<16xf32>
    %mul3A_1539 = arith.mulf %sub3A_1538, %sub3A_1538 : vector<16xf32>
    %add3A_1540 = arith.addf %add3A_1532, %mul3A_1539 : vector<16xf32>
    %get3A_1541 = arith.constant 3 : i32
    %get3A_1542 = arith.index_cast %get3A_1541 : i32 to index
    %get3A_1543 = arith.constant 48 : index
    %get3A_1544 = tpu.vector_load %arg12[%get3A_1542, %get3A_1543] {strides = array<i32>} : memref<16x128xf32, #tpu.memory_space<vmem>>, vector<1x16xf32>,
    %get3A_1545 = vector.shape_cast %get3A_1544 : vector<1x16xf32> to vector<16xf32>
    %sub3A_1546 = arith.subf %get3A_1545, %gather3A_1516 : vector<16xf32>
    %mul3A_1547 = arith.mulf %sub3A_1546, %sub3A_1546 : vector<16xf32>
    %add3A_1548 = arith.addf %add3A_1540, %mul3A_1547 : vector<16xf32>
    %get3A_1549 = arith.constant 3 : i32
    %get3A_1550 = arith.index_cast %get3A_1549 : i32 to index
    %get3A_1551 = arith.constant 64 : index
    %get3A_1552 = tpu.vector_load %arg12[%get3A_1550, %get3A_1551] {strides = array<i32>} : memref<16x128xf32, #tpu.memory_space<vmem>>, vector<1x16xf32>,
    %get3A_1553 = vector.shape_cast %get3A_1552 : vector<1x16xf32> to vector<16xf32>
    %sub3A_1554 = arith.subf %get3A_1553, %gather3A_1516 : vector<16xf32>
    %mul3A_1555 = arith.mulf %sub3A_1554, %sub3A_1554 : vector<16xf32>
    %add3A_1556 = arith.addf %add3A_1548, %mul3A_1555 : vector<16xf32>
    %get3A_1557 = arith.constant 3 : i32
    %get3A_1558 = arith.index_cast %get3A_1557 : i32 to index
    %get3A_1559 = arith.constant 80 : index
    %get3A_1560 = tpu.vector_load %arg12[%get3A_1558, %get3A_1559] {strides = array<i32>} : memref<16x128xf32, #tpu.memory_space<vmem>>, vector<1x16xf32>,
    %get3A_1561 = vector.shape_cast %get3A_1560 : vector<1x16xf32> to vector<16xf32>
    %sub3A_1562 = arith.subf %get3A_1561, %gather3A_1516 : vector<16xf32>
    %mul3A_1563 = arith.mulf %sub3A_1562, %sub3A_1562 : vector<16xf32>
    %add3A_1564 = arith.addf %add3A_1556, %mul3A_1563 : vector<16xf32>
    %get3A_1565 = arith.constant 3 : i32
    %get3A_1566 = arith.index_cast %get3A_1565 : i32 to index
    %get3A_1567 = arith.constant 96 : index
    %get3A_1568 = tpu.vector_load %arg12[%get3A_1566, %get3A_1567] {strides = array<i32>} : memref<16x128xf32, #tpu.memory_space<vmem>>, vector<1x16xf32>,
    %get3A_1569 = vector.shape_cast %get3A_1568 : vector<1x16xf32> to vector<16xf32>
    %sub3A_1570 = arith.subf %get3A_1569, %gather3A_1516 : vector<16xf32>
    %mul3A_1571 = arith.mulf %sub3A_1570, %sub3A_1570 : vector<16xf32>
    %add3A_1572 = arith.addf %add3A_1564, %mul3A_1571 : vector<16xf32>
    %get3A_1573 = arith.constant 3 : i32
    %get3A_1574 = arith.index_cast %get3A_1573 : i32 to index
    %get3A_1575 = arith.constant 112 : index
    %get3A_1576 = tpu.vector_load %arg12[%get3A_1574, %get3A_1575] {strides = array<i32>} : memref<16x128xf32, #tpu.memory_space<vmem>>, vector<1x16xf32>,
    %get3A_1577 = vector.shape_cast %get3A_1576 : vector<1x16xf32> to vector<16xf32>
    %sub3A_1578 = arith.subf %get3A_1577, %gather3A_1516 : vector<16xf32>
    %mul3A_1579 = arith.mulf %sub3A_1578, %sub3A_1578 : vector<16xf32>
    %add3A_1580 = arith.addf %add3A_1572, %mul3A_1579 : vector<16xf32>
    %add3A_1581 = arith.addf %add3A_1512, %add3A_1580 : vector<16xf32>
    %broadcast_in_dim3A_1582 = arith.constant 4 : i32
    %broadcast_in_dim3A_1583 = vector.broadcast %broadcast_in_dim3A_1582 : i32 to vector<16x1xi32>
    %gather3A_1584 = vector.shape_cast %broadcast_in_dim3A_1583 : vector<16x1xi32> to vector<16xi32>
    %gather3A_1585 = tpu.dynamic_gather %select_n3A_1305[%gather3A_1584] in [0] : vector<16xf32>, vector<16xi32> -> vector<16xf32>
    %get3A_1586 = arith.constant 4 : i32
    %get3A_1587 = arith.index_cast %get3A_1586 : i32 to index
    %get3A_1588 = arith.constant 0 : index
    %get3A_1589 = tpu.vector_load %arg12[%get3A_1587, %get3A_1588] {strides = array<i32>} : memref<16x128xf32, #tpu.memory_space<vmem>>, vector<1x16xf32>,
    %get3A_1590 = vector.shape_cast %get3A_1589 : vector<1x16xf32> to vector<16xf32>
    %sub3A_1591 = arith.subf %get3A_1590, %gather3A_1585 : vector<16xf32>
    %mul3A_1592 = arith.mulf %sub3A_1591, %sub3A_1591 : vector<16xf32>
    %add3A_1593 = arith.addf %broadcast_in_dim3A_167, %mul3A_1592 : vector<16xf32>
    %get3A_1594 = arith.constant 4 : i32
    %get3A_1595 = arith.index_cast %get3A_1594 : i32 to index
    %get3A_1596 = arith.constant 16 : index
    %get3A_1597 = tpu.vector_load %arg12[%get3A_1595, %get3A_1596] {strides = array<i32>} : memref<16x128xf32, #tpu.memory_space<vmem>>, vector<1x16xf32>,
    %get3A_1598 = vector.shape_cast %get3A_1597 : vector<1x16xf32> to vector<16xf32>
    %sub3A_1599 = arith.subf %get3A_1598, %gather3A_1585 : vector<16xf32>
    %mul3A_1600 = arith.mulf %sub3A_1599, %sub3A_1599 : vector<16xf32>
    %add3A_1601 = arith.addf %add3A_1593, %mul3A_1600 : vector<16xf32>
    %get3A_1602 = arith.constant 4 : i32
    %get3A_1603 = arith.index_cast %get3A_1602 : i32 to index
    %get3A_1604 = arith.constant 32 : index
    %get3A_1605 = tpu.vector_load %arg12[%get3A_1603, %get3A_1604] {strides = array<i32>} : memref<16x128xf32, #tpu.memory_space<vmem>>, vector<1x16xf32>,
    %get3A_1606 = vector.shape_cast %get3A_1605 : vector<1x16xf32> to vector<16xf32>
    %sub3A_1607 = arith.subf %get3A_1606, %gather3A_1585 : vector<16xf32>
    %mul3A_1608 = arith.mulf %sub3A_1607, %sub3A_1607 : vector<16xf32>
    %add3A_1609 = arith.addf %add3A_1601, %mul3A_1608 : vector<16xf32>
    %get3A_1610 = arith.constant 4 : i32
    %get3A_1611 = arith.index_cast %get3A_1610 : i32 to index
    %get3A_1612 = arith.constant 48 : index
    %get3A_1613 = tpu.vector_load %arg12[%get3A_1611, %get3A_1612] {strides = array<i32>} : memref<16x128xf32, #tpu.memory_space<vmem>>, vector<1x16xf32>,
    %get3A_1614 = vector.shape_cast %get3A_1613 : vector<1x16xf32> to vector<16xf32>
    %sub3A_1615 = arith.subf %get3A_1614, %gather3A_1585 : vector<16xf32>
    %mul3A_1616 = arith.mulf %sub3A_1615, %sub3A_1615 : vector<16xf32>
    %add3A_1617 = arith.addf %add3A_1609, %mul3A_1616 : vector<16xf32>
    %get3A_1618 = arith.constant 4 : i32
    %get3A_1619 = arith.index_cast %get3A_1618 : i32 to index
    %get3A_1620 = arith.constant 64 : index
    %get3A_1621 = tpu.vector_load %arg12[%get3A_1619, %get3A_1620] {strides = array<i32>} : memref<16x128xf32, #tpu.memory_space<vmem>>, vector<1x16xf32>,
    %get3A_1622 = vector.shape_cast %get3A_1621 : vector<1x16xf32> to vector<16xf32>
    %sub3A_1623 = arith.subf %get3A_1622, %gather3A_1585 : vector<16xf32>
    %mul3A_1624 = arith.mulf %sub3A_1623, %sub3A_1623 : vector<16xf32>
    %add3A_1625 = arith.addf %add3A_1617, %mul3A_1624 : vector<16xf32>
    %get3A_1626 = arith.constant 4 : i32
    %get3A_1627 = arith.index_cast %get3A_1626 : i32 to index
    %get3A_1628 = arith.constant 80 : index
    %get3A_1629 = tpu.vector_load %arg12[%get3A_1627, %get3A_1628] {strides = array<i32>} : memref<16x128xf32, #tpu.memory_space<vmem>>, vector<1x16xf32>,
    %get3A_1630 = vector.shape_cast %get3A_1629 : vector<1x16xf32> to vector<16xf32>
    %sub3A_1631 = arith.subf %get3A_1630, %gather3A_1585 : vector<16xf32>
    %mul3A_1632 = arith.mulf %sub3A_1631, %sub3A_1631 : vector<16xf32>
    %add3A_1633 = arith.addf %add3A_1625, %mul3A_1632 : vector<16xf32>
    %get3A_1634 = arith.constant 4 : i32
    %get3A_1635 = arith.index_cast %get3A_1634 : i32 to index
    %get3A_1636 = arith.constant 96 : index
    %get3A_1637 = tpu.vector_load %arg12[%get3A_1635, %get3A_1636] {strides = array<i32>} : memref<16x128xf32, #tpu.memory_space<vmem>>, vector<1x16xf32>,
    %get3A_1638 = vector.shape_cast %get3A_1637 : vector<1x16xf32> to vector<16xf32>
    %sub3A_1639 = arith.subf %get3A_1638, %gather3A_1585 : vector<16xf32>
    %mul3A_1640 = arith.mulf %sub3A_1639, %sub3A_1639 : vector<16xf32>
    %add3A_1641 = arith.addf %add3A_1633, %mul3A_1640 : vector<16xf32>
    %get3A_1642 = arith.constant 4 : i32
    %get3A_1643 = arith.index_cast %get3A_1642 : i32 to index
    %get3A_1644 = arith.constant 112 : index
    %get3A_1645 = tpu.vector_load %arg12[%get3A_1643, %get3A_1644] {strides = array<i32>} : memref<16x128xf32, #tpu.memory_space<vmem>>, vector<1x16xf32>,
    %get3A_1646 = vector.shape_cast %get3A_1645 : vector<1x16xf32> to vector<16xf32>
    %sub3A_1647 = arith.subf %get3A_1646, %gather3A_1585 : vector<16xf32>
    %mul3A_1648 = arith.mulf %sub3A_1647, %sub3A_1647 : vector<16xf32>
    %add3A_1649 = arith.addf %add3A_1641, %mul3A_1648 : vector<16xf32>
    %add3A_1650 = arith.addf %broadcast_in_dim3A_167, %add3A_1649 : vector<16xf32>
    %broadcast_in_dim3A_1651 = arith.constant 5 : i32
    %broadcast_in_dim3A_1652 = vector.broadcast %broadcast_in_dim3A_1651 : i32 to vector<16x1xi32>
    %gather3A_1653 = vector.shape_cast %broadcast_in_dim3A_1652 : vector<16x1xi32> to vector<16xi32>
    %gather3A_1654 = tpu.dynamic_gather %select_n3A_1305[%gather3A_1653] in [0] : vector<16xf32>, vector<16xi32> -> vector<16xf32>
    %get3A_1655 = arith.constant 5 : i32
    %get3A_1656 = arith.index_cast %get3A_1655 : i32 to index
    %get3A_1657 = arith.constant 0 : index
    %get3A_1658 = tpu.vector_load %arg12[%get3A_1656, %get3A_1657] {strides = array<i32>} : memref<16x128xf32, #tpu.memory_space<vmem>>, vector<1x16xf32>,
    %get3A_1659 = vector.shape_cast %get3A_1658 : vector<1x16xf32> to vector<16xf32>
    %sub3A_1660 = arith.subf %get3A_1659, %gather3A_1654 : vector<16xf32>
    %mul3A_1661 = arith.mulf %sub3A_1660, %sub3A_1660 : vector<16xf32>
    %add3A_1662 = arith.addf %broadcast_in_dim3A_167, %mul3A_1661 : vector<16xf32>
    %get3A_1663 = arith.constant 5 : i32
    %get3A_1664 = arith.index_cast %get3A_1663 : i32 to index
    %get3A_1665 = arith.constant 16 : index
    %get3A_1666 = tpu.vector_load %arg12[%get3A_1664, %get3A_1665] {strides = array<i32>} : memref<16x128xf32, #tpu.memory_space<vmem>>, vector<1x16xf32>,
    %get3A_1667 = vector.shape_cast %get3A_1666 : vector<1x16xf32> to vector<16xf32>
    %sub3A_1668 = arith.subf %get3A_1667, %gather3A_1654 : vector<16xf32>
    %mul3A_1669 = arith.mulf %sub3A_1668, %sub3A_1668 : vector<16xf32>
    %add3A_1670 = arith.addf %add3A_1662, %mul3A_1669 : vector<16xf32>
    %get3A_1671 = arith.constant 5 : i32
    %get3A_1672 = arith.index_cast %get3A_1671 : i32 to index
    %get3A_1673 = arith.constant 32 : index
    %get3A_1674 = tpu.vector_load %arg12[%get3A_1672, %get3A_1673] {strides = array<i32>} : memref<16x128xf32, #tpu.memory_space<vmem>>, vector<1x16xf32>,
    %get3A_1675 = vector.shape_cast %get3A_1674 : vector<1x16xf32> to vector<16xf32>
    %sub3A_1676 = arith.subf %get3A_1675, %gather3A_1654 : vector<16xf32>
    %mul3A_1677 = arith.mulf %sub3A_1676, %sub3A_1676 : vector<16xf32>
    %add3A_1678 = arith.addf %add3A_1670, %mul3A_1677 : vector<16xf32>
    %get3A_1679 = arith.constant 5 : i32
    %get3A_1680 = arith.index_cast %get3A_1679 : i32 to index
    %get3A_1681 = arith.constant 48 : index
    %get3A_1682 = tpu.vector_load %arg12[%get3A_1680, %get3A_1681] {strides = array<i32>} : memref<16x128xf32, #tpu.memory_space<vmem>>, vector<1x16xf32>,
    %get3A_1683 = vector.shape_cast %get3A_1682 : vector<1x16xf32> to vector<16xf32>
    %sub3A_1684 = arith.subf %get3A_1683, %gather3A_1654 : vector<16xf32>
    %mul3A_1685 = arith.mulf %sub3A_1684, %sub3A_1684 : vector<16xf32>
    %add3A_1686 = arith.addf %add3A_1678, %mul3A_1685 : vector<16xf32>
    %get3A_1687 = arith.constant 5 : i32
    %get3A_1688 = arith.index_cast %get3A_1687 : i32 to index
    %get3A_1689 = arith.constant 64 : index
    %get3A_1690 = tpu.vector_load %arg12[%get3A_1688, %get3A_1689] {strides = array<i32>} : memref<16x128xf32, #tpu.memory_space<vmem>>, vector<1x16xf32>,
    %get3A_1691 = vector.shape_cast %get3A_1690 : vector<1x16xf32> to vector<16xf32>
    %sub3A_1692 = arith.subf %get3A_1691, %gather3A_1654 : vector<16xf32>
    %mul3A_1693 = arith.mulf %sub3A_1692, %sub3A_1692 : vector<16xf32>
    %add3A_1694 = arith.addf %add3A_1686, %mul3A_1693 : vector<16xf32>
    %get3A_1695 = arith.constant 5 : i32
    %get3A_1696 = arith.index_cast %get3A_1695 : i32 to index
    %get3A_1697 = arith.constant 80 : index
    %get3A_1698 = tpu.vector_load %arg12[%get3A_1696, %get3A_1697] {strides = array<i32>} : memref<16x128xf32, #tpu.memory_space<vmem>>, vector<1x16xf32>,
    %get3A_1699 = vector.shape_cast %get3A_1698 : vector<1x16xf32> to vector<16xf32>
    %sub3A_1700 = arith.subf %get3A_1699, %gather3A_1654 : vector<16xf32>
    %mul3A_1701 = arith.mulf %sub3A_1700, %sub3A_1700 : vector<16xf32>
    %add3A_1702 = arith.addf %add3A_1694, %mul3A_1701 : vector<16xf32>
    %get3A_1703 = arith.constant 5 : i32
    %get3A_1704 = arith.index_cast %get3A_1703 : i32 to index
    %get3A_1705 = arith.constant 96 : index
    %get3A_1706 = tpu.vector_load %arg12[%get3A_1704, %get3A_1705] {strides = array<i32>} : memref<16x128xf32, #tpu.memory_space<vmem>>, vector<1x16xf32>,
    %get3A_1707 = vector.shape_cast %get3A_1706 : vector<1x16xf32> to vector<16xf32>
    %sub3A_1708 = arith.subf %get3A_1707, %gather3A_1654 : vector<16xf32>
    %mul3A_1709 = arith.mulf %sub3A_1708, %sub3A_1708 : vector<16xf32>
    %add3A_1710 = arith.addf %add3A_1702, %mul3A_1709 : vector<16xf32>
    %get3A_1711 = arith.constant 5 : i32
    %get3A_1712 = arith.index_cast %get3A_1711 : i32 to index
    %get3A_1713 = arith.constant 112 : index
    %get3A_1714 = tpu.vector_load %arg12[%get3A_1712, %get3A_1713] {strides = array<i32>} : memref<16x128xf32, #tpu.memory_space<vmem>>, vector<1x16xf32>,
    %get3A_1715 = vector.shape_cast %get3A_1714 : vector<1x16xf32> to vector<16xf32>
    %sub3A_1716 = arith.subf %get3A_1715, %gather3A_1654 : vector<16xf32>
    %mul3A_1717 = arith.mulf %sub3A_1716, %sub3A_1716 : vector<16xf32>
    %add3A_1718 = arith.addf %add3A_1710, %mul3A_1717 : vector<16xf32>
    %add3A_1719 = arith.addf %add3A_1650, %add3A_1718 : vector<16xf32>
    %broadcast_in_dim3A_1720 = arith.constant 6 : i32
    %broadcast_in_dim3A_1721 = vector.broadcast %broadcast_in_dim3A_1720 : i32 to vector<16x1xi32>
    %gather3A_1722 = vector.shape_cast %broadcast_in_dim3A_1721 : vector<16x1xi32> to vector<16xi32>
    %gather3A_1723 = tpu.dynamic_gather %select_n3A_1305[%gather3A_1722] in [0] : vector<16xf32>, vector<16xi32> -> vector<16xf32>
    %get3A_1724 = arith.constant 6 : i32
    %get3A_1725 = arith.index_cast %get3A_1724 : i32 to index
    %get3A_1726 = arith.constant 0 : index
    %get3A_1727 = tpu.vector_load %arg12[%get3A_1725, %get3A_1726] {strides = array<i32>} : memref<16x128xf32, #tpu.memory_space<vmem>>, vector<1x16xf32>,
    %get3A_1728 = vector.shape_cast %get3A_1727 : vector<1x16xf32> to vector<16xf32>
    %sub3A_1729 = arith.subf %get3A_1728, %gather3A_1723 : vector<16xf32>
    %mul3A_1730 = arith.mulf %sub3A_1729, %sub3A_1729 : vector<16xf32>
    %add3A_1731 = arith.addf %broadcast_in_dim3A_167, %mul3A_1730 : vector<16xf32>
    %get3A_1732 = arith.constant 6 : i32
    %get3A_1733 = arith.index_cast %get3A_1732 : i32 to index
    %get3A_1734 = arith.constant 16 : index
    %get3A_1735 = tpu.vector_load %arg12[%get3A_1733, %get3A_1734] {strides = array<i32>} : memref<16x128xf32, #tpu.memory_space<vmem>>, vector<1x16xf32>,
    %get3A_1736 = vector.shape_cast %get3A_1735 : vector<1x16xf32> to vector<16xf32>
    %sub3A_1737 = arith.subf %get3A_1736, %gather3A_1723 : vector<16xf32>
    %mul3A_1738 = arith.mulf %sub3A_1737, %sub3A_1737 : vector<16xf32>
    %add3A_1739 = arith.addf %add3A_1731, %mul3A_1738 : vector<16xf32>
    %get3A_1740 = arith.constant 6 : i32
    %get3A_1741 = arith.index_cast %get3A_1740 : i32 to index
    %get3A_1742 = arith.constant 32 : index
    %get3A_1743 = tpu.vector_load %arg12[%get3A_1741, %get3A_1742] {strides = array<i32>} : memref<16x128xf32, #tpu.memory_space<vmem>>, vector<1x16xf32>,
    %get3A_1744 = vector.shape_cast %get3A_1743 : vector<1x16xf32> to vector<16xf32>
    %sub3A_1745 = arith.subf %get3A_1744, %gather3A_1723 : vector<16xf32>
    %mul3A_1746 = arith.mulf %sub3A_1745, %sub3A_1745 : vector<16xf32>
    %add3A_1747 = arith.addf %add3A_1739, %mul3A_1746 : vector<16xf32>
    %get3A_1748 = arith.constant 6 : i32
    %get3A_1749 = arith.index_cast %get3A_1748 : i32 to index
    %get3A_1750 = arith.constant 48 : index
    %get3A_1751 = tpu.vector_load %arg12[%get3A_1749, %get3A_1750] {strides = array<i32>} : memref<16x128xf32, #tpu.memory_space<vmem>>, vector<1x16xf32>,
    %get3A_1752 = vector.shape_cast %get3A_1751 : vector<1x16xf32> to vector<16xf32>
    %sub3A_1753 = arith.subf %get3A_1752, %gather3A_1723 : vector<16xf32>
    %mul3A_1754 = arith.mulf %sub3A_1753, %sub3A_1753 : vector<16xf32>
    %add3A_1755 = arith.addf %add3A_1747, %mul3A_1754 : vector<16xf32>
    %get3A_1756 = arith.constant 6 : i32
    %get3A_1757 = arith.index_cast %get3A_1756 : i32 to index
    %get3A_1758 = arith.constant 64 : index
    %get3A_1759 = tpu.vector_load %arg12[%get3A_1757, %get3A_1758] {strides = array<i32>} : memref<16x128xf32, #tpu.memory_space<vmem>>, vector<1x16xf32>,
    %get3A_1760 = vector.shape_cast %get3A_1759 : vector<1x16xf32> to vector<16xf32>
    %sub3A_1761 = arith.subf %get3A_1760, %gather3A_1723 : vector<16xf32>
    %mul3A_1762 = arith.mulf %sub3A_1761, %sub3A_1761 : vector<16xf32>
    %add3A_1763 = arith.addf %add3A_1755, %mul3A_1762 : vector<16xf32>
    %get3A_1764 = arith.constant 6 : i32
    %get3A_1765 = arith.index_cast %get3A_1764 : i32 to index
    %get3A_1766 = arith.constant 80 : index
    %get3A_1767 = tpu.vector_load %arg12[%get3A_1765, %get3A_1766] {strides = array<i32>} : memref<16x128xf32, #tpu.memory_space<vmem>>, vector<1x16xf32>,
    %get3A_1768 = vector.shape_cast %get3A_1767 : vector<1x16xf32> to vector<16xf32>
    %sub3A_1769 = arith.subf %get3A_1768, %gather3A_1723 : vector<16xf32>
    %mul3A_1770 = arith.mulf %sub3A_1769, %sub3A_1769 : vector<16xf32>
    %add3A_1771 = arith.addf %add3A_1763, %mul3A_1770 : vector<16xf32>
    %get3A_1772 = arith.constant 6 : i32
    %get3A_1773 = arith.index_cast %get3A_1772 : i32 to index
    %get3A_1774 = arith.constant 96 : index
    %get3A_1775 = tpu.vector_load %arg12[%get3A_1773, %get3A_1774] {strides = array<i32>} : memref<16x128xf32, #tpu.memory_space<vmem>>, vector<1x16xf32>,
    %get3A_1776 = vector.shape_cast %get3A_1775 : vector<1x16xf32> to vector<16xf32>
    %sub3A_1777 = arith.subf %get3A_1776, %gather3A_1723 : vector<16xf32>
    %mul3A_1778 = arith.mulf %sub3A_1777, %sub3A_1777 : vector<16xf32>
    %add3A_1779 = arith.addf %add3A_1771, %mul3A_1778 : vector<16xf32>
    %get3A_1780 = arith.constant 6 : i32
    %get3A_1781 = arith.index_cast %get3A_1780 : i32 to index
    %get3A_1782 = arith.constant 112 : index
    %get3A_1783 = tpu.vector_load %arg12[%get3A_1781, %get3A_1782] {strides = array<i32>} : memref<16x128xf32, #tpu.memory_space<vmem>>, vector<1x16xf32>,
    %get3A_1784 = vector.shape_cast %get3A_1783 : vector<1x16xf32> to vector<16xf32>
    %sub3A_1785 = arith.subf %get3A_1784, %gather3A_1723 : vector<16xf32>
    %mul3A_1786 = arith.mulf %sub3A_1785, %sub3A_1785 : vector<16xf32>
    %add3A_1787 = arith.addf %add3A_1779, %mul3A_1786 : vector<16xf32>
    %add3A_1788 = arith.addf %add3A_1719, %add3A_1787 : vector<16xf32>
    %broadcast_in_dim3A_1789 = arith.constant 7 : i32
    %broadcast_in_dim3A_1790 = vector.broadcast %broadcast_in_dim3A_1789 : i32 to vector<16x1xi32>
    %gather3A_1791 = vector.shape_cast %broadcast_in_dim3A_1790 : vector<16x1xi32> to vector<16xi32>
    %gather3A_1792 = tpu.dynamic_gather %select_n3A_1305[%gather3A_1791] in [0] : vector<16xf32>, vector<16xi32> -> vector<16xf32>
    %get3A_1793 = arith.constant 7 : i32
    %get3A_1794 = arith.index_cast %get3A_1793 : i32 to index
    %get3A_1795 = arith.constant 0 : index
    %get3A_1796 = tpu.vector_load %arg12[%get3A_1794, %get3A_1795] {strides = array<i32>} : memref<16x128xf32, #tpu.memory_space<vmem>>, vector<1x16xf32>,
    %get3A_1797 = vector.shape_cast %get3A_1796 : vector<1x16xf32> to vector<16xf32>
    %sub3A_1798 = arith.subf %get3A_1797, %gather3A_1792 : vector<16xf32>
    %mul3A_1799 = arith.mulf %sub3A_1798, %sub3A_1798 : vector<16xf32>
    %add3A_1800 = arith.addf %broadcast_in_dim3A_167, %mul3A_1799 : vector<16xf32>
    %get3A_1801 = arith.constant 7 : i32
    %get3A_1802 = arith.index_cast %get3A_1801 : i32 to index
    %get3A_1803 = arith.constant 16 : index
    %get3A_1804 = tpu.vector_load %arg12[%get3A_1802, %get3A_1803] {strides = array<i32>} : memref<16x128xf32, #tpu.memory_space<vmem>>, vector<1x16xf32>,
    %get3A_1805 = vector.shape_cast %get3A_1804 : vector<1x16xf32> to vector<16xf32>
    %sub3A_1806 = arith.subf %get3A_1805, %gather3A_1792 : vector<16xf32>
    %mul3A_1807 = arith.mulf %sub3A_1806, %sub3A_1806 : vector<16xf32>
    %add3A_1808 = arith.addf %add3A_1800, %mul3A_1807 : vector<16xf32>
    %get3A_1809 = arith.constant 7 : i32
    %get3A_1810 = arith.index_cast %get3A_1809 : i32 to index
    %get3A_1811 = arith.constant 32 : index
    %get3A_1812 = tpu.vector_load %arg12[%get3A_1810, %get3A_1811] {strides = array<i32>} : memref<16x128xf32, #tpu.memory_space<vmem>>, vector<1x16xf32>,
    %get3A_1813 = vector.shape_cast %get3A_1812 : vector<1x16xf32> to vector<16xf32>
    %sub3A_1814 = arith.subf %get3A_1813, %gather3A_1792 : vector<16xf32>
    %mul3A_1815 = arith.mulf %sub3A_1814, %sub3A_1814 : vector<16xf32>
    %add3A_1816 = arith.addf %add3A_1808, %mul3A_1815 : vector<16xf32>
    %get3A_1817 = arith.constant 7 : i32
    %get3A_1818 = arith.index_cast %get3A_1817 : i32 to index
    %get3A_1819 = arith.constant 48 : index
    %get3A_1820 = tpu.vector_load %arg12[%get3A_1818, %get3A_1819] {strides = array<i32>} : memref<16x128xf32, #tpu.memory_space<vmem>>, vector<1x16xf32>,
    %get3A_1821 = vector.shape_cast %get3A_1820 : vector<1x16xf32> to vector<16xf32>
    %sub3A_1822 = arith.subf %get3A_1821, %gather3A_1792 : vector<16xf32>
    %mul3A_1823 = arith.mulf %sub3A_1822, %sub3A_1822 : vector<16xf32>
    %add3A_1824 = arith.addf %add3A_1816, %mul3A_1823 : vector<16xf32>
    %get3A_1825 = arith.constant 7 : i32
    %get3A_1826 = arith.index_cast %get3A_1825 : i32 to index
    %get3A_1827 = arith.constant 64 : index
    %get3A_1828 = tpu.vector_load %arg12[%get3A_1826, %get3A_1827] {strides = array<i32>} : memref<16x128xf32, #tpu.memory_space<vmem>>, vector<1x16xf32>,
    %get3A_1829 = vector.shape_cast %get3A_1828 : vector<1x16xf32> to vector<16xf32>
    %sub3A_1830 = arith.subf %get3A_1829, %gather3A_1792 : vector<16xf32>
    %mul3A_1831 = arith.mulf %sub3A_1830, %sub3A_1830 : vector<16xf32>
    %add3A_1832 = arith.addf %add3A_1824, %mul3A_1831 : vector<16xf32>
    %get3A_1833 = arith.constant 7 : i32
    %get3A_1834 = arith.index_cast %get3A_1833 : i32 to index
    %get3A_1835 = arith.constant 80 : index
    %get3A_1836 = tpu.vector_load %arg12[%get3A_1834, %get3A_1835] {strides = array<i32>} : memref<16x128xf32, #tpu.memory_space<vmem>>, vector<1x16xf32>,
    %get3A_1837 = vector.shape_cast %get3A_1836 : vector<1x16xf32> to vector<16xf32>
    %sub3A_1838 = arith.subf %get3A_1837, %gather3A_1792 : vector<16xf32>
    %mul3A_1839 = arith.mulf %sub3A_1838, %sub3A_1838 : vector<16xf32>
    %add3A_1840 = arith.addf %add3A_1832, %mul3A_1839 : vector<16xf32>
    %get3A_1841 = arith.constant 7 : i32
    %get3A_1842 = arith.index_cast %get3A_1841 : i32 to index
    %get3A_1843 = arith.constant 96 : index
    %get3A_1844 = tpu.vector_load %arg12[%get3A_1842, %get3A_1843] {strides = array<i32>} : memref<16x128xf32, #tpu.memory_space<vmem>>, vector<1x16xf32>,
    %get3A_1845 = vector.shape_cast %get3A_1844 : vector<1x16xf32> to vector<16xf32>
    %sub3A_1846 = arith.subf %get3A_1845, %gather3A_1792 : vector<16xf32>
    %mul3A_1847 = arith.mulf %sub3A_1846, %sub3A_1846 : vector<16xf32>
    %add3A_1848 = arith.addf %add3A_1840, %mul3A_1847 : vector<16xf32>
    %get3A_1849 = arith.constant 7 : i32
    %get3A_1850 = arith.index_cast %get3A_1849 : i32 to index
    %get3A_1851 = arith.constant 112 : index
    %get3A_1852 = tpu.vector_load %arg12[%get3A_1850, %get3A_1851] {strides = array<i32>} : memref<16x128xf32, #tpu.memory_space<vmem>>, vector<1x16xf32>,
    %get3A_1853 = vector.shape_cast %get3A_1852 : vector<1x16xf32> to vector<16xf32>
    %sub3A_1854 = arith.subf %get3A_1853, %gather3A_1792 : vector<16xf32>
    %mul3A_1855 = arith.mulf %sub3A_1854, %sub3A_1854 : vector<16xf32>
    %add3A_1856 = arith.addf %add3A_1848, %mul3A_1855 : vector<16xf32>
    %add3A_1857 = arith.addf %add3A_1788, %add3A_1856 : vector<16xf32>
    %broadcast_in_dim3A_1858 = arith.constant 8 : i32
    %broadcast_in_dim3A_1859 = vector.broadcast %broadcast_in_dim3A_1858 : i32 to vector<16x1xi32>
    %gather3A_1860 = vector.shape_cast %broadcast_in_dim3A_1859 : vector<16x1xi32> to vector<16xi32>
    %gather3A_1861 = tpu.dynamic_gather %select_n3A_1305[%gather3A_1860] in [0] : vector<16xf32>, vector<16xi32> -> vector<16xf32>
    %get3A_1862 = arith.constant 8 : i32
    %get3A_1863 = arith.index_cast %get3A_1862 : i32 to index
    %get3A_1864 = arith.constant 0 : index
    %get3A_1865 = tpu.vector_load %arg12[%get3A_1863, %get3A_1864] {strides = array<i32>} : memref<16x128xf32, #tpu.memory_space<vmem>>, vector<1x16xf32>,
    %get3A_1866 = vector.shape_cast %get3A_1865 : vector<1x16xf32> to vector<16xf32>
    %sub3A_1867 = arith.subf %get3A_1866, %gather3A_1861 : vector<16xf32>
    %mul3A_1868 = arith.mulf %sub3A_1867, %sub3A_1867 : vector<16xf32>
    %add3A_1869 = arith.addf %broadcast_in_dim3A_167, %mul3A_1868 : vector<16xf32>
    %get3A_1870 = arith.constant 8 : i32
    %get3A_1871 = arith.index_cast %get3A_1870 : i32 to index
    %get3A_1872 = arith.constant 16 : index
    %get3A_1873 = tpu.vector_load %arg12[%get3A_1871, %get3A_1872] {strides = array<i32>} : memref<16x128xf32, #tpu.memory_space<vmem>>, vector<1x16xf32>,
    %get3A_1874 = vector.shape_cast %get3A_1873 : vector<1x16xf32> to vector<16xf32>
    %sub3A_1875 = arith.subf %get3A_1874, %gather3A_1861 : vector<16xf32>
    %mul3A_1876 = arith.mulf %sub3A_1875, %sub3A_1875 : vector<16xf32>
    %add3A_1877 = arith.addf %add3A_1869, %mul3A_1876 : vector<16xf32>
    %get3A_1878 = arith.constant 8 : i32
    %get3A_1879 = arith.index_cast %get3A_1878 : i32 to index
    %get3A_1880 = arith.constant 32 : index
    %get3A_1881 = tpu.vector_load %arg12[%get3A_1879, %get3A_1880] {strides = array<i32>} : memref<16x128xf32, #tpu.memory_space<vmem>>, vector<1x16xf32>,
    %get3A_1882 = vector.shape_cast %get3A_1881 : vector<1x16xf32> to vector<16xf32>
    %sub3A_1883 = arith.subf %get3A_1882, %gather3A_1861 : vector<16xf32>
    %mul3A_1884 = arith.mulf %sub3A_1883, %sub3A_1883 : vector<16xf32>
    %add3A_1885 = arith.addf %add3A_1877, %mul3A_1884 : vector<16xf32>
    %get3A_1886 = arith.constant 8 : i32
    %get3A_1887 = arith.index_cast %get3A_1886 : i32 to index
    %get3A_1888 = arith.constant 48 : index
    %get3A_1889 = tpu.vector_load %arg12[%get3A_1887, %get3A_1888] {strides = array<i32>} : memref<16x128xf32, #tpu.memory_space<vmem>>, vector<1x16xf32>,
    %get3A_1890 = vector.shape_cast %get3A_1889 : vector<1x16xf32> to vector<16xf32>
    %sub3A_1891 = arith.subf %get3A_1890, %gather3A_1861 : vector<16xf32>
    %mul3A_1892 = arith.mulf %sub3A_1891, %sub3A_1891 : vector<16xf32>
    %add3A_1893 = arith.addf %add3A_1885, %mul3A_1892 : vector<16xf32>
    %get3A_1894 = arith.constant 8 : i32
    %get3A_1895 = arith.index_cast %get3A_1894 : i32 to index
    %get3A_1896 = arith.constant 64 : index
    %get3A_1897 = tpu.vector_load %arg12[%get3A_1895, %get3A_1896] {strides = array<i32>} : memref<16x128xf32, #tpu.memory_space<vmem>>, vector<1x16xf32>,
    %get3A_1898 = vector.shape_cast %get3A_1897 : vector<1x16xf32> to vector<16xf32>
    %sub3A_1899 = arith.subf %get3A_1898, %gather3A_1861 : vector<16xf32>
    %mul3A_1900 = arith.mulf %sub3A_1899, %sub3A_1899 : vector<16xf32>
    %add3A_1901 = arith.addf %add3A_1893, %mul3A_1900 : vector<16xf32>
    %get3A_1902 = arith.constant 8 : i32
    %get3A_1903 = arith.index_cast %get3A_1902 : i32 to index
    %get3A_1904 = arith.constant 80 : index
    %get3A_1905 = tpu.vector_load %arg12[%get3A_1903, %get3A_1904] {strides = array<i32>} : memref<16x128xf32, #tpu.memory_space<vmem>>, vector<1x16xf32>,
    %get3A_1906 = vector.shape_cast %get3A_1905 : vector<1x16xf32> to vector<16xf32>
    %sub3A_1907 = arith.subf %get3A_1906, %gather3A_1861 : vector<16xf32>
    %mul3A_1908 = arith.mulf %sub3A_1907, %sub3A_1907 : vector<16xf32>
    %add3A_1909 = arith.addf %add3A_1901, %mul3A_1908 : vector<16xf32>
    %get3A_1910 = arith.constant 8 : i32
    %get3A_1911 = arith.index_cast %get3A_1910 : i32 to index
    %get3A_1912 = arith.constant 96 : index
    %get3A_1913 = tpu.vector_load %arg12[%get3A_1911, %get3A_1912] {strides = array<i32>} : memref<16x128xf32, #tpu.memory_space<vmem>>, vector<1x16xf32>,
    %get3A_1914 = vector.shape_cast %get3A_1913 : vector<1x16xf32> to vector<16xf32>
    %sub3A_1915 = arith.subf %get3A_1914, %gather3A_1861 : vector<16xf32>
    %mul3A_1916 = arith.mulf %sub3A_1915, %sub3A_1915 : vector<16xf32>
    %add3A_1917 = arith.addf %add3A_1909, %mul3A_1916 : vector<16xf32>
    %get3A_1918 = arith.constant 8 : i32
    %get3A_1919 = arith.index_cast %get3A_1918 : i32 to index
    %get3A_1920 = arith.constant 112 : index
    %get3A_1921 = tpu.vector_load %arg12[%get3A_1919, %get3A_1920] {strides = array<i32>} : memref<16x128xf32, #tpu.memory_space<vmem>>, vector<1x16xf32>,
    %get3A_1922 = vector.shape_cast %get3A_1921 : vector<1x16xf32> to vector<16xf32>
    %sub3A_1923 = arith.subf %get3A_1922, %gather3A_1861 : vector<16xf32>
    %mul3A_1924 = arith.mulf %sub3A_1923, %sub3A_1923 : vector<16xf32>
    %add3A_1925 = arith.addf %add3A_1917, %mul3A_1924 : vector<16xf32>
    %add3A_1926 = arith.addf %add3A_1857, %add3A_1925 : vector<16xf32>
    %broadcast_in_dim3A_1927 = arith.constant 9 : i32
    %broadcast_in_dim3A_1928 = vector.broadcast %broadcast_in_dim3A_1927 : i32 to vector<16x1xi32>
    %gather3A_1929 = vector.shape_cast %broadcast_in_dim3A_1928 : vector<16x1xi32> to vector<16xi32>
    %gather3A_1930 = tpu.dynamic_gather %select_n3A_1305[%gather3A_1929] in [0] : vector<16xf32>, vector<16xi32> -> vector<16xf32>
    %get3A_1931 = arith.constant 9 : i32
    %get3A_1932 = arith.index_cast %get3A_1931 : i32 to index
    %get3A_1933 = arith.constant 0 : index
    %get3A_1934 = tpu.vector_load %arg12[%get3A_1932, %get3A_1933] {strides = array<i32>} : memref<16x128xf32, #tpu.memory_space<vmem>>, vector<1x16xf32>,
    %get3A_1935 = vector.shape_cast %get3A_1934 : vector<1x16xf32> to vector<16xf32>
    %sub3A_1936 = arith.subf %get3A_1935, %gather3A_1930 : vector<16xf32>
    %mul3A_1937 = arith.mulf %sub3A_1936, %sub3A_1936 : vector<16xf32>
    %add3A_1938 = arith.addf %broadcast_in_dim3A_167, %mul3A_1937 : vector<16xf32>
    %get3A_1939 = arith.constant 9 : i32
    %get3A_1940 = arith.index_cast %get3A_1939 : i32 to index
    %get3A_1941 = arith.constant 16 : index
    %get3A_1942 = tpu.vector_load %arg12[%get3A_1940, %get3A_1941] {strides = array<i32>} : memref<16x128xf32, #tpu.memory_space<vmem>>, vector<1x16xf32>,
    %get3A_1943 = vector.shape_cast %get3A_1942 : vector<1x16xf32> to vector<16xf32>
    %sub3A_1944 = arith.subf %get3A_1943, %gather3A_1930 : vector<16xf32>
    %mul3A_1945 = arith.mulf %sub3A_1944, %sub3A_1944 : vector<16xf32>
    %add3A_1946 = arith.addf %add3A_1938, %mul3A_1945 : vector<16xf32>
    %get3A_1947 = arith.constant 9 : i32
    %get3A_1948 = arith.index_cast %get3A_1947 : i32 to index
    %get3A_1949 = arith.constant 32 : index
    %get3A_1950 = tpu.vector_load %arg12[%get3A_1948, %get3A_1949] {strides = array<i32>} : memref<16x128xf32, #tpu.memory_space<vmem>>, vector<1x16xf32>,
    %get3A_1951 = vector.shape_cast %get3A_1950 : vector<1x16xf32> to vector<16xf32>
    %sub3A_1952 = arith.subf %get3A_1951, %gather3A_1930 : vector<16xf32>
    %mul3A_1953 = arith.mulf %sub3A_1952, %sub3A_1952 : vector<16xf32>
    %add3A_1954 = arith.addf %add3A_1946, %mul3A_1953 : vector<16xf32>
    %get3A_1955 = arith.constant 9 : i32
    %get3A_1956 = arith.index_cast %get3A_1955 : i32 to index
    %get3A_1957 = arith.constant 48 : index
    %get3A_1958 = tpu.vector_load %arg12[%get3A_1956, %get3A_1957] {strides = array<i32>} : memref<16x128xf32, #tpu.memory_space<vmem>>, vector<1x16xf32>,
    %get3A_1959 = vector.shape_cast %get3A_1958 : vector<1x16xf32> to vector<16xf32>
    %sub3A_1960 = arith.subf %get3A_1959, %gather3A_1930 : vector<16xf32>
    %mul3A_1961 = arith.mulf %sub3A_1960, %sub3A_1960 : vector<16xf32>
    %add3A_1962 = arith.addf %add3A_1954, %mul3A_1961 : vector<16xf32>
    %get3A_1963 = arith.constant 9 : i32
    %get3A_1964 = arith.index_cast %get3A_1963 : i32 to index
    %get3A_1965 = arith.constant 64 : index
    %get3A_1966 = tpu.vector_load %arg12[%get3A_1964, %get3A_1965] {strides = array<i32>} : memref<16x128xf32, #tpu.memory_space<vmem>>, vector<1x16xf32>,
    %get3A_1967 = vector.shape_cast %get3A_1966 : vector<1x16xf32> to vector<16xf32>
    %sub3A_1968 = arith.subf %get3A_1967, %gather3A_1930 : vector<16xf32>
    %mul3A_1969 = arith.mulf %sub3A_1968, %sub3A_1968 : vector<16xf32>
    %add3A_1970 = arith.addf %add3A_1962, %mul3A_1969 : vector<16xf32>
    %get3A_1971 = arith.constant 9 : i32
    %get3A_1972 = arith.index_cast %get3A_1971 : i32 to index
    %get3A_1973 = arith.constant 80 : index
    %get3A_1974 = tpu.vector_load %arg12[%get3A_1972, %get3A_1973] {strides = array<i32>} : memref<16x128xf32, #tpu.memory_space<vmem>>, vector<1x16xf32>,
    %get3A_1975 = vector.shape_cast %get3A_1974 : vector<1x16xf32> to vector<16xf32>
    %sub3A_1976 = arith.subf %get3A_1975, %gather3A_1930 : vector<16xf32>
    %mul3A_1977 = arith.mulf %sub3A_1976, %sub3A_1976 : vector<16xf32>
    %add3A_1978 = arith.addf %add3A_1970, %mul3A_1977 : vector<16xf32>
    %get3A_1979 = arith.constant 9 : i32
    %get3A_1980 = arith.index_cast %get3A_1979 : i32 to index
    %get3A_1981 = arith.constant 96 : index
    %get3A_1982 = tpu.vector_load %arg12[%get3A_1980, %get3A_1981] {strides = array<i32>} : memref<16x128xf32, #tpu.memory_space<vmem>>, vector<1x16xf32>,
    %get3A_1983 = vector.shape_cast %get3A_1982 : vector<1x16xf32> to vector<16xf32>
    %sub3A_1984 = arith.subf %get3A_1983, %gather3A_1930 : vector<16xf32>
    %mul3A_1985 = arith.mulf %sub3A_1984, %sub3A_1984 : vector<16xf32>
    %add3A_1986 = arith.addf %add3A_1978, %mul3A_1985 : vector<16xf32>
    %get3A_1987 = arith.constant 9 : i32
    %get3A_1988 = arith.index_cast %get3A_1987 : i32 to index
    %get3A_1989 = arith.constant 112 : index
    %get3A_1990 = tpu.vector_load %arg12[%get3A_1988, %get3A_1989] {strides = array<i32>} : memref<16x128xf32, #tpu.memory_space<vmem>>, vector<1x16xf32>,
    %get3A_1991 = vector.shape_cast %get3A_1990 : vector<1x16xf32> to vector<16xf32>
    %sub3A_1992 = arith.subf %get3A_1991, %gather3A_1930 : vector<16xf32>
    %mul3A_1993 = arith.mulf %sub3A_1992, %sub3A_1992 : vector<16xf32>
    %add3A_1994 = arith.addf %add3A_1986, %mul3A_1993 : vector<16xf32>
    %add3A_1995 = arith.addf %add3A_1926, %add3A_1994 : vector<16xf32>
    %broadcast_in_dim3A_1996 = arith.constant 10 : i32
    %broadcast_in_dim3A_1997 = vector.broadcast %broadcast_in_dim3A_1996 : i32 to vector<16x1xi32>
    %gather3A_1998 = vector.shape_cast %broadcast_in_dim3A_1997 : vector<16x1xi32> to vector<16xi32>
    %gather3A_1999 = tpu.dynamic_gather %select_n3A_1305[%gather3A_1998] in [0] : vector<16xf32>, vector<16xi32> -> vector<16xf32>
    %get3A_2000 = arith.constant 10 : i32
    %get3A_2001 = arith.index_cast %get3A_2000 : i32 to index
    %get3A_2002 = arith.constant 0 : index
    %get3A_2003 = tpu.vector_load %arg12[%get3A_2001, %get3A_2002] {strides = array<i32>} : memref<16x128xf32, #tpu.memory_space<vmem>>, vector<1x16xf32>,
    %get3A_2004 = vector.shape_cast %get3A_2003 : vector<1x16xf32> to vector<16xf32>
    %sub3A_2005 = arith.subf %get3A_2004, %gather3A_1999 : vector<16xf32>
    %mul3A_2006 = arith.mulf %sub3A_2005, %sub3A_2005 : vector<16xf32>
    %add3A_2007 = arith.addf %broadcast_in_dim3A_167, %mul3A_2006 : vector<16xf32>
    %get3A_2008 = arith.constant 10 : i32
    %get3A_2009 = arith.index_cast %get3A_2008 : i32 to index
    %get3A_2010 = arith.constant 16 : index
    %get3A_2011 = tpu.vector_load %arg12[%get3A_2009, %get3A_2010] {strides = array<i32>} : memref<16x128xf32, #tpu.memory_space<vmem>>, vector<1x16xf32>,
    %get3A_2012 = vector.shape_cast %get3A_2011 : vector<1x16xf32> to vector<16xf32>
    %sub3A_2013 = arith.subf %get3A_2012, %gather3A_1999 : vector<16xf32>
    %mul3A_2014 = arith.mulf %sub3A_2013, %sub3A_2013 : vector<16xf32>
    %add3A_2015 = arith.addf %add3A_2007, %mul3A_2014 : vector<16xf32>
    %get3A_2016 = arith.constant 10 : i32
    %get3A_2017 = arith.index_cast %get3A_2016 : i32 to index
    %get3A_2018 = arith.constant 32 : index
    %get3A_2019 = tpu.vector_load %arg12[%get3A_2017, %get3A_2018] {strides = array<i32>} : memref<16x128xf32, #tpu.memory_space<vmem>>, vector<1x16xf32>,
    %get3A_2020 = vector.shape_cast %get3A_2019 : vector<1x16xf32> to vector<16xf32>
    %sub3A_2021 = arith.subf %get3A_2020, %gather3A_1999 : vector<16xf32>
    %mul3A_2022 = arith.mulf %sub3A_2021, %sub3A_2021 : vector<16xf32>
    %add3A_2023 = arith.addf %add3A_2015, %mul3A_2022 : vector<16xf32>
    %get3A_2024 = arith.constant 10 : i32
    %get3A_2025 = arith.index_cast %get3A_2024 : i32 to index
    %get3A_2026 = arith.constant 48 : index
    %get3A_2027 = tpu.vector_load %arg12[%get3A_2025, %get3A_2026] {strides = array<i32>} : memref<16x128xf32, #tpu.memory_space<vmem>>, vector<1x16xf32>,
    %get3A_2028 = vector.shape_cast %get3A_2027 : vector<1x16xf32> to vector<16xf32>
    %sub3A_2029 = arith.subf %get3A_2028, %gather3A_1999 : vector<16xf32>
    %mul3A_2030 = arith.mulf %sub3A_2029, %sub3A_2029 : vector<16xf32>
    %add3A_2031 = arith.addf %add3A_2023, %mul3A_2030 : vector<16xf32>
    %get3A_2032 = arith.constant 10 : i32
    %get3A_2033 = arith.index_cast %get3A_2032 : i32 to index
    %get3A_2034 = arith.constant 64 : index
    %get3A_2035 = tpu.vector_load %arg12[%get3A_2033, %get3A_2034] {strides = array<i32>} : memref<16x128xf32, #tpu.memory_space<vmem>>, vector<1x16xf32>,
    %get3A_2036 = vector.shape_cast %get3A_2035 : vector<1x16xf32> to vector<16xf32>
    %sub3A_2037 = arith.subf %get3A_2036, %gather3A_1999 : vector<16xf32>
    %mul3A_2038 = arith.mulf %sub3A_2037, %sub3A_2037 : vector<16xf32>
    %add3A_2039 = arith.addf %add3A_2031, %mul3A_2038 : vector<16xf32>
    %get3A_2040 = arith.constant 10 : i32
    %get3A_2041 = arith.index_cast %get3A_2040 : i32 to index
    %get3A_2042 = arith.constant 80 : index
    %get3A_2043 = tpu.vector_load %arg12[%get3A_2041, %get3A_2042] {strides = array<i32>} : memref<16x128xf32, #tpu.memory_space<vmem>>, vector<1x16xf32>,
    %get3A_2044 = vector.shape_cast %get3A_2043 : vector<1x16xf32> to vector<16xf32>
    %sub3A_2045 = arith.subf %get3A_2044, %gather3A_1999 : vector<16xf32>
    %mul3A_2046 = arith.mulf %sub3A_2045, %sub3A_2045 : vector<16xf32>
    %add3A_2047 = arith.addf %add3A_2039, %mul3A_2046 : vector<16xf32>
    %get3A_2048 = arith.constant 10 : i32
    %get3A_2049 = arith.index_cast %get3A_2048 : i32 to index
    %get3A_2050 = arith.constant 96 : index
    %get3A_2051 = tpu.vector_load %arg12[%get3A_2049, %get3A_2050] {strides = array<i32>} : memref<16x128xf32, #tpu.memory_space<vmem>>, vector<1x16xf32>,
    %get3A_2052 = vector.shape_cast %get3A_2051 : vector<1x16xf32> to vector<16xf32>
    %sub3A_2053 = arith.subf %get3A_2052, %gather3A_1999 : vector<16xf32>
    %mul3A_2054 = arith.mulf %sub3A_2053, %sub3A_2053 : vector<16xf32>
    %add3A_2055 = arith.addf %add3A_2047, %mul3A_2054 : vector<16xf32>
    %get3A_2056 = arith.constant 10 : i32
    %get3A_2057 = arith.index_cast %get3A_2056 : i32 to index
    %get3A_2058 = arith.constant 112 : index
    %get3A_2059 = tpu.vector_load %arg12[%get3A_2057, %get3A_2058] {strides = array<i32>} : memref<16x128xf32, #tpu.memory_space<vmem>>, vector<1x16xf32>,
    %get3A_2060 = vector.shape_cast %get3A_2059 : vector<1x16xf32> to vector<16xf32>
    %sub3A_2061 = arith.subf %get3A_2060, %gather3A_1999 : vector<16xf32>
    %mul3A_2062 = arith.mulf %sub3A_2061, %sub3A_2061 : vector<16xf32>
    %add3A_2063 = arith.addf %add3A_2055, %mul3A_2062 : vector<16xf32>
    %add3A_2064 = arith.addf %add3A_1995, %add3A_2063 : vector<16xf32>
    %broadcast_in_dim3A_2065 = arith.constant 11 : i32
    %broadcast_in_dim3A_2066 = vector.broadcast %broadcast_in_dim3A_2065 : i32 to vector<16x1xi32>
    %gather3A_2067 = vector.shape_cast %broadcast_in_dim3A_2066 : vector<16x1xi32> to vector<16xi32>
    %gather3A_2068 = tpu.dynamic_gather %select_n3A_1305[%gather3A_2067] in [0] : vector<16xf32>, vector<16xi32> -> vector<16xf32>
    %get3A_2069 = arith.constant 11 : i32
    %get3A_2070 = arith.index_cast %get3A_2069 : i32 to index
    %get3A_2071 = arith.constant 0 : index
    %get3A_2072 = tpu.vector_load %arg12[%get3A_2070, %get3A_2071] {strides = array<i32>} : memref<16x128xf32, #tpu.memory_space<vmem>>, vector<1x16xf32>,
    %get3A_2073 = vector.shape_cast %get3A_2072 : vector<1x16xf32> to vector<16xf32>
    %sub3A_2074 = arith.subf %get3A_2073, %gather3A_2068 : vector<16xf32>
    %mul3A_2075 = arith.mulf %sub3A_2074, %sub3A_2074 : vector<16xf32>
    %add3A_2076 = arith.addf %broadcast_in_dim3A_167, %mul3A_2075 : vector<16xf32>
    %get3A_2077 = arith.constant 11 : i32
    %get3A_2078 = arith.index_cast %get3A_2077 : i32 to index
    %get3A_2079 = arith.constant 16 : index
    %get3A_2080 = tpu.vector_load %arg12[%get3A_2078, %get3A_2079] {strides = array<i32>} : memref<16x128xf32, #tpu.memory_space<vmem>>, vector<1x16xf32>,
    %get3A_2081 = vector.shape_cast %get3A_2080 : vector<1x16xf32> to vector<16xf32>
    %sub3A_2082 = arith.subf %get3A_2081, %gather3A_2068 : vector<16xf32>
    %mul3A_2083 = arith.mulf %sub3A_2082, %sub3A_2082 : vector<16xf32>
    %add3A_2084 = arith.addf %add3A_2076, %mul3A_2083 : vector<16xf32>
    %get3A_2085 = arith.constant 11 : i32
    %get3A_2086 = arith.index_cast %get3A_2085 : i32 to index
    %get3A_2087 = arith.constant 32 : index
    %get3A_2088 = tpu.vector_load %arg12[%get3A_2086, %get3A_2087] {strides = array<i32>} : memref<16x128xf32, #tpu.memory_space<vmem>>, vector<1x16xf32>,
    %get3A_2089 = vector.shape_cast %get3A_2088 : vector<1x16xf32> to vector<16xf32>
    %sub3A_2090 = arith.subf %get3A_2089, %gather3A_2068 : vector<16xf32>
    %mul3A_2091 = arith.mulf %sub3A_2090, %sub3A_2090 : vector<16xf32>
    %add3A_2092 = arith.addf %add3A_2084, %mul3A_2091 : vector<16xf32>
    %get3A_2093 = arith.constant 11 : i32
    %get3A_2094 = arith.index_cast %get3A_2093 : i32 to index
    %get3A_2095 = arith.constant 48 : index
    %get3A_2096 = tpu.vector_load %arg12[%get3A_2094, %get3A_2095] {strides = array<i32>} : memref<16x128xf32, #tpu.memory_space<vmem>>, vector<1x16xf32>,
    %get3A_2097 = vector.shape_cast %get3A_2096 : vector<1x16xf32> to vector<16xf32>
    %sub3A_2098 = arith.subf %get3A_2097, %gather3A_2068 : vector<16xf32>
    %mul3A_2099 = arith.mulf %sub3A_2098, %sub3A_2098 : vector<16xf32>
    %add3A_2100 = arith.addf %add3A_2092, %mul3A_2099 : vector<16xf32>
    %get3A_2101 = arith.constant 11 : i32
    %get3A_2102 = arith.index_cast %get3A_2101 : i32 to index
    %get3A_2103 = arith.constant 64 : index
    %get3A_2104 = tpu.vector_load %arg12[%get3A_2102, %get3A_2103] {strides = array<i32>} : memref<16x128xf32, #tpu.memory_space<vmem>>, vector<1x16xf32>,
    %get3A_2105 = vector.shape_cast %get3A_2104 : vector<1x16xf32> to vector<16xf32>
    %sub3A_2106 = arith.subf %get3A_2105, %gather3A_2068 : vector<16xf32>
    %mul3A_2107 = arith.mulf %sub3A_2106, %sub3A_2106 : vector<16xf32>
    %add3A_2108 = arith.addf %add3A_2100, %mul3A_2107 : vector<16xf32>
    %get3A_2109 = arith.constant 11 : i32
    %get3A_2110 = arith.index_cast %get3A_2109 : i32 to index
    %get3A_2111 = arith.constant 80 : index
    %get3A_2112 = tpu.vector_load %arg12[%get3A_2110, %get3A_2111] {strides = array<i32>} : memref<16x128xf32, #tpu.memory_space<vmem>>, vector<1x16xf32>,
    %get3A_2113 = vector.shape_cast %get3A_2112 : vector<1x16xf32> to vector<16xf32>
    %sub3A_2114 = arith.subf %get3A_2113, %gather3A_2068 : vector<16xf32>
    %mul3A_2115 = arith.mulf %sub3A_2114, %sub3A_2114 : vector<16xf32>
    %add3A_2116 = arith.addf %add3A_2108, %mul3A_2115 : vector<16xf32>
    %get3A_2117 = arith.constant 11 : i32
    %get3A_2118 = arith.index_cast %get3A_2117 : i32 to index
    %get3A_2119 = arith.constant 96 : index
    %get3A_2120 = tpu.vector_load %arg12[%get3A_2118, %get3A_2119] {strides = array<i32>} : memref<16x128xf32, #tpu.memory_space<vmem>>, vector<1x16xf32>,
    %get3A_2121 = vector.shape_cast %get3A_2120 : vector<1x16xf32> to vector<16xf32>
    %sub3A_2122 = arith.subf %get3A_2121, %gather3A_2068 : vector<16xf32>
    %mul3A_2123 = arith.mulf %sub3A_2122, %sub3A_2122 : vector<16xf32>
    %add3A_2124 = arith.addf %add3A_2116, %mul3A_2123 : vector<16xf32>
    %get3A_2125 = arith.constant 11 : i32
    %get3A_2126 = arith.index_cast %get3A_2125 : i32 to index
    %get3A_2127 = arith.constant 112 : index
    %get3A_2128 = tpu.vector_load %arg12[%get3A_2126, %get3A_2127] {strides = array<i32>} : memref<16x128xf32, #tpu.memory_space<vmem>>, vector<1x16xf32>,
    %get3A_2129 = vector.shape_cast %get3A_2128 : vector<1x16xf32> to vector<16xf32>
    %sub3A_2130 = arith.subf %get3A_2129, %gather3A_2068 : vector<16xf32>
    %mul3A_2131 = arith.mulf %sub3A_2130, %sub3A_2130 : vector<16xf32>
    %add3A_2132 = arith.addf %add3A_2124, %mul3A_2131 : vector<16xf32>
    %add3A_2133 = arith.addf %add3A_2064, %add3A_2132 : vector<16xf32>
    %broadcast_in_dim3A_2134 = arith.constant 12 : i32
    %broadcast_in_dim3A_2135 = vector.broadcast %broadcast_in_dim3A_2134 : i32 to vector<16x1xi32>
    %gather3A_2136 = vector.shape_cast %broadcast_in_dim3A_2135 : vector<16x1xi32> to vector<16xi32>
    %gather3A_2137 = tpu.dynamic_gather %select_n3A_1305[%gather3A_2136] in [0] : vector<16xf32>, vector<16xi32> -> vector<16xf32>
    %get3A_2138 = arith.constant 12 : i32
    %get3A_2139 = arith.index_cast %get3A_2138 : i32 to index
    %get3A_2140 = arith.constant 0 : index
    %get3A_2141 = tpu.vector_load %arg12[%get3A_2139, %get3A_2140] {strides = array<i32>} : memref<16x128xf32, #tpu.memory_space<vmem>>, vector<1x16xf32>,
    %get3A_2142 = vector.shape_cast %get3A_2141 : vector<1x16xf32> to vector<16xf32>
    %sub3A_2143 = arith.subf %get3A_2142, %gather3A_2137 : vector<16xf32>
    %mul3A_2144 = arith.mulf %sub3A_2143, %sub3A_2143 : vector<16xf32>
    %add3A_2145 = arith.addf %broadcast_in_dim3A_167, %mul3A_2144 : vector<16xf32>
    %get3A_2146 = arith.constant 12 : i32
    %get3A_2147 = arith.index_cast %get3A_2146 : i32 to index
    %get3A_2148 = arith.constant 16 : index
    %get3A_2149 = tpu.vector_load %arg12[%get3A_2147, %get3A_2148] {strides = array<i32>} : memref<16x128xf32, #tpu.memory_space<vmem>>, vector<1x16xf32>,
    %get3A_2150 = vector.shape_cast %get3A_2149 : vector<1x16xf32> to vector<16xf32>
    %sub3A_2151 = arith.subf %get3A_2150, %gather3A_2137 : vector<16xf32>
    %mul3A_2152 = arith.mulf %sub3A_2151, %sub3A_2151 : vector<16xf32>
    %add3A_2153 = arith.addf %add3A_2145, %mul3A_2152 : vector<16xf32>
    %get3A_2154 = arith.constant 12 : i32
    %get3A_2155 = arith.index_cast %get3A_2154 : i32 to index
    %get3A_2156 = arith.constant 32 : index
    %get3A_2157 = tpu.vector_load %arg12[%get3A_2155, %get3A_2156] {strides = array<i32>} : memref<16x128xf32, #tpu.memory_space<vmem>>, vector<1x16xf32>,
    %get3A_2158 = vector.shape_cast %get3A_2157 : vector<1x16xf32> to vector<16xf32>
    %sub3A_2159 = arith.subf %get3A_2158, %gather3A_2137 : vector<16xf32>
    %mul3A_2160 = arith.mulf %sub3A_2159, %sub3A_2159 : vector<16xf32>
    %add3A_2161 = arith.addf %add3A_2153, %mul3A_2160 : vector<16xf32>
    %get3A_2162 = arith.constant 12 : i32
    %get3A_2163 = arith.index_cast %get3A_2162 : i32 to index
    %get3A_2164 = arith.constant 48 : index
    %get3A_2165 = tpu.vector_load %arg12[%get3A_2163, %get3A_2164] {strides = array<i32>} : memref<16x128xf32, #tpu.memory_space<vmem>>, vector<1x16xf32>,
    %get3A_2166 = vector.shape_cast %get3A_2165 : vector<1x16xf32> to vector<16xf32>
    %sub3A_2167 = arith.subf %get3A_2166, %gather3A_2137 : vector<16xf32>
    %mul3A_2168 = arith.mulf %sub3A_2167, %sub3A_2167 : vector<16xf32>
    %add3A_2169 = arith.addf %add3A_2161, %mul3A_2168 : vector<16xf32>
    %get3A_2170 = arith.constant 12 : i32
    %get3A_2171 = arith.index_cast %get3A_2170 : i32 to index
    %get3A_2172 = arith.constant 64 : index
    %get3A_2173 = tpu.vector_load %arg12[%get3A_2171, %get3A_2172] {strides = array<i32>} : memref<16x128xf32, #tpu.memory_space<vmem>>, vector<1x16xf32>,
    %get3A_2174 = vector.shape_cast %get3A_2173 : vector<1x16xf32> to vector<16xf32>
    %sub3A_2175 = arith.subf %get3A_2174, %gather3A_2137 : vector<16xf32>
    %mul3A_2176 = arith.mulf %sub3A_2175, %sub3A_2175 : vector<16xf32>
    %add3A_2177 = arith.addf %add3A_2169, %mul3A_2176 : vector<16xf32>
    %get3A_2178 = arith.constant 12 : i32
    %get3A_2179 = arith.index_cast %get3A_2178 : i32 to index
    %get3A_2180 = arith.constant 80 : index
    %get3A_2181 = tpu.vector_load %arg12[%get3A_2179, %get3A_2180] {strides = array<i32>} : memref<16x128xf32, #tpu.memory_space<vmem>>, vector<1x16xf32>,
    %get3A_2182 = vector.shape_cast %get3A_2181 : vector<1x16xf32> to vector<16xf32>
    %sub3A_2183 = arith.subf %get3A_2182, %gather3A_2137 : vector<16xf32>
    %mul3A_2184 = arith.mulf %sub3A_2183, %sub3A_2183 : vector<16xf32>
    %add3A_2185 = arith.addf %add3A_2177, %mul3A_2184 : vector<16xf32>
    %get3A_2186 = arith.constant 12 : i32
    %get3A_2187 = arith.index_cast %get3A_2186 : i32 to index
    %get3A_2188 = arith.constant 96 : index
    %get3A_2189 = tpu.vector_load %arg12[%get3A_2187, %get3A_2188] {strides = array<i32>} : memref<16x128xf32, #tpu.memory_space<vmem>>, vector<1x16xf32>,
    %get3A_2190 = vector.shape_cast %get3A_2189 : vector<1x16xf32> to vector<16xf32>
    %sub3A_2191 = arith.subf %get3A_2190, %gather3A_2137 : vector<16xf32>
    %mul3A_2192 = arith.mulf %sub3A_2191, %sub3A_2191 : vector<16xf32>
    %add3A_2193 = arith.addf %add3A_2185, %mul3A_2192 : vector<16xf32>
    %get3A_2194 = arith.constant 12 : i32
    %get3A_2195 = arith.index_cast %get3A_2194 : i32 to index
    %get3A_2196 = arith.constant 112 : index
    %get3A_2197 = tpu.vector_load %arg12[%get3A_2195, %get3A_2196] {strides = array<i32>} : memref<16x128xf32, #tpu.memory_space<vmem>>, vector<1x16xf32>,
    %get3A_2198 = vector.shape_cast %get3A_2197 : vector<1x16xf32> to vector<16xf32>
    %sub3A_2199 = arith.subf %get3A_2198, %gather3A_2137 : vector<16xf32>
    %mul3A_2200 = arith.mulf %sub3A_2199, %sub3A_2199 : vector<16xf32>
    %add3A_2201 = arith.addf %add3A_2193, %mul3A_2200 : vector<16xf32>
    %add3A_2202 = arith.addf %add3A_2133, %add3A_2201 : vector<16xf32>
    %broadcast_in_dim3A_2203 = arith.constant 13 : i32
    %broadcast_in_dim3A_2204 = vector.broadcast %broadcast_in_dim3A_2203 : i32 to vector<16x1xi32>
    %gather3A_2205 = vector.shape_cast %broadcast_in_dim3A_2204 : vector<16x1xi32> to vector<16xi32>
    %gather3A_2206 = tpu.dynamic_gather %select_n3A_1305[%gather3A_2205] in [0] : vector<16xf32>, vector<16xi32> -> vector<16xf32>
    %get3A_2207 = arith.constant 13 : i32
    %get3A_2208 = arith.index_cast %get3A_2207 : i32 to index
    %get3A_2209 = arith.constant 0 : index
    %get3A_2210 = tpu.vector_load %arg12[%get3A_2208, %get3A_2209] {strides = array<i32>} : memref<16x128xf32, #tpu.memory_space<vmem>>, vector<1x16xf32>,
    %get3A_2211 = vector.shape_cast %get3A_2210 : vector<1x16xf32> to vector<16xf32>
    %sub3A_2212 = arith.subf %get3A_2211, %gather3A_2206 : vector<16xf32>
    %mul3A_2213 = arith.mulf %sub3A_2212, %sub3A_2212 : vector<16xf32>
    %add3A_2214 = arith.addf %broadcast_in_dim3A_167, %mul3A_2213 : vector<16xf32>
    %get3A_2215 = arith.constant 13 : i32
    %get3A_2216 = arith.index_cast %get3A_2215 : i32 to index
    %get3A_2217 = arith.constant 16 : index
    %get3A_2218 = tpu.vector_load %arg12[%get3A_2216, %get3A_2217] {strides = array<i32>} : memref<16x128xf32, #tpu.memory_space<vmem>>, vector<1x16xf32>,
    %get3A_2219 = vector.shape_cast %get3A_2218 : vector<1x16xf32> to vector<16xf32>
    %sub3A_2220 = arith.subf %get3A_2219, %gather3A_2206 : vector<16xf32>
    %mul3A_2221 = arith.mulf %sub3A_2220, %sub3A_2220 : vector<16xf32>
    %add3A_2222 = arith.addf %add3A_2214, %mul3A_2221 : vector<16xf32>
    %get3A_2223 = arith.constant 13 : i32
    %get3A_2224 = arith.index_cast %get3A_2223 : i32 to index
    %get3A_2225 = arith.constant 32 : index
    %get3A_2226 = tpu.vector_load %arg12[%get3A_2224, %get3A_2225] {strides = array<i32>} : memref<16x128xf32, #tpu.memory_space<vmem>>, vector<1x16xf32>,
    %get3A_2227 = vector.shape_cast %get3A_2226 : vector<1x16xf32> to vector<16xf32>
    %sub3A_2228 = arith.subf %get3A_2227, %gather3A_2206 : vector<16xf32>
    %mul3A_2229 = arith.mulf %sub3A_2228, %sub3A_2228 : vector<16xf32>
    %add3A_2230 = arith.addf %add3A_2222, %mul3A_2229 : vector<16xf32>
    %get3A_2231 = arith.constant 13 : i32
    %get3A_2232 = arith.index_cast %get3A_2231 : i32 to index
    %get3A_2233 = arith.constant 48 : index
    %get3A_2234 = tpu.vector_load %arg12[%get3A_2232, %get3A_2233] {strides = array<i32>} : memref<16x128xf32, #tpu.memory_space<vmem>>, vector<1x16xf32>,
    %get3A_2235 = vector.shape_cast %get3A_2234 : vector<1x16xf32> to vector<16xf32>
    %sub3A_2236 = arith.subf %get3A_2235, %gather3A_2206 : vector<16xf32>
    %mul3A_2237 = arith.mulf %sub3A_2236, %sub3A_2236 : vector<16xf32>
    %add3A_2238 = arith.addf %add3A_2230, %mul3A_2237 : vector<16xf32>
    %get3A_2239 = arith.constant 13 : i32
    %get3A_2240 = arith.index_cast %get3A_2239 : i32 to index
    %get3A_2241 = arith.constant 64 : index
    %get3A_2242 = tpu.vector_load %arg12[%get3A_2240, %get3A_2241] {strides = array<i32>} : memref<16x128xf32, #tpu.memory_space<vmem>>, vector<1x16xf32>,
    %get3A_2243 = vector.shape_cast %get3A_2242 : vector<1x16xf32> to vector<16xf32>
    %sub3A_2244 = arith.subf %get3A_2243, %gather3A_2206 : vector<16xf32>
    %mul3A_2245 = arith.mulf %sub3A_2244, %sub3A_2244 : vector<16xf32>
    %add3A_2246 = arith.addf %add3A_2238, %mul3A_2245 : vector<16xf32>
    %get3A_2247 = arith.constant 13 : i32
    %get3A_2248 = arith.index_cast %get3A_2247 : i32 to index
    %get3A_2249 = arith.constant 80 : index
    %get3A_2250 = tpu.vector_load %arg12[%get3A_2248, %get3A_2249] {strides = array<i32>} : memref<16x128xf32, #tpu.memory_space<vmem>>, vector<1x16xf32>,
    %get3A_2251 = vector.shape_cast %get3A_2250 : vector<1x16xf32> to vector<16xf32>
    %sub3A_2252 = arith.subf %get3A_2251, %gather3A_2206 : vector<16xf32>
    %mul3A_2253 = arith.mulf %sub3A_2252, %sub3A_2252 : vector<16xf32>
    %add3A_2254 = arith.addf %add3A_2246, %mul3A_2253 : vector<16xf32>
    %get3A_2255 = arith.constant 13 : i32
    %get3A_2256 = arith.index_cast %get3A_2255 : i32 to index
    %get3A_2257 = arith.constant 96 : index
    %get3A_2258 = tpu.vector_load %arg12[%get3A_2256, %get3A_2257] {strides = array<i32>} : memref<16x128xf32, #tpu.memory_space<vmem>>, vector<1x16xf32>,
    %get3A_2259 = vector.shape_cast %get3A_2258 : vector<1x16xf32> to vector<16xf32>
    %sub3A_2260 = arith.subf %get3A_2259, %gather3A_2206 : vector<16xf32>
    %mul3A_2261 = arith.mulf %sub3A_2260, %sub3A_2260 : vector<16xf32>
    %add3A_2262 = arith.addf %add3A_2254, %mul3A_2261 : vector<16xf32>
    %get3A_2263 = arith.constant 13 : i32
    %get3A_2264 = arith.index_cast %get3A_2263 : i32 to index
    %get3A_2265 = arith.constant 112 : index
    %get3A_2266 = tpu.vector_load %arg12[%get3A_2264, %get3A_2265] {strides = array<i32>} : memref<16x128xf32, #tpu.memory_space<vmem>>, vector<1x16xf32>,
    %get3A_2267 = vector.shape_cast %get3A_2266 : vector<1x16xf32> to vector<16xf32>
    %sub3A_2268 = arith.subf %get3A_2267, %gather3A_2206 : vector<16xf32>
    %mul3A_2269 = arith.mulf %sub3A_2268, %sub3A_2268 : vector<16xf32>
    %add3A_2270 = arith.addf %add3A_2262, %mul3A_2269 : vector<16xf32>
    %add3A_2271 = arith.addf %add3A_2202, %add3A_2270 : vector<16xf32>
    %broadcast_in_dim3A_2272 = arith.constant 14 : i32
    %broadcast_in_dim3A_2273 = vector.broadcast %broadcast_in_dim3A_2272 : i32 to vector<16x1xi32>
    %gather3A_2274 = vector.shape_cast %broadcast_in_dim3A_2273 : vector<16x1xi32> to vector<16xi32>
    %gather3A_2275 = tpu.dynamic_gather %select_n3A_1305[%gather3A_2274] in [0] : vector<16xf32>, vector<16xi32> -> vector<16xf32>
    %get3A_2276 = arith.constant 14 : i32
    %get3A_2277 = arith.index_cast %get3A_2276 : i32 to index
    %get3A_2278 = arith.constant 0 : index
    %get3A_2279 = tpu.vector_load %arg12[%get3A_2277, %get3A_2278] {strides = array<i32>} : memref<16x128xf32, #tpu.memory_space<vmem>>, vector<1x16xf32>,
    %get3A_2280 = vector.shape_cast %get3A_2279 : vector<1x16xf32> to vector<16xf32>
    %sub3A_2281 = arith.subf %get3A_2280, %gather3A_2275 : vector<16xf32>
    %mul3A_2282 = arith.mulf %sub3A_2281, %sub3A_2281 : vector<16xf32>
    %add3A_2283 = arith.addf %broadcast_in_dim3A_167, %mul3A_2282 : vector<16xf32>
    %get3A_2284 = arith.constant 14 : i32
    %get3A_2285 = arith.index_cast %get3A_2284 : i32 to index
    %get3A_2286 = arith.constant 16 : index
    %get3A_2287 = tpu.vector_load %arg12[%get3A_2285, %get3A_2286] {strides = array<i32>} : memref<16x128xf32, #tpu.memory_space<vmem>>, vector<1x16xf32>,
    %get3A_2288 = vector.shape_cast %get3A_2287 : vector<1x16xf32> to vector<16xf32>
    %sub3A_2289 = arith.subf %get3A_2288, %gather3A_2275 : vector<16xf32>
    %mul3A_2290 = arith.mulf %sub3A_2289, %sub3A_2289 : vector<16xf32>
    %add3A_2291 = arith.addf %add3A_2283, %mul3A_2290 : vector<16xf32>
    %get3A_2292 = arith.constant 14 : i32
    %get3A_2293 = arith.index_cast %get3A_2292 : i32 to index
    %get3A_2294 = arith.constant 32 : index
    %get3A_2295 = tpu.vector_load %arg12[%get3A_2293, %get3A_2294] {strides = array<i32>} : memref<16x128xf32, #tpu.memory_space<vmem>>, vector<1x16xf32>,
    %get3A_2296 = vector.shape_cast %get3A_2295 : vector<1x16xf32> to vector<16xf32>
    %sub3A_2297 = arith.subf %get3A_2296, %gather3A_2275 : vector<16xf32>
    %mul3A_2298 = arith.mulf %sub3A_2297, %sub3A_2297 : vector<16xf32>
    %add3A_2299 = arith.addf %add3A_2291, %mul3A_2298 : vector<16xf32>
    %get3A_2300 = arith.constant 14 : i32
    %get3A_2301 = arith.index_cast %get3A_2300 : i32 to index
    %get3A_2302 = arith.constant 48 : index
    %get3A_2303 = tpu.vector_load %arg12[%get3A_2301, %get3A_2302] {strides = array<i32>} : memref<16x128xf32, #tpu.memory_space<vmem>>, vector<1x16xf32>,
    %get3A_2304 = vector.shape_cast %get3A_2303 : vector<1x16xf32> to vector<16xf32>
    %sub3A_2305 = arith.subf %get3A_2304, %gather3A_2275 : vector<16xf32>
    %mul3A_2306 = arith.mulf %sub3A_2305, %sub3A_2305 : vector<16xf32>
    %add3A_2307 = arith.addf %add3A_2299, %mul3A_2306 : vector<16xf32>
    %get3A_2308 = arith.constant 14 : i32
    %get3A_2309 = arith.index_cast %get3A_2308 : i32 to index
    %get3A_2310 = arith.constant 64 : index
    %get3A_2311 = tpu.vector_load %arg12[%get3A_2309, %get3A_2310] {strides = array<i32>} : memref<16x128xf32, #tpu.memory_space<vmem>>, vector<1x16xf32>,
    %get3A_2312 = vector.shape_cast %get3A_2311 : vector<1x16xf32> to vector<16xf32>
    %sub3A_2313 = arith.subf %get3A_2312, %gather3A_2275 : vector<16xf32>
    %mul3A_2314 = arith.mulf %sub3A_2313, %sub3A_2313 : vector<16xf32>
    %add3A_2315 = arith.addf %add3A_2307, %mul3A_2314 : vector<16xf32>
    %get3A_2316 = arith.constant 14 : i32
    %get3A_2317 = arith.index_cast %get3A_2316 : i32 to index
    %get3A_2318 = arith.constant 80 : index
    %get3A_2319 = tpu.vector_load %arg12[%get3A_2317, %get3A_2318] {strides = array<i32>} : memref<16x128xf32, #tpu.memory_space<vmem>>, vector<1x16xf32>,
    %get3A_2320 = vector.shape_cast %get3A_2319 : vector<1x16xf32> to vector<16xf32>
    %sub3A_2321 = arith.subf %get3A_2320, %gather3A_2275 : vector<16xf32>
    %mul3A_2322 = arith.mulf %sub3A_2321, %sub3A_2321 : vector<16xf32>
    %add3A_2323 = arith.addf %add3A_2315, %mul3A_2322 : vector<16xf32>
    %get3A_2324 = arith.constant 14 : i32
    %get3A_2325 = arith.index_cast %get3A_2324 : i32 to index
    %get3A_2326 = arith.constant 96 : index
    %get3A_2327 = tpu.vector_load %arg12[%get3A_2325, %get3A_2326] {strides = array<i32>} : memref<16x128xf32, #tpu.memory_space<vmem>>, vector<1x16xf32>,
    %get3A_2328 = vector.shape_cast %get3A_2327 : vector<1x16xf32> to vector<16xf32>
    %sub3A_2329 = arith.subf %get3A_2328, %gather3A_2275 : vector<16xf32>
    %mul3A_2330 = arith.mulf %sub3A_2329, %sub3A_2329 : vector<16xf32>
    %add3A_2331 = arith.addf %add3A_2323, %mul3A_2330 : vector<16xf32>
    %get3A_2332 = arith.constant 14 : i32
    %get3A_2333 = arith.index_cast %get3A_2332 : i32 to index
    %get3A_2334 = arith.constant 112 : index
    %get3A_2335 = tpu.vector_load %arg12[%get3A_2333, %get3A_2334] {strides = array<i32>} : memref<16x128xf32, #tpu.memory_space<vmem>>, vector<1x16xf32>,
    %get3A_2336 = vector.shape_cast %get3A_2335 : vector<1x16xf32> to vector<16xf32>
    %sub3A_2337 = arith.subf %get3A_2336, %gather3A_2275 : vector<16xf32>
    %mul3A_2338 = arith.mulf %sub3A_2337, %sub3A_2337 : vector<16xf32>
    %add3A_2339 = arith.addf %add3A_2331, %mul3A_2338 : vector<16xf32>
    %add3A_2340 = arith.addf %add3A_2271, %add3A_2339 : vector<16xf32>
    %broadcast_in_dim3A_2341 = arith.constant 15 : i32
    %broadcast_in_dim3A_2342 = vector.broadcast %broadcast_in_dim3A_2341 : i32 to vector<16x1xi32>
    %gather3A_2343 = vector.shape_cast %broadcast_in_dim3A_2342 : vector<16x1xi32> to vector<16xi32>
    %gather3A_2344 = tpu.dynamic_gather %select_n3A_1305[%gather3A_2343] in [0] : vector<16xf32>, vector<16xi32> -> vector<16xf32>
    %get3A_2345 = arith.constant 15 : i32
    %get3A_2346 = arith.index_cast %get3A_2345 : i32 to index
    %get3A_2347 = arith.constant 0 : index
    %get3A_2348 = tpu.vector_load %arg12[%get3A_2346, %get3A_2347] {strides = array<i32>} : memref<16x128xf32, #tpu.memory_space<vmem>>, vector<1x16xf32>,
    %get3A_2349 = vector.shape_cast %get3A_2348 : vector<1x16xf32> to vector<16xf32>
    %sub3A_2350 = arith.subf %get3A_2349, %gather3A_2344 : vector<16xf32>
    %mul3A_2351 = arith.mulf %sub3A_2350, %sub3A_2350 : vector<16xf32>
    %add3A_2352 = arith.addf %broadcast_in_dim3A_167, %mul3A_2351 : vector<16xf32>
    %get3A_2353 = arith.constant 15 : i32
    %get3A_2354 = arith.index_cast %get3A_2353 : i32 to index
    %get3A_2355 = arith.constant 16 : index
    %get3A_2356 = tpu.vector_load %arg12[%get3A_2354, %get3A_2355] {strides = array<i32>} : memref<16x128xf32, #tpu.memory_space<vmem>>, vector<1x16xf32>,
    %get3A_2357 = vector.shape_cast %get3A_2356 : vector<1x16xf32> to vector<16xf32>
    %sub3A_2358 = arith.subf %get3A_2357, %gather3A_2344 : vector<16xf32>
    %mul3A_2359 = arith.mulf %sub3A_2358, %sub3A_2358 : vector<16xf32>
    %add3A_2360 = arith.addf %add3A_2352, %mul3A_2359 : vector<16xf32>
    %get3A_2361 = arith.constant 15 : i32
    %get3A_2362 = arith.index_cast %get3A_2361 : i32 to index
    %get3A_2363 = arith.constant 32 : index
    %get3A_2364 = tpu.vector_load %arg12[%get3A_2362, %get3A_2363] {strides = array<i32>} : memref<16x128xf32, #tpu.memory_space<vmem>>, vector<1x16xf32>,
    %get3A_2365 = vector.shape_cast %get3A_2364 : vector<1x16xf32> to vector<16xf32>
    %sub3A_2366 = arith.subf %get3A_2365, %gather3A_2344 : vector<16xf32>
    %mul3A_2367 = arith.mulf %sub3A_2366, %sub3A_2366 : vector<16xf32>
    %add3A_2368 = arith.addf %add3A_2360, %mul3A_2367 : vector<16xf32>
    %get3A_2369 = arith.constant 15 : i32
    %get3A_2370 = arith.index_cast %get3A_2369 : i32 to index
    %get3A_2371 = arith.constant 48 : index
    %get3A_2372 = tpu.vector_load %arg12[%get3A_2370, %get3A_2371] {strides = array<i32>} : memref<16x128xf32, #tpu.memory_space<vmem>>, vector<1x16xf32>,
    %get3A_2373 = vector.shape_cast %get3A_2372 : vector<1x16xf32> to vector<16xf32>
    %sub3A_2374 = arith.subf %get3A_2373, %gather3A_2344 : vector<16xf32>
    %mul3A_2375 = arith.mulf %sub3A_2374, %sub3A_2374 : vector<16xf32>
    %add3A_2376 = arith.addf %add3A_2368, %mul3A_2375 : vector<16xf32>
    %get3A_2377 = arith.constant 15 : i32
    %get3A_2378 = arith.index_cast %get3A_2377 : i32 to index
    %get3A_2379 = arith.constant 64 : index
    %get3A_2380 = tpu.vector_load %arg12[%get3A_2378, %get3A_2379] {strides = array<i32>} : memref<16x128xf32, #tpu.memory_space<vmem>>, vector<1x16xf32>,
    %get3A_2381 = vector.shape_cast %get3A_2380 : vector<1x16xf32> to vector<16xf32>
    %sub3A_2382 = arith.subf %get3A_2381, %gather3A_2344 : vector<16xf32>
    %mul3A_2383 = arith.mulf %sub3A_2382, %sub3A_2382 : vector<16xf32>
    %add3A_2384 = arith.addf %add3A_2376, %mul3A_2383 : vector<16xf32>
    %get3A_2385 = arith.constant 15 : i32
    %get3A_2386 = arith.index_cast %get3A_2385 : i32 to index
    %get3A_2387 = arith.constant 80 : index
    %get3A_2388 = tpu.vector_load %arg12[%get3A_2386, %get3A_2387] {strides = array<i32>} : memref<16x128xf32, #tpu.memory_space<vmem>>, vector<1x16xf32>,
    %get3A_2389 = vector.shape_cast %get3A_2388 : vector<1x16xf32> to vector<16xf32>
    %sub3A_2390 = arith.subf %get3A_2389, %gather3A_2344 : vector<16xf32>
    %mul3A_2391 = arith.mulf %sub3A_2390, %sub3A_2390 : vector<16xf32>
    %add3A_2392 = arith.addf %add3A_2384, %mul3A_2391 : vector<16xf32>
    %get3A_2393 = arith.constant 15 : i32
    %get3A_2394 = arith.index_cast %get3A_2393 : i32 to index
    %get3A_2395 = arith.constant 96 : index
    %get3A_2396 = tpu.vector_load %arg12[%get3A_2394, %get3A_2395] {strides = array<i32>} : memref<16x128xf32, #tpu.memory_space<vmem>>, vector<1x16xf32>,
    %get3A_2397 = vector.shape_cast %get3A_2396 : vector<1x16xf32> to vector<16xf32>
    %sub3A_2398 = arith.subf %get3A_2397, %gather3A_2344 : vector<16xf32>
    %mul3A_2399 = arith.mulf %sub3A_2398, %sub3A_2398 : vector<16xf32>
    %add3A_2400 = arith.addf %add3A_2392, %mul3A_2399 : vector<16xf32>
    %get3A_2401 = arith.constant 15 : i32
    %get3A_2402 = arith.index_cast %get3A_2401 : i32 to index
    %get3A_2403 = arith.constant 112 : index
    %get3A_2404 = tpu.vector_load %arg12[%get3A_2402, %get3A_2403] {strides = array<i32>} : memref<16x128xf32, #tpu.memory_space<vmem>>, vector<1x16xf32>,
    %get3A_2405 = vector.shape_cast %get3A_2404 : vector<1x16xf32> to vector<16xf32>
    %sub3A_2406 = arith.subf %get3A_2405, %gather3A_2344 : vector<16xf32>
    %mul3A_2407 = arith.mulf %sub3A_2406, %sub3A_2406 : vector<16xf32>
    %add3A_2408 = arith.addf %add3A_2400, %mul3A_2407 : vector<16xf32>
    %add3A_2409 = arith.addf %add3A_2340, %add3A_2408 : vector<16xf32>
    %dma_wait3A_2410 = arith.constant 0 : i32
    %dma_wait3A_2411 = arith.constant 0 : i32
    %dma_wait3A_2412 = tpu.memref_slice %arg2[%dma_wait3A_2410, %dma_wait3A_2411] : memref<160000x128xf32, #tpu.memory_space<hbm>> -> memref<160000x128xf32, #tpu.memory_space<hbm>>
    tpu.wait_indirect_dma semaphore(%arg15 : memref<!tpu.dma_semaphore, #tpu.memory_space<semaphore_mem>>) src(%dma_wait3A_2412 : memref<160000x128xf32, #tpu.memory_space<hbm>>) dst(%arg13 : memref<16x128xf32, #tpu.memory_space<vmem>>)
    %get3A_2413 = arith.constant 112 : index
    %get3A_2414 = tpu.vector_load %arg7[%get3A_2413] {strides = array<i32>} : memref<160xf32, #tpu.memory_space<vmem>>, vector<16xf32>,
    %get3A_2415 = vector.shape_cast %get3A_2414 : vector<16xf32> to vector<16xf32>
    %get3A_2416 = arith.constant 144 : index
    %get3A_2417 = tpu.vector_load %arg7[%get3A_2416] {strides = array<i32>} : memref<160xf32, #tpu.memory_space<vmem>>, vector<16xf32>,
    %get3A_2418 = vector.shape_cast %get3A_2417 : vector<16xf32> to vector<16xf32>
    %select_n3A_2419 = arith.select %eq3A_74, %get3A_2418, %get3A_2415 : vector<16xf32>
    %get3A_2420 = arith.constant 32 : index
    %get3A_2421 = tpu.vector_load %arg7[%get3A_2420] {strides = array<i32>} : memref<160xf32, #tpu.memory_space<vmem>>, vector<16xf32>,
    %get3A_2422 = vector.shape_cast %get3A_2421 : vector<16xf32> to vector<16xf32>
    %get3A_2423 = arith.constant 64 : index
    %get3A_2424 = tpu.vector_load %arg7[%get3A_2423] {strides = array<i32>} : memref<160xf32, #tpu.memory_space<vmem>>, vector<16xf32>,
    %get3A_2425 = vector.shape_cast %get3A_2424 : vector<16xf32> to vector<16xf32>
    %select_n3A_2426 = arith.select %eq3A_74, %get3A_2425, %get3A_2422 : vector<16xf32>
    %select_n3A_2427 = arith.select %eq3A_72, %select_n3A_2419, %select_n3A_2426 : vector<16xf32>
    %broadcast_in_dim3A_2428 = arith.constant 0 : i32
    %broadcast_in_dim3A_2429 = vector.broadcast %broadcast_in_dim3A_2428 : i32 to vector<16x1xi32>
    %gather3A_2430 = vector.shape_cast %broadcast_in_dim3A_2429 : vector<16x1xi32> to vector<16xi32>
    %gather3A_2431 = tpu.dynamic_gather %select_n3A_2427[%gather3A_2430] in [0] : vector<16xf32>, vector<16xi32> -> vector<16xf32>
    %get3A_2432 = arith.constant 0 : i32
    %get3A_2433 = arith.index_cast %get3A_2432 : i32 to index
    %get3A_2434 = arith.constant 0 : index
    %get3A_2435 = tpu.vector_load %arg13[%get3A_2433, %get3A_2434] {strides = array<i32>} : memref<16x128xf32, #tpu.memory_space<vmem>>, vector<1x16xf32>,
    %get3A_2436 = vector.shape_cast %get3A_2435 : vector<1x16xf32> to vector<16xf32>
    %sub3A_2437 = arith.subf %get3A_2436, %gather3A_2431 : vector<16xf32>
    %mul3A_2438 = arith.mulf %sub3A_2437, %sub3A_2437 : vector<16xf32>
    %add3A_2439 = arith.addf %broadcast_in_dim3A_167, %mul3A_2438 : vector<16xf32>
    %get3A_2440 = arith.constant 0 : i32
    %get3A_2441 = arith.index_cast %get3A_2440 : i32 to index
    %get3A_2442 = arith.constant 16 : index
    %get3A_2443 = tpu.vector_load %arg13[%get3A_2441, %get3A_2442] {strides = array<i32>} : memref<16x128xf32, #tpu.memory_space<vmem>>, vector<1x16xf32>,
    %get3A_2444 = vector.shape_cast %get3A_2443 : vector<1x16xf32> to vector<16xf32>
    %sub3A_2445 = arith.subf %get3A_2444, %gather3A_2431 : vector<16xf32>
    %mul3A_2446 = arith.mulf %sub3A_2445, %sub3A_2445 : vector<16xf32>
    %add3A_2447 = arith.addf %add3A_2439, %mul3A_2446 : vector<16xf32>
    %get3A_2448 = arith.constant 0 : i32
    %get3A_2449 = arith.index_cast %get3A_2448 : i32 to index
    %get3A_2450 = arith.constant 32 : index
    %get3A_2451 = tpu.vector_load %arg13[%get3A_2449, %get3A_2450] {strides = array<i32>} : memref<16x128xf32, #tpu.memory_space<vmem>>, vector<1x16xf32>,
    %get3A_2452 = vector.shape_cast %get3A_2451 : vector<1x16xf32> to vector<16xf32>
    %sub3A_2453 = arith.subf %get3A_2452, %gather3A_2431 : vector<16xf32>
    %mul3A_2454 = arith.mulf %sub3A_2453, %sub3A_2453 : vector<16xf32>
    %add3A_2455 = arith.addf %add3A_2447, %mul3A_2454 : vector<16xf32>
    %get3A_2456 = arith.constant 0 : i32
    %get3A_2457 = arith.index_cast %get3A_2456 : i32 to index
    %get3A_2458 = arith.constant 48 : index
    %get3A_2459 = tpu.vector_load %arg13[%get3A_2457, %get3A_2458] {strides = array<i32>} : memref<16x128xf32, #tpu.memory_space<vmem>>, vector<1x16xf32>,
    %get3A_2460 = vector.shape_cast %get3A_2459 : vector<1x16xf32> to vector<16xf32>
    %sub3A_2461 = arith.subf %get3A_2460, %gather3A_2431 : vector<16xf32>
    %mul3A_2462 = arith.mulf %sub3A_2461, %sub3A_2461 : vector<16xf32>
    %add3A_2463 = arith.addf %add3A_2455, %mul3A_2462 : vector<16xf32>
    %get3A_2464 = arith.constant 0 : i32
    %get3A_2465 = arith.index_cast %get3A_2464 : i32 to index
    %get3A_2466 = arith.constant 64 : index
    %get3A_2467 = tpu.vector_load %arg13[%get3A_2465, %get3A_2466] {strides = array<i32>} : memref<16x128xf32, #tpu.memory_space<vmem>>, vector<1x16xf32>,
    %get3A_2468 = vector.shape_cast %get3A_2467 : vector<1x16xf32> to vector<16xf32>
    %sub3A_2469 = arith.subf %get3A_2468, %gather3A_2431 : vector<16xf32>
    %mul3A_2470 = arith.mulf %sub3A_2469, %sub3A_2469 : vector<16xf32>
    %add3A_2471 = arith.addf %add3A_2463, %mul3A_2470 : vector<16xf32>
    %get3A_2472 = arith.constant 0 : i32
    %get3A_2473 = arith.index_cast %get3A_2472 : i32 to index
    %get3A_2474 = arith.constant 80 : index
    %get3A_2475 = tpu.vector_load %arg13[%get3A_2473, %get3A_2474] {strides = array<i32>} : memref<16x128xf32, #tpu.memory_space<vmem>>, vector<1x16xf32>,
    %get3A_2476 = vector.shape_cast %get3A_2475 : vector<1x16xf32> to vector<16xf32>
    %sub3A_2477 = arith.subf %get3A_2476, %gather3A_2431 : vector<16xf32>
    %mul3A_2478 = arith.mulf %sub3A_2477, %sub3A_2477 : vector<16xf32>
    %add3A_2479 = arith.addf %add3A_2471, %mul3A_2478 : vector<16xf32>
    %get3A_2480 = arith.constant 0 : i32
    %get3A_2481 = arith.index_cast %get3A_2480 : i32 to index
    %get3A_2482 = arith.constant 96 : index
    %get3A_2483 = tpu.vector_load %arg13[%get3A_2481, %get3A_2482] {strides = array<i32>} : memref<16x128xf32, #tpu.memory_space<vmem>>, vector<1x16xf32>,
    %get3A_2484 = vector.shape_cast %get3A_2483 : vector<1x16xf32> to vector<16xf32>
    %sub3A_2485 = arith.subf %get3A_2484, %gather3A_2431 : vector<16xf32>
    %mul3A_2486 = arith.mulf %sub3A_2485, %sub3A_2485 : vector<16xf32>
    %add3A_2487 = arith.addf %add3A_2479, %mul3A_2486 : vector<16xf32>
    %get3A_2488 = arith.constant 0 : i32
    %get3A_2489 = arith.index_cast %get3A_2488 : i32 to index
    %get3A_2490 = arith.constant 112 : index
    %get3A_2491 = tpu.vector_load %arg13[%get3A_2489, %get3A_2490] {strides = array<i32>} : memref<16x128xf32, #tpu.memory_space<vmem>>, vector<1x16xf32>,
    %get3A_2492 = vector.shape_cast %get3A_2491 : vector<1x16xf32> to vector<16xf32>
    %sub3A_2493 = arith.subf %get3A_2492, %gather3A_2431 : vector<16xf32>
    %mul3A_2494 = arith.mulf %sub3A_2493, %sub3A_2493 : vector<16xf32>
    %add3A_2495 = arith.addf %add3A_2487, %mul3A_2494 : vector<16xf32>
    %add3A_2496 = arith.addf %add3A_2409, %add3A_2495 : vector<16xf32>
    %broadcast_in_dim3A_2497 = arith.constant 1 : i32
    %broadcast_in_dim3A_2498 = vector.broadcast %broadcast_in_dim3A_2497 : i32 to vector<16x1xi32>
    %gather3A_2499 = vector.shape_cast %broadcast_in_dim3A_2498 : vector<16x1xi32> to vector<16xi32>
    %gather3A_2500 = tpu.dynamic_gather %select_n3A_2427[%gather3A_2499] in [0] : vector<16xf32>, vector<16xi32> -> vector<16xf32>
    %get3A_2501 = arith.constant 1 : i32
    %get3A_2502 = arith.index_cast %get3A_2501 : i32 to index
    %get3A_2503 = arith.constant 0 : index
    %get3A_2504 = tpu.vector_load %arg13[%get3A_2502, %get3A_2503] {strides = array<i32>} : memref<16x128xf32, #tpu.memory_space<vmem>>, vector<1x16xf32>,
    %get3A_2505 = vector.shape_cast %get3A_2504 : vector<1x16xf32> to vector<16xf32>
    %sub3A_2506 = arith.subf %get3A_2505, %gather3A_2500 : vector<16xf32>
    %mul3A_2507 = arith.mulf %sub3A_2506, %sub3A_2506 : vector<16xf32>
    %add3A_2508 = arith.addf %broadcast_in_dim3A_167, %mul3A_2507 : vector<16xf32>
    %get3A_2509 = arith.constant 1 : i32
    %get3A_2510 = arith.index_cast %get3A_2509 : i32 to index
    %get3A_2511 = arith.constant 16 : index
    %get3A_2512 = tpu.vector_load %arg13[%get3A_2510, %get3A_2511] {strides = array<i32>} : memref<16x128xf32, #tpu.memory_space<vmem>>, vector<1x16xf32>,
    %get3A_2513 = vector.shape_cast %get3A_2512 : vector<1x16xf32> to vector<16xf32>
    %sub3A_2514 = arith.subf %get3A_2513, %gather3A_2500 : vector<16xf32>
    %mul3A_2515 = arith.mulf %sub3A_2514, %sub3A_2514 : vector<16xf32>
    %add3A_2516 = arith.addf %add3A_2508, %mul3A_2515 : vector<16xf32>
    %get3A_2517 = arith.constant 1 : i32
    %get3A_2518 = arith.index_cast %get3A_2517 : i32 to index
    %get3A_2519 = arith.constant 32 : index
    %get3A_2520 = tpu.vector_load %arg13[%get3A_2518, %get3A_2519] {strides = array<i32>} : memref<16x128xf32, #tpu.memory_space<vmem>>, vector<1x16xf32>,
    %get3A_2521 = vector.shape_cast %get3A_2520 : vector<1x16xf32> to vector<16xf32>
    %sub3A_2522 = arith.subf %get3A_2521, %gather3A_2500 : vector<16xf32>
    %mul3A_2523 = arith.mulf %sub3A_2522, %sub3A_2522 : vector<16xf32>
    %add3A_2524 = arith.addf %add3A_2516, %mul3A_2523 : vector<16xf32>
    %get3A_2525 = arith.constant 1 : i32
    %get3A_2526 = arith.index_cast %get3A_2525 : i32 to index
    %get3A_2527 = arith.constant 48 : index
    %get3A_2528 = tpu.vector_load %arg13[%get3A_2526, %get3A_2527] {strides = array<i32>} : memref<16x128xf32, #tpu.memory_space<vmem>>, vector<1x16xf32>,
    %get3A_2529 = vector.shape_cast %get3A_2528 : vector<1x16xf32> to vector<16xf32>
    %sub3A_2530 = arith.subf %get3A_2529, %gather3A_2500 : vector<16xf32>
    %mul3A_2531 = arith.mulf %sub3A_2530, %sub3A_2530 : vector<16xf32>
    %add3A_2532 = arith.addf %add3A_2524, %mul3A_2531 : vector<16xf32>
    %get3A_2533 = arith.constant 1 : i32
    %get3A_2534 = arith.index_cast %get3A_2533 : i32 to index
    %get3A_2535 = arith.constant 64 : index
    %get3A_2536 = tpu.vector_load %arg13[%get3A_2534, %get3A_2535] {strides = array<i32>} : memref<16x128xf32, #tpu.memory_space<vmem>>, vector<1x16xf32>,
    %get3A_2537 = vector.shape_cast %get3A_2536 : vector<1x16xf32> to vector<16xf32>
    %sub3A_2538 = arith.subf %get3A_2537, %gather3A_2500 : vector<16xf32>
    %mul3A_2539 = arith.mulf %sub3A_2538, %sub3A_2538 : vector<16xf32>
    %add3A_2540 = arith.addf %add3A_2532, %mul3A_2539 : vector<16xf32>
    %get3A_2541 = arith.constant 1 : i32
    %get3A_2542 = arith.index_cast %get3A_2541 : i32 to index
    %get3A_2543 = arith.constant 80 : index
    %get3A_2544 = tpu.vector_load %arg13[%get3A_2542, %get3A_2543] {strides = array<i32>} : memref<16x128xf32, #tpu.memory_space<vmem>>, vector<1x16xf32>,
    %get3A_2545 = vector.shape_cast %get3A_2544 : vector<1x16xf32> to vector<16xf32>
    %sub3A_2546 = arith.subf %get3A_2545, %gather3A_2500 : vector<16xf32>
    %mul3A_2547 = arith.mulf %sub3A_2546, %sub3A_2546 : vector<16xf32>
    %add3A_2548 = arith.addf %add3A_2540, %mul3A_2547 : vector<16xf32>
    %get3A_2549 = arith.constant 1 : i32
    %get3A_2550 = arith.index_cast %get3A_2549 : i32 to index
    %get3A_2551 = arith.constant 96 : index
    %get3A_2552 = tpu.vector_load %arg13[%get3A_2550, %get3A_2551] {strides = array<i32>} : memref<16x128xf32, #tpu.memory_space<vmem>>, vector<1x16xf32>,
    %get3A_2553 = vector.shape_cast %get3A_2552 : vector<1x16xf32> to vector<16xf32>
    %sub3A_2554 = arith.subf %get3A_2553, %gather3A_2500 : vector<16xf32>
    %mul3A_2555 = arith.mulf %sub3A_2554, %sub3A_2554 : vector<16xf32>
    %add3A_2556 = arith.addf %add3A_2548, %mul3A_2555 : vector<16xf32>
    %get3A_2557 = arith.constant 1 : i32
    %get3A_2558 = arith.index_cast %get3A_2557 : i32 to index
    %get3A_2559 = arith.constant 112 : index
    %get3A_2560 = tpu.vector_load %arg13[%get3A_2558, %get3A_2559] {strides = array<i32>} : memref<16x128xf32, #tpu.memory_space<vmem>>, vector<1x16xf32>,
    %get3A_2561 = vector.shape_cast %get3A_2560 : vector<1x16xf32> to vector<16xf32>
    %sub3A_2562 = arith.subf %get3A_2561, %gather3A_2500 : vector<16xf32>
    %mul3A_2563 = arith.mulf %sub3A_2562, %sub3A_2562 : vector<16xf32>
    %add3A_2564 = arith.addf %add3A_2556, %mul3A_2563 : vector<16xf32>
    %add3A_2565 = arith.addf %add3A_2496, %add3A_2564 : vector<16xf32>
    %broadcast_in_dim3A_2566 = arith.constant 2 : i32
    %broadcast_in_dim3A_2567 = vector.broadcast %broadcast_in_dim3A_2566 : i32 to vector<16x1xi32>
    %gather3A_2568 = vector.shape_cast %broadcast_in_dim3A_2567 : vector<16x1xi32> to vector<16xi32>
    %gather3A_2569 = tpu.dynamic_gather %select_n3A_2427[%gather3A_2568] in [0] : vector<16xf32>, vector<16xi32> -> vector<16xf32>
    %get3A_2570 = arith.constant 2 : i32
    %get3A_2571 = arith.index_cast %get3A_2570 : i32 to index
    %get3A_2572 = arith.constant 0 : index
    %get3A_2573 = tpu.vector_load %arg13[%get3A_2571, %get3A_2572] {strides = array<i32>} : memref<16x128xf32, #tpu.memory_space<vmem>>, vector<1x16xf32>,
    %get3A_2574 = vector.shape_cast %get3A_2573 : vector<1x16xf32> to vector<16xf32>
    %sub3A_2575 = arith.subf %get3A_2574, %gather3A_2569 : vector<16xf32>
    %mul3A_2576 = arith.mulf %sub3A_2575, %sub3A_2575 : vector<16xf32>
    %add3A_2577 = arith.addf %broadcast_in_dim3A_167, %mul3A_2576 : vector<16xf32>
    %get3A_2578 = arith.constant 2 : i32
    %get3A_2579 = arith.index_cast %get3A_2578 : i32 to index
    %get3A_2580 = arith.constant 16 : index
    %get3A_2581 = tpu.vector_load %arg13[%get3A_2579, %get3A_2580] {strides = array<i32>} : memref<16x128xf32, #tpu.memory_space<vmem>>, vector<1x16xf32>,
    %get3A_2582 = vector.shape_cast %get3A_2581 : vector<1x16xf32> to vector<16xf32>
    %sub3A_2583 = arith.subf %get3A_2582, %gather3A_2569 : vector<16xf32>
    %mul3A_2584 = arith.mulf %sub3A_2583, %sub3A_2583 : vector<16xf32>
    %add3A_2585 = arith.addf %add3A_2577, %mul3A_2584 : vector<16xf32>
    %get3A_2586 = arith.constant 2 : i32
    %get3A_2587 = arith.index_cast %get3A_2586 : i32 to index
    %get3A_2588 = arith.constant 32 : index
    %get3A_2589 = tpu.vector_load %arg13[%get3A_2587, %get3A_2588] {strides = array<i32>} : memref<16x128xf32, #tpu.memory_space<vmem>>, vector<1x16xf32>,
    %get3A_2590 = vector.shape_cast %get3A_2589 : vector<1x16xf32> to vector<16xf32>
    %sub3A_2591 = arith.subf %get3A_2590, %gather3A_2569 : vector<16xf32>
    %mul3A_2592 = arith.mulf %sub3A_2591, %sub3A_2591 : vector<16xf32>
    %add3A_2593 = arith.addf %add3A_2585, %mul3A_2592 : vector<16xf32>
    %get3A_2594 = arith.constant 2 : i32
    %get3A_2595 = arith.index_cast %get3A_2594 : i32 to index
    %get3A_2596 = arith.constant 48 : index
    %get3A_2597 = tpu.vector_load %arg13[%get3A_2595, %get3A_2596] {strides = array<i32>} : memref<16x128xf32, #tpu.memory_space<vmem>>, vector<1x16xf32>,
    %get3A_2598 = vector.shape_cast %get3A_2597 : vector<1x16xf32> to vector<16xf32>
    %sub3A_2599 = arith.subf %get3A_2598, %gather3A_2569 : vector<16xf32>
    %mul3A_2600 = arith.mulf %sub3A_2599, %sub3A_2599 : vector<16xf32>
    %add3A_2601 = arith.addf %add3A_2593, %mul3A_2600 : vector<16xf32>
    %get3A_2602 = arith.constant 2 : i32
    %get3A_2603 = arith.index_cast %get3A_2602 : i32 to index
    %get3A_2604 = arith.constant 64 : index
    %get3A_2605 = tpu.vector_load %arg13[%get3A_2603, %get3A_2604] {strides = array<i32>} : memref<16x128xf32, #tpu.memory_space<vmem>>, vector<1x16xf32>,
    %get3A_2606 = vector.shape_cast %get3A_2605 : vector<1x16xf32> to vector<16xf32>
    %sub3A_2607 = arith.subf %get3A_2606, %gather3A_2569 : vector<16xf32>
    %mul3A_2608 = arith.mulf %sub3A_2607, %sub3A_2607 : vector<16xf32>
    %add3A_2609 = arith.addf %add3A_2601, %mul3A_2608 : vector<16xf32>
    %get3A_2610 = arith.constant 2 : i32
    %get3A_2611 = arith.index_cast %get3A_2610 : i32 to index
    %get3A_2612 = arith.constant 80 : index
    %get3A_2613 = tpu.vector_load %arg13[%get3A_2611, %get3A_2612] {strides = array<i32>} : memref<16x128xf32, #tpu.memory_space<vmem>>, vector<1x16xf32>,
    %get3A_2614 = vector.shape_cast %get3A_2613 : vector<1x16xf32> to vector<16xf32>
    %sub3A_2615 = arith.subf %get3A_2614, %gather3A_2569 : vector<16xf32>
    %mul3A_2616 = arith.mulf %sub3A_2615, %sub3A_2615 : vector<16xf32>
    %add3A_2617 = arith.addf %add3A_2609, %mul3A_2616 : vector<16xf32>
    %get3A_2618 = arith.constant 2 : i32
    %get3A_2619 = arith.index_cast %get3A_2618 : i32 to index
    %get3A_2620 = arith.constant 96 : index
    %get3A_2621 = tpu.vector_load %arg13[%get3A_2619, %get3A_2620] {strides = array<i32>} : memref<16x128xf32, #tpu.memory_space<vmem>>, vector<1x16xf32>,
    %get3A_2622 = vector.shape_cast %get3A_2621 : vector<1x16xf32> to vector<16xf32>
    %sub3A_2623 = arith.subf %get3A_2622, %gather3A_2569 : vector<16xf32>
    %mul3A_2624 = arith.mulf %sub3A_2623, %sub3A_2623 : vector<16xf32>
    %add3A_2625 = arith.addf %add3A_2617, %mul3A_2624 : vector<16xf32>
    %get3A_2626 = arith.constant 2 : i32
    %get3A_2627 = arith.index_cast %get3A_2626 : i32 to index
    %get3A_2628 = arith.constant 112 : index
    %get3A_2629 = tpu.vector_load %arg13[%get3A_2627, %get3A_2628] {strides = array<i32>} : memref<16x128xf32, #tpu.memory_space<vmem>>, vector<1x16xf32>,
    %get3A_2630 = vector.shape_cast %get3A_2629 : vector<1x16xf32> to vector<16xf32>
    %sub3A_2631 = arith.subf %get3A_2630, %gather3A_2569 : vector<16xf32>
    %mul3A_2632 = arith.mulf %sub3A_2631, %sub3A_2631 : vector<16xf32>
    %add3A_2633 = arith.addf %add3A_2625, %mul3A_2632 : vector<16xf32>
    %add3A_2634 = arith.addf %add3A_2565, %add3A_2633 : vector<16xf32>
    %broadcast_in_dim3A_2635 = arith.constant 3 : i32
    %broadcast_in_dim3A_2636 = vector.broadcast %broadcast_in_dim3A_2635 : i32 to vector<16x1xi32>
    %gather3A_2637 = vector.shape_cast %broadcast_in_dim3A_2636 : vector<16x1xi32> to vector<16xi32>
    %gather3A_2638 = tpu.dynamic_gather %select_n3A_2427[%gather3A_2637] in [0] : vector<16xf32>, vector<16xi32> -> vector<16xf32>
    %get3A_2639 = arith.constant 3 : i32
    %get3A_2640 = arith.index_cast %get3A_2639 : i32 to index
    %get3A_2641 = arith.constant 0 : index
    %get3A_2642 = tpu.vector_load %arg13[%get3A_2640, %get3A_2641] {strides = array<i32>} : memref<16x128xf32, #tpu.memory_space<vmem>>, vector<1x16xf32>,
    %get3A_2643 = vector.shape_cast %get3A_2642 : vector<1x16xf32> to vector<16xf32>
    %sub3A_2644 = arith.subf %get3A_2643, %gather3A_2638 : vector<16xf32>
    %mul3A_2645 = arith.mulf %sub3A_2644, %sub3A_2644 : vector<16xf32>
    %add3A_2646 = arith.addf %broadcast_in_dim3A_167, %mul3A_2645 : vector<16xf32>
    %get3A_2647 = arith.constant 3 : i32
    %get3A_2648 = arith.index_cast %get3A_2647 : i32 to index
    %get3A_2649 = arith.constant 16 : index
    %get3A_2650 = tpu.vector_load %arg13[%get3A_2648, %get3A_2649] {strides = array<i32>} : memref<16x128xf32, #tpu.memory_space<vmem>>, vector<1x16xf32>,
    %get3A_2651 = vector.shape_cast %get3A_2650 : vector<1x16xf32> to vector<16xf32>
    %sub3A_2652 = arith.subf %get3A_2651, %gather3A_2638 : vector<16xf32>
    %mul3A_2653 = arith.mulf %sub3A_2652, %sub3A_2652 : vector<16xf32>
    %add3A_2654 = arith.addf %add3A_2646, %mul3A_2653 : vector<16xf32>
    %get3A_2655 = arith.constant 3 : i32
    %get3A_2656 = arith.index_cast %get3A_2655 : i32 to index
    %get3A_2657 = arith.constant 32 : index
    %get3A_2658 = tpu.vector_load %arg13[%get3A_2656, %get3A_2657] {strides = array<i32>} : memref<16x128xf32, #tpu.memory_space<vmem>>, vector<1x16xf32>,
    %get3A_2659 = vector.shape_cast %get3A_2658 : vector<1x16xf32> to vector<16xf32>
    %sub3A_2660 = arith.subf %get3A_2659, %gather3A_2638 : vector<16xf32>
    %mul3A_2661 = arith.mulf %sub3A_2660, %sub3A_2660 : vector<16xf32>
    %add3A_2662 = arith.addf %add3A_2654, %mul3A_2661 : vector<16xf32>
    %get3A_2663 = arith.constant 3 : i32
    %get3A_2664 = arith.index_cast %get3A_2663 : i32 to index
    %get3A_2665 = arith.constant 48 : index
    %get3A_2666 = tpu.vector_load %arg13[%get3A_2664, %get3A_2665] {strides = array<i32>} : memref<16x128xf32, #tpu.memory_space<vmem>>, vector<1x16xf32>,
    %get3A_2667 = vector.shape_cast %get3A_2666 : vector<1x16xf32> to vector<16xf32>
    %sub3A_2668 = arith.subf %get3A_2667, %gather3A_2638 : vector<16xf32>
    %mul3A_2669 = arith.mulf %sub3A_2668, %sub3A_2668 : vector<16xf32>
    %add3A_2670 = arith.addf %add3A_2662, %mul3A_2669 : vector<16xf32>
    %get3A_2671 = arith.constant 3 : i32
    %get3A_2672 = arith.index_cast %get3A_2671 : i32 to index
    %get3A_2673 = arith.constant 64 : index
    %get3A_2674 = tpu.vector_load %arg13[%get3A_2672, %get3A_2673] {strides = array<i32>} : memref<16x128xf32, #tpu.memory_space<vmem>>, vector<1x16xf32>,
    %get3A_2675 = vector.shape_cast %get3A_2674 : vector<1x16xf32> to vector<16xf32>
    %sub3A_2676 = arith.subf %get3A_2675, %gather3A_2638 : vector<16xf32>
    %mul3A_2677 = arith.mulf %sub3A_2676, %sub3A_2676 : vector<16xf32>
    %add3A_2678 = arith.addf %add3A_2670, %mul3A_2677 : vector<16xf32>
    %get3A_2679 = arith.constant 3 : i32
    %get3A_2680 = arith.index_cast %get3A_2679 : i32 to index
    %get3A_2681 = arith.constant 80 : index
    %get3A_2682 = tpu.vector_load %arg13[%get3A_2680, %get3A_2681] {strides = array<i32>} : memref<16x128xf32, #tpu.memory_space<vmem>>, vector<1x16xf32>,
    %get3A_2683 = vector.shape_cast %get3A_2682 : vector<1x16xf32> to vector<16xf32>
    %sub3A_2684 = arith.subf %get3A_2683, %gather3A_2638 : vector<16xf32>
    %mul3A_2685 = arith.mulf %sub3A_2684, %sub3A_2684 : vector<16xf32>
    %add3A_2686 = arith.addf %add3A_2678, %mul3A_2685 : vector<16xf32>
    %get3A_2687 = arith.constant 3 : i32
    %get3A_2688 = arith.index_cast %get3A_2687 : i32 to index
    %get3A_2689 = arith.constant 96 : index
    %get3A_2690 = tpu.vector_load %arg13[%get3A_2688, %get3A_2689] {strides = array<i32>} : memref<16x128xf32, #tpu.memory_space<vmem>>, vector<1x16xf32>,
    %get3A_2691 = vector.shape_cast %get3A_2690 : vector<1x16xf32> to vector<16xf32>
    %sub3A_2692 = arith.subf %get3A_2691, %gather3A_2638 : vector<16xf32>
    %mul3A_2693 = arith.mulf %sub3A_2692, %sub3A_2692 : vector<16xf32>
    %add3A_2694 = arith.addf %add3A_2686, %mul3A_2693 : vector<16xf32>
    %get3A_2695 = arith.constant 3 : i32
    %get3A_2696 = arith.index_cast %get3A_2695 : i32 to index
    %get3A_2697 = arith.constant 112 : index
    %get3A_2698 = tpu.vector_load %arg13[%get3A_2696, %get3A_2697] {strides = array<i32>} : memref<16x128xf32, #tpu.memory_space<vmem>>, vector<1x16xf32>,
    %get3A_2699 = vector.shape_cast %get3A_2698 : vector<1x16xf32> to vector<16xf32>
    %sub3A_2700 = arith.subf %get3A_2699, %gather3A_2638 : vector<16xf32>
    %mul3A_2701 = arith.mulf %sub3A_2700, %sub3A_2700 : vector<16xf32>
    %add3A_2702 = arith.addf %add3A_2694, %mul3A_2701 : vector<16xf32>
    %add3A_2703 = arith.addf %add3A_2634, %add3A_2702 : vector<16xf32>
    %broadcast_in_dim3A_2704 = arith.constant 4 : i32
    %broadcast_in_dim3A_2705 = vector.broadcast %broadcast_in_dim3A_2704 : i32 to vector<16x1xi32>
    %gather3A_2706 = vector.shape_cast %broadcast_in_dim3A_2705 : vector<16x1xi32> to vector<16xi32>
    %gather3A_2707 = tpu.dynamic_gather %select_n3A_2427[%gather3A_2706] in [0] : vector<16xf32>, vector<16xi32> -> vector<16xf32>
    %get3A_2708 = arith.constant 4 : i32
    %get3A_2709 = arith.index_cast %get3A_2708 : i32 to index
    %get3A_2710 = arith.constant 0 : index
    %get3A_2711 = tpu.vector_load %arg13[%get3A_2709, %get3A_2710] {strides = array<i32>} : memref<16x128xf32, #tpu.memory_space<vmem>>, vector<1x16xf32>,
    %get3A_2712 = vector.shape_cast %get3A_2711 : vector<1x16xf32> to vector<16xf32>
    %sub3A_2713 = arith.subf %get3A_2712, %gather3A_2707 : vector<16xf32>
    %mul3A_2714 = arith.mulf %sub3A_2713, %sub3A_2713 : vector<16xf32>
    %add3A_2715 = arith.addf %broadcast_in_dim3A_167, %mul3A_2714 : vector<16xf32>
    %get3A_2716 = arith.constant 4 : i32
    %get3A_2717 = arith.index_cast %get3A_2716 : i32 to index
    %get3A_2718 = arith.constant 16 : index
    %get3A_2719 = tpu.vector_load %arg13[%get3A_2717, %get3A_2718] {strides = array<i32>} : memref<16x128xf32, #tpu.memory_space<vmem>>, vector<1x16xf32>,
    %get3A_2720 = vector.shape_cast %get3A_2719 : vector<1x16xf32> to vector<16xf32>
    %sub3A_2721 = arith.subf %get3A_2720, %gather3A_2707 : vector<16xf32>
    %mul3A_2722 = arith.mulf %sub3A_2721, %sub3A_2721 : vector<16xf32>
    %add3A_2723 = arith.addf %add3A_2715, %mul3A_2722 : vector<16xf32>
    %get3A_2724 = arith.constant 4 : i32
    %get3A_2725 = arith.index_cast %get3A_2724 : i32 to index
    %get3A_2726 = arith.constant 32 : index
    %get3A_2727 = tpu.vector_load %arg13[%get3A_2725, %get3A_2726] {strides = array<i32>} : memref<16x128xf32, #tpu.memory_space<vmem>>, vector<1x16xf32>,
    %get3A_2728 = vector.shape_cast %get3A_2727 : vector<1x16xf32> to vector<16xf32>
    %sub3A_2729 = arith.subf %get3A_2728, %gather3A_2707 : vector<16xf32>
    %mul3A_2730 = arith.mulf %sub3A_2729, %sub3A_2729 : vector<16xf32>
    %add3A_2731 = arith.addf %add3A_2723, %mul3A_2730 : vector<16xf32>
    %get3A_2732 = arith.constant 4 : i32
    %get3A_2733 = arith.index_cast %get3A_2732 : i32 to index
    %get3A_2734 = arith.constant 48 : index
    %get3A_2735 = tpu.vector_load %arg13[%get3A_2733, %get3A_2734] {strides = array<i32>} : memref<16x128xf32, #tpu.memory_space<vmem>>, vector<1x16xf32>,
    %get3A_2736 = vector.shape_cast %get3A_2735 : vector<1x16xf32> to vector<16xf32>
    %sub3A_2737 = arith.subf %get3A_2736, %gather3A_2707 : vector<16xf32>
    %mul3A_2738 = arith.mulf %sub3A_2737, %sub3A_2737 : vector<16xf32>
    %add3A_2739 = arith.addf %add3A_2731, %mul3A_2738 : vector<16xf32>
    %get3A_2740 = arith.constant 4 : i32
    %get3A_2741 = arith.index_cast %get3A_2740 : i32 to index
    %get3A_2742 = arith.constant 64 : index
    %get3A_2743 = tpu.vector_load %arg13[%get3A_2741, %get3A_2742] {strides = array<i32>} : memref<16x128xf32, #tpu.memory_space<vmem>>, vector<1x16xf32>,
    %get3A_2744 = vector.shape_cast %get3A_2743 : vector<1x16xf32> to vector<16xf32>
    %sub3A_2745 = arith.subf %get3A_2744, %gather3A_2707 : vector<16xf32>
    %mul3A_2746 = arith.mulf %sub3A_2745, %sub3A_2745 : vector<16xf32>
    %add3A_2747 = arith.addf %add3A_2739, %mul3A_2746 : vector<16xf32>
    %get3A_2748 = arith.constant 4 : i32
    %get3A_2749 = arith.index_cast %get3A_2748 : i32 to index
    %get3A_2750 = arith.constant 80 : index
    %get3A_2751 = tpu.vector_load %arg13[%get3A_2749, %get3A_2750] {strides = array<i32>} : memref<16x128xf32, #tpu.memory_space<vmem>>, vector<1x16xf32>,
    %get3A_2752 = vector.shape_cast %get3A_2751 : vector<1x16xf32> to vector<16xf32>
    %sub3A_2753 = arith.subf %get3A_2752, %gather3A_2707 : vector<16xf32>
    %mul3A_2754 = arith.mulf %sub3A_2753, %sub3A_2753 : vector<16xf32>
    %add3A_2755 = arith.addf %add3A_2747, %mul3A_2754 : vector<16xf32>
    %get3A_2756 = arith.constant 4 : i32
    %get3A_2757 = arith.index_cast %get3A_2756 : i32 to index
    %get3A_2758 = arith.constant 96 : index
    %get3A_2759 = tpu.vector_load %arg13[%get3A_2757, %get3A_2758] {strides = array<i32>} : memref<16x128xf32, #tpu.memory_space<vmem>>, vector<1x16xf32>,
    %get3A_2760 = vector.shape_cast %get3A_2759 : vector<1x16xf32> to vector<16xf32>
    %sub3A_2761 = arith.subf %get3A_2760, %gather3A_2707 : vector<16xf32>
    %mul3A_2762 = arith.mulf %sub3A_2761, %sub3A_2761 : vector<16xf32>
    %add3A_2763 = arith.addf %add3A_2755, %mul3A_2762 : vector<16xf32>
    %get3A_2764 = arith.constant 4 : i32
    %get3A_2765 = arith.index_cast %get3A_2764 : i32 to index
    %get3A_2766 = arith.constant 112 : index
    %get3A_2767 = tpu.vector_load %arg13[%get3A_2765, %get3A_2766] {strides = array<i32>} : memref<16x128xf32, #tpu.memory_space<vmem>>, vector<1x16xf32>,
    %get3A_2768 = vector.shape_cast %get3A_2767 : vector<1x16xf32> to vector<16xf32>
    %sub3A_2769 = arith.subf %get3A_2768, %gather3A_2707 : vector<16xf32>
    %mul3A_2770 = arith.mulf %sub3A_2769, %sub3A_2769 : vector<16xf32>
    %add3A_2771 = arith.addf %add3A_2763, %mul3A_2770 : vector<16xf32>
    %add3A_2772 = arith.addf %add3A_2703, %add3A_2771 : vector<16xf32>
    %broadcast_in_dim3A_2773 = arith.constant 5 : i32
    %broadcast_in_dim3A_2774 = vector.broadcast %broadcast_in_dim3A_2773 : i32 to vector<16x1xi32>
    %gather3A_2775 = vector.shape_cast %broadcast_in_dim3A_2774 : vector<16x1xi32> to vector<16xi32>
    %gather3A_2776 = tpu.dynamic_gather %select_n3A_2427[%gather3A_2775] in [0] : vector<16xf32>, vector<16xi32> -> vector<16xf32>
    %get3A_2777 = arith.constant 5 : i32
    %get3A_2778 = arith.index_cast %get3A_2777 : i32 to index
    %get3A_2779 = arith.constant 0 : index
    %get3A_2780 = tpu.vector_load %arg13[%get3A_2778, %get3A_2779] {strides = array<i32>} : memref<16x128xf32, #tpu.memory_space<vmem>>, vector<1x16xf32>,
    %get3A_2781 = vector.shape_cast %get3A_2780 : vector<1x16xf32> to vector<16xf32>
    %sub3A_2782 = arith.subf %get3A_2781, %gather3A_2776 : vector<16xf32>
    %mul3A_2783 = arith.mulf %sub3A_2782, %sub3A_2782 : vector<16xf32>
    %add3A_2784 = arith.addf %broadcast_in_dim3A_167, %mul3A_2783 : vector<16xf32>
    %get3A_2785 = arith.constant 5 : i32
    %get3A_2786 = arith.index_cast %get3A_2785 : i32 to index
    %get3A_2787 = arith.constant 16 : index
    %get3A_2788 = tpu.vector_load %arg13[%get3A_2786, %get3A_2787] {strides = array<i32>} : memref<16x128xf32, #tpu.memory_space<vmem>>, vector<1x16xf32>,
    %get3A_2789 = vector.shape_cast %get3A_2788 : vector<1x16xf32> to vector<16xf32>
    %sub3A_2790 = arith.subf %get3A_2789, %gather3A_2776 : vector<16xf32>
    %mul3A_2791 = arith.mulf %sub3A_2790, %sub3A_2790 : vector<16xf32>
    %add3A_2792 = arith.addf %add3A_2784, %mul3A_2791 : vector<16xf32>
    %get3A_2793 = arith.constant 5 : i32
    %get3A_2794 = arith.index_cast %get3A_2793 : i32 to index
    %get3A_2795 = arith.constant 32 : index
    %get3A_2796 = tpu.vector_load %arg13[%get3A_2794, %get3A_2795] {strides = array<i32>} : memref<16x128xf32, #tpu.memory_space<vmem>>, vector<1x16xf32>,
    %get3A_2797 = vector.shape_cast %get3A_2796 : vector<1x16xf32> to vector<16xf32>
    %sub3A_2798 = arith.subf %get3A_2797, %gather3A_2776 : vector<16xf32>
    %mul3A_2799 = arith.mulf %sub3A_2798, %sub3A_2798 : vector<16xf32>
    %add3A_2800 = arith.addf %add3A_2792, %mul3A_2799 : vector<16xf32>
    %get3A_2801 = arith.constant 5 : i32
    %get3A_2802 = arith.index_cast %get3A_2801 : i32 to index
    %get3A_2803 = arith.constant 48 : index
    %get3A_2804 = tpu.vector_load %arg13[%get3A_2802, %get3A_2803] {strides = array<i32>} : memref<16x128xf32, #tpu.memory_space<vmem>>, vector<1x16xf32>,
    %get3A_2805 = vector.shape_cast %get3A_2804 : vector<1x16xf32> to vector<16xf32>
    %sub3A_2806 = arith.subf %get3A_2805, %gather3A_2776 : vector<16xf32>
    %mul3A_2807 = arith.mulf %sub3A_2806, %sub3A_2806 : vector<16xf32>
    %add3A_2808 = arith.addf %add3A_2800, %mul3A_2807 : vector<16xf32>
    %get3A_2809 = arith.constant 5 : i32
    %get3A_2810 = arith.index_cast %get3A_2809 : i32 to index
    %get3A_2811 = arith.constant 64 : index
    %get3A_2812 = tpu.vector_load %arg13[%get3A_2810, %get3A_2811] {strides = array<i32>} : memref<16x128xf32, #tpu.memory_space<vmem>>, vector<1x16xf32>,
    %get3A_2813 = vector.shape_cast %get3A_2812 : vector<1x16xf32> to vector<16xf32>
    %sub3A_2814 = arith.subf %get3A_2813, %gather3A_2776 : vector<16xf32>
    %mul3A_2815 = arith.mulf %sub3A_2814, %sub3A_2814 : vector<16xf32>
    %add3A_2816 = arith.addf %add3A_2808, %mul3A_2815 : vector<16xf32>
    %get3A_2817 = arith.constant 5 : i32
    %get3A_2818 = arith.index_cast %get3A_2817 : i32 to index
    %get3A_2819 = arith.constant 80 : index
    %get3A_2820 = tpu.vector_load %arg13[%get3A_2818, %get3A_2819] {strides = array<i32>} : memref<16x128xf32, #tpu.memory_space<vmem>>, vector<1x16xf32>,
    %get3A_2821 = vector.shape_cast %get3A_2820 : vector<1x16xf32> to vector<16xf32>
    %sub3A_2822 = arith.subf %get3A_2821, %gather3A_2776 : vector<16xf32>
    %mul3A_2823 = arith.mulf %sub3A_2822, %sub3A_2822 : vector<16xf32>
    %add3A_2824 = arith.addf %add3A_2816, %mul3A_2823 : vector<16xf32>
    %get3A_2825 = arith.constant 5 : i32
    %get3A_2826 = arith.index_cast %get3A_2825 : i32 to index
    %get3A_2827 = arith.constant 96 : index
    %get3A_2828 = tpu.vector_load %arg13[%get3A_2826, %get3A_2827] {strides = array<i32>} : memref<16x128xf32, #tpu.memory_space<vmem>>, vector<1x16xf32>,
    %get3A_2829 = vector.shape_cast %get3A_2828 : vector<1x16xf32> to vector<16xf32>
    %sub3A_2830 = arith.subf %get3A_2829, %gather3A_2776 : vector<16xf32>
    %mul3A_2831 = arith.mulf %sub3A_2830, %sub3A_2830 : vector<16xf32>
    %add3A_2832 = arith.addf %add3A_2824, %mul3A_2831 : vector<16xf32>
    %get3A_2833 = arith.constant 5 : i32
    %get3A_2834 = arith.index_cast %get3A_2833 : i32 to index
    %get3A_2835 = arith.constant 112 : index
    %get3A_2836 = tpu.vector_load %arg13[%get3A_2834, %get3A_2835] {strides = array<i32>} : memref<16x128xf32, #tpu.memory_space<vmem>>, vector<1x16xf32>,
    %get3A_2837 = vector.shape_cast %get3A_2836 : vector<1x16xf32> to vector<16xf32>
    %sub3A_2838 = arith.subf %get3A_2837, %gather3A_2776 : vector<16xf32>
    %mul3A_2839 = arith.mulf %sub3A_2838, %sub3A_2838 : vector<16xf32>
    %add3A_2840 = arith.addf %add3A_2832, %mul3A_2839 : vector<16xf32>
    %add3A_2841 = arith.addf %add3A_2772, %add3A_2840 : vector<16xf32>
    %broadcast_in_dim3A_2842 = arith.constant 6 : i32
    %broadcast_in_dim3A_2843 = vector.broadcast %broadcast_in_dim3A_2842 : i32 to vector<16x1xi32>
    %gather3A_2844 = vector.shape_cast %broadcast_in_dim3A_2843 : vector<16x1xi32> to vector<16xi32>
    %gather3A_2845 = tpu.dynamic_gather %select_n3A_2427[%gather3A_2844] in [0] : vector<16xf32>, vector<16xi32> -> vector<16xf32>
    %get3A_2846 = arith.constant 6 : i32
    %get3A_2847 = arith.index_cast %get3A_2846 : i32 to index
    %get3A_2848 = arith.constant 0 : index
    %get3A_2849 = tpu.vector_load %arg13[%get3A_2847, %get3A_2848] {strides = array<i32>} : memref<16x128xf32, #tpu.memory_space<vmem>>, vector<1x16xf32>,
    %get3A_2850 = vector.shape_cast %get3A_2849 : vector<1x16xf32> to vector<16xf32>
    %sub3A_2851 = arith.subf %get3A_2850, %gather3A_2845 : vector<16xf32>
    %mul3A_2852 = arith.mulf %sub3A_2851, %sub3A_2851 : vector<16xf32>
    %add3A_2853 = arith.addf %broadcast_in_dim3A_167, %mul3A_2852 : vector<16xf32>
    %get3A_2854 = arith.constant 6 : i32
    %get3A_2855 = arith.index_cast %get3A_2854 : i32 to index
    %get3A_2856 = arith.constant 16 : index
    %get3A_2857 = tpu.vector_load %arg13[%get3A_2855, %get3A_2856] {strides = array<i32>} : memref<16x128xf32, #tpu.memory_space<vmem>>, vector<1x16xf32>,
    %get3A_2858 = vector.shape_cast %get3A_2857 : vector<1x16xf32> to vector<16xf32>
    %sub3A_2859 = arith.subf %get3A_2858, %gather3A_2845 : vector<16xf32>
    %mul3A_2860 = arith.mulf %sub3A_2859, %sub3A_2859 : vector<16xf32>
    %add3A_2861 = arith.addf %add3A_2853, %mul3A_2860 : vector<16xf32>
    %get3A_2862 = arith.constant 6 : i32
    %get3A_2863 = arith.index_cast %get3A_2862 : i32 to index
    %get3A_2864 = arith.constant 32 : index
    %get3A_2865 = tpu.vector_load %arg13[%get3A_2863, %get3A_2864] {strides = array<i32>} : memref<16x128xf32, #tpu.memory_space<vmem>>, vector<1x16xf32>,
    %get3A_2866 = vector.shape_cast %get3A_2865 : vector<1x16xf32> to vector<16xf32>
    %sub3A_2867 = arith.subf %get3A_2866, %gather3A_2845 : vector<16xf32>
    %mul3A_2868 = arith.mulf %sub3A_2867, %sub3A_2867 : vector<16xf32>
    %add3A_2869 = arith.addf %add3A_2861, %mul3A_2868 : vector<16xf32>
    %get3A_2870 = arith.constant 6 : i32
    %get3A_2871 = arith.index_cast %get3A_2870 : i32 to index
    %get3A_2872 = arith.constant 48 : index
    %get3A_2873 = tpu.vector_load %arg13[%get3A_2871, %get3A_2872] {strides = array<i32>} : memref<16x128xf32, #tpu.memory_space<vmem>>, vector<1x16xf32>,
    %get3A_2874 = vector.shape_cast %get3A_2873 : vector<1x16xf32> to vector<16xf32>
    %sub3A_2875 = arith.subf %get3A_2874, %gather3A_2845 : vector<16xf32>
    %mul3A_2876 = arith.mulf %sub3A_2875, %sub3A_2875 : vector<16xf32>
    %add3A_2877 = arith.addf %add3A_2869, %mul3A_2876 : vector<16xf32>
    %get3A_2878 = arith.constant 6 : i32
    %get3A_2879 = arith.index_cast %get3A_2878 : i32 to index
    %get3A_2880 = arith.constant 64 : index
    %get3A_2881 = tpu.vector_load %arg13[%get3A_2879, %get3A_2880] {strides = array<i32>} : memref<16x128xf32, #tpu.memory_space<vmem>>, vector<1x16xf32>,
    %get3A_2882 = vector.shape_cast %get3A_2881 : vector<1x16xf32> to vector<16xf32>
    %sub3A_2883 = arith.subf %get3A_2882, %gather3A_2845 : vector<16xf32>
    %mul3A_2884 = arith.mulf %sub3A_2883, %sub3A_2883 : vector<16xf32>
    %add3A_2885 = arith.addf %add3A_2877, %mul3A_2884 : vector<16xf32>
    %get3A_2886 = arith.constant 6 : i32
    %get3A_2887 = arith.index_cast %get3A_2886 : i32 to index
    %get3A_2888 = arith.constant 80 : index
    %get3A_2889 = tpu.vector_load %arg13[%get3A_2887, %get3A_2888] {strides = array<i32>} : memref<16x128xf32, #tpu.memory_space<vmem>>, vector<1x16xf32>,
    %get3A_2890 = vector.shape_cast %get3A_2889 : vector<1x16xf32> to vector<16xf32>
    %sub3A_2891 = arith.subf %get3A_2890, %gather3A_2845 : vector<16xf32>
    %mul3A_2892 = arith.mulf %sub3A_2891, %sub3A_2891 : vector<16xf32>
    %add3A_2893 = arith.addf %add3A_2885, %mul3A_2892 : vector<16xf32>
    %get3A_2894 = arith.constant 6 : i32
    %get3A_2895 = arith.index_cast %get3A_2894 : i32 to index
    %get3A_2896 = arith.constant 96 : index
    %get3A_2897 = tpu.vector_load %arg13[%get3A_2895, %get3A_2896] {strides = array<i32>} : memref<16x128xf32, #tpu.memory_space<vmem>>, vector<1x16xf32>,
    %get3A_2898 = vector.shape_cast %get3A_2897 : vector<1x16xf32> to vector<16xf32>
    %sub3A_2899 = arith.subf %get3A_2898, %gather3A_2845 : vector<16xf32>
    %mul3A_2900 = arith.mulf %sub3A_2899, %sub3A_2899 : vector<16xf32>
    %add3A_2901 = arith.addf %add3A_2893, %mul3A_2900 : vector<16xf32>
    %get3A_2902 = arith.constant 6 : i32
    %get3A_2903 = arith.index_cast %get3A_2902 : i32 to index
    %get3A_2904 = arith.constant 112 : index
    %get3A_2905 = tpu.vector_load %arg13[%get3A_2903, %get3A_2904] {strides = array<i32>} : memref<16x128xf32, #tpu.memory_space<vmem>>, vector<1x16xf32>,
    %get3A_2906 = vector.shape_cast %get3A_2905 : vector<1x16xf32> to vector<16xf32>
    %sub3A_2907 = arith.subf %get3A_2906, %gather3A_2845 : vector<16xf32>
    %mul3A_2908 = arith.mulf %sub3A_2907, %sub3A_2907 : vector<16xf32>
    %add3A_2909 = arith.addf %add3A_2901, %mul3A_2908 : vector<16xf32>
    %add3A_2910 = arith.addf %add3A_2841, %add3A_2909 : vector<16xf32>
    %broadcast_in_dim3A_2911 = arith.constant 7 : i32
    %broadcast_in_dim3A_2912 = vector.broadcast %broadcast_in_dim3A_2911 : i32 to vector<16x1xi32>
    %gather3A_2913 = vector.shape_cast %broadcast_in_dim3A_2912 : vector<16x1xi32> to vector<16xi32>
    %gather3A_2914 = tpu.dynamic_gather %select_n3A_2427[%gather3A_2913] in [0] : vector<16xf32>, vector<16xi32> -> vector<16xf32>
    %get3A_2915 = arith.constant 7 : i32
    %get3A_2916 = arith.index_cast %get3A_2915 : i32 to index
    %get3A_2917 = arith.constant 0 : index
    %get3A_2918 = tpu.vector_load %arg13[%get3A_2916, %get3A_2917] {strides = array<i32>} : memref<16x128xf32, #tpu.memory_space<vmem>>, vector<1x16xf32>,
    %get3A_2919 = vector.shape_cast %get3A_2918 : vector<1x16xf32> to vector<16xf32>
    %sub3A_2920 = arith.subf %get3A_2919, %gather3A_2914 : vector<16xf32>
    %mul3A_2921 = arith.mulf %sub3A_2920, %sub3A_2920 : vector<16xf32>
    %add3A_2922 = arith.addf %broadcast_in_dim3A_167, %mul3A_2921 : vector<16xf32>
    %get3A_2923 = arith.constant 7 : i32
    %get3A_2924 = arith.index_cast %get3A_2923 : i32 to index
    %get3A_2925 = arith.constant 16 : index
    %get3A_2926 = tpu.vector_load %arg13[%get3A_2924, %get3A_2925] {strides = array<i32>} : memref<16x128xf32, #tpu.memory_space<vmem>>, vector<1x16xf32>,
    %get3A_2927 = vector.shape_cast %get3A_2926 : vector<1x16xf32> to vector<16xf32>
    %sub3A_2928 = arith.subf %get3A_2927, %gather3A_2914 : vector<16xf32>
    %mul3A_2929 = arith.mulf %sub3A_2928, %sub3A_2928 : vector<16xf32>
    %add3A_2930 = arith.addf %add3A_2922, %mul3A_2929 : vector<16xf32>
    %get3A_2931 = arith.constant 7 : i32
    %get3A_2932 = arith.index_cast %get3A_2931 : i32 to index
    %get3A_2933 = arith.constant 32 : index
    %get3A_2934 = tpu.vector_load %arg13[%get3A_2932, %get3A_2933] {strides = array<i32>} : memref<16x128xf32, #tpu.memory_space<vmem>>, vector<1x16xf32>,
    %get3A_2935 = vector.shape_cast %get3A_2934 : vector<1x16xf32> to vector<16xf32>
    %sub3A_2936 = arith.subf %get3A_2935, %gather3A_2914 : vector<16xf32>
    %mul3A_2937 = arith.mulf %sub3A_2936, %sub3A_2936 : vector<16xf32>
    %add3A_2938 = arith.addf %add3A_2930, %mul3A_2937 : vector<16xf32>
    %get3A_2939 = arith.constant 7 : i32
    %get3A_2940 = arith.index_cast %get3A_2939 : i32 to index
    %get3A_2941 = arith.constant 48 : index
    %get3A_2942 = tpu.vector_load %arg13[%get3A_2940, %get3A_2941] {strides = array<i32>} : memref<16x128xf32, #tpu.memory_space<vmem>>, vector<1x16xf32>,
    %get3A_2943 = vector.shape_cast %get3A_2942 : vector<1x16xf32> to vector<16xf32>
    %sub3A_2944 = arith.subf %get3A_2943, %gather3A_2914 : vector<16xf32>
    %mul3A_2945 = arith.mulf %sub3A_2944, %sub3A_2944 : vector<16xf32>
    %add3A_2946 = arith.addf %add3A_2938, %mul3A_2945 : vector<16xf32>
    %get3A_2947 = arith.constant 7 : i32
    %get3A_2948 = arith.index_cast %get3A_2947 : i32 to index
    %get3A_2949 = arith.constant 64 : index
    %get3A_2950 = tpu.vector_load %arg13[%get3A_2948, %get3A_2949] {strides = array<i32>} : memref<16x128xf32, #tpu.memory_space<vmem>>, vector<1x16xf32>,
    %get3A_2951 = vector.shape_cast %get3A_2950 : vector<1x16xf32> to vector<16xf32>
    %sub3A_2952 = arith.subf %get3A_2951, %gather3A_2914 : vector<16xf32>
    %mul3A_2953 = arith.mulf %sub3A_2952, %sub3A_2952 : vector<16xf32>
    %add3A_2954 = arith.addf %add3A_2946, %mul3A_2953 : vector<16xf32>
    %get3A_2955 = arith.constant 7 : i32
    %get3A_2956 = arith.index_cast %get3A_2955 : i32 to index
    %get3A_2957 = arith.constant 80 : index
    %get3A_2958 = tpu.vector_load %arg13[%get3A_2956, %get3A_2957] {strides = array<i32>} : memref<16x128xf32, #tpu.memory_space<vmem>>, vector<1x16xf32>,
    %get3A_2959 = vector.shape_cast %get3A_2958 : vector<1x16xf32> to vector<16xf32>
    %sub3A_2960 = arith.subf %get3A_2959, %gather3A_2914 : vector<16xf32>
    %mul3A_2961 = arith.mulf %sub3A_2960, %sub3A_2960 : vector<16xf32>
    %add3A_2962 = arith.addf %add3A_2954, %mul3A_2961 : vector<16xf32>
    %get3A_2963 = arith.constant 7 : i32
    %get3A_2964 = arith.index_cast %get3A_2963 : i32 to index
    %get3A_2965 = arith.constant 96 : index
    %get3A_2966 = tpu.vector_load %arg13[%get3A_2964, %get3A_2965] {strides = array<i32>} : memref<16x128xf32, #tpu.memory_space<vmem>>, vector<1x16xf32>,
    %get3A_2967 = vector.shape_cast %get3A_2966 : vector<1x16xf32> to vector<16xf32>
    %sub3A_2968 = arith.subf %get3A_2967, %gather3A_2914 : vector<16xf32>
    %mul3A_2969 = arith.mulf %sub3A_2968, %sub3A_2968 : vector<16xf32>
    %add3A_2970 = arith.addf %add3A_2962, %mul3A_2969 : vector<16xf32>
    %get3A_2971 = arith.constant 7 : i32
    %get3A_2972 = arith.index_cast %get3A_2971 : i32 to index
    %get3A_2973 = arith.constant 112 : index
    %get3A_2974 = tpu.vector_load %arg13[%get3A_2972, %get3A_2973] {strides = array<i32>} : memref<16x128xf32, #tpu.memory_space<vmem>>, vector<1x16xf32>,
    %get3A_2975 = vector.shape_cast %get3A_2974 : vector<1x16xf32> to vector<16xf32>
    %sub3A_2976 = arith.subf %get3A_2975, %gather3A_2914 : vector<16xf32>
    %mul3A_2977 = arith.mulf %sub3A_2976, %sub3A_2976 : vector<16xf32>
    %add3A_2978 = arith.addf %add3A_2970, %mul3A_2977 : vector<16xf32>
    %add3A_2979 = arith.addf %add3A_2910, %add3A_2978 : vector<16xf32>
    %broadcast_in_dim3A_2980 = arith.constant 8 : i32
    %broadcast_in_dim3A_2981 = vector.broadcast %broadcast_in_dim3A_2980 : i32 to vector<16x1xi32>
    %gather3A_2982 = vector.shape_cast %broadcast_in_dim3A_2981 : vector<16x1xi32> to vector<16xi32>
    %gather3A_2983 = tpu.dynamic_gather %select_n3A_2427[%gather3A_2982] in [0] : vector<16xf32>, vector<16xi32> -> vector<16xf32>
    %get3A_2984 = arith.constant 8 : i32
    %get3A_2985 = arith.index_cast %get3A_2984 : i32 to index
    %get3A_2986 = arith.constant 0 : index
    %get3A_2987 = tpu.vector_load %arg13[%get3A_2985, %get3A_2986] {strides = array<i32>} : memref<16x128xf32, #tpu.memory_space<vmem>>, vector<1x16xf32>,
    %get3A_2988 = vector.shape_cast %get3A_2987 : vector<1x16xf32> to vector<16xf32>
    %sub3A_2989 = arith.subf %get3A_2988, %gather3A_2983 : vector<16xf32>
    %mul3A_2990 = arith.mulf %sub3A_2989, %sub3A_2989 : vector<16xf32>
    %add3A_2991 = arith.addf %broadcast_in_dim3A_167, %mul3A_2990 : vector<16xf32>
    %get3A_2992 = arith.constant 8 : i32
    %get3A_2993 = arith.index_cast %get3A_2992 : i32 to index
    %get3A_2994 = arith.constant 16 : index
    %get3A_2995 = tpu.vector_load %arg13[%get3A_2993, %get3A_2994] {strides = array<i32>} : memref<16x128xf32, #tpu.memory_space<vmem>>, vector<1x16xf32>,
    %get3A_2996 = vector.shape_cast %get3A_2995 : vector<1x16xf32> to vector<16xf32>
    %sub3A_2997 = arith.subf %get3A_2996, %gather3A_2983 : vector<16xf32>
    %mul3A_2998 = arith.mulf %sub3A_2997, %sub3A_2997 : vector<16xf32>
    %add3A_2999 = arith.addf %add3A_2991, %mul3A_2998 : vector<16xf32>
    %get3A_3000 = arith.constant 8 : i32
    %get3A_3001 = arith.index_cast %get3A_3000 : i32 to index
    %get3A_3002 = arith.constant 32 : index
    %get3A_3003 = tpu.vector_load %arg13[%get3A_3001, %get3A_3002] {strides = array<i32>} : memref<16x128xf32, #tpu.memory_space<vmem>>, vector<1x16xf32>,
    %get3A_3004 = vector.shape_cast %get3A_3003 : vector<1x16xf32> to vector<16xf32>
    %sub3A_3005 = arith.subf %get3A_3004, %gather3A_2983 : vector<16xf32>
    %mul3A_3006 = arith.mulf %sub3A_3005, %sub3A_3005 : vector<16xf32>
    %add3A_3007 = arith.addf %add3A_2999, %mul3A_3006 : vector<16xf32>
    %get3A_3008 = arith.constant 8 : i32
    %get3A_3009 = arith.index_cast %get3A_3008 : i32 to index
    %get3A_3010 = arith.constant 48 : index
    %get3A_3011 = tpu.vector_load %arg13[%get3A_3009, %get3A_3010] {strides = array<i32>} : memref<16x128xf32, #tpu.memory_space<vmem>>, vector<1x16xf32>,
    %get3A_3012 = vector.shape_cast %get3A_3011 : vector<1x16xf32> to vector<16xf32>
    %sub3A_3013 = arith.subf %get3A_3012, %gather3A_2983 : vector<16xf32>
    %mul3A_3014 = arith.mulf %sub3A_3013, %sub3A_3013 : vector<16xf32>
    %add3A_3015 = arith.addf %add3A_3007, %mul3A_3014 : vector<16xf32>
    %get3A_3016 = arith.constant 8 : i32
    %get3A_3017 = arith.index_cast %get3A_3016 : i32 to index
    %get3A_3018 = arith.constant 64 : index
    %get3A_3019 = tpu.vector_load %arg13[%get3A_3017, %get3A_3018] {strides = array<i32>} : memref<16x128xf32, #tpu.memory_space<vmem>>, vector<1x16xf32>,
    %get3A_3020 = vector.shape_cast %get3A_3019 : vector<1x16xf32> to vector<16xf32>
    %sub3A_3021 = arith.subf %get3A_3020, %gather3A_2983 : vector<16xf32>
    %mul3A_3022 = arith.mulf %sub3A_3021, %sub3A_3021 : vector<16xf32>
    %add3A_3023 = arith.addf %add3A_3015, %mul3A_3022 : vector<16xf32>
    %get3A_3024 = arith.constant 8 : i32
    %get3A_3025 = arith.index_cast %get3A_3024 : i32 to index
    %get3A_3026 = arith.constant 80 : index
    %get3A_3027 = tpu.vector_load %arg13[%get3A_3025, %get3A_3026] {strides = array<i32>} : memref<16x128xf32, #tpu.memory_space<vmem>>, vector<1x16xf32>,
    %get3A_3028 = vector.shape_cast %get3A_3027 : vector<1x16xf32> to vector<16xf32>
    %sub3A_3029 = arith.subf %get3A_3028, %gather3A_2983 : vector<16xf32>
    %mul3A_3030 = arith.mulf %sub3A_3029, %sub3A_3029 : vector<16xf32>
    %add3A_3031 = arith.addf %add3A_3023, %mul3A_3030 : vector<16xf32>
    %get3A_3032 = arith.constant 8 : i32
    %get3A_3033 = arith.index_cast %get3A_3032 : i32 to index
    %get3A_3034 = arith.constant 96 : index
    %get3A_3035 = tpu.vector_load %arg13[%get3A_3033, %get3A_3034] {strides = array<i32>} : memref<16x128xf32, #tpu.memory_space<vmem>>, vector<1x16xf32>,
    %get3A_3036 = vector.shape_cast %get3A_3035 : vector<1x16xf32> to vector<16xf32>
    %sub3A_3037 = arith.subf %get3A_3036, %gather3A_2983 : vector<16xf32>
    %mul3A_3038 = arith.mulf %sub3A_3037, %sub3A_3037 : vector<16xf32>
    %add3A_3039 = arith.addf %add3A_3031, %mul3A_3038 : vector<16xf32>
    %get3A_3040 = arith.constant 8 : i32
    %get3A_3041 = arith.index_cast %get3A_3040 : i32 to index
    %get3A_3042 = arith.constant 112 : index
    %get3A_3043 = tpu.vector_load %arg13[%get3A_3041, %get3A_3042] {strides = array<i32>} : memref<16x128xf32, #tpu.memory_space<vmem>>, vector<1x16xf32>,
    %get3A_3044 = vector.shape_cast %get3A_3043 : vector<1x16xf32> to vector<16xf32>
    %sub3A_3045 = arith.subf %get3A_3044, %gather3A_2983 : vector<16xf32>
    %mul3A_3046 = arith.mulf %sub3A_3045, %sub3A_3045 : vector<16xf32>
    %add3A_3047 = arith.addf %add3A_3039, %mul3A_3046 : vector<16xf32>
    %add3A_3048 = arith.addf %add3A_2979, %add3A_3047 : vector<16xf32>
    %broadcast_in_dim3A_3049 = arith.constant 9 : i32
    %broadcast_in_dim3A_3050 = vector.broadcast %broadcast_in_dim3A_3049 : i32 to vector<16x1xi32>
    %gather3A_3051 = vector.shape_cast %broadcast_in_dim3A_3050 : vector<16x1xi32> to vector<16xi32>
    %gather3A_3052 = tpu.dynamic_gather %select_n3A_2427[%gather3A_3051] in [0] : vector<16xf32>, vector<16xi32> -> vector<16xf32>
    %get3A_3053 = arith.constant 9 : i32
    %get3A_3054 = arith.index_cast %get3A_3053 : i32 to index
    %get3A_3055 = arith.constant 0 : index
    %get3A_3056 = tpu.vector_load %arg13[%get3A_3054, %get3A_3055] {strides = array<i32>} : memref<16x128xf32, #tpu.memory_space<vmem>>, vector<1x16xf32>,
    %get3A_3057 = vector.shape_cast %get3A_3056 : vector<1x16xf32> to vector<16xf32>
    %sub3A_3058 = arith.subf %get3A_3057, %gather3A_3052 : vector<16xf32>
    %mul3A_3059 = arith.mulf %sub3A_3058, %sub3A_3058 : vector<16xf32>
    %add3A_3060 = arith.addf %broadcast_in_dim3A_167, %mul3A_3059 : vector<16xf32>
    %get3A_3061 = arith.constant 9 : i32
    %get3A_3062 = arith.index_cast %get3A_3061 : i32 to index
    %get3A_3063 = arith.constant 16 : index
    %get3A_3064 = tpu.vector_load %arg13[%get3A_3062, %get3A_3063] {strides = array<i32>} : memref<16x128xf32, #tpu.memory_space<vmem>>, vector<1x16xf32>,
    %get3A_3065 = vector.shape_cast %get3A_3064 : vector<1x16xf32> to vector<16xf32>
    %sub3A_3066 = arith.subf %get3A_3065, %gather3A_3052 : vector<16xf32>
    %mul3A_3067 = arith.mulf %sub3A_3066, %sub3A_3066 : vector<16xf32>
    %add3A_3068 = arith.addf %add3A_3060, %mul3A_3067 : vector<16xf32>
    %get3A_3069 = arith.constant 9 : i32
    %get3A_3070 = arith.index_cast %get3A_3069 : i32 to index
    %get3A_3071 = arith.constant 32 : index
    %get3A_3072 = tpu.vector_load %arg13[%get3A_3070, %get3A_3071] {strides = array<i32>} : memref<16x128xf32, #tpu.memory_space<vmem>>, vector<1x16xf32>,
    %get3A_3073 = vector.shape_cast %get3A_3072 : vector<1x16xf32> to vector<16xf32>
    %sub3A_3074 = arith.subf %get3A_3073, %gather3A_3052 : vector<16xf32>
    %mul3A_3075 = arith.mulf %sub3A_3074, %sub3A_3074 : vector<16xf32>
    %add3A_3076 = arith.addf %add3A_3068, %mul3A_3075 : vector<16xf32>
    %get3A_3077 = arith.constant 9 : i32
    %get3A_3078 = arith.index_cast %get3A_3077 : i32 to index
    %get3A_3079 = arith.constant 48 : index
    %get3A_3080 = tpu.vector_load %arg13[%get3A_3078, %get3A_3079] {strides = array<i32>} : memref<16x128xf32, #tpu.memory_space<vmem>>, vector<1x16xf32>,
    %get3A_3081 = vector.shape_cast %get3A_3080 : vector<1x16xf32> to vector<16xf32>
    %sub3A_3082 = arith.subf %get3A_3081, %gather3A_3052 : vector<16xf32>
    %mul3A_3083 = arith.mulf %sub3A_3082, %sub3A_3082 : vector<16xf32>
    %add3A_3084 = arith.addf %add3A_3076, %mul3A_3083 : vector<16xf32>
    %get3A_3085 = arith.constant 9 : i32
    %get3A_3086 = arith.index_cast %get3A_3085 : i32 to index
    %get3A_3087 = arith.constant 64 : index
    %get3A_3088 = tpu.vector_load %arg13[%get3A_3086, %get3A_3087] {strides = array<i32>} : memref<16x128xf32, #tpu.memory_space<vmem>>, vector<1x16xf32>,
    %get3A_3089 = vector.shape_cast %get3A_3088 : vector<1x16xf32> to vector<16xf32>
    %sub3A_3090 = arith.subf %get3A_3089, %gather3A_3052 : vector<16xf32>
    %mul3A_3091 = arith.mulf %sub3A_3090, %sub3A_3090 : vector<16xf32>
    %add3A_3092 = arith.addf %add3A_3084, %mul3A_3091 : vector<16xf32>
    %get3A_3093 = arith.constant 9 : i32
    %get3A_3094 = arith.index_cast %get3A_3093 : i32 to index
    %get3A_3095 = arith.constant 80 : index
    %get3A_3096 = tpu.vector_load %arg13[%get3A_3094, %get3A_3095] {strides = array<i32>} : memref<16x128xf32, #tpu.memory_space<vmem>>, vector<1x16xf32>,
    %get3A_3097 = vector.shape_cast %get3A_3096 : vector<1x16xf32> to vector<16xf32>
    %sub3A_3098 = arith.subf %get3A_3097, %gather3A_3052 : vector<16xf32>
    %mul3A_3099 = arith.mulf %sub3A_3098, %sub3A_3098 : vector<16xf32>
    %add3A_3100 = arith.addf %add3A_3092, %mul3A_3099 : vector<16xf32>
    %get3A_3101 = arith.constant 9 : i32
    %get3A_3102 = arith.index_cast %get3A_3101 : i32 to index
    %get3A_3103 = arith.constant 96 : index
    %get3A_3104 = tpu.vector_load %arg13[%get3A_3102, %get3A_3103] {strides = array<i32>} : memref<16x128xf32, #tpu.memory_space<vmem>>, vector<1x16xf32>,
    %get3A_3105 = vector.shape_cast %get3A_3104 : vector<1x16xf32> to vector<16xf32>
    %sub3A_3106 = arith.subf %get3A_3105, %gather3A_3052 : vector<16xf32>
    %mul3A_3107 = arith.mulf %sub3A_3106, %sub3A_3106 : vector<16xf32>
    %add3A_3108 = arith.addf %add3A_3100, %mul3A_3107 : vector<16xf32>
    %get3A_3109 = arith.constant 9 : i32
    %get3A_3110 = arith.index_cast %get3A_3109 : i32 to index
    %get3A_3111 = arith.constant 112 : index
    %get3A_3112 = tpu.vector_load %arg13[%get3A_3110, %get3A_3111] {strides = array<i32>} : memref<16x128xf32, #tpu.memory_space<vmem>>, vector<1x16xf32>,
    %get3A_3113 = vector.shape_cast %get3A_3112 : vector<1x16xf32> to vector<16xf32>
    %sub3A_3114 = arith.subf %get3A_3113, %gather3A_3052 : vector<16xf32>
    %mul3A_3115 = arith.mulf %sub3A_3114, %sub3A_3114 : vector<16xf32>
    %add3A_3116 = arith.addf %add3A_3108, %mul3A_3115 : vector<16xf32>
    %add3A_3117 = arith.addf %add3A_3048, %add3A_3116 : vector<16xf32>
    %broadcast_in_dim3A_3118 = arith.constant 10 : i32
    %broadcast_in_dim3A_3119 = vector.broadcast %broadcast_in_dim3A_3118 : i32 to vector<16x1xi32>
    %gather3A_3120 = vector.shape_cast %broadcast_in_dim3A_3119 : vector<16x1xi32> to vector<16xi32>
    %gather3A_3121 = tpu.dynamic_gather %select_n3A_2427[%gather3A_3120] in [0] : vector<16xf32>, vector<16xi32> -> vector<16xf32>
    %get3A_3122 = arith.constant 10 : i32
    %get3A_3123 = arith.index_cast %get3A_3122 : i32 to index
    %get3A_3124 = arith.constant 0 : index
    %get3A_3125 = tpu.vector_load %arg13[%get3A_3123, %get3A_3124] {strides = array<i32>} : memref<16x128xf32, #tpu.memory_space<vmem>>, vector<1x16xf32>,
    %get3A_3126 = vector.shape_cast %get3A_3125 : vector<1x16xf32> to vector<16xf32>
    %sub3A_3127 = arith.subf %get3A_3126, %gather3A_3121 : vector<16xf32>
    %mul3A_3128 = arith.mulf %sub3A_3127, %sub3A_3127 : vector<16xf32>
    %add3A_3129 = arith.addf %broadcast_in_dim3A_167, %mul3A_3128 : vector<16xf32>
    %get3A_3130 = arith.constant 10 : i32
    %get3A_3131 = arith.index_cast %get3A_3130 : i32 to index
    %get3A_3132 = arith.constant 16 : index
    %get3A_3133 = tpu.vector_load %arg13[%get3A_3131, %get3A_3132] {strides = array<i32>} : memref<16x128xf32, #tpu.memory_space<vmem>>, vector<1x16xf32>,
    %get3A_3134 = vector.shape_cast %get3A_3133 : vector<1x16xf32> to vector<16xf32>
    %sub3A_3135 = arith.subf %get3A_3134, %gather3A_3121 : vector<16xf32>
    %mul3A_3136 = arith.mulf %sub3A_3135, %sub3A_3135 : vector<16xf32>
    %add3A_3137 = arith.addf %add3A_3129, %mul3A_3136 : vector<16xf32>
    %get3A_3138 = arith.constant 10 : i32
    %get3A_3139 = arith.index_cast %get3A_3138 : i32 to index
    %get3A_3140 = arith.constant 32 : index
    %get3A_3141 = tpu.vector_load %arg13[%get3A_3139, %get3A_3140] {strides = array<i32>} : memref<16x128xf32, #tpu.memory_space<vmem>>, vector<1x16xf32>,
    %get3A_3142 = vector.shape_cast %get3A_3141 : vector<1x16xf32> to vector<16xf32>
    %sub3A_3143 = arith.subf %get3A_3142, %gather3A_3121 : vector<16xf32>
    %mul3A_3144 = arith.mulf %sub3A_3143, %sub3A_3143 : vector<16xf32>
    %add3A_3145 = arith.addf %add3A_3137, %mul3A_3144 : vector<16xf32>
    %get3A_3146 = arith.constant 10 : i32
    %get3A_3147 = arith.index_cast %get3A_3146 : i32 to index
    %get3A_3148 = arith.constant 48 : index
    %get3A_3149 = tpu.vector_load %arg13[%get3A_3147, %get3A_3148] {strides = array<i32>} : memref<16x128xf32, #tpu.memory_space<vmem>>, vector<1x16xf32>,
    %get3A_3150 = vector.shape_cast %get3A_3149 : vector<1x16xf32> to vector<16xf32>
    %sub3A_3151 = arith.subf %get3A_3150, %gather3A_3121 : vector<16xf32>
    %mul3A_3152 = arith.mulf %sub3A_3151, %sub3A_3151 : vector<16xf32>
    %add3A_3153 = arith.addf %add3A_3145, %mul3A_3152 : vector<16xf32>
    %get3A_3154 = arith.constant 10 : i32
    %get3A_3155 = arith.index_cast %get3A_3154 : i32 to index
    %get3A_3156 = arith.constant 64 : index
    %get3A_3157 = tpu.vector_load %arg13[%get3A_3155, %get3A_3156] {strides = array<i32>} : memref<16x128xf32, #tpu.memory_space<vmem>>, vector<1x16xf32>,
    %get3A_3158 = vector.shape_cast %get3A_3157 : vector<1x16xf32> to vector<16xf32>
    %sub3A_3159 = arith.subf %get3A_3158, %gather3A_3121 : vector<16xf32>
    %mul3A_3160 = arith.mulf %sub3A_3159, %sub3A_3159 : vector<16xf32>
    %add3A_3161 = arith.addf %add3A_3153, %mul3A_3160 : vector<16xf32>
    %get3A_3162 = arith.constant 10 : i32
    %get3A_3163 = arith.index_cast %get3A_3162 : i32 to index
    %get3A_3164 = arith.constant 80 : index
    %get3A_3165 = tpu.vector_load %arg13[%get3A_3163, %get3A_3164] {strides = array<i32>} : memref<16x128xf32, #tpu.memory_space<vmem>>, vector<1x16xf32>,
    %get3A_3166 = vector.shape_cast %get3A_3165 : vector<1x16xf32> to vector<16xf32>
    %sub3A_3167 = arith.subf %get3A_3166, %gather3A_3121 : vector<16xf32>
    %mul3A_3168 = arith.mulf %sub3A_3167, %sub3A_3167 : vector<16xf32>
    %add3A_3169 = arith.addf %add3A_3161, %mul3A_3168 : vector<16xf32>
    %get3A_3170 = arith.constant 10 : i32
    %get3A_3171 = arith.index_cast %get3A_3170 : i32 to index
    %get3A_3172 = arith.constant 96 : index
    %get3A_3173 = tpu.vector_load %arg13[%get3A_3171, %get3A_3172] {strides = array<i32>} : memref<16x128xf32, #tpu.memory_space<vmem>>, vector<1x16xf32>,
    %get3A_3174 = vector.shape_cast %get3A_3173 : vector<1x16xf32> to vector<16xf32>
    %sub3A_3175 = arith.subf %get3A_3174, %gather3A_3121 : vector<16xf32>
    %mul3A_3176 = arith.mulf %sub3A_3175, %sub3A_3175 : vector<16xf32>
    %add3A_3177 = arith.addf %add3A_3169, %mul3A_3176 : vector<16xf32>
    %get3A_3178 = arith.constant 10 : i32
    %get3A_3179 = arith.index_cast %get3A_3178 : i32 to index
    %get3A_3180 = arith.constant 112 : index
    %get3A_3181 = tpu.vector_load %arg13[%get3A_3179, %get3A_3180] {strides = array<i32>} : memref<16x128xf32, #tpu.memory_space<vmem>>, vector<1x16xf32>,
    %get3A_3182 = vector.shape_cast %get3A_3181 : vector<1x16xf32> to vector<16xf32>
    %sub3A_3183 = arith.subf %get3A_3182, %gather3A_3121 : vector<16xf32>
    %mul3A_3184 = arith.mulf %sub3A_3183, %sub3A_3183 : vector<16xf32>
    %add3A_3185 = arith.addf %add3A_3177, %mul3A_3184 : vector<16xf32>
    %add3A_3186 = arith.addf %add3A_3117, %add3A_3185 : vector<16xf32>
    %broadcast_in_dim3A_3187 = arith.constant 11 : i32
    %broadcast_in_dim3A_3188 = vector.broadcast %broadcast_in_dim3A_3187 : i32 to vector<16x1xi32>
    %gather3A_3189 = vector.shape_cast %broadcast_in_dim3A_3188 : vector<16x1xi32> to vector<16xi32>
    %gather3A_3190 = tpu.dynamic_gather %select_n3A_2427[%gather3A_3189] in [0] : vector<16xf32>, vector<16xi32> -> vector<16xf32>
    %get3A_3191 = arith.constant 11 : i32
    %get3A_3192 = arith.index_cast %get3A_3191 : i32 to index
    %get3A_3193 = arith.constant 0 : index
    %get3A_3194 = tpu.vector_load %arg13[%get3A_3192, %get3A_3193] {strides = array<i32>} : memref<16x128xf32, #tpu.memory_space<vmem>>, vector<1x16xf32>,
    %get3A_3195 = vector.shape_cast %get3A_3194 : vector<1x16xf32> to vector<16xf32>
    %sub3A_3196 = arith.subf %get3A_3195, %gather3A_3190 : vector<16xf32>
    %mul3A_3197 = arith.mulf %sub3A_3196, %sub3A_3196 : vector<16xf32>
    %add3A_3198 = arith.addf %broadcast_in_dim3A_167, %mul3A_3197 : vector<16xf32>
    %get3A_3199 = arith.constant 11 : i32
    %get3A_3200 = arith.index_cast %get3A_3199 : i32 to index
    %get3A_3201 = arith.constant 16 : index
    %get3A_3202 = tpu.vector_load %arg13[%get3A_3200, %get3A_3201] {strides = array<i32>} : memref<16x128xf32, #tpu.memory_space<vmem>>, vector<1x16xf32>,
    %get3A_3203 = vector.shape_cast %get3A_3202 : vector<1x16xf32> to vector<16xf32>
    %sub3A_3204 = arith.subf %get3A_3203, %gather3A_3190 : vector<16xf32>
    %mul3A_3205 = arith.mulf %sub3A_3204, %sub3A_3204 : vector<16xf32>
    %add3A_3206 = arith.addf %add3A_3198, %mul3A_3205 : vector<16xf32>
    %get3A_3207 = arith.constant 11 : i32
    %get3A_3208 = arith.index_cast %get3A_3207 : i32 to index
    %get3A_3209 = arith.constant 32 : index
    %get3A_3210 = tpu.vector_load %arg13[%get3A_3208, %get3A_3209] {strides = array<i32>} : memref<16x128xf32, #tpu.memory_space<vmem>>, vector<1x16xf32>,
    %get3A_3211 = vector.shape_cast %get3A_3210 : vector<1x16xf32> to vector<16xf32>
    %sub3A_3212 = arith.subf %get3A_3211, %gather3A_3190 : vector<16xf32>
    %mul3A_3213 = arith.mulf %sub3A_3212, %sub3A_3212 : vector<16xf32>
    %add3A_3214 = arith.addf %add3A_3206, %mul3A_3213 : vector<16xf32>
    %get3A_3215 = arith.constant 11 : i32
    %get3A_3216 = arith.index_cast %get3A_3215 : i32 to index
    %get3A_3217 = arith.constant 48 : index
    %get3A_3218 = tpu.vector_load %arg13[%get3A_3216, %get3A_3217] {strides = array<i32>} : memref<16x128xf32, #tpu.memory_space<vmem>>, vector<1x16xf32>,
    %get3A_3219 = vector.shape_cast %get3A_3218 : vector<1x16xf32> to vector<16xf32>
    %sub3A_3220 = arith.subf %get3A_3219, %gather3A_3190 : vector<16xf32>
    %mul3A_3221 = arith.mulf %sub3A_3220, %sub3A_3220 : vector<16xf32>
    %add3A_3222 = arith.addf %add3A_3214, %mul3A_3221 : vector<16xf32>
    %get3A_3223 = arith.constant 11 : i32
    %get3A_3224 = arith.index_cast %get3A_3223 : i32 to index
    %get3A_3225 = arith.constant 64 : index
    %get3A_3226 = tpu.vector_load %arg13[%get3A_3224, %get3A_3225] {strides = array<i32>} : memref<16x128xf32, #tpu.memory_space<vmem>>, vector<1x16xf32>,
    %get3A_3227 = vector.shape_cast %get3A_3226 : vector<1x16xf32> to vector<16xf32>
    %sub3A_3228 = arith.subf %get3A_3227, %gather3A_3190 : vector<16xf32>
    %mul3A_3229 = arith.mulf %sub3A_3228, %sub3A_3228 : vector<16xf32>
    %add3A_3230 = arith.addf %add3A_3222, %mul3A_3229 : vector<16xf32>
    %get3A_3231 = arith.constant 11 : i32
    %get3A_3232 = arith.index_cast %get3A_3231 : i32 to index
    %get3A_3233 = arith.constant 80 : index
    %get3A_3234 = tpu.vector_load %arg13[%get3A_3232, %get3A_3233] {strides = array<i32>} : memref<16x128xf32, #tpu.memory_space<vmem>>, vector<1x16xf32>,
    %get3A_3235 = vector.shape_cast %get3A_3234 : vector<1x16xf32> to vector<16xf32>
    %sub3A_3236 = arith.subf %get3A_3235, %gather3A_3190 : vector<16xf32>
    %mul3A_3237 = arith.mulf %sub3A_3236, %sub3A_3236 : vector<16xf32>
    %add3A_3238 = arith.addf %add3A_3230, %mul3A_3237 : vector<16xf32>
    %get3A_3239 = arith.constant 11 : i32
    %get3A_3240 = arith.index_cast %get3A_3239 : i32 to index
    %get3A_3241 = arith.constant 96 : index
    %get3A_3242 = tpu.vector_load %arg13[%get3A_3240, %get3A_3241] {strides = array<i32>} : memref<16x128xf32, #tpu.memory_space<vmem>>, vector<1x16xf32>,
    %get3A_3243 = vector.shape_cast %get3A_3242 : vector<1x16xf32> to vector<16xf32>
    %sub3A_3244 = arith.subf %get3A_3243, %gather3A_3190 : vector<16xf32>
    %mul3A_3245 = arith.mulf %sub3A_3244, %sub3A_3244 : vector<16xf32>
    %add3A_3246 = arith.addf %add3A_3238, %mul3A_3245 : vector<16xf32>
    %get3A_3247 = arith.constant 11 : i32
    %get3A_3248 = arith.index_cast %get3A_3247 : i32 to index
    %get3A_3249 = arith.constant 112 : index
    %get3A_3250 = tpu.vector_load %arg13[%get3A_3248, %get3A_3249] {strides = array<i32>} : memref<16x128xf32, #tpu.memory_space<vmem>>, vector<1x16xf32>,
    %get3A_3251 = vector.shape_cast %get3A_3250 : vector<1x16xf32> to vector<16xf32>
    %sub3A_3252 = arith.subf %get3A_3251, %gather3A_3190 : vector<16xf32>
    %mul3A_3253 = arith.mulf %sub3A_3252, %sub3A_3252 : vector<16xf32>
    %add3A_3254 = arith.addf %add3A_3246, %mul3A_3253 : vector<16xf32>
    %add3A_3255 = arith.addf %add3A_3186, %add3A_3254 : vector<16xf32>
    %broadcast_in_dim3A_3256 = arith.constant 12 : i32
    %broadcast_in_dim3A_3257 = vector.broadcast %broadcast_in_dim3A_3256 : i32 to vector<16x1xi32>
    %gather3A_3258 = vector.shape_cast %broadcast_in_dim3A_3257 : vector<16x1xi32> to vector<16xi32>
    %gather3A_3259 = tpu.dynamic_gather %select_n3A_2427[%gather3A_3258] in [0] : vector<16xf32>, vector<16xi32> -> vector<16xf32>
    %get3A_3260 = arith.constant 12 : i32
    %get3A_3261 = arith.index_cast %get3A_3260 : i32 to index
    %get3A_3262 = arith.constant 0 : index
    %get3A_3263 = tpu.vector_load %arg13[%get3A_3261, %get3A_3262] {strides = array<i32>} : memref<16x128xf32, #tpu.memory_space<vmem>>, vector<1x16xf32>,
    %get3A_3264 = vector.shape_cast %get3A_3263 : vector<1x16xf32> to vector<16xf32>
    %sub3A_3265 = arith.subf %get3A_3264, %gather3A_3259 : vector<16xf32>
    %mul3A_3266 = arith.mulf %sub3A_3265, %sub3A_3265 : vector<16xf32>
    %add3A_3267 = arith.addf %broadcast_in_dim3A_167, %mul3A_3266 : vector<16xf32>
    %get3A_3268 = arith.constant 12 : i32
    %get3A_3269 = arith.index_cast %get3A_3268 : i32 to index
    %get3A_3270 = arith.constant 16 : index
    %get3A_3271 = tpu.vector_load %arg13[%get3A_3269, %get3A_3270] {strides = array<i32>} : memref<16x128xf32, #tpu.memory_space<vmem>>, vector<1x16xf32>,
    %get3A_3272 = vector.shape_cast %get3A_3271 : vector<1x16xf32> to vector<16xf32>
    %sub3A_3273 = arith.subf %get3A_3272, %gather3A_3259 : vector<16xf32>
    %mul3A_3274 = arith.mulf %sub3A_3273, %sub3A_3273 : vector<16xf32>
    %add3A_3275 = arith.addf %add3A_3267, %mul3A_3274 : vector<16xf32>
    %get3A_3276 = arith.constant 12 : i32
    %get3A_3277 = arith.index_cast %get3A_3276 : i32 to index
    %get3A_3278 = arith.constant 32 : index
    %get3A_3279 = tpu.vector_load %arg13[%get3A_3277, %get3A_3278] {strides = array<i32>} : memref<16x128xf32, #tpu.memory_space<vmem>>, vector<1x16xf32>,
    %get3A_3280 = vector.shape_cast %get3A_3279 : vector<1x16xf32> to vector<16xf32>
    %sub3A_3281 = arith.subf %get3A_3280, %gather3A_3259 : vector<16xf32>
    %mul3A_3282 = arith.mulf %sub3A_3281, %sub3A_3281 : vector<16xf32>
    %add3A_3283 = arith.addf %add3A_3275, %mul3A_3282 : vector<16xf32>
    %get3A_3284 = arith.constant 12 : i32
    %get3A_3285 = arith.index_cast %get3A_3284 : i32 to index
    %get3A_3286 = arith.constant 48 : index
    %get3A_3287 = tpu.vector_load %arg13[%get3A_3285, %get3A_3286] {strides = array<i32>} : memref<16x128xf32, #tpu.memory_space<vmem>>, vector<1x16xf32>,
    %get3A_3288 = vector.shape_cast %get3A_3287 : vector<1x16xf32> to vector<16xf32>
    %sub3A_3289 = arith.subf %get3A_3288, %gather3A_3259 : vector<16xf32>
    %mul3A_3290 = arith.mulf %sub3A_3289, %sub3A_3289 : vector<16xf32>
    %add3A_3291 = arith.addf %add3A_3283, %mul3A_3290 : vector<16xf32>
    %get3A_3292 = arith.constant 12 : i32
    %get3A_3293 = arith.index_cast %get3A_3292 : i32 to index
    %get3A_3294 = arith.constant 64 : index
    %get3A_3295 = tpu.vector_load %arg13[%get3A_3293, %get3A_3294] {strides = array<i32>} : memref<16x128xf32, #tpu.memory_space<vmem>>, vector<1x16xf32>,
    %get3A_3296 = vector.shape_cast %get3A_3295 : vector<1x16xf32> to vector<16xf32>
    %sub3A_3297 = arith.subf %get3A_3296, %gather3A_3259 : vector<16xf32>
    %mul3A_3298 = arith.mulf %sub3A_3297, %sub3A_3297 : vector<16xf32>
    %add3A_3299 = arith.addf %add3A_3291, %mul3A_3298 : vector<16xf32>
    %get3A_3300 = arith.constant 12 : i32
    %get3A_3301 = arith.index_cast %get3A_3300 : i32 to index
    %get3A_3302 = arith.constant 80 : index
    %get3A_3303 = tpu.vector_load %arg13[%get3A_3301, %get3A_3302] {strides = array<i32>} : memref<16x128xf32, #tpu.memory_space<vmem>>, vector<1x16xf32>,
    %get3A_3304 = vector.shape_cast %get3A_3303 : vector<1x16xf32> to vector<16xf32>
    %sub3A_3305 = arith.subf %get3A_3304, %gather3A_3259 : vector<16xf32>
    %mul3A_3306 = arith.mulf %sub3A_3305, %sub3A_3305 : vector<16xf32>
    %add3A_3307 = arith.addf %add3A_3299, %mul3A_3306 : vector<16xf32>
    %get3A_3308 = arith.constant 12 : i32
    %get3A_3309 = arith.index_cast %get3A_3308 : i32 to index
    %get3A_3310 = arith.constant 96 : index
    %get3A_3311 = tpu.vector_load %arg13[%get3A_3309, %get3A_3310] {strides = array<i32>} : memref<16x128xf32, #tpu.memory_space<vmem>>, vector<1x16xf32>,
    %get3A_3312 = vector.shape_cast %get3A_3311 : vector<1x16xf32> to vector<16xf32>
    %sub3A_3313 = arith.subf %get3A_3312, %gather3A_3259 : vector<16xf32>
    %mul3A_3314 = arith.mulf %sub3A_3313, %sub3A_3313 : vector<16xf32>
    %add3A_3315 = arith.addf %add3A_3307, %mul3A_3314 : vector<16xf32>
    %get3A_3316 = arith.constant 12 : i32
    %get3A_3317 = arith.index_cast %get3A_3316 : i32 to index
    %get3A_3318 = arith.constant 112 : index
    %get3A_3319 = tpu.vector_load %arg13[%get3A_3317, %get3A_3318] {strides = array<i32>} : memref<16x128xf32, #tpu.memory_space<vmem>>, vector<1x16xf32>,
    %get3A_3320 = vector.shape_cast %get3A_3319 : vector<1x16xf32> to vector<16xf32>
    %sub3A_3321 = arith.subf %get3A_3320, %gather3A_3259 : vector<16xf32>
    %mul3A_3322 = arith.mulf %sub3A_3321, %sub3A_3321 : vector<16xf32>
    %add3A_3323 = arith.addf %add3A_3315, %mul3A_3322 : vector<16xf32>
    %add3A_3324 = arith.addf %add3A_3255, %add3A_3323 : vector<16xf32>
    %broadcast_in_dim3A_3325 = arith.constant 13 : i32
    %broadcast_in_dim3A_3326 = vector.broadcast %broadcast_in_dim3A_3325 : i32 to vector<16x1xi32>
    %gather3A_3327 = vector.shape_cast %broadcast_in_dim3A_3326 : vector<16x1xi32> to vector<16xi32>
    %gather3A_3328 = tpu.dynamic_gather %select_n3A_2427[%gather3A_3327] in [0] : vector<16xf32>, vector<16xi32> -> vector<16xf32>
    %get3A_3329 = arith.constant 13 : i32
    %get3A_3330 = arith.index_cast %get3A_3329 : i32 to index
    %get3A_3331 = arith.constant 0 : index
    %get3A_3332 = tpu.vector_load %arg13[%get3A_3330, %get3A_3331] {strides = array<i32>} : memref<16x128xf32, #tpu.memory_space<vmem>>, vector<1x16xf32>,
    %get3A_3333 = vector.shape_cast %get3A_3332 : vector<1x16xf32> to vector<16xf32>
    %sub3A_3334 = arith.subf %get3A_3333, %gather3A_3328 : vector<16xf32>
    %mul3A_3335 = arith.mulf %sub3A_3334, %sub3A_3334 : vector<16xf32>
    %add3A_3336 = arith.addf %broadcast_in_dim3A_167, %mul3A_3335 : vector<16xf32>
    %get3A_3337 = arith.constant 13 : i32
    %get3A_3338 = arith.index_cast %get3A_3337 : i32 to index
    %get3A_3339 = arith.constant 16 : index
    %get3A_3340 = tpu.vector_load %arg13[%get3A_3338, %get3A_3339] {strides = array<i32>} : memref<16x128xf32, #tpu.memory_space<vmem>>, vector<1x16xf32>,
    %get3A_3341 = vector.shape_cast %get3A_3340 : vector<1x16xf32> to vector<16xf32>
    %sub3A_3342 = arith.subf %get3A_3341, %gather3A_3328 : vector<16xf32>
    %mul3A_3343 = arith.mulf %sub3A_3342, %sub3A_3342 : vector<16xf32>
    %add3A_3344 = arith.addf %add3A_3336, %mul3A_3343 : vector<16xf32>
    %get3A_3345 = arith.constant 13 : i32
    %get3A_3346 = arith.index_cast %get3A_3345 : i32 to index
    %get3A_3347 = arith.constant 32 : index
    %get3A_3348 = tpu.vector_load %arg13[%get3A_3346, %get3A_3347] {strides = array<i32>} : memref<16x128xf32, #tpu.memory_space<vmem>>, vector<1x16xf32>,
    %get3A_3349 = vector.shape_cast %get3A_3348 : vector<1x16xf32> to vector<16xf32>
    %sub3A_3350 = arith.subf %get3A_3349, %gather3A_3328 : vector<16xf32>
    %mul3A_3351 = arith.mulf %sub3A_3350, %sub3A_3350 : vector<16xf32>
    %add3A_3352 = arith.addf %add3A_3344, %mul3A_3351 : vector<16xf32>
    %get3A_3353 = arith.constant 13 : i32
    %get3A_3354 = arith.index_cast %get3A_3353 : i32 to index
    %get3A_3355 = arith.constant 48 : index
    %get3A_3356 = tpu.vector_load %arg13[%get3A_3354, %get3A_3355] {strides = array<i32>} : memref<16x128xf32, #tpu.memory_space<vmem>>, vector<1x16xf32>,
    %get3A_3357 = vector.shape_cast %get3A_3356 : vector<1x16xf32> to vector<16xf32>
    %sub3A_3358 = arith.subf %get3A_3357, %gather3A_3328 : vector<16xf32>
    %mul3A_3359 = arith.mulf %sub3A_3358, %sub3A_3358 : vector<16xf32>
    %add3A_3360 = arith.addf %add3A_3352, %mul3A_3359 : vector<16xf32>
    %get3A_3361 = arith.constant 13 : i32
    %get3A_3362 = arith.index_cast %get3A_3361 : i32 to index
    %get3A_3363 = arith.constant 64 : index
    %get3A_3364 = tpu.vector_load %arg13[%get3A_3362, %get3A_3363] {strides = array<i32>} : memref<16x128xf32, #tpu.memory_space<vmem>>, vector<1x16xf32>,
    %get3A_3365 = vector.shape_cast %get3A_3364 : vector<1x16xf32> to vector<16xf32>
    %sub3A_3366 = arith.subf %get3A_3365, %gather3A_3328 : vector<16xf32>
    %mul3A_3367 = arith.mulf %sub3A_3366, %sub3A_3366 : vector<16xf32>
    %add3A_3368 = arith.addf %add3A_3360, %mul3A_3367 : vector<16xf32>
    %get3A_3369 = arith.constant 13 : i32
    %get3A_3370 = arith.index_cast %get3A_3369 : i32 to index
    %get3A_3371 = arith.constant 80 : index
    %get3A_3372 = tpu.vector_load %arg13[%get3A_3370, %get3A_3371] {strides = array<i32>} : memref<16x128xf32, #tpu.memory_space<vmem>>, vector<1x16xf32>,
    %get3A_3373 = vector.shape_cast %get3A_3372 : vector<1x16xf32> to vector<16xf32>
    %sub3A_3374 = arith.subf %get3A_3373, %gather3A_3328 : vector<16xf32>
    %mul3A_3375 = arith.mulf %sub3A_3374, %sub3A_3374 : vector<16xf32>
    %add3A_3376 = arith.addf %add3A_3368, %mul3A_3375 : vector<16xf32>
    %get3A_3377 = arith.constant 13 : i32
    %get3A_3378 = arith.index_cast %get3A_3377 : i32 to index
    %get3A_3379 = arith.constant 96 : index
    %get3A_3380 = tpu.vector_load %arg13[%get3A_3378, %get3A_3379] {strides = array<i32>} : memref<16x128xf32, #tpu.memory_space<vmem>>, vector<1x16xf32>,
    %get3A_3381 = vector.shape_cast %get3A_3380 : vector<1x16xf32> to vector<16xf32>
    %sub3A_3382 = arith.subf %get3A_3381, %gather3A_3328 : vector<16xf32>
    %mul3A_3383 = arith.mulf %sub3A_3382, %sub3A_3382 : vector<16xf32>
    %add3A_3384 = arith.addf %add3A_3376, %mul3A_3383 : vector<16xf32>
    %get3A_3385 = arith.constant 13 : i32
    %get3A_3386 = arith.index_cast %get3A_3385 : i32 to index
    %get3A_3387 = arith.constant 112 : index
    %get3A_3388 = tpu.vector_load %arg13[%get3A_3386, %get3A_3387] {strides = array<i32>} : memref<16x128xf32, #tpu.memory_space<vmem>>, vector<1x16xf32>,
    %get3A_3389 = vector.shape_cast %get3A_3388 : vector<1x16xf32> to vector<16xf32>
    %sub3A_3390 = arith.subf %get3A_3389, %gather3A_3328 : vector<16xf32>
    %mul3A_3391 = arith.mulf %sub3A_3390, %sub3A_3390 : vector<16xf32>
    %add3A_3392 = arith.addf %add3A_3384, %mul3A_3391 : vector<16xf32>
    %add3A_3393 = arith.addf %add3A_3324, %add3A_3392 : vector<16xf32>
    %broadcast_in_dim3A_3394 = arith.constant 14 : i32
    %broadcast_in_dim3A_3395 = vector.broadcast %broadcast_in_dim3A_3394 : i32 to vector<16x1xi32>
    %gather3A_3396 = vector.shape_cast %broadcast_in_dim3A_3395 : vector<16x1xi32> to vector<16xi32>
    %gather3A_3397 = tpu.dynamic_gather %select_n3A_2427[%gather3A_3396] in [0] : vector<16xf32>, vector<16xi32> -> vector<16xf32>
    %get3A_3398 = arith.constant 14 : i32
    %get3A_3399 = arith.index_cast %get3A_3398 : i32 to index
    %get3A_3400 = arith.constant 0 : index
    %get3A_3401 = tpu.vector_load %arg13[%get3A_3399, %get3A_3400] {strides = array<i32>} : memref<16x128xf32, #tpu.memory_space<vmem>>, vector<1x16xf32>,
    %get3A_3402 = vector.shape_cast %get3A_3401 : vector<1x16xf32> to vector<16xf32>
    %sub3A_3403 = arith.subf %get3A_3402, %gather3A_3397 : vector<16xf32>
    %mul3A_3404 = arith.mulf %sub3A_3403, %sub3A_3403 : vector<16xf32>
    %add3A_3405 = arith.addf %broadcast_in_dim3A_167, %mul3A_3404 : vector<16xf32>
    %get3A_3406 = arith.constant 14 : i32
    %get3A_3407 = arith.index_cast %get3A_3406 : i32 to index
    %get3A_3408 = arith.constant 16 : index
    %get3A_3409 = tpu.vector_load %arg13[%get3A_3407, %get3A_3408] {strides = array<i32>} : memref<16x128xf32, #tpu.memory_space<vmem>>, vector<1x16xf32>,
    %get3A_3410 = vector.shape_cast %get3A_3409 : vector<1x16xf32> to vector<16xf32>
    %sub3A_3411 = arith.subf %get3A_3410, %gather3A_3397 : vector<16xf32>
    %mul3A_3412 = arith.mulf %sub3A_3411, %sub3A_3411 : vector<16xf32>
    %add3A_3413 = arith.addf %add3A_3405, %mul3A_3412 : vector<16xf32>
    %get3A_3414 = arith.constant 14 : i32
    %get3A_3415 = arith.index_cast %get3A_3414 : i32 to index
    %get3A_3416 = arith.constant 32 : index
    %get3A_3417 = tpu.vector_load %arg13[%get3A_3415, %get3A_3416] {strides = array<i32>} : memref<16x128xf32, #tpu.memory_space<vmem>>, vector<1x16xf32>,
    %get3A_3418 = vector.shape_cast %get3A_3417 : vector<1x16xf32> to vector<16xf32>
    %sub3A_3419 = arith.subf %get3A_3418, %gather3A_3397 : vector<16xf32>
    %mul3A_3420 = arith.mulf %sub3A_3419, %sub3A_3419 : vector<16xf32>
    %add3A_3421 = arith.addf %add3A_3413, %mul3A_3420 : vector<16xf32>
    %get3A_3422 = arith.constant 14 : i32
    %get3A_3423 = arith.index_cast %get3A_3422 : i32 to index
    %get3A_3424 = arith.constant 48 : index
    %get3A_3425 = tpu.vector_load %arg13[%get3A_3423, %get3A_3424] {strides = array<i32>} : memref<16x128xf32, #tpu.memory_space<vmem>>, vector<1x16xf32>,
    %get3A_3426 = vector.shape_cast %get3A_3425 : vector<1x16xf32> to vector<16xf32>
    %sub3A_3427 = arith.subf %get3A_3426, %gather3A_3397 : vector<16xf32>
    %mul3A_3428 = arith.mulf %sub3A_3427, %sub3A_3427 : vector<16xf32>
    %add3A_3429 = arith.addf %add3A_3421, %mul3A_3428 : vector<16xf32>
    %get3A_3430 = arith.constant 14 : i32
    %get3A_3431 = arith.index_cast %get3A_3430 : i32 to index
    %get3A_3432 = arith.constant 64 : index
    %get3A_3433 = tpu.vector_load %arg13[%get3A_3431, %get3A_3432] {strides = array<i32>} : memref<16x128xf32, #tpu.memory_space<vmem>>, vector<1x16xf32>,
    %get3A_3434 = vector.shape_cast %get3A_3433 : vector<1x16xf32> to vector<16xf32>
    %sub3A_3435 = arith.subf %get3A_3434, %gather3A_3397 : vector<16xf32>
    %mul3A_3436 = arith.mulf %sub3A_3435, %sub3A_3435 : vector<16xf32>
    %add3A_3437 = arith.addf %add3A_3429, %mul3A_3436 : vector<16xf32>
    %get3A_3438 = arith.constant 14 : i32
    %get3A_3439 = arith.index_cast %get3A_3438 : i32 to index
    %get3A_3440 = arith.constant 80 : index
    %get3A_3441 = tpu.vector_load %arg13[%get3A_3439, %get3A_3440] {strides = array<i32>} : memref<16x128xf32, #tpu.memory_space<vmem>>, vector<1x16xf32>,
    %get3A_3442 = vector.shape_cast %get3A_3441 : vector<1x16xf32> to vector<16xf32>
    %sub3A_3443 = arith.subf %get3A_3442, %gather3A_3397 : vector<16xf32>
    %mul3A_3444 = arith.mulf %sub3A_3443, %sub3A_3443 : vector<16xf32>
    %add3A_3445 = arith.addf %add3A_3437, %mul3A_3444 : vector<16xf32>
    %get3A_3446 = arith.constant 14 : i32
    %get3A_3447 = arith.index_cast %get3A_3446 : i32 to index
    %get3A_3448 = arith.constant 96 : index
    %get3A_3449 = tpu.vector_load %arg13[%get3A_3447, %get3A_3448] {strides = array<i32>} : memref<16x128xf32, #tpu.memory_space<vmem>>, vector<1x16xf32>,
    %get3A_3450 = vector.shape_cast %get3A_3449 : vector<1x16xf32> to vector<16xf32>
    %sub3A_3451 = arith.subf %get3A_3450, %gather3A_3397 : vector<16xf32>
    %mul3A_3452 = arith.mulf %sub3A_3451, %sub3A_3451 : vector<16xf32>
    %add3A_3453 = arith.addf %add3A_3445, %mul3A_3452 : vector<16xf32>
    %get3A_3454 = arith.constant 14 : i32
    %get3A_3455 = arith.index_cast %get3A_3454 : i32 to index
    %get3A_3456 = arith.constant 112 : index
    %get3A_3457 = tpu.vector_load %arg13[%get3A_3455, %get3A_3456] {strides = array<i32>} : memref<16x128xf32, #tpu.memory_space<vmem>>, vector<1x16xf32>,
    %get3A_3458 = vector.shape_cast %get3A_3457 : vector<1x16xf32> to vector<16xf32>
    %sub3A_3459 = arith.subf %get3A_3458, %gather3A_3397 : vector<16xf32>
    %mul3A_3460 = arith.mulf %sub3A_3459, %sub3A_3459 : vector<16xf32>
    %add3A_3461 = arith.addf %add3A_3453, %mul3A_3460 : vector<16xf32>
    %add3A_3462 = arith.addf %add3A_3393, %add3A_3461 : vector<16xf32>
    %broadcast_in_dim3A_3463 = arith.constant 15 : i32
    %broadcast_in_dim3A_3464 = vector.broadcast %broadcast_in_dim3A_3463 : i32 to vector<16x1xi32>
    %gather3A_3465 = vector.shape_cast %broadcast_in_dim3A_3464 : vector<16x1xi32> to vector<16xi32>
    %gather3A_3466 = tpu.dynamic_gather %select_n3A_2427[%gather3A_3465] in [0] : vector<16xf32>, vector<16xi32> -> vector<16xf32>
    %get3A_3467 = arith.constant 15 : i32
    %get3A_3468 = arith.index_cast %get3A_3467 : i32 to index
    %get3A_3469 = arith.constant 0 : index
    %get3A_3470 = tpu.vector_load %arg13[%get3A_3468, %get3A_3469] {strides = array<i32>} : memref<16x128xf32, #tpu.memory_space<vmem>>, vector<1x16xf32>,
    %get3A_3471 = vector.shape_cast %get3A_3470 : vector<1x16xf32> to vector<16xf32>
    %sub3A_3472 = arith.subf %get3A_3471, %gather3A_3466 : vector<16xf32>
    %mul3A_3473 = arith.mulf %sub3A_3472, %sub3A_3472 : vector<16xf32>
    %add3A_3474 = arith.addf %broadcast_in_dim3A_167, %mul3A_3473 : vector<16xf32>
    %get3A_3475 = arith.constant 15 : i32
    %get3A_3476 = arith.index_cast %get3A_3475 : i32 to index
    %get3A_3477 = arith.constant 16 : index
    %get3A_3478 = tpu.vector_load %arg13[%get3A_3476, %get3A_3477] {strides = array<i32>} : memref<16x128xf32, #tpu.memory_space<vmem>>, vector<1x16xf32>,
    %get3A_3479 = vector.shape_cast %get3A_3478 : vector<1x16xf32> to vector<16xf32>
    %sub3A_3480 = arith.subf %get3A_3479, %gather3A_3466 : vector<16xf32>
    %mul3A_3481 = arith.mulf %sub3A_3480, %sub3A_3480 : vector<16xf32>
    %add3A_3482 = arith.addf %add3A_3474, %mul3A_3481 : vector<16xf32>
    %get3A_3483 = arith.constant 15 : i32
    %get3A_3484 = arith.index_cast %get3A_3483 : i32 to index
    %get3A_3485 = arith.constant 32 : index
    %get3A_3486 = tpu.vector_load %arg13[%get3A_3484, %get3A_3485] {strides = array<i32>} : memref<16x128xf32, #tpu.memory_space<vmem>>, vector<1x16xf32>,
    %get3A_3487 = vector.shape_cast %get3A_3486 : vector<1x16xf32> to vector<16xf32>
    %sub3A_3488 = arith.subf %get3A_3487, %gather3A_3466 : vector<16xf32>
    %mul3A_3489 = arith.mulf %sub3A_3488, %sub3A_3488 : vector<16xf32>
    %add3A_3490 = arith.addf %add3A_3482, %mul3A_3489 : vector<16xf32>
    %get3A_3491 = arith.constant 15 : i32
    %get3A_3492 = arith.index_cast %get3A_3491 : i32 to index
    %get3A_3493 = arith.constant 48 : index
    %get3A_3494 = tpu.vector_load %arg13[%get3A_3492, %get3A_3493] {strides = array<i32>} : memref<16x128xf32, #tpu.memory_space<vmem>>, vector<1x16xf32>,
    %get3A_3495 = vector.shape_cast %get3A_3494 : vector<1x16xf32> to vector<16xf32>
    %sub3A_3496 = arith.subf %get3A_3495, %gather3A_3466 : vector<16xf32>
    %mul3A_3497 = arith.mulf %sub3A_3496, %sub3A_3496 : vector<16xf32>
    %add3A_3498 = arith.addf %add3A_3490, %mul3A_3497 : vector<16xf32>
    %get3A_3499 = arith.constant 15 : i32
    %get3A_3500 = arith.index_cast %get3A_3499 : i32 to index
    %get3A_3501 = arith.constant 64 : index
    %get3A_3502 = tpu.vector_load %arg13[%get3A_3500, %get3A_3501] {strides = array<i32>} : memref<16x128xf32, #tpu.memory_space<vmem>>, vector<1x16xf32>,
    %get3A_3503 = vector.shape_cast %get3A_3502 : vector<1x16xf32> to vector<16xf32>
    %sub3A_3504 = arith.subf %get3A_3503, %gather3A_3466 : vector<16xf32>
    %mul3A_3505 = arith.mulf %sub3A_3504, %sub3A_3504 : vector<16xf32>
    %add3A_3506 = arith.addf %add3A_3498, %mul3A_3505 : vector<16xf32>
    %get3A_3507 = arith.constant 15 : i32
    %get3A_3508 = arith.index_cast %get3A_3507 : i32 to index
    %get3A_3509 = arith.constant 80 : index
    %get3A_3510 = tpu.vector_load %arg13[%get3A_3508, %get3A_3509] {strides = array<i32>} : memref<16x128xf32, #tpu.memory_space<vmem>>, vector<1x16xf32>,
    %get3A_3511 = vector.shape_cast %get3A_3510 : vector<1x16xf32> to vector<16xf32>
    %sub3A_3512 = arith.subf %get3A_3511, %gather3A_3466 : vector<16xf32>
    %mul3A_3513 = arith.mulf %sub3A_3512, %sub3A_3512 : vector<16xf32>
    %add3A_3514 = arith.addf %add3A_3506, %mul3A_3513 : vector<16xf32>
    %get3A_3515 = arith.constant 15 : i32
    %get3A_3516 = arith.index_cast %get3A_3515 : i32 to index
    %get3A_3517 = arith.constant 96 : index
    %get3A_3518 = tpu.vector_load %arg13[%get3A_3516, %get3A_3517] {strides = array<i32>} : memref<16x128xf32, #tpu.memory_space<vmem>>, vector<1x16xf32>,
    %get3A_3519 = vector.shape_cast %get3A_3518 : vector<1x16xf32> to vector<16xf32>
    %sub3A_3520 = arith.subf %get3A_3519, %gather3A_3466 : vector<16xf32>
    %mul3A_3521 = arith.mulf %sub3A_3520, %sub3A_3520 : vector<16xf32>
    %add3A_3522 = arith.addf %add3A_3514, %mul3A_3521 : vector<16xf32>
    %get3A_3523 = arith.constant 15 : i32
    %get3A_3524 = arith.index_cast %get3A_3523 : i32 to index
    %get3A_3525 = arith.constant 112 : index
    %get3A_3526 = tpu.vector_load %arg13[%get3A_3524, %get3A_3525] {strides = array<i32>} : memref<16x128xf32, #tpu.memory_space<vmem>>, vector<1x16xf32>,
    %get3A_3527 = vector.shape_cast %get3A_3526 : vector<1x16xf32> to vector<16xf32>
    %sub3A_3528 = arith.subf %get3A_3527, %gather3A_3466 : vector<16xf32>
    %mul3A_3529 = arith.mulf %sub3A_3528, %sub3A_3528 : vector<16xf32>
    %add3A_3530 = arith.addf %add3A_3522, %mul3A_3529 : vector<16xf32>
    %add3A_3531 = arith.addf %add3A_3462, %add3A_3530 : vector<16xf32>
    %select_n3A_3532 = arith.select %eq3A_74, %broadcast_in_dim3A_167, %add3A_3531 : vector<16xf32>
    %add3A_3533 = arith.addf %add3A_1581, %select_n3A_3532 : vector<16xf32>
    %swap3A_3534 = arith.constant 0 : index
    %swap3A_3535 = tpu.vector_load %arg14[%swap3A_3534] {strides = array<i32>} : memref<16xf32, #tpu.memory_space<vmem>>, vector<16xf32>,
    %swap3A_3536 = vector.shape_cast %swap3A_3535 : vector<16xf32> to vector<16xf32>
    %swap3A_3537 = vector.shape_cast %add3A_3533 : vector<16xf32> to vector<16xf32>
    tpu.vector_store %arg14[%swap3A_3534], %swap3A_3537 {strides = array<i32>} : memref<16xf32, #tpu.memory_space<vmem>>, vector<16xf32>,
    "tpu.region"() ({
      %run_scoped3A = tpu.sem_alloc : memref<!tpu.dma_semaphore, #tpu.memory_space<semaphore_mem>>
      %dma_start3A_3538 = arith.constant 0 : i32
      %dma_start3A_3539 = tpu.memref_slice %arg5[%add3A, %dma_start3A_3538] : memref<32x16xf32, #tpu.memory_space<hbm>> -> memref<1x16xf32, #tpu.memory_space<hbm>>
      %dma_start3A_3540 = tpu.memref_squeeze %dma_start3A_3539 : memref<1x16xf32, #tpu.memory_space<hbm>> -> memref<16xf32, #tpu.memory_space<hbm>>
      %dma_start3A_3541 = arith.constant 0 : i32
      %dma_start3A_3542 = tpu.memref_slice %arg5[%add3A, %dma_start3A_3541] : memref<32x16xf32, #tpu.memory_space<hbm>> -> memref<1x16xf32, #tpu.memory_space<hbm>>
      %dma_start3A_3543 = tpu.memref_squeeze %dma_start3A_3542 : memref<1x16xf32, #tpu.memory_space<hbm>> -> memref<16xf32, #tpu.memory_space<hbm>>
      tpu.enqueue_dma source(%arg14 : memref<16xf32, #tpu.memory_space<vmem>>) target(%dma_start3A_3543 : memref<16xf32, #tpu.memory_space<hbm>>) target_semaphore(%run_scoped3A : memref<!tpu.dma_semaphore, #tpu.memory_space<semaphore_mem>>)
      %dma_wait3A_3544 = arith.constant 0 : i32
      %dma_wait3A_3545 = tpu.memref_slice %arg5[%add3A, %dma_wait3A_3544] : memref<32x16xf32, #tpu.memory_space<hbm>> -> memref<1x16xf32, #tpu.memory_space<hbm>>
      %dma_wait3A_3546 = tpu.memref_squeeze %dma_wait3A_3545 : memref<1x16xf32, #tpu.memory_space<hbm>> -> memref<16xf32, #tpu.memory_space<hbm>>
      %dma_wait3A_3547 = arith.constant 0 : i32
      %dma_wait3A_3548 = tpu.memref_slice %arg5[%add3A, %dma_wait3A_3547] : memref<32x16xf32, #tpu.memory_space<hbm>> -> memref<1x16xf32, #tpu.memory_space<hbm>>
      %dma_wait3A_3549 = tpu.memref_squeeze %dma_wait3A_3548 : memref<1x16xf32, #tpu.memory_space<hbm>> -> memref<16xf32, #tpu.memory_space<hbm>>
      tpu.wait_dma2 semaphore(%run_scoped3A : memref<!tpu.dma_semaphore, #tpu.memory_space<semaphore_mem>>) src(%arg14 : memref<16xf32, #tpu.memory_space<vmem>>) dst(%dma_wait3A_3549 : memref<16xf32, #tpu.memory_space<hbm>>)
      tpu.yield
    }) : () -> ()
    return
  }
}

</mosaic_0001>

<sc_bundles>
// kernel: kernel.3.cloned.1.call-start
scs
__scs_entry_jumppad:
0x0: {  	(pc) =	sbr.rel $0x88, $3  }
0x1: {  	(tag) =	ssettag $0x0;
	lr =	simm.s32 $0x1  }
0x2: {  	[smem:$0x3F9E] =	sst lr;
	_ =	strace $0xD0000000  }
0x3: {  	_ = 	snop  }
0x4: {  	_ = 	snop  }
0x5: {  	_ = 	snop  }
0x6: {  	_ = 	snop  }
0x7: {  	_ = 	snop  }
__scs_overlays_trampoline_lowered:
0x8: {  	[smem:$0x3FAD] =	sst s0  }
0x9: {  	[smem:$0x3FAE] =	sst s1  }
0xa: {  	[smem:$0x3FAF] =	sst s2  }
0xb: {  	[smem:$0x3FB0] =	sst s3  }
0xc: {  	[smem:$0x3FB1] =	sst s4  }
0xd: {  	[smem:$0x3FB2] =	sst s5  }
0xe: {  	[smem:$0x3FB3] =	sst s6  }
0xf: {  	[smem:$0x3FB4] =	sst s7  }
0x10: {  	[smem:$0x3FB5] =	sst s8  }
0x11: {  	[smem:$0x3FB6] =	sst s9;
	s0 =	simm.s32 @!p0 $0x0  }
0x12: {  	s1 =	sld [smem:$0x3F9C];
	s0 =	simm.s32 @p0 $0x1  }
0x13: {  	[smem:$0x3FB7] =	sst s0;
	s0 =	simm.s32 @!p1 $0x0  }
0x14: {  	s2 =	sld [smem:$0x3F9B];
	s0 =	simm.s32 @p1 $0x1  }
0x15: {  	[smem:$0x3FB8] =	sst s0;
	s0 =	simm.s32 @!p2 $0x0  }
0x16: {  	s3 =	sld [smem:$0x3FDB];
	s0 =	simm.s32 @p2 $0x1  }
0x17: {  	s4 =	simm.s32 $0x1BF5;
	[smem:$0x3FBA] =	sst s0  }
0x18: {  	s0 =	sld [smem:$0x3F9D];
	_ =	swait.ge [sflag:s4], $0x0  }
0x19: {  	s7 =	sld [smem:$0x3F9E]  }
0x1a: {  	s8 =	sadd.s32 $0xFFFFE003, lr  }
0x1b: {  	s9 =	sadd.s32 $0xFFFFFEF7, lr;
	s5 =	simm.s32 $0xFFFFFFFF;
	p2 =	slt.u32 s8, $0xFFFFF086  }
0x1c: {  	p1 =	slt.u32 s9, $0xF7A;
	s5 =	simm.s32 @!p2 $0x0  }
0x1d: {  	s5 =	simm.s32 @p1 $0x1;
	p0 =	seq.s32 s7, s2  }
0x1e: {  	s7 =	smul.u32 @!p0 $0xF7A, s2;
	p2 =	seq.s32 @!p0 s5, $0x0  }
0x1f: {  	s9 =	smul.u32 $0xF7A, s1;
	s8 =	simm.s32 @!p0 $0x1BF5;
	p2 =	por !p2, p0  }
0x20: {  	[sflag:s8] =	ssyncset.s32 @!p0 $0xFFFFF086;
	s6 =	sadd.s32 @!p0 s3, s7;
	s7 =	simm.s32 @!p0 $0x108  }
0x21: {  	s3 =	sadd.s32 s3, s9;
	s6 =	sadd.s32 @!p0 $0x88, s6;
	s7 =	simm.s32 @p2 $0x1082  }
0x22: {  	[simem:s7], [sflag:s8] =	dma.local @!p0 [hbm:s6], $0xF7A  }
0x23: {  	s9 =	sor.u32 $0xD0000000, s2;
	s6 =	simm.s32 $0x108;
	_ =	swait.ge @!p0 [sflag:s8], $0x0  }
0x24: {  	s3 =	sadd.s32 $0x88, s3;
	s6 =	simm.s32 @!p1 $0x1082;
	[sflag:s4] =	ssyncset.s32 $0xFFFFF086  }
0x25: {  	[simem:s6], [sflag:s4] =	dma.local [hbm:s3], $0xF7A  }
0x26: {  	[smem:$0x3F9E] =	sst s1;
	(tag) =	ssettag s2;
	_ =	strace s9  }
0x27: {  	s1 =	sld [smem:$0x3FAE]  }
0x28: {  	s2 =	sld [smem:$0x3FAF]  }
0x29: {  	s4 =	sld [smem:$0x3FB1]  }
0x2a: {  	p0 =	seq.s32 s5, $0x0;
	s5 =	sld [smem:$0x3FB2]  }
0x2b: {  	s6 =	sld [smem:$0x3FB3]  }
0x2c: {  	s7 =	sld [smem:$0x3FB4]  }
0x2d: {  	s3 =	simm.s32 $0x108;
	s8 =	sld [smem:$0x3FB5]  }
0x2e: {  	s3 =	simm.s32 @!p0 $0x1082;
	s9 =	sld [smem:$0x3FB6]  }
0x2f: {  	lr =	sadd.s32 s0, s3;
	s0 =	sld [smem:$0x3FAD]  }
0x30: {  	s3 =	sld [smem:$0x3FB0]  }
0x31: {  	[smem:$0x3FB9] =	sst s10  }
0x32: {  	s10 =	sld [smem:$0x3FB7];
	_ =	sdelay $0x3  }
0x33: {  	p0 =	seq.s32 s10, $0x1;
	s10 =	sld [smem:$0x3FB9];
	_ =	sdelay $0x3  }
0x34: {  	[smem:$0x3FB9] =	sst s10  }
0x35: {  	s10 =	sld [smem:$0x3FB8];
	_ =	sdelay $0x3  }
0x36: {  	p1 =	seq.s32 s10, $0x1;
	s10 =	sld [smem:$0x3FB9];
	_ =	sdelay $0x3  }
0x37: {  	[smem:$0x3FB9] =	sst s10  }
0x38: {  	s10 =	sld [smem:$0x3FBA]  }
0x39: {  	_ = 	snop;
	(pc) =	sbr.ind lr, $3  }
0x3a: {  	_ = 	snop  }
0x3b: {  	_ = 	snop  }
0x3c: {  	p2 =	seq.s32 s10, $0x1;
	s10 =	sld [smem:$0x3FB9]  }
0x3d: {  	_ =	shalt  }
0x3e: {  	_ =	shalt  }
0x3f: {  	_ =	shalt  }
0x40: {  	_ =	shalt  }
0x41: {  	_ =	shalt  }
0x42: {  	_ =	shalt  }
0x43: {  	_ =	shalt  }
0x44: {  	_ =	shalt  }
0x45: {  	_ =	shalt  }
0x46: {  	_ =	shalt  }
0x47: {  	_ =	shalt  }
0x48: {  	_ =	shalt  }
0x49: {  	_ =	shalt  }
0x4a: {  	_ =	shalt  }
0x4b: {  	_ =	shalt  }
0x4c: {  	_ =	shalt  }
0x4d: {  	_ =	shalt  }
0x4e: {  	_ =	shalt  }
0x4f: {  	_ =	shalt  }
0x50: {  	_ =	shalt  }
0x51: {  	_ =	shalt  }
0x52: {  	_ =	shalt  }
0x53: {  	_ =	shalt  }
0x54: {  	_ =	shalt  }
0x55: {  	_ =	shalt  }
0x56: {  	_ =	shalt  }
0x57: {  	_ =	shalt  }
0x58: {  	_ =	shalt  }
0x59: {  	_ =	shalt  }
0x5a: {  	_ =	shalt  }
0x5b: {  	_ =	shalt  }
0x5c: {  	_ =	shalt  }
0x5d: {  	_ =	shalt  }
0x5e: {  	_ =	shalt  }
0x5f: {  	_ =	shalt  }
0x60: {  	_ =	shalt  }
0x61: {  	_ =	shalt  }
0x62: {  	_ =	shalt  }
0x63: {  	_ =	shalt  }
0x64: {  	_ =	shalt  }
0x65: {  	_ =	shalt  }
0x66: {  	_ =	shalt  }
0x67: {  	_ =	shalt  }
0x68: {  	_ =	shalt  }
0x69: {  	_ =	shalt  }
0x6a: {  	_ =	shalt  }
0x6b: {  	_ =	shalt  }
0x6c: {  	_ =	shalt  }
0x6d: {  	_ =	shalt  }
0x6e: {  	_ =	shalt  }
0x6f: {  	_ =	shalt  }
0x70: {  	_ =	shalt  }
0x71: {  	_ =	shalt  }
0x72: {  	_ =	shalt  }
0x73: {  	_ =	shalt  }
0x74: {  	_ =	shalt  }
0x75: {  	_ =	shalt  }
0x76: {  	_ =	shalt  }
0x77: {  	_ =	shalt  }
0x78: {  	_ =	shalt  }
0x79: {  	_ =	shalt  }
0x7a: {  	_ =	shalt  }
0x7b: {  	_ =	shalt  }
0x7c: {  	_ =	shalt  }
0x7d: {  	_ =	shalt  }
0x7e: {  	_ =	shalt  }
0x7f: {  	_ =	shalt  }
0x80: {  	_ =	shalt  }
0x81: {  	_ =	shalt  }
0x82: {  	_ =	shalt  }
0x83: {  	_ =	shalt  }
0x84: {  	_ =	shalt  }
0x85: {  	_ =	shalt  }
0x86: {  	_ =	shalt  }
0x87: {  	_ =	shalt  }
.Lfunc_end0:
.L_simem_size_0:
called_computation_lowered:
.L_overlay_start_0:
0x88: {  	s2 =	sld [smem:$0x3FD9]  }
0x89: {  	s3 =	sld [smem:$0x3FFE];
	_ =	sdelay $0x1  }
0x8a: {  	s1 =	srdreg.scid  }
0x8b: {  	s0 =	sand.u32 $0x1, s1  }
0x8c: {  	s17 =	sshll.u32 s0, $0xA;
	s2 =	sadd.s32 s3, s2  }
0x8d: {  	s2 =	sadd.s32 s2, s17  }
0x8e: {  	[smem:$0x3FC5] =	sst s2  }
0x8f: {  	_ = 	snop  }
0x90: {  	s2 =	sld [smem:$0x3FC9]  }
0x91: {  	s18 =	sld [smem:$0x3FD0];
	(tm) =	ssettm $0x1  }
0x92: {  	s4 =	sld [smem:$0x3FFB];
	_ =	sdelay $0x3  }
0x93: {  	_ =	strace s4  }
0x94: {  	s4 =	sld [smem:$0x3FFC];
	_ =	sdelay $0x3  }
0x95: {  	_ =	strace s4  }
0x96: {  	s4 =	sld [smem:$0x3FFD];
	_ =	sdelay $0x3  }
0x97: {  	_ =	strace s4  }
0x98: {  	_ =	strace $0x8FFFFFFF  }
0x99: {  	s19 =	sld [smem:$0x3FDB];
	_ =	sdelay $0x1  }
0x9a: {  	s5 =	simm.s32 $_scs_section_size  }
0x9b: {  	s6 =	simm.s32 $_size__tile_overlayer_lowered;
	s7 =	simm.s32 $_tile_overlayer_lowered  }
0x9c: {  	s22 =	simm.s32 $0x1BFF;
	s21 =	sshll.u32 s7, $0x1;
	s4 =	sadd.s32 s5, s19  }
0x9d: {  	s8 =	simm.s32 $0x0;
	s20 =	sshll.u32 s6, $0x1;
	s6 =	sadd.s32 s21, s4  }
0x9e: {  	[timem:s8], [sflag:s22] =	dma.local [hbm:s6], s20  }
0x9f: {  	_ =	swait.ge [sflag:s22], s20  }
0xa0: {  	s5 =	ssub.s32 $0x0, s20;
	[sflag:s22] =	ssyncset.done $0x0  }
0xa1: {  	[sflag:s22] =	ssyncadd.s32 s5;
	_ =	sdelay $0x1  }
0xa2: {  	s23 =	simm.s32 $0x1B8B  }
0xa3: {  	_ =	swait.ge [sflag:s23], $0x1  }
0xa4: {  	[sflag:s23] =	ssyncset.done $0x0  }
0xa5: {  	s25 =	simm.s32 $0x1B8E;
	s24 =	sld [smem:$0x3FFE];
	[sflag:s23] =	ssyncadd.s32 $0xFFFFFFFF  }
0xa6: {  	s26 =	simm.s32 $execute0_lowered;
	[smem:$0x3FD2] =	sst s25  }
0xa7: {  	s6 =	sshll.u32 s26, $0x1;
	_ =	strace $0x80000046;
	[dreg:$0x1] =	wrdreg $0xFFFFFFFF  }
0xa8: {  	s28 =	simm.s32 $_size_execute0_lowered;
	s4 =	sadd.s32 s4, s6;
	[dreg:$0x0] =	wrdreg $0x0  }
0xa9: {  	s6 =	sshll.u32 s28, $0x1;
	[dreg:$0x2] =	wrdreg s4  }
0xaa: {  	[dreg:$0x3] =	wrdreg s6  }
0xab: {  	[dreg:$0x4] =	wrdreg $0xC0  }
0xac: {  	_ =	task [dreg:s8], $0x5FFFF  }
0xad: {  	[dreg:$0x1] =	wrdreg $0xFFFFFFFF  }
0xae: {  	[dreg:$0x0] =	wrdreg $0x60  }
0xaf: {  	[dreg:$0x2] =	wrdreg s2  }
0xb0: {  	[dreg:$0x3] =	wrdreg s18  }
0xb1: {  	[dreg:$0x4] =	wrdreg s24  }
0xb2: {  	[dreg:$0x5] =	wrdreg $0x9  }
0xb3: {  	_ =	task.clear_ibuf [dreg:s8], $0x6FFFF;
	_ =	strace $0x90000046  }
0xb4: {  	s29 =	simm.s32 $0x9;
	_ =	strace $0x80000048  }
0xb5: {  	_ =	swait.ge [sflag:s29], $0x1  }
0xb6: {  	[sflag:s29] =	ssyncadd.s32 $0xFFFFFFFF  }
0xb7: {  	_ =	strace $0x90000048  }
0xb8: {  	_ =	sfence  }
0xb9: {  	s30 =	sld [smem:$0x0];
	_ =	sdelay $0x2  }
0xba: {  	s31 =	sshll.u32 s1, $0xD;
	s1 =	sshrl.u32 s1, $0x2  }
0xbb: {  	s3 =	sand.u32 $0x4000, s31;
	s1 =	sadd.s32 s1, s30  }
0xbc: {  	s0 =	sor.u32 s3, s0;
	s1 =	sshll.u32 s1, $0x11  }
0xbd: {  	s0 =	sor.u32 s1, s0  }
0xbe: {  	s0 =	sadd.s32 $0x8F2B, s0  }
0xbf: {  	[sflag:s0] =	ssyncadd.remote.s32 $0x1  }
0xc0: {  	_ =	sfence.sel $0xFFFF  }
0xc1: {  	[dreg:$0x0] =	wrdreg $0xFFFFFFFF;
	(pc) =	sbr.abs _section_cstart, $3  }
0xc2: {  	[dreg:$0x1] =	wrdreg $0xFFFFFFFF  }
0xc3: {  	_ =	task.clear_ibuf [dreg:s8], $0x2FFFF;
	_ =	strace $0x9FFFFFFF  }
0xc4: {  	(tm) =	ssettm $0x7FFFFFFF  }
0xc5: {  	_ =	shalt  }
tec
execute0_lowered:
.L_overlay_start_1:
0x0: {  	(tag) =	ssettag $0x1  }
0x1: {  	s1 =	rddreg [dreg:$0x0]  }
0x2: {  	s3 =	rddreg [dreg:$0x1]  }
0x3: {  	s6 =	rddreg [dreg:$0x2]  }
0x4: {  	s0 =	rddreg [dreg:$0x3]  }
0x5: {  	s5 =	srdreg.scid;
	s2 =	stileid.u32;
	s4 =	simm.s32 $0x0  }
0x6: {  	s11 =	simm.s32 $0x13880;
	s13 =	simm.s32 $0x10;
	s14 =	simm.s32 $0x300  }
0x7: {  	s15 =	simm.s32 $0x20;
	s16 =	simm.s32 $0x200;
	s17 =	simm.s32 $0xB00  }
0x8: {  	s18 =	simm.s32 $0x280;
	s22 =	simm.s32 $0xD0;
	s19 =	simm.s32 $0x80  }
0x9: {  	s20 =	simm.s32 $0x1300;
	s21 =	simm.s32 $0x1;
	s8 =	sand.u32 $0x1, s5  }
0xa: {  	s26 =	sshll.u32 s2, $0x1;
	[smem:$0x7FF] =	sst s4;
	s5 =	sadd.s32 $0x200, s6  }
0xb: {  	s29 =	sand.u32 $0x1, s2;
	s31 =	sshll.u32 s2, $0x2;
	s7 =	sor.u32 s8, s26  }
0xc: {  	_ =	strace $0x80000047;
	s28 =	ssub.s32 $0x2, s8;
	p1 =	seq.s32 s8, $0x1  }
0xd: {  	s12 =	sand.u32 $0x38, s31;
	s9 =	sshll.u32 s7, $0x4;
	p0 =	seq.s32 s7, $0x0  }
0xe: {  	s10 =	sshrl.u32 s28, $0x1;
	v1 =	vmov s12;
	s12 =	simm.s32 $0x180;
	s6 =	sadd.s32 s9, s6  }
0xf: {  	p0 =	por !p0, !p1;
	p1 =	seq.s32 s29, $0x1;
	s30 =	ssub.s32 s28, s10  }
0x10: {  	v2 =	vimm.s32 $0x3;
	v3 =	vimm.s32 $0x7;
	s9 =	simm.s32 $0x2;
	s10 =	simm.s32 $0x80;
	p2 =	por !p0, !p0  }
0x11: {  	v4 =	vimm.s32 $0x0;
	v5 =	vimm.s32 $0x1;
	v6 =	vimm.s32 $0x2;
	p0 =	por !p1, !p1;
	s6 =	sadd.s32 $0x400, s6;
	s7 =	smax.u32 s30, $0x1  }
0x12: {  	v7 =	vimm.s32 $0x4;
	v8 =	vimm.s32 $0x5;
	v9 =	vimm.s32 $0x6;
	p0 =	por @!p2 p1, p1;
	p1 =	seq.s32 s8, $0x0;
	s8 =	simm.s32 $0x0  }
0x13: {  	v10 =	vimm.s32 $0x8;
	v11 =	vimm.s32 $0x9;
	v12 =	vimm.s32 $0xA;
	s11 =	simm.s32 @!p0 $0x0;
	s8 =	simm.s32 @!p1 $0x30;
	s13 =	simm.s32 @!p1 $0x40  }
0x14: {  	v13 =	vimm.s32 $0xB;
	v14 =	vimm.s32 $0xC;
	v15 =	vimm.s32 $0xD;
	s15 =	simm.s32 @!p1 $0x40;
	s22 =	simm.s32 @!p1 $0x100;
	s19 =	simm.s32 @!p1 $0xB0  }
0x15: {  	v16 =	vimm.s32 $0xE;
	v17 =	vimm.s32 $0xF;
	v0 =	vmov s11;
	s11 =	simm.s32 $0x10;
	s19 =	smov.u32 @p0 s22;
	s22 =	simm.s32 $0x1B00  }
.LBB2_1:
0x16: {  	[tilespmem:s4], [sflag:$0x2] =	stream.linear.gather [hbm4b:s3+s4], $0x80, $0x38;
	[tilespmem:$0x1B80] =	vst v63  }
0x17: {  	_ =	swait.ge [sflag:s9], $0x80  }
0x18: {  	[sflag:s9] =	ssyncset.done $0x0  }
0x19: {  	[sflag:s9] =	ssyncadd.s32 $0xFFFFFF80  }
0x1a: {  	[tilespmem:s10], [sflag:$0x2] =	stream.linear.gather [hbm4b:s5+s4], $0x100, $0x38;
	[tilespmem:$0x1B80] =	vst v63  }
0x1b: {  	_ =	swait.ge [sflag:s9], $0x100  }
0x1c: {  	[sflag:s9] =	ssyncset.done $0x0  }
0x1d: {  	[sflag:s9] =	ssyncadd.s32 $0xFFFFFF00  }
0x1e: {  	v18 =	vld [tilespmem:s8+$0x0];
	_ =	sdelay $0x4  }
0x1f: {  	v19 =	vshll.u32 v18, $0x3  }
0x20: {  	v19 =	vand.u32 $0xFFFFFFC0, v19  }
0x21: {  	v18 =	vand.u32 $0x7, v18;
	v19 =	vadd.s32 v0, v19  }
0x22: {  	v18 =	vor.u32 v18, v19  }
0x23: {  	v18 =	vor.u32 v1, v18  }
0x24: {  	[tilespmem:$0x180] =	vst v18  }
0x25: {  	[tilespmem:s14], [sflag:$0x1] =	stream.indirect.gather [hbm4b:s1+s11], $0x80, s12, s11, $0xb8;
	[tilespmem:$0x1B80] =	vst v63  }
0x26: {  	v18 =	vld [tilespmem:s13+$0x0];
	_ =	sdelay $0x4  }
0x27: {  	v19 =	vshll.u32 v18, $0x3  }
0x28: {  	v19 =	vand.u32 $0xFFFFFFC0, v19  }
0x29: {  	v18 =	vand.u32 $0x7, v18;
	v19 =	vadd.s32 v0, v19  }
0x2a: {  	v18 =	vor.u32 v18, v19  }
0x2b: {  	v18 =	vor.u32 v1, v18  }
0x2c: {  	[tilespmem:$0x200] =	vst v18  }
0x2d: {  	[tilespmem:s17], [sflag:$0x1] =	stream.indirect.gather [hbm4b:s1+s11], $0x80, s16, s11, $0xb8;
	[tilespmem:$0x1B80] =	vst v63  }
0x2e: {  	v18 =	vld [tilespmem:s15+$0x0];
	_ =	sdelay $0x4  }
0x2f: {  	v19 =	vshll.u32 v18, $0x3  }
0x30: {  	v19 =	vand.u32 $0xFFFFFFC0, v19  }
0x31: {  	v18 =	vand.u32 $0x7, v18;
	v19 =	vadd.s32 v0, v19  }
0x32: {  	v18 =	vor.u32 v18, v19  }
0x33: {  	v18 =	vor.u32 v1, v18  }
0x34: {  	[tilespmem:$0x280] =	vst v18  }
0x35: {  	[tilespmem:s20], [sflag:$0x1] =	stream.indirect.gather [hbm4b:s1+s11], $0x80, s18, s11, $0xb8;
	[tilespmem:$0x1B80] =	vst v63  }
0x36: {  	_ =	swait.ge [sflag:s21], $0x800  }
0x37: {  	[sflag:s21] =	ssyncset.done $0x0  }
0x38: {  	[sflag:s21] =	ssyncadd.s32 $0xFFFFF800  }
0x39: {  	v18 =	vld [tilespmem:s19+$0x0]  }
0x3a: {  	v19 =	vld [tilespmem:$0x300]  }
0x3b: {  	v20 =	vld [tilespmem:$0x310]  }
0x3c: {  	v21 =	vld [tilespmem:$0x320]  }
0x3d: {  	v23 =	vld [tilespmem:$0x330]  }
0x3e: {  	v24 =	vld [tilespmem:$0x340]  }
0x3f: {  	v25 =	vld [tilespmem:$0x350]  }
0x40: {  	v26 =	vld [tilespmem:$0x360]  }
0x41: {  	v57 =	vld [tilespmem:$0x370]  }
0x42: {  	v27 =	vld [tilespmem:$0x380]  }
0x43: {  	v60 =	vld [tilespmem:$0x390]  }
0x44: {  	v28 =	vld [tilespmem:$0x3A0];
	v22 =	vperm.xlane v18, v4  }
0x45: {  	v63 =	vld [tilespmem:$0x3B0]  }
0x46: {  	v30 =	vld [tilespmem:$0x3C0];
	v19 =	vsub.f32 v19, v22  }
0x47: {  	v36 =	vld [tilespmem:$0x400];
	v20 =	vsub.f32 v20, v22;
	v21 =	vsub.f32 v21, v22  }
0x48: {  	v31 =	vld [tilespmem:$0x410];
	v29 =	vperm.xlane v18, v5;
	v56 =	vsub.f32 v23, v22;
	v59 =	vsub.f32 v24, v22  }
0x49: {  	v38 =	vld [tilespmem:$0x3D0];
	v62 =	vsub.f32 v25, v22;
	v35 =	vsub.f32 v26, v22  }
0x4a: {  	v32 =	vld [tilespmem:$0x420];
	v41 =	vperm.xlane v18, v6;
	v27 =	vsub.f32 v27, v29;
	v24 =	vsub.f32 v60, v29  }
0x4b: {  	v40 =	vld [tilespmem:$0x3E0];
	v28 =	vsub.f32 v28, v29;
	v39 =	vsub.f32 v57, v22  }
0x4c: {  	v45 =	vld [tilespmem:$0x440];
	v25 =	vsub.f32 v63, v29;
	v26 =	vsub.f32 v36, v41  }
0x4d: {  	v49 =	vld [tilespmem:$0x470];
	v31 =	vsub.f32 v31, v41;
	v19 =	vmul.f32 v19, v19;
	v20 =	vmul.f32 v20, v20  }
0x4e: {  	v43 =	vld [tilespmem:$0x430];
	v44 =	vsub.f32 v30, v29;
	v55 =	vmul.f32 v21, v21;
	v58 =	vmul.f32 v56, v56  }
0x4f: {  	v33 =	vld [tilespmem:$0x3F0];
	v32 =	vsub.f32 v32, v41;
	v61 =	vmul.f32 v59, v59;
	v34 =	vmul.f32 v62, v62  }
0x50: {  	v22 =	vsub.f32 v40, v29;
	v37 =	vmul.f32 v35, v35;
	v27 =	vmul.f32 v27, v27  }
0x51: {  	v47 =	vld [tilespmem:$0x460];
	v30 =	vsub.f32 v45, v41;
	v24 =	vmul.f32 v24, v24;
	v42 =	vmul.f32 v28, v28  }
0x52: {  	v51 =	vld [tilespmem:$0x490];
	v23 =	vsub.f32 v49, v41;
	v25 =	vmul.f32 v25, v25;
	v26 =	vmul.f32 v26, v26  }
0x53: {  	v54 =	vld [tilespmem:$0x4A0];
	v31 =	vmul.f32 v31, v31;
	v21 =	vsub.f32 v38, v29;
	v19 =	vadd.f32 v20, v19  }
0x54: {  	v46 =	vmul.f32 v44, v44;
	v28 =	vsub.f32 v43, v41;
	v59 =	vsub.f32 v33, v29  }
0x55: {  	v50 =	vld [tilespmem:$0x480];
	v48 =	vmul.f32 v32, v32;
	v24 =	vadd.f32 v24, v27;
	v19 =	vadd.f32 v55, v19  }
0x56: {  	v29 =	vperm.xlane v18, v2;
	v26 =	vadd.f32 v31, v26;
	v27 =	vsub.f32 v47, v41  }
0x57: {  	v53 =	vmul.f32 v22, v22;
	v62 =	vld [tilespmem:$0x4D0];
	v24 =	vadd.f32 v42, v24;
	v19 =	vadd.f32 v58, v19  }
0x58: {  	v60 =	vld [tilespmem:$0x4C0];
	v56 =	vmul.f32 v30, v30;
	v31 =	vsub.f32 v51, v29;
	v22 =	vsub.f32 v54, v29  }
0x59: {  	v40 =	vld [tilespmem:$0x4F0];
	v21 =	vmul.f32 v21, v21;
	v24 =	vadd.f32 v25, v24;
	v19 =	vadd.f32 v61, v19  }
0x5a: {  	v63 =	vld [tilespmem:$0x4E0];
	v28 =	vmul.f32 v28, v28;
	v26 =	vadd.f32 v48, v26;
	v25 =	vsub.f32 v50, v29  }
0x5b: {  	v38 =	vld [tilespmem:$0x510];
	v31 =	vmul.f32 v31, v31;
	v24 =	vadd.f32 v46, v24;
	v19 =	vadd.f32 v34, v19  }
0x5c: {  	v47 =	vld [tilespmem:$0x540];
	v55 =	vadd.f32 v28, v26;
	v50 =	vsub.f32 v62, v29;
	v25 =	vmul.f32 v25, v25  }
0x5d: {  	v20 =	vmul.f32 v39, v39;
	v34 =	vld [tilespmem:$0x450];
	v52 =	vadd.f32 v21, v24;
	v19 =	vadd.f32 v37, v19  }
0x5e: {  	v22 =	vmul.f32 v22, v22;
	v58 =	vld [tilespmem:$0x4B0];
	v62 =	vsub.f32 v40, v29;
	v25 =	vadd.f32 v31, v25  }
0x5f: {  	v21 =	vmul.f32 v59, v59;
	v37 =	vld [tilespmem:$0x500];
	v19 =	vadd.f32 v20, v19;
	v20 =	vadd.f32 v53, v52  }
0x60: {  	v23 =	vmul.f32 v23, v23;
	v42 =	vld [tilespmem:$0x520];
	v46 =	vsub.f32 v60, v29;
	v24 =	vadd.f32 v56, v55  }
0x61: {  	v36 =	vmul.f32 v27, v27;
	v48 =	vld [tilespmem:$0x550];
	v22 =	vadd.f32 v22, v25;
	v20 =	vadd.f32 v21, v20  }
0x62: {  	v44 =	vld [tilespmem:$0x530];
	v53 =	vsub.f32 v63, v29;
	v57 =	vsub.f32 v34, v41;
	v21 =	vperm.xlane v18, v7  }
0x63: {  	v51 =	vld [tilespmem:$0x560];
	v49 =	vmul.f32 v46, v46;
	v41 =	vsub.f32 v58, v29;
	v19 =	vadd.f32 v20, v19  }
0x64: {  	v35 =	vld [tilespmem:$0x570];
	v61 =	vmul.f32 v57, v57;
	v27 =	vsub.f32 v37, v21;
	v32 =	vsub.f32 v38, v21  }
0x65: {  	v54 =	vld [tilespmem:$0x580];
	v45 =	vmul.f32 v41, v41;
	v30 =	vsub.f32 v42, v21;
	v60 =	vsub.f32 v47, v21  }
0x66: {  	v55 =	vld [tilespmem:$0x590];
	v52 =	vmul.f32 v50, v50;
	v40 =	vsub.f32 v48, v21;
	v24 =	vadd.f32 v61, v24  }
0x67: {  	v46 =	vld [tilespmem:$0x5F0];
	v22 =	vadd.f32 v45, v22;
	v27 =	vmul.f32 v27, v27;
	v32 =	vmul.f32 v32, v32  }
0x68: {  	v58 =	vld [tilespmem:$0x5A0];
	v57 =	vmul.f32 v53, v53;
	v45 =	vsub.f32 v51, v21;
	v39 =	vadd.f32 v36, v24  }
0x69: {  	v63 =	vld [tilespmem:$0x5C0];
	v22 =	vadd.f32 v49, v22;
	v24 =	vperm.xlane v18, v8;
	v27 =	vadd.f32 v32, v27  }
0x6a: {  	v61 =	vld [tilespmem:$0x5B0];
	v30 =	vmul.f32 v30, v30;
	v43 =	vadd.f32 v23, v39;
	v23 =	vsub.f32 v44, v21  }
0x6b: {  	v41 =	vld [tilespmem:$0x5D0];
	v47 =	vmul.f32 v45, v45;
	v56 =	vadd.f32 v52, v22;
	v42 =	vsub.f32 v54, v24  }
0x6c: {  	v53 =	vld [tilespmem:$0x640];
	v32 =	vsub.f32 v55, v24;
	v59 =	vadd.f32 v30, v27;
	v23 =	vmul.f32 v23, v23  }
0x6d: {  	v48 =	vld [tilespmem:$0x610];
	v39 =	vmul.f32 v60, v60;
	v25 =	vsub.f32 v58, v24;
	v21 =	vsub.f32 v35, v21  }
0x6e: {  	v37 =	vld [tilespmem:$0x700];
	v33 =	vmul.f32 v42, v42;
	v32 =	vmul.f32 v32, v32;
	v23 =	vadd.f32 v23, v59  }
0x6f: {  	v38 =	vld [tilespmem:$0x7E0];
	v44 =	vmul.f32 v40, v40;
	v29 =	vsub.f32 v63, v24;
	v30 =	vsub.f32 v61, v24  }
0x70: {  	v51 =	vld [tilespmem:$0x630];
	v25 =	vmul.f32 v25, v25;
	v32 =	vadd.f32 v32, v33;
	v23 =	vadd.f32 v39, v23  }
0x71: {  	v36 =	vld [tilespmem:$0x600];
	v22 =	vmul.f32 v62, v62;
	v19 =	vadd.f32 v43, v19;
	v20 =	vadd.f32 v57, v56  }
0x72: {  	v43 =	vld [tilespmem:$0x5E0];
	v52 =	vmul.f32 v30, v30;
	v25 =	vadd.f32 v25, v32;
	v23 =	vadd.f32 v44, v23  }
0x73: {  	v49 =	vld [tilespmem:$0x620];
	v21 =	vmul.f32 v21, v21;
	v57 =	vsub.f32 v41, v24;
	v20 =	vadd.f32 v22, v20  }
0x74: {  	v45 =	vld [tilespmem:$0x6B0];
	v56 =	vmul.f32 v29, v29;
	v25 =	vadd.f32 v52, v25;
	v50 =	vadd.f32 v47, v23  }
0x75: {  	v55 =	vld [tilespmem:$0x650];
	v61 =	vmul.f32 v57, v57;
	v19 =	vadd.f32 v20, v19  }
0x76: {  	v63 =	vld [tilespmem:$0x680];
	v25 =	vadd.f32 v56, v25;
	v54 =	vadd.f32 v21, v50;
	v21 =	vperm.xlane v18, v9  }
0x77: {  	v40 =	vld [tilespmem:$0x690];
	v62 =	vsub.f32 v43, v24;
	v24 =	vsub.f32 v46, v24  }
0x78: {  	v43 =	vld [tilespmem:$0x6A0];
	v41 =	vadd.f32 v61, v25;
	v59 =	vsub.f32 v36, v21  }
0x79: {  	v58 =	vld [tilespmem:$0x660];
	v42 =	vmul.f32 v62, v62;
	v27 =	vsub.f32 v48, v21;
	v33 =	vsub.f32 v49, v21  }
0x7a: {  	v60 =	vld [tilespmem:$0x670];
	v25 =	vperm.xlane v18, v3;
	v19 =	vadd.f32 v54, v19;
	v23 =	vsub.f32 v51, v21  }
0x7b: {  	v46 =	vld [tilespmem:$0x6C0];
	v20 =	vadd.f32 v42, v41;
	v47 =	vsub.f32 v53, v21  }
0x7c: {  	v30 =	vld [tilespmem:$0x850];
	v49 =	vsub.f32 v63, v25;
	v50 =	vsub.f32 v40, v25  }
0x7d: {  	v24 =	vmul.f32 v24, v24;
	v56 =	vld [tilespmem:$0x720];
	v22 =	vsub.f32 v55, v21;
	v26 =	vsub.f32 v43, v25  }
0x7e: {  	v48 =	vld [tilespmem:$0x6D0];
	v54 =	vsub.f32 v58, v21;
	v32 =	vmul.f32 v59, v59;
	v27 =	vmul.f32 v27, v27  }
0x7f: {  	v51 =	vld [tilespmem:$0x6E0];
	v21 =	vsub.f32 v60, v21;
	v44 =	vmul.f32 v33, v33;
	v23 =	vmul.f32 v23, v23  }
0x80: {  	v53 =	vld [tilespmem:$0x6F0];
	v28 =	vsub.f32 v46, v25;
	v33 =	vmul.f32 v49, v49;
	v34 =	vmul.f32 v50, v50  }
0x81: {  	v55 =	vld [tilespmem:$0x710];
	v52 =	vmul.f32 v47, v47;
	v20 =	vadd.f32 v24, v20;
	v27 =	vadd.f32 v27, v32  }
0x82: {  	v58 =	vld [tilespmem:$0x730];
	v26 =	vmul.f32 v26, v26;
	v33 =	vadd.f32 v34, v33;
	v32 =	vsub.f32 v45, v25  }
0x83: {  	v63 =	vld [tilespmem:$0x760];
	v22 =	vmul.f32 v22, v22;
	v19 =	vadd.f32 v20, v19;
	v62 =	vsub.f32 v48, v25  }
0x84: {  	v43 =	vld [tilespmem:$0x780];
	v27 =	vadd.f32 v44, v27;
	v26 =	vadd.f32 v26, v33;
	v32 =	vmul.f32 v32, v32  }
0x85: {  	v36 =	vld [tilespmem:$0x820];
	v42 =	vsub.f32 v51, v25;
	v51 =	vsub.f32 v53, v25;
	v44 =	vperm.xlane v18, v10  }
0x86: {  	v57 =	vmul.f32 v54, v54;
	v54 =	vld [tilespmem:$0x7D0];
	v23 =	vadd.f32 v23, v27;
	v60 =	vadd.f32 v32, v26  }
0x87: {  	v61 =	vmul.f32 v28, v28;
	v45 =	vld [tilespmem:$0x790];
	v49 =	vsub.f32 v37, v44;
	v31 =	vsub.f32 v55, v44  }
0x88: {  	v21 =	vmul.f32 v21, v21;
	v48 =	vld [tilespmem:$0x7A0];
	v34 =	vsub.f32 v56, v44;
	v27 =	vsub.f32 v58, v44  }
0x89: {  	v53 =	vld [tilespmem:$0x7C0];
	v41 =	vmul.f32 v62, v62;
	v23 =	vadd.f32 v52, v23;
	v40 =	vadd.f32 v61, v60  }
0x8a: {  	v56 =	vld [tilespmem:$0x7F0];
	v62 =	vsub.f32 v63, v44;
	v52 =	vperm.xlane v18, v11;
	v26 =	vmul.f32 v49, v49  }
0x8b: {  	v59 =	vld [tilespmem:$0x740];
	v31 =	vmul.f32 v31, v31;
	v22 =	vadd.f32 v22, v23;
	v46 =	vadd.f32 v41, v40  }
0x8c: {  	v50 =	vld [tilespmem:$0x7B0];
	v47 =	vmul.f32 v42, v42;
	v28 =	vsub.f32 v43, v52;
	v35 =	vsub.f32 v45, v52  }
0x8d: {  	v58 =	vld [tilespmem:$0x810];
	v55 =	vmul.f32 v34, v34;
	v26 =	vadd.f32 v31, v26;
	v24 =	vsub.f32 v48, v52  }
0x8e: {  	v37 =	vld [tilespmem:$0x860];
	v27 =	vmul.f32 v27, v27;
	v29 =	vsub.f32 v53, v52;
	v40 =	vsub.f32 v54, v52  }
0x8f: {  	v49 =	vld [tilespmem:$0x8B0];
	v41 =	vmul.f32 v62, v62;
	v43 =	vsub.f32 v38, v52;
	v25 =	vsub.f32 v56, v52  }
0x90: {  	v34 =	vld [tilespmem:$0xAE0];
	v53 =	vperm.xlane v18, v12;
	v22 =	vadd.f32 v57, v22;
	v20 =	vadd.f32 v47, v46  }
0x91: {  	v23 =	vld [tilespmem:$0x750];
	v28 =	vmul.f32 v28, v28;
	v35 =	vmul.f32 v35, v35;
	v26 =	vadd.f32 v55, v26  }
0x92: {  	v31 =	vld [tilespmem:$0x830];
	v57 =	vsub.f32 v59, v44;
	v24 =	vmul.f32 v24, v24;
	v59 =	vsub.f32 v50, v52  }
0x93: {  	v48 =	vld [tilespmem:$0x8A0];
	v63 =	vmul.f32 v29, v29;
	v33 =	vsub.f32 v58, v53;
	v36 =	vsub.f32 v36, v53  }
0x94: {  	v42 =	vmul.f32 v40, v40;
	v39 =	vadd.f32 v21, v22;
	v21 =	vld [tilespmem:$0x770];
	v28 =	vadd.f32 v35, v28  }
0x95: {  	v54 =	vld [tilespmem:$0x8D0];
	v30 =	vsub.f32 v30, v53;
	v26 =	vadd.f32 v27, v26;
	v60 =	vmul.f32 v57, v57  }
0x96: {  	v56 =	vld [tilespmem:$0x8E0];
	v61 =	vmul.f32 v59, v59;
	v23 =	vsub.f32 v23, v44;
	v24 =	vadd.f32 v24, v28  }
0x97: {  	v22 =	vmul.f32 v51, v51;
	v31 =	vsub.f32 v31, v53;
	v19 =	vadd.f32 v39, v19;
	v39 =	vld [tilespmem:$0x800]  }
0x98: {  	v46 =	vld [tilespmem:$0x890];
	v59 =	vperm.xlane v18, v13;
	v26 =	vadd.f32 v60, v26;
	v24 =	vadd.f32 v61, v24  }
0x99: {  	v20 =	vadd.f32 v22, v20;
	v23 =	vmul.f32 v23, v23;
	v21 =	vsub.f32 v21, v44;
	v44 =	vld [tilespmem:$0x880]  }
0x9a: {  	v47 =	vmul.f32 v43, v43;
	v52 =	vld [tilespmem:$0x8C0];
	v28 =	vsub.f32 v48, v59;
	v24 =	vadd.f32 v63, v24  }
0x9b: {  	v58 =	vld [tilespmem:$0x8F0];
	v51 =	vmul.f32 v25, v25;
	v22 =	vsub.f32 v56, v59;
	v23 =	vadd.f32 v23, v26  }
0x9c: {  	v35 =	vld [tilespmem:$0x840];
	v33 =	vmul.f32 v33, v33;
	v57 =	vsub.f32 v39, v53;
	v24 =	vadd.f32 v42, v24  }
0x9d: {  	v40 =	vld [tilespmem:$0x920];
	v62 =	vmul.f32 v36, v36;
	v45 =	vadd.f32 v41, v23;
	v23 =	vsub.f32 v46, v59  }
0x9e: {  	v27 =	vld [tilespmem:$0x870];
	v50 =	vadd.f32 v47, v24;
	v24 =	vmul.f32 v57, v57;
	v32 =	vsub.f32 v44, v59  }
0x9f: {  	v60 =	vld [tilespmem:$0x900];
	v31 =	vmul.f32 v31, v31;
	v25 =	vsub.f32 v52, v59;
	v19 =	vadd.f32 v20, v19  }
0xa0: {  	v48 =	vld [tilespmem:$0x9A0];
	v23 =	vmul.f32 v23, v23;
	v24 =	vadd.f32 v33, v24;
	v32 =	vmul.f32 v32, v32  }
0xa1: {  	v52 =	vld [tilespmem:$0x9C0];
	v20 =	vsub.f32 v49, v59;
	v21 =	vmul.f32 v21, v21;
	v42 =	vsub.f32 v35, v53  }
0xa2: {  	v61 =	vld [tilespmem:$0x910];
	v28 =	vmul.f32 v28, v28;
	v24 =	vadd.f32 v62, v24;
	v23 =	vadd.f32 v23, v32  }
0xa3: {  	v26 =	vsub.f32 v27, v53;
	v63 =	vld [tilespmem:$0x930];
	v20 =	vmul.f32 v20, v20;
	v21 =	vadd.f32 v21, v45  }
0xa4: {  	v41 =	vld [tilespmem:$0x940];
	v43 =	vmul.f32 v42, v42;
	v24 =	vadd.f32 v31, v24;
	v23 =	vadd.f32 v28, v23  }
0xa5: {  	v30 =	vmul.f32 v30, v30;
	v39 =	vld [tilespmem:$0x9F0];
	v44 =	vsub.f32 v37, v53;
	v47 =	vsub.f32 v54, v59  }
0xa6: {  	v46 =	vmul.f32 v25, v25;
	v35 =	vld [tilespmem:$0x950];
	v24 =	vadd.f32 v43, v24;
	v20 =	vadd.f32 v20, v23  }
0xa7: {  	v45 =	vld [tilespmem:$0x990];
	v19 =	vadd.f32 v21, v19;
	v55 =	vadd.f32 v51, v50;
	v49 =	vmul.f32 v44, v44  }
0xa8: {  	v53 =	vld [tilespmem:$0x9D0];
	v51 =	vmul.f32 v47, v47;
	v24 =	vadd.f32 v30, v24;
	v20 =	vadd.f32 v46, v20  }
0xa9: {  	v21 =	vsub.f32 v58, v59;
	v19 =	vadd.f32 v55, v19;
	v32 =	vld [tilespmem:$0x960];
	v30 =	vperm.xlane v18, v14  }
0xaa: {  	v42 =	vld [tilespmem:$0xA40];
	v24 =	vadd.f32 v49, v24;
	v20 =	vadd.f32 v51, v20  }
0xab: {  	v22 =	vmul.f32 v22, v22;
	v28 =	vld [tilespmem:$0x980];
	v54 =	vsub.f32 v60, v30;
	v55 =	vsub.f32 v61, v30  }
0xac: {  	v26 =	vmul.f32 v26, v26;
	v59 =	vld [tilespmem:$0xA10];
	v58 =	vsub.f32 v40, v30;
	v36 =	vsub.f32 v63, v30  }
0xad: {  	v50 =	vld [tilespmem:$0x9B0];
	v21 =	vmul.f32 v21, v21;
	v46 =	vsub.f32 v41, v30;
	v35 =	vsub.f32 v35, v30  }
0xae: {  	v33 =	vld [tilespmem:$0x970];
	v60 =	vperm.xlane v18, v15;
	v32 =	vsub.f32 v32, v30;
	v24 =	vadd.f32 v26, v24  }
0xaf: {  	v23 =	vld [tilespmem:$0x9E0];
	v20 =	vadd.f32 v22, v20;
	v56 =	vmul.f32 v54, v54;
	v57 =	vmul.f32 v55, v55  }
0xb0: {  	v44 =	vld [tilespmem:$0xAA0];
	v62 =	vmul.f32 v58, v58;
	v28 =	vsub.f32 v28, v60;
	v37 =	vsub.f32 v45, v60  }
0xb1: {  	v31 =	vld [tilespmem:$0xAC0];
	v45 =	vmul.f32 v36, v36;
	v29 =	vsub.f32 v48, v60;
	v47 =	vmul.f32 v46, v46  }
0xb2: {  	v43 =	vld [tilespmem:$0xA60];
	v27 =	vsub.f32 v50, v60;
	v48 =	vmul.f32 v35, v35;
	v25 =	vsub.f32 v52, v60  }
0xb3: {  	v61 =	vld [tilespmem:$0xA20];
	v51 =	vmul.f32 v32, v32;
	v52 =	vsub.f32 v53, v60;
	v53 =	vsub.f32 v33, v30  }
0xb4: {  	v63 =	vld [tilespmem:$0xA30];
	v54 =	vperm.xlane v18, v16;
	v23 =	vsub.f32 v23, v60;
	v19 =	vadd.f32 v24, v19  }
0xb5: {  	v41 =	vld [tilespmem:$0xA50];
	v18 =	vperm.xlane v18, v17;
	v20 =	vadd.f32 v21, v20;
	v26 =	vadd.f32 v57, v56  }
0xb6: {  	v49 =	vld [tilespmem:$0xA90];
	v28 =	vmul.f32 v28, v28;
	v37 =	vmul.f32 v37, v37;
	v56 =	vsub.f32 v59, v54  }
0xb7: {  	v40 =	vld [tilespmem:$0xAF0];
	v29 =	vmul.f32 v29, v29;
	v21 =	vsub.f32 v39, v60;
	v43 =	vsub.f32 v43, v54  }
0xb8: {  	v22 =	vld [tilespmem:$0xA00];
	v27 =	vmul.f32 v27, v27;
	v31 =	vsub.f32 v31, v18;
	v34 =	vsub.f32 v34, v18  }
0xb9: {  	v36 =	vld [tilespmem:$0xA70];
	v25 =	vmul.f32 v25, v25;
	v24 =	vsub.f32 v61, v54;
	v58 =	vsub.f32 v63, v54  }
0xba: {  	v32 =	vld [tilespmem:$0xAB0];
	v55 =	vmul.f32 v52, v52;
	v26 =	vadd.f32 v62, v26;
	v28 =	vadd.f32 v37, v28  }
0xbb: {  	v33 =	vld [tilespmem:$0xAD0];
	v23 =	vmul.f32 v23, v23;
	v46 =	vsub.f32 v49, v18;
	v19 =	vadd.f32 v20, v19  }
0xbc: {  	v37 =	vld [tilespmem:$0xA80];
	_ =	swait.ge [sflag:s21], $0x800;
	v57 =	vmul.f32 v56, v56;
	v26 =	vadd.f32 v45, v26;
	v28 =	vadd.f32 v29, v28  }
0xbd: {  	v21 =	vmul.f32 v21, v21;
	v62 =	vsub.f32 v42, v54;
	v22 =	vsub.f32 v22, v54;
	[sflag:s21] =	ssyncset.done $0x0  }
0xbe: {  	v24 =	vmul.f32 v24, v24;
	[sflag:s21] =	ssyncadd.s32 $0xFFFFF800;
	v26 =	vadd.f32 v47, v26;
	v27 =	vadd.f32 v27, v28  }
0xbf: {  	v61 =	vmul.f32 v58, v58;
	v32 =	vsub.f32 v32, v18;
	v22 =	vmul.f32 v22, v22;
	v63 =	vld [tilespmem:$0x90]  }
0xc0: {  	v58 =	vmul.f32 v31, v31;
	v29 =	vld [tilespmem:$0xC0];
	v50 =	vadd.f32 v48, v26;
	v25 =	vadd.f32 v25, v27  }
0xc1: {  	v49 =	vld [tilespmem:$0xB00];
	v47 =	vmul.f32 v62, v62;
	v22 =	vadd.f32 v57, v22;
	v45 =	vsub.f32 v37, v18  }
0xc2: {  	v30 =	vld [tilespmem:$0xB40];
	v26 =	vmul.f32 v53, v53;
	v20 =	vadd.f32 v51, v50;
	v25 =	vadd.f32 v55, v25  }
0xc3: {  	v28 =	vld [tilespmem:$0x110];
	v48 =	vsub.f32 v41, v54;
	v27 =	vmul.f32 v46, v46;
	v60 =	vadd.f32 v24, v22  }
0xc4: {  	v53 =	vmul.f32 v43, v43;
	v20 =	vadd.f32 v26, v20;
	v23 =	vadd.f32 v23, v25;
	v26 =	vld [tilespmem:$0xE0]  }
0xc5: {  	v62 =	vld [tilespmem:$0xB90];
	v54 =	vsub.f32 v36, v54;
	v50 =	vsub.f32 v44, v18;
	v25 =	vmul.f32 v45, v45  }
0xc6: {  	v37 =	vld [tilespmem:$0xB30];
	v46 =	vmul.f32 v34, v34;
	v59 =	vadd.f32 v21, v23;
	v21 =	vadd.f32 v61, v60  }
0xc7: {  	v34 =	vld [tilespmem:$0xC50];
	v42 =	vmul.f32 v48, v48;
	v52 =	vmul.f32 v50, v50;
	v25 =	vadd.f32 v27, v25  }
0xc8: {  	v51 =	vld [tilespmem:$0xB10];
	v55 =	vmul.f32 v32, v32;
	v19 =	vadd.f32 v20, v19;
	v21 =	vadd.f32 v47, v21  }
0xc9: {  	v44 =	vld [tilespmem:$0xB20];
	v24 =	vpsel p1, v63, v29;
	v25 =	vadd.f32 v52, v25;
	v61 =	vpsel p1, v26, v28  }
0xca: {  	v32 =	vld [tilespmem:$0xB50];
	v19 =	vadd.f32 v59, v19;
	v21 =	vadd.f32 v42, v21;
	v31 =	vpsel p0, v61, v24  }
0xcb: {  	v63 =	vld [tilespmem:$0xBA0];
	v59 =	vsub.f32 v33, v18;
	v57 =	vadd.f32 v55, v25;
	v36 =	vperm.xlane v31, v4  }
0xcc: {  	v60 =	vld [tilespmem:$0xB80];
	v18 =	vsub.f32 v40, v18;
	v21 =	vadd.f32 v53, v21  }
0xcd: {  	v56 =	vmul.f32 v54, v54;
	v45 =	vld [tilespmem:$0xBB0];
	v20 =	vadd.f32 v58, v57;
	v48 =	vsub.f32 v49, v36  }
0xce: {  	v50 =	vld [tilespmem:$0xBD0];
	v22 =	vmul.f32 v59, v59;
	v49 =	vsub.f32 v51, v36;
	v55 =	vsub.f32 v44, v36  }
0xcf: {  	v23 =	vld [tilespmem:$0xB60];
	v51 =	vperm.xlane v31, v5;
	v58 =	vsub.f32 v37, v36;
	v30 =	vsub.f32 v30, v36  }
0xd0: {  	v27 =	vld [tilespmem:$0xB70];
	v18 =	vmul.f32 v18, v18;
	v32 =	vsub.f32 v32, v36;
	v21 =	vadd.f32 v56, v21  }
0xd1: {  	v47 =	vld [tilespmem:$0xBC0];
	v20 =	vadd.f32 v22, v20;
	v53 =	vmul.f32 v48, v48;
	v33 =	vsub.f32 v60, v51  }
0xd2: {  	v52 =	vld [tilespmem:$0xBE0];
	v54 =	vmul.f32 v49, v49;
	v26 =	vsub.f32 v62, v51;
	v24 =	vsub.f32 v63, v51  }
0xd3: {  	v42 =	vld [tilespmem:$0xC00];
	v57 =	vmul.f32 v55, v55;
	v19 =	vadd.f32 v21, v19;
	v21 =	vadd.f32 v46, v20  }
0xd4: {  	v59 =	vld [tilespmem:$0xC10];
	v20 =	vadd.f32 v54, v53;
	v33 =	vmul.f32 v33, v33;
	v26 =	vmul.f32 v26, v26  }
0xd5: {  	v44 =	vld [tilespmem:$0xC60];
	v23 =	vsub.f32 v23, v36;
	v61 =	vmul.f32 v58, v58;
	v25 =	vsub.f32 v45, v51  }
0xd6: {  	v56 =	vld [tilespmem:$0xBF0];
	v24 =	vmul.f32 v24, v24;
	v20 =	vadd.f32 v57, v20;
	v26 =	vadd.f32 v26, v33  }
0xd7: {  	v27 =	vsub.f32 v27, v36;
	v60 =	vld [tilespmem:$0xC20];
	v30 =	vmul.f32 v30, v30;
	v22 =	vsub.f32 v47, v51  }
0xd8: {  	v62 =	vld [tilespmem:$0xC30];
	v63 =	vmul.f32 v25, v25;
	v20 =	vadd.f32 v61, v20;
	v24 =	vadd.f32 v24, v26  }
0xd9: {  	v45 =	vmul.f32 v32, v32;
	v49 =	vsub.f32 v52, v51;
	v55 =	vld [tilespmem:$0xD10];
	v46 =	vsub.f32 v50, v51  }
0xda: {  	v58 =	vld [tilespmem:$0xD30];
	v22 =	vmul.f32 v22, v22;
	v20 =	vadd.f32 v30, v20;
	v24 =	vadd.f32 v63, v24  }
0xdb: {  	v23 =	vmul.f32 v23, v23;
	v54 =	vld [tilespmem:$0xD00];
	v18 =	vadd.f32 v18, v21;
	v51 =	vsub.f32 v56, v51  }
0xdc: {  	v48 =	vmul.f32 v46, v46;
	v56 =	vld [tilespmem:$0xD20];
	v47 =	vadd.f32 v45, v20;
	v22 =	vadd.f32 v22, v24  }
0xdd: {  	v39 =	vperm.xlane v31, v7;
	v36 =	vmul.f32 v27, v27;
	v18 =	vadd.f32 v18, v19;
	v45 =	vld [tilespmem:$0xD50]  }
0xde: {  	v32 =	vld [tilespmem:$0xC80];
	v26 =	vmul.f32 v49, v49;
	v50 =	vadd.f32 v23, v47;
	v22 =	vadd.f32 v48, v22  }
0xdf: {  	v27 =	vld [tilespmem:$0xCB0];
	v38 =	vsub.f32 v55, v39;
	v61 =	vsub.f32 v58, v39  }
0xe0: {  	v25 =	vld [tilespmem:$0xC70];
	v19 =	vadd.f32 v36, v50;
	v52 =	vadd.f32 v26, v22  }
0xe1: {  	v33 =	vld [tilespmem:$0xC40];
	v26 =	vperm.xlane v31, v6;
	v36 =	vsub.f32 v54, v39;
	v22 =	vsub.f32 v56, v39  }
0xe2: {  	v21 =	vld [tilespmem:$0xCE0];
	v53 =	vmul.f32 v51, v51;
	v45 =	vsub.f32 v45, v39;
	v18 =	vadd.f32 v19, v18  }
0xe3: {  	v46 =	vld [tilespmem:$0xD60];
	v38 =	vmul.f32 v38, v38;
	v57 =	vsub.f32 v42, v26;
	v37 =	vsub.f32 v59, v26  }
0xe4: {  	v55 =	vld [tilespmem:$0xDB0];
	v19 =	vadd.f32 v53, v52;
	v43 =	vsub.f32 v60, v26;
	v36 =	vmul.f32 v36, v36  }
0xe5: {  	v58 =	vld [tilespmem:$0xE00];
	v35 =	vsub.f32 v62, v26;
	v40 =	vmul.f32 v57, v57;
	v37 =	vmul.f32 v37, v37  }
0xe6: {  	v59 =	vld [tilespmem:$0xD40];
	v22 =	vmul.f32 v22, v22;
	v33 =	vsub.f32 v33, v26;
	v36 =	vadd.f32 v38, v36  }
0xe7: {  	v30 =	vld [tilespmem:$0xCA0];
	v34 =	vsub.f32 v34, v26;
	v60 =	vmul.f32 v43, v43;
	v37 =	vadd.f32 v37, v40  }
0xe8: {  	v24 =	vld [tilespmem:$0xCC0];
	v52 =	vmul.f32 v61, v61;
	v25 =	vsub.f32 v25, v26;
	v22 =	vadd.f32 v22, v36  }
0xe9: {  	v23 =	vld [tilespmem:$0xCD0];
	v18 =	vadd.f32 v19, v18;
	v35 =	vmul.f32 v35, v35;
	v37 =	vadd.f32 v60, v37  }
0xea: {  	v19 =	vld [tilespmem:$0xCF0];
	v57 =	vsub.f32 v46, v39;
	v36 =	vadd.f32 v52, v22;
	v22 =	vperm.xlane v31, v2  }
0xeb: {  	v56 =	vmul.f32 v45, v45;
	v43 =	vld [tilespmem:$0xD70];
	v53 =	vsub.f32 v59, v39;
	v35 =	vadd.f32 v35, v37  }
0xec: {  	v49 =	vld [tilespmem:$0xE20];
	v33 =	vmul.f32 v33, v33;
	v32 =	vsub.f32 v32, v22;
	v30 =	vsub.f32 v30, v22  }
0xed: {  	v48 =	vld [tilespmem:$0xE10];
	v38 =	vmul.f32 v53, v53;
	v27 =	vsub.f32 v27, v22;
	v24 =	vsub.f32 v24, v22  }
0xee: {  	v51 =	vld [tilespmem:$0xE40];
	v34 =	vmul.f32 v34, v34;
	v23 =	vsub.f32 v23, v22;
	v21 =	vsub.f32 v21, v22  }
0xef: {  	v63 =	vld [tilespmem:$0xD90];
	v59 =	vmul.f32 v57, v57;
	v19 =	vsub.f32 v19, v22;
	v36 =	vadd.f32 v38, v36  }
0xf0: {  	v47 =	vld [tilespmem:$0xDC0];
	v38 =	vsub.f32 v43, v39;
	v43 =	vperm.xlane v31, v9;
	v33 =	vadd.f32 v33, v35  }
0xf1: {  	v62 =	vld [tilespmem:$0xD80];
	v32 =	vmul.f32 v32, v32;
	v30 =	vmul.f32 v30, v30;
	v36 =	vadd.f32 v56, v36  }
0xf2: {  	v54 =	vld [tilespmem:$0xDA0];
	v27 =	vmul.f32 v27, v27;
	v46 =	vsub.f32 v58, v43;
	v48 =	vsub.f32 v48, v43  }
0xf3: {  	v50 =	vld [tilespmem:$0xE30];
	v24 =	vmul.f32 v24, v24;
	v49 =	vsub.f32 v49, v43;
	v57 =	vsub.f32 v51, v43  }
0xf4: {  	v60 =	vld [tilespmem:$0xDE0];
	v33 =	vadd.f32 v34, v33;
	v34 =	vsub.f32 v44, v26;
	v44 =	vperm.xlane v31, v8  }
0xf5: {  	v39 =	vld [tilespmem:$0xDF0];
	v38 =	vmul.f32 v38, v38;
	v36 =	vadd.f32 v59, v36;
	v46 =	vmul.f32 v46, v46  }
0xf6: {  	v35 =	vld [tilespmem:$0xDD0];
	v48 =	vmul.f32 v48, v48;
	v41 =	vsub.f32 v62, v44;
	v40 =	vsub.f32 v63, v44  }
0xf7: {  	v53 =	vmul.f32 v49, v49;
	v42 =	vsub.f32 v54, v44;
	v37 =	vsub.f32 v55, v44  }
0xf8: {  	v59 =	vmul.f32 v57, v57;
	v63 =	vsub.f32 v47, v44;
	v54 =	vsub.f32 v50, v43  }
0xf9: {  	v62 =	vld [tilespmem:$0xE50];
	v58 =	vsub.f32 v60, v44;
	v34 =	vmul.f32 v34, v34;
	v46 =	vadd.f32 v48, v46  }
0xfa: {  	v20 =	vld [tilespmem:$0xC90];
	v39 =	vsub.f32 v39, v44;
	v41 =	vmul.f32 v41, v41;
	v40 =	vmul.f32 v40, v40  }
0xfb: {  	v52 =	vld [tilespmem:$0xE60];
	v35 =	vsub.f32 v35, v44;
	v56 =	vmul.f32 v54, v54;
	v46 =	vadd.f32 v53, v46  }
0xfc: {  	v47 =	vld [tilespmem:$0xE70];
	v36 =	vadd.f32 v38, v36;
	v61 =	vmul.f32 v42, v42;
	v40 =	vadd.f32 v40, v41  }
0xfd: {  	v45 =	vld [tilespmem:$0xEB0];
	v37 =	vmul.f32 v37, v37;
	v55 =	vmul.f32 v63, v63;
	v46 =	vadd.f32 v56, v46  }
0xfe: {  	v60 =	vmul.f32 v58, v58;
	v41 =	vld [tilespmem:$0xE90];
	v42 =	vsub.f32 v62, v43;
	v40 =	vadd.f32 v61, v40  }
0xff: {  	v51 =	vld [tilespmem:$0xEA0];
	v35 =	vmul.f32 v35, v35;
	v53 =	vsub.f32 v20, v22;
	v20 =	vadd.f32 v34, v33  }
0x100: {  	v50 =	vld [tilespmem:$0xE80];
	v61 =	vadd.f32 v59, v46;
	v42 =	vmul.f32 v42, v42;
	v37 =	vadd.f32 v37, v40  }
0x101: {  	v49 =	vld [tilespmem:$0xEC0];
	v33 =	vperm.xlane v31, v3;
	v62 =	vsub.f32 v52, v43;
	v43 =	vsub.f32 v47, v43  }
0x102: {  	v57 =	vld [tilespmem:$0xF60];
	v42 =	vadd.f32 v42, v61;
	v61 =	vmul.f32 v53, v53;
	v37 =	vadd.f32 v55, v37  }
0x103: {  	v48 =	vld [tilespmem:$0xEE0];
	v45 =	vsub.f32 v45, v33;
	v52 =	vmul.f32 v62, v62;
	v41 =	vsub.f32 v41, v33  }
0x104: {  	v44 =	vld [tilespmem:$0x1030];
	v63 =	vmul.f32 v39, v39;
	v32 =	vadd.f32 v61, v32;
	v35 =	vadd.f32 v35, v37  }
0x105: {  	v54 =	vld [tilespmem:$0xF10];
	v59 =	vmul.f32 v43, v43;
	v55 =	vsub.f32 v50, v33;
	v58 =	vadd.f32 v52, v42  }
0x106: {  	v40 =	vld [tilespmem:$0xED0];
	v41 =	vmul.f32 v41, v41;
	v30 =	vadd.f32 v30, v32;
	v35 =	vadd.f32 v60, v35  }
0x107: {  	v46 =	vld [tilespmem:$0xF00];
	v42 =	vmul.f32 v55, v55;
	v62 =	vadd.f32 v59, v58;
	v58 =	vsub.f32 v51, v33  }
0x108: {  	v23 =	vmul.f32 v23, v23;
	v60 =	vld [tilespmem:$0xF20];
	v26 =	vadd.f32 v27, v30;
	v35 =	vadd.f32 v63, v35  }
0x109: {  	v34 =	vld [tilespmem:$0xF30];
	v61 =	vsub.f32 v49, v33;
	v41 =	vadd.f32 v41, v42;
	v59 =	vmul.f32 v58, v58  }
0x10a: {  	v39 =	vld [tilespmem:$0xEF0];
	v24 =	vadd.f32 v24, v26;
	v35 =	vadd.f32 v35, v36;
	v36 =	vperm.xlane v31, v10  }
0x10b: {  	v40 =	vsub.f32 v40, v33;
	v63 =	vld [tilespmem:$0xF40];
	v41 =	vadd.f32 v59, v41  }
0x10c: {  	v56 =	vld [tilespmem:$0xF50];
	v23 =	vadd.f32 v23, v24;
	v46 =	vsub.f32 v46, v36  }
0x10d: {  	v47 =	vld [tilespmem:$0x1000];
	v38 =	vsub.f32 v54, v36;
	v43 =	vsub.f32 v60, v36;
	v60 =	vmul.f32 v45, v45  }
0x10e: {  	v53 =	vld [tilespmem:$0xFA0];
	v35 =	vadd.f32 v62, v35;
	v34 =	vsub.f32 v34, v36;
	v62 =	vmul.f32 v61, v61  }
0x10f: {  	v51 =	vld [tilespmem:$0xF70];
	v46 =	vmul.f32 v46, v46;
	v38 =	vmul.f32 v38, v38;
	v41 =	vadd.f32 v60, v41  }
0x110: {  	v50 =	vld [tilespmem:$0xF90];
	v40 =	vmul.f32 v40, v40;
	v37 =	vsub.f32 v63, v36;
	v63 =	vsub.f32 v48, v33  }
0x111: {  	v52 =	vld [tilespmem:$0xF80];
	v43 =	vmul.f32 v43, v43;
	v38 =	vadd.f32 v38, v46;
	v41 =	vadd.f32 v62, v41  }
0x112: {  	v49 =	vld [tilespmem:$0xFB0];
	v54 =	vsub.f32 v56, v36;
	v57 =	vsub.f32 v57, v36;
	v34 =	vmul.f32 v34, v34  }
0x113: {  	v45 =	vld [tilespmem:$0xFD0];
	v55 =	vmul.f32 v63, v63;
	v38 =	vadd.f32 v43, v38;
	v40 =	vadd.f32 v40, v41  }
0x114: {  	v33 =	vsub.f32 v39, v33;
	v36 =	vsub.f32 v51, v36;
	v46 =	vld [tilespmem:$0xFC0];
	v41 =	vperm.xlane v31, v11  }
0x115: {  	v42 =	vld [tilespmem:$0x1020];
	v56 =	vmul.f32 v54, v54;
	v34 =	vadd.f32 v34, v38;
	v40 =	vadd.f32 v55, v40  }
0x116: {  	v37 =	vmul.f32 v37, v37;
	v43 =	vld [tilespmem:$0xFE0];
	v60 =	vsub.f32 v52, v41;
	v50 =	vsub.f32 v50, v41  }
0x117: {  	v59 =	vld [tilespmem:$0x1040];
	v33 =	vmul.f32 v33, v33;
	v62 =	vsub.f32 v53, v41;
	v49 =	vsub.f32 v49, v41  }
0x118: {  	v39 =	vld [tilespmem:$0x1010];
	v58 =	vmul.f32 v57, v57;
	v45 =	vsub.f32 v45, v41;
	v34 =	vadd.f32 v37, v34  }
0x119: {  	v48 =	vld [tilespmem:$0xFF0];
	v36 =	vmul.f32 v36, v36;
	v46 =	vsub.f32 v46, v41;
	v33 =	vadd.f32 v33, v40  }
0x11a: {  	v57 =	vld [tilespmem:$0x1090];
	v61 =	vmul.f32 v60, v60;
	v50 =	vmul.f32 v50, v50;
	v34 =	vadd.f32 v56, v34  }
0x11b: {  	v52 =	vld [tilespmem:$0x1050];
	v43 =	vsub.f32 v43, v41;
	v33 =	vadd.f32 v33, v35;
	v35 =	vperm.xlane v31, v12  }
0x11c: {  	v54 =	vld [tilespmem:$0x10A0];
	v63 =	vmul.f32 v62, v62;
	v40 =	vadd.f32 v50, v61;
	v34 =	vadd.f32 v58, v34  }
0x11d: {  	v53 =	vld [tilespmem:$0x1070];
	v49 =	vmul.f32 v49, v49;
	v47 =	vsub.f32 v47, v35;
	v39 =	vsub.f32 v39, v35  }
0x11e: {  	v37 =	vld [tilespmem:$0x1060];
	v45 =	vmul.f32 v45, v45;
	v40 =	vadd.f32 v63, v40;
	v42 =	vsub.f32 v42, v35  }
0x11f: {  	v55 =	vld [tilespmem:$0x10C0];
	v44 =	vsub.f32 v44, v35;
	v47 =	vmul.f32 v47, v47;
	v39 =	vmul.f32 v39, v39  }
0x120: {  	v46 =	vmul.f32 v46, v46;
	v50 =	vld [tilespmem:$0x10B0];
	v38 =	vsub.f32 v59, v35;
	v62 =	vsub.f32 v52, v35  }
0x121: {  	v61 =	vld [tilespmem:$0x1110];
	v52 =	vsub.f32 v48, v41;
	v42 =	vmul.f32 v42, v42;
	v39 =	vadd.f32 v39, v47  }
0x122: {  	v41 =	vperm.xlane v31, v13;
	v34 =	vadd.f32 v36, v34;
	v36 =	vld [tilespmem:$0x1080];
	v40 =	vadd.f32 v49, v40  }
0x123: {  	v63 =	vld [tilespmem:$0x1120];
	v37 =	vsub.f32 v37, v35;
	v58 =	vmul.f32 v44, v44;
	v39 =	vadd.f32 v42, v39  }
0x124: {  	v60 =	vmul.f32 v43, v43;
	v48 =	vld [tilespmem:$0x1130];
	v35 =	vsub.f32 v53, v35;
	v40 =	vadd.f32 v46, v40  }
0x125: {  	v53 =	vld [tilespmem:$0x11B0];
	v38 =	vmul.f32 v38, v38;
	v51 =	vsub.f32 v57, v41;
	v39 =	vadd.f32 v58, v39  }
0x126: {  	v49 =	vld [tilespmem:$0x10D0];
	v56 =	vmul.f32 v62, v62;
	v57 =	vsub.f32 v54, v41;
	v59 =	vadd.f32 v45, v40  }
0x127: {  	v44 =	vld [tilespmem:$0x1100];
	v37 =	vmul.f32 v37, v37;
	v36 =	vsub.f32 v36, v41;
	v38 =	vadd.f32 v38, v39  }
0x128: {  	v54 =	vld [tilespmem:$0x1170];
	v33 =	vadd.f32 v34, v33;
	v40 =	vmul.f32 v52, v52;
	v34 =	vadd.f32 v60, v59  }
0x129: {  	v47 =	vld [tilespmem:$0x10E0];
	v51 =	vmul.f32 v51, v51;
	v36 =	vmul.f32 v36, v36;
	v38 =	vadd.f32 v56, v38  }
0x12a: {  	v35 =	vmul.f32 v35, v35;
	v50 =	vsub.f32 v50, v41;
	v46 =	vld [tilespmem:$0x10F0];
	v34 =	vadd.f32 v40, v34  }
0x12b: {  	v42 =	vld [tilespmem:$0x1140];
	v58 =	vmul.f32 v57, v57;
	v36 =	vadd.f32 v51, v36;
	v37 =	vadd.f32 v37, v38  }
0x12c: {  	v52 =	vld [tilespmem:$0x1150];
	v59 =	vmul.f32 v50, v50;
	v60 =	vsub.f32 v55, v41;
	v33 =	vadd.f32 v34, v33  }
0x12d: {  	v55 =	vld [tilespmem:$0x11C0];
	v36 =	vadd.f32 v58, v36;
	v34 =	vadd.f32 v35, v37;
	v35 =	vperm.xlane v31, v14  }
0x12e: {  	v49 =	vsub.f32 v49, v41;
	v47 =	vsub.f32 v47, v41;
	v39 =	vld [tilespmem:$0x1160]  }
0x12f: {  	v50 =	vld [tilespmem:$0x11D0];
	v36 =	vadd.f32 v59, v36;
	v44 =	vsub.f32 v44, v35  }
0x130: {  	v51 =	vld [tilespmem:$0x1190];
	v43 =	vsub.f32 v61, v35;
	v45 =	vsub.f32 v63, v35  }
0x131: {  	v38 =	vld [tilespmem:$0x1180];
	v61 =	vmul.f32 v60, v60;
	v57 =	vsub.f32 v48, v35;
	v33 =	vadd.f32 v34, v33  }
0x132: {  	v37 =	vld [tilespmem:$0x11A0];
	v42 =	vsub.f32 v42, v35;
	v44 =	vmul.f32 v44, v44;
	v43 =	vmul.f32 v43, v43  }
0x133: {  	v62 =	vmul.f32 v49, v49;
	v49 =	vld [tilespmem:$0x11F0];
	v39 =	vsub.f32 v39, v35;
	v36 =	vadd.f32 v61, v36  }
0x134: {  	v40 =	vld [tilespmem:$0x1210];
	v61 =	vsub.f32 v46, v41;
	v41 =	vperm.xlane v31, v15;
	v43 =	vadd.f32 v43, v44  }
0x135: {  	v56 =	vld [tilespmem:$0x11E0];
	v59 =	vmul.f32 v47, v47;
	v58 =	vadd.f32 v62, v36;
	v62 =	vsub.f32 v52, v35  }
0x136: {  	v47 =	vld [tilespmem:$0x1240];
	v63 =	vmul.f32 v45, v45;
	v38 =	vsub.f32 v38, v41;
	v51 =	vsub.f32 v51, v41  }
0x137: {  	v48 =	vld [tilespmem:$0x1200];
	v36 =	vmul.f32 v61, v61;
	v37 =	vsub.f32 v37, v41;
	v61 =	vsub.f32 v55, v41  }
0x138: {  	v60 =	vmul.f32 v57, v57;
	v45 =	vld [tilespmem:$0x1220];
	v35 =	vsub.f32 v54, v35;
	v43 =	vadd.f32 v63, v43  }
0x139: {  	v46 =	vld [tilespmem:$0x1230];
	v34 =	vadd.f32 v59, v58;
	v38 =	vmul.f32 v38, v38;
	v51 =	vmul.f32 v51, v51  }
0x13a: {  	v42 =	vmul.f32 v42, v42;
	v57 =	vld [tilespmem:$0x1270];
	v59 =	vsub.f32 v53, v41;
	v43 =	vadd.f32 v60, v43  }
0x13b: {  	v52 =	vld [tilespmem:$0x1250];
	v37 =	vmul.f32 v37, v37;
	v34 =	vadd.f32 v36, v34;
	v38 =	vadd.f32 v51, v38  }
0x13c: {  	v55 =	vld [tilespmem:$0x12C0];
	v36 =	vperm.xlane v31, v16;
	v60 =	vmul.f32 v59, v59;
	v59 =	vsub.f32 v56, v41  }
0x13d: {  	v39 =	vmul.f32 v39, v39;
	v44 =	vld [tilespmem:$0x1260];
	v42 =	vadd.f32 v42, v43;
	v33 =	vadd.f32 v34, v33  }
0x13e: {  	v63 =	vmul.f32 v62, v62;
	v53 =	vld [tilespmem:$0x12B0];
	v37 =	vadd.f32 v37, v38;
	v48 =	vsub.f32 v48, v36  }
0x13f: {  	v51 =	vld [tilespmem:$0x1290];
	v31 =	vperm.xlane v31, v17;
	v40 =	vsub.f32 v40, v36;
	v45 =	vsub.f32 v45, v36  }
0x140: {  	v62 =	vmul.f32 v61, v61;
	v43 =	vld [tilespmem:$0x12F0];
	v46 =	vsub.f32 v46, v36;
	v61 =	vsub.f32 v47, v36  }
0x141: {  	v35 =	vmul.f32 v35, v35;
	v55 =	vsub.f32 v55, v31;
	v58 =	vadd.f32 v63, v42;
	v42 =	vld [tilespmem:$0x1280]  }
0x142: {  	v37 =	vadd.f32 v60, v37;
	v63 =	vsub.f32 v50, v41;
	v50 =	vld [tilespmem:$0x12D0];
	v48 =	vmul.f32 v48, v48  }
0x143: {  	v40 =	vmul.f32 v40, v40;
	v45 =	vmul.f32 v45, v45;
	v34 =	vadd.f32 v39, v58;
	v39 =	vld [tilespmem:$0x12A0]  }
0x144: {  	v60 =	vmul.f32 v46, v46;
	v41 =	vsub.f32 v49, v41;
	v46 =	vsub.f32 v51, v31;
	v58 =	vld [tilespmem:$0x12E0];
	_ =	swait.ge [sflag:s21], $0x800  }
0x145: {  	v37 =	vadd.f32 v62, v37;
	v54 =	vmul.f32 v63, v63;
	v40 =	vadd.f32 v40, v48;
	[sflag:s21] =	ssyncset.done $0x0  }
0x146: {  	v62 =	vmul.f32 v61, v61;
	v63 =	vsub.f32 v52, v36;
	v61 =	vsub.f32 v44, v36;
	[sflag:s21] =	ssyncadd.s32 $0xFFFFF800  }
0x147: {  	v38 =	vmul.f32 v59, v59;
	v36 =	vsub.f32 v57, v36;
	v40 =	vadd.f32 v45, v40;
	v47 =	vld [tilespmem:$0xF0]  }
0x148: {  	v59 =	vmul.f32 v41, v41;
	v49 =	vmul.f32 v46, v46;
	v37 =	vadd.f32 v54, v37;
	v52 =	vld [tilespmem:$0xA0]  }
0x149: {  	v34 =	vadd.f32 v35, v34;
	v36 =	vmul.f32 v36, v36;
	v40 =	vadd.f32 v60, v40  }
0x14a: {  	v45 =	vsub.f32 v42, v31;
	v54 =	vadd.f32 v38, v37;
	v60 =	vmul.f32 v63, v63  }
0x14b: {  	v51 =	vld [tilespmem:$0x1330];
	v33 =	vadd.f32 v34, v33;
	v34 =	vmul.f32 v61, v61;
	v56 =	vadd.f32 v62, v40  }
0x14c: {  	v61 =	vsub.f32 v50, v31;
	v48 =	vmul.f32 v45, v45;
	v62 =	vld [tilespmem:$0x1300];
	v35 =	vadd.f32 v59, v54  }
0x14d: {  	v63 =	vld [tilespmem:$0x1310];
	v37 =	vadd.f32 v60, v56;
	v28 =	vpsel p1, v47, v28;
	v29 =	vpsel p1, v52, v29  }
0x14e: {  	v39 =	vsub.f32 v39, v31;
	v59 =	vld [tilespmem:$0x1350];
	v33 =	vadd.f32 v35, v33;
	v28 =	vpsel p0, v28, v29  }
0x14f: {  	v47 =	vld [tilespmem:$0x1320];
	v52 =	vsub.f32 v53, v31;
	v34 =	vadd.f32 v34, v37;
	v35 =	vperm.xlane v28, v4  }
0x150: {  	v50 =	vld [tilespmem:$0x1370];
	v39 =	vmul.f32 v39, v39;
	v37 =	vadd.f32 v49, v48;
	v49 =	vsub.f32 v58, v31  }
0x151: {  	v40 =	vmul.f32 v61, v61;
	v53 =	vld [tilespmem:$0x1340];
	v31 =	vsub.f32 v43, v31;
	v41 =	vsub.f32 v62, v35  }
0x152: {  	v54 =	vmul.f32 v52, v52;
	v52 =	vld [tilespmem:$0x1380];
	v38 =	vsub.f32 v63, v35;
	v37 =	vadd.f32 v39, v37  }
0x153: {  	v60 =	vmul.f32 v55, v55;
	v58 =	vld [tilespmem:$0x13B0];
	v56 =	vsub.f32 v51, v35;
	v42 =	vsub.f32 v59, v35  }
0x154: {  	v32 =	vperm.xlane v28, v6;
	v63 =	vld [tilespmem:$0x1360];
	v34 =	vadd.f32 v36, v34;
	v29 =	vsub.f32 v47, v35  }
0x155: {  	v59 =	vld [tilespmem:$0x1400];
	v41 =	vmul.f32 v41, v41;
	v38 =	vmul.f32 v38, v38;
	v37 =	vadd.f32 v54, v37  }
0x156: {  	v57 =	vld [tilespmem:$0x13A0];
	v48 =	vsub.f32 v53, v35;
	v33 =	vadd.f32 v34, v33;
	v34 =	vperm.xlane v28, v5  }
0x157: {  	v54 =	vld [tilespmem:$0x1390];
	v29 =	vmul.f32 v29, v29;
	v38 =	vadd.f32 v38, v41;
	v37 =	vadd.f32 v60, v37  }
0x158: {  	v51 =	vmul.f32 v49, v49;
	v60 =	vsub.f32 v52, v34;
	v49 =	vsub.f32 v58, v34  }
0x159: {  	v46 =	vld [tilespmem:$0x1420];
	v62 =	vmul.f32 v56, v56;
	v41 =	vsub.f32 v63, v35;
	v29 =	vadd.f32 v29, v38  }
0x15a: {  	v31 =	vmul.f32 v31, v31;
	v35 =	vsub.f32 v50, v35;
	v50 =	vld [tilespmem:$0x1430];
	v36 =	vsub.f32 v59, v32  }
0x15b: {  	v39 =	vmul.f32 v48, v48;
	v37 =	vadd.f32 v40, v37;
	v29 =	vadd.f32 v62, v29;
	v62 =	vld [tilespmem:$0x1410]  }
0x15c: {  	v53 =	vmul.f32 v42, v42;
	v63 =	vld [tilespmem:$0x13C0];
	v38 =	vsub.f32 v57, v34;
	v61 =	vsub.f32 v54, v34  }
0x15d: {  	v44 =	vmul.f32 v60, v60;
	v54 =	vld [tilespmem:$0x1450];
	v55 =	vadd.f32 v51, v37;
	v29 =	vadd.f32 v39, v29  }
0x15e: {  	v47 =	vld [tilespmem:$0x13D0];
	v52 =	vmul.f32 v49, v49;
	v40 =	vsub.f32 v46, v32;
	v56 =	vmul.f32 v41, v41  }
0x15f: {  	v35 =	vmul.f32 v35, v35;
	v51 =	vld [tilespmem:$0x13E0];
	v31 =	vadd.f32 v31, v55;
	v29 =	vadd.f32 v53, v29  }
0x160: {  	v36 =	vmul.f32 v36, v36;
	v39 =	vsub.f32 v50, v32;
	v53 =	vld [tilespmem:$0x1440];
	v41 =	vsub.f32 v62, v32  }
0x161: {  	v58 =	vld [tilespmem:$0x13F0];
	v45 =	vmul.f32 v61, v61;
	v31 =	vadd.f32 v31, v33;
	v29 =	vadd.f32 v56, v29  }
0x162: {  	v60 =	vld [tilespmem:$0x14A0];
	v33 =	vsub.f32 v63, v34;
	v61 =	vsub.f32 v54, v32;
	v41 =	vmul.f32 v41, v41  }
0x163: {  	v49 =	vld [tilespmem:$0x1470];
	v48 =	vmul.f32 v38, v38;
	v29 =	vadd.f32 v35, v29;
	v35 =	vadd.f32 v45, v44  }
0x164: {  	v27 =	vperm.xlane v28, v7;
	v55 =	vld [tilespmem:$0x1480];
	v57 =	vsub.f32 v51, v34;
	v36 =	vadd.f32 v41, v36  }
0x165: {  	v40 =	vmul.f32 v40, v40;
	v62 =	vld [tilespmem:$0x1460];
	v38 =	vsub.f32 v53, v32;
	v35 =	vadd.f32 v48, v35  }
0x166: {  	v39 =	vmul.f32 v39, v39;
	v63 =	vld [tilespmem:$0x14B0];
	v29 =	vadd.f32 v29, v31;
	v31 =	vsub.f32 v47, v34  }
0x167: {  	v33 =	vmul.f32 v33, v33;
	v56 =	vld [tilespmem:$0x1490];
	v36 =	vadd.f32 v40, v36;
	v35 =	vadd.f32 v52, v35  }
0x168: {  	v54 =	vld [tilespmem:$0x14D0];
	v59 =	vmul.f32 v57, v57;
	v34 =	vsub.f32 v58, v34;
	v38 =	vmul.f32 v38, v38  }
0x169: {  	v58 =	vld [tilespmem:$0x14F0];
	v31 =	vmul.f32 v31, v31;
	v36 =	vadd.f32 v39, v36;
	v33 =	vadd.f32 v33, v35  }
0x16a: {  	v53 =	vsub.f32 v62, v32;
	v32 =	vsub.f32 v49, v32;
	v35 =	vperm.xlane v28, v2  }
0x16b: {  	v51 =	vld [tilespmem:$0x14C0];
	v48 =	vmul.f32 v61, v61;
	v47 =	vadd.f32 v38, v36;
	v31 =	vadd.f32 v31, v33  }
0x16c: {  	v61 =	vld [tilespmem:$0x1510];
	v34 =	vmul.f32 v34, v34;
	v37 =	vsub.f32 v55, v35;
	v41 =	vsub.f32 v56, v35  }
0x16d: {  	v46 =	vld [tilespmem:$0x1580];
	v40 =	vmul.f32 v53, v53;
	v52 =	vsub.f32 v60, v35;
	v55 =	vsub.f32 v63, v35  }
0x16e: {  	v32 =	vmul.f32 v32, v32;
	v56 =	vld [tilespmem:$0x14E0];
	v39 =	vsub.f32 v54, v35;
	v53 =	vsub.f32 v58, v35  }
0x16f: {  	v63 =	vld [tilespmem:$0x1520];
	v33 =	vadd.f32 v48, v47;
	v31 =	vadd.f32 v59, v31;
	v37 =	vmul.f32 v37, v37  }
0x170: {  	v54 =	vld [tilespmem:$0x1540];
	v50 =	vmul.f32 v41, v41;
	v57 =	vmul.f32 v55, v55;
	v41 =	vsub.f32 v51, v35  }
0x171: {  	v47 =	vld [tilespmem:$0x1590];
	v51 =	vsub.f32 v61, v27;
	v55 =	vperm.xlane v28, v8;
	v33 =	vadd.f32 v40, v33  }
0x172: {  	v36 =	vmul.f32 v52, v52;
	v59 =	vld [tilespmem:$0x1500];
	v37 =	vadd.f32 v50, v37;
	v31 =	vadd.f32 v34, v31  }
0x173: {  	v44 =	vmul.f32 v39, v39;
	v52 =	vld [tilespmem:$0x15A0];
	v38 =	vsub.f32 v46, v55;
	v62 =	vadd.f32 v32, v33  }
0x174: {  	v60 =	vmul.f32 v41, v41;
	v50 =	vld [tilespmem:$0x1530];
	v45 =	vsub.f32 v56, v35;
	v32 =	vsub.f32 v63, v27  }
0x175: {  	v56 =	vld [tilespmem:$0x15B0];
	v35 =	vsub.f32 v54, v27;
	v33 =	vmul.f32 v53, v53;
	v36 =	vadd.f32 v36, v37  }
0x176: {  	v63 =	vld [tilespmem:$0x15D0];
	v29 =	vadd.f32 v31, v29;
	v37 =	vmul.f32 v51, v51;
	v30 =	vsub.f32 v47, v55  }
0x177: {  	v38 =	vmul.f32 v38, v38;
	v47 =	vld [tilespmem:$0x15E0];
	v49 =	vmul.f32 v45, v45;
	v36 =	vadd.f32 v57, v36  }
0x178: {  	v58 =	vld [tilespmem:$0x15C0];
	v34 =	vsub.f32 v59, v27;
	v39 =	vsub.f32 v52, v55;
	v30 =	vmul.f32 v30, v30  }
0x179: {  	v32 =	vmul.f32 v32, v32;
	v29 =	vadd.f32 v62, v29;
	v57 =	vld [tilespmem:$0x1550];
	v43 =	vadd.f32 v60, v36  }
0x17a: {  	v53 =	vld [tilespmem:$0x1610];
	v34 =	vmul.f32 v34, v34;
	v36 =	vsub.f32 v50, v27;
	v30 =	vadd.f32 v30, v38  }
0x17b: {  	v45 =	vld [tilespmem:$0x1570];
	v61 =	vmul.f32 v39, v39;
	v62 =	vsub.f32 v56, v55;
	v41 =	vsub.f32 v63, v55  }
0x17c: {  	v60 =	vld [tilespmem:$0x1560];
	v38 =	vperm.xlane v28, v3;
	v34 =	vadd.f32 v37, v34;
	v52 =	vsub.f32 v47, v55  }
0x17d: {  	v50 =	vld [tilespmem:$0x1600];
	v48 =	vadd.f32 v44, v43;
	v59 =	vmul.f32 v36, v36;
	v30 =	vadd.f32 v61, v30  }
0x17e: {  	v63 =	vld [tilespmem:$0x1690];
	v46 =	vmul.f32 v62, v62;
	v32 =	vadd.f32 v32, v34;
	v37 =	vsub.f32 v57, v27  }
0x17f: {  	v54 =	vmul.f32 v52, v52;
	v52 =	vld [tilespmem:$0x16C0];
	v31 =	vadd.f32 v49, v48;
	v48 =	vsub.f32 v58, v55  }
0x180: {  	v44 =	vmul.f32 v35, v35;
	v30 =	vadd.f32 v46, v30;
	v49 =	vld [tilespmem:$0x15F0];
	v32 =	vadd.f32 v59, v32  }
0x181: {  	v56 =	vld [tilespmem:$0x1620];
	v36 =	vsub.f32 v60, v27;
	v34 =	vmul.f32 v48, v48;
	v31 =	vadd.f32 v33, v31  }
0x182: {  	v58 =	vld [tilespmem:$0x1630];
	v37 =	vmul.f32 v37, v37;
	v27 =	vsub.f32 v45, v27;
	v32 =	vadd.f32 v44, v32  }
0x183: {  	v51 =	vmul.f32 v41, v41;
	v60 =	vld [tilespmem:$0x1680];
	v30 =	vadd.f32 v34, v30;
	v57 =	vadd.f32 v31, v29  }
0x184: {  	v29 =	vperm.xlane v28, v9;
	v34 =	vsub.f32 v52, v38;
	v32 =	vadd.f32 v37, v32  }
0x185: {  	v47 =	vld [tilespmem:$0x16A0];
	v55 =	vsub.f32 v49, v55;
	v37 =	vsub.f32 v63, v38  }
0x186: {  	v43 =	vld [tilespmem:$0x1640];
	v30 =	vadd.f32 v51, v30;
	v61 =	vsub.f32 v50, v29  }
0x187: {  	v48 =	vld [tilespmem:$0x1650];
	v36 =	vmul.f32 v36, v36;
	v62 =	vsub.f32 v53, v29;
	v46 =	vsub.f32 v56, v29  }
0x188: {  	v27 =	vmul.f32 v27, v27;
	v31 =	vsub.f32 v58, v29;
	v50 =	vld [tilespmem:$0x16B0];
	v33 =	vsub.f32 v60, v38  }
0x189: {  	v63 =	vld [tilespmem:$0x1730];
	v32 =	vadd.f32 v36, v32;
	v59 =	vmul.f32 v55, v55;
	v37 =	vmul.f32 v37, v37  }
0x18a: {  	v51 =	vld [tilespmem:$0x1660];
	v30 =	vadd.f32 v54, v30;
	v44 =	vmul.f32 v61, v61;
	v45 =	vmul.f32 v62, v62  }
0x18b: {  	v53 =	vld [tilespmem:$0x1670];
	v36 =	vsub.f32 v47, v38;
	v33 =	vmul.f32 v33, v33;
	v27 =	vadd.f32 v27, v32  }
0x18c: {  	v49 =	vmul.f32 v46, v46;
	v54 =	vld [tilespmem:$0x16D0];
	v42 =	vadd.f32 v59, v30;
	v32 =	vadd.f32 v45, v44  }
0x18d: {  	v58 =	vld [tilespmem:$0x1710];
	v36 =	vmul.f32 v36, v36;
	v33 =	vadd.f32 v37, v33;
	v35 =	vsub.f32 v50, v38  }
0x18e: {  	v55 =	vld [tilespmem:$0x16E0];
	v31 =	vmul.f32 v31, v31;
	v30 =	vsub.f32 v43, v29;
	v32 =	vadd.f32 v49, v32  }
0x18f: {  	v62 =	vld [tilespmem:$0x1720];
	v26 =	vadd.f32 v27, v57;
	v33 =	vadd.f32 v36, v33;
	v35 =	vmul.f32 v35, v35  }
0x190: {  	v46 =	vld [tilespmem:$0x1790];
	v27 =	vsub.f32 v48, v29;
	v30 =	vmul.f32 v30, v30;
	v31 =	vadd.f32 v31, v32  }
0x191: {  	v61 =	vmul.f32 v34, v34;
	v49 =	vld [tilespmem:$0x16F0];
	v32 =	vsub.f32 v54, v38;
	v60 =	vadd.f32 v35, v33  }
0x192: {  	v56 =	vsub.f32 v51, v29;
	v57 =	vld [tilespmem:$0x1700];
	v27 =	vmul.f32 v27, v27;
	v30 =	vadd.f32 v30, v31  }
0x193: {  	v45 =	vld [tilespmem:$0x1780];
	v29 =	vsub.f32 v53, v29;
	v32 =	vmul.f32 v32, v32;
	v31 =	vadd.f32 v61, v60  }
0x194: {  	v51 =	vld [tilespmem:$0x1740];
	v44 =	vsub.f32 v55, v38;
	v59 =	vmul.f32 v56, v56;
	v27 =	vadd.f32 v27, v30  }
0x195: {  	v53 =	vld [tilespmem:$0x17A0];
	v26 =	vadd.f32 v42, v26;
	v30 =	vperm.xlane v28, v10;
	v47 =	vadd.f32 v32, v31  }
0x196: {  	v55 =	vld [tilespmem:$0x17B0];
	v32 =	vsub.f32 v49, v38;
	v27 =	vadd.f32 v59, v27  }
0x197: {  	v29 =	vmul.f32 v29, v29;
	v54 =	vld [tilespmem:$0x1750];
	v39 =	vsub.f32 v57, v30;
	v36 =	vsub.f32 v58, v30  }
0x198: {  	v48 =	vmul.f32 v44, v44;
	v61 =	vld [tilespmem:$0x1770];
	v34 =	vsub.f32 v62, v30;
	v35 =	vsub.f32 v63, v30  }
0x199: {  	v57 =	vld [tilespmem:$0x1760];
	v27 =	vadd.f32 v29, v27;
	v50 =	vmul.f32 v39, v39;
	v36 =	vmul.f32 v36, v36  }
0x19a: {  	v58 =	vsub.f32 v51, v30;
	v62 =	vld [tilespmem:$0x17D0];
	v52 =	vadd.f32 v48, v47;
	v29 =	vperm.xlane v28, v11  }
0x19b: {  	v63 =	vld [tilespmem:$0x17E0];
	v32 =	vmul.f32 v32, v32;
	v26 =	vadd.f32 v27, v26;
	v33 =	vadd.f32 v36, v50  }
0x19c: {  	v34 =	vmul.f32 v34, v34;
	v37 =	vsub.f32 v45, v29;
	v40 =	vsub.f32 v46, v29  }
0x19d: {  	v60 =	vld [tilespmem:$0x17C0];
	v56 =	vmul.f32 v35, v35;
	v31 =	vsub.f32 v53, v29;
	v36 =	vsub.f32 v54, v30  }
0x19e: {  	v48 =	vld [tilespmem:$0x1810];
	v38 =	vmul.f32 v58, v58;
	v41 =	vsub.f32 v55, v29;
	v27 =	vadd.f32 v32, v52  }
0x19f: {  	v45 =	vld [tilespmem:$0x1800];
	v32 =	vperm.xlane v28, v13;
	v35 =	vsub.f32 v57, v30;
	v30 =	vsub.f32 v61, v30  }
0x1a0: {  	v55 =	vld [tilespmem:$0x1890];
	v47 =	vsub.f32 v62, v29;
	v52 =	vsub.f32 v63, v29;
	v37 =	vmul.f32 v37, v37  }
0x1a1: {  	v53 =	vld [tilespmem:$0x1880];
	v33 =	vadd.f32 v34, v33;
	v59 =	vmul.f32 v40, v40;
	v31 =	vmul.f32 v31, v31  }
0x1a2: {  	v63 =	vld [tilespmem:$0x17F0];
	v40 =	vsub.f32 v60, v29;
	v54 =	vadd.f32 v27, v26;
	v26 =	vperm.xlane v28, v12  }
0x1a3: {  	v36 =	vmul.f32 v36, v36;
	v33 =	vadd.f32 v56, v33;
	v37 =	vadd.f32 v59, v37  }
0x1a4: {  	v44 =	vmul.f32 v41, v41;
	v58 =	vsub.f32 v48, v26;
	v59 =	vld [tilespmem:$0x18A0];
	v34 =	vsub.f32 v45, v26  }
0x1a5: {  	v50 =	vld [tilespmem:$0x1820];
	v35 =	vmul.f32 v35, v35;
	v27 =	vsub.f32 v55, v32;
	v33 =	vadd.f32 v38, v33  }
0x1a6: {  	v57 =	vld [tilespmem:$0x1830];
	v51 =	vmul.f32 v47, v47;
	v31 =	vadd.f32 v31, v37;
	v37 =	vsub.f32 v53, v32  }
0x1a7: {  	v46 =	vmul.f32 v40, v40;
	v29 =	vsub.f32 v63, v29;
	v53 =	vld [tilespmem:$0x18E0];
	v33 =	vadd.f32 v36, v33  }
0x1a8: {  	v62 =	vld [tilespmem:$0x18B0];
	v34 =	vmul.f32 v34, v34;
	v27 =	vmul.f32 v27, v27;
	v31 =	vadd.f32 v44, v31  }
0x1a9: {  	v47 =	vld [tilespmem:$0x1860];
	v36 =	vmul.f32 v58, v58;
	v38 =	vsub.f32 v59, v32;
	v49 =	vadd.f32 v35, v33  }
0x1aa: {  	v44 =	vld [tilespmem:$0x1850];
	v37 =	vmul.f32 v37, v37;
	v31 =	vadd.f32 v46, v31;
	v33 =	vsub.f32 v50, v26  }
0x1ab: {  	v61 =	vld [tilespmem:$0x1840];
	v30 =	vmul.f32 v30, v30;
	v34 =	vadd.f32 v36, v34;
	v35 =	vsub.f32 v57, v26  }
0x1ac: {  	v41 =	vld [tilespmem:$0x1980];
	v56 =	vmul.f32 v52, v52;
	v27 =	vadd.f32 v27, v37;
	v58 =	vsub.f32 v53, v32  }
0x1ad: {  	v45 =	vld [tilespmem:$0x18C0];
	v48 =	vmul.f32 v38, v38;
	v30 =	vadd.f32 v30, v49;
	v31 =	vadd.f32 v51, v31  }
0x1ae: {  	v50 =	vld [tilespmem:$0x18D0];
	v46 =	vmul.f32 v35, v35;
	v49 =	vsub.f32 v62, v32;
	v35 =	vsub.f32 v47, v26  }
0x1af: {  	v55 =	vld [tilespmem:$0x18F0];
	v33 =	vmul.f32 v33, v33;
	v36 =	vsub.f32 v44, v26;
	v27 =	vadd.f32 v48, v27  }
0x1b0: {  	v63 =	vld [tilespmem:$0x1930];
	v24 =	vadd.f32 v30, v54;
	v60 =	vadd.f32 v56, v31  }
0x1b1: {  	v29 =	vmul.f32 v29, v29;
	v51 =	vld [tilespmem:$0x1870];
	v33 =	vadd.f32 v33, v34;
	v31 =	vsub.f32 v61, v26  }
0x1b2: {  	v59 =	vld [tilespmem:$0x1910];
	v52 =	vmul.f32 v49, v49;
	v54 =	vsub.f32 v45, v32;
	v35 =	vmul.f32 v35, v35  }
0x1b3: {  	v56 =	vld [tilespmem:$0x1900];
	v39 =	vsub.f32 v50, v32;
	v33 =	vadd.f32 v46, v33;
	v31 =	vmul.f32 v31, v31  }
0x1b4: {  	v53 =	vld [tilespmem:$0x19B0];
	v36 =	vmul.f32 v36, v36;
	v32 =	vsub.f32 v55, v32;
	v29 =	vadd.f32 v29, v60  }
0x1b5: {  	v62 =	vld [tilespmem:$0x1920];
	v27 =	vadd.f32 v52, v27;
	v31 =	vadd.f32 v31, v33;
	v33 =	vmul.f32 v54, v54  }
0x1b6: {  	v44 =	vld [tilespmem:$0x1990];
	v26 =	vsub.f32 v51, v26;
	v24 =	vadd.f32 v29, v24;
	v29 =	vperm.xlane v28, v14  }
0x1b7: {  	v49 =	vld [tilespmem:$0x19A0];
	v57 =	vmul.f32 v39, v39;
	v31 =	vadd.f32 v36, v31;
	v27 =	vadd.f32 v33, v27  }
0x1b8: {  	v61 =	vmul.f32 v58, v58;
	v58 =	vld [tilespmem:$0x19D0];
	v42 =	vsub.f32 v56, v29;
	v43 =	vsub.f32 v59, v29  }
0x1b9: {  	v54 =	vld [tilespmem:$0x1960];
	v26 =	vmul.f32 v26, v26;
	v60 =	vadd.f32 v35, v31;
	v27 =	vadd.f32 v57, v27  }
0x1ba: {  	v46 =	vld [tilespmem:$0x1940];
	v33 =	vsub.f32 v62, v29;
	v47 =	vmul.f32 v42, v42;
	v48 =	vmul.f32 v43, v43  }
0x1bb: {  	v50 =	vld [tilespmem:$0x1950];
	v40 =	vmul.f32 v32, v32;
	v26 =	vadd.f32 v26, v60;
	v27 =	vadd.f32 v61, v27  }
0x1bc: {  	v52 =	vsub.f32 v63, v29;
	v56 =	vld [tilespmem:$0x19C0];
	v51 =	vmul.f32 v33, v33;
	v30 =	vadd.f32 v48, v47  }
0x1bd: {  	v59 =	vld [tilespmem:$0x19E0];
	v24 =	vadd.f32 v26, v24;
	v45 =	vadd.f32 v40, v27  }
0x1be: {  	v57 =	vld [tilespmem:$0x1970];
	v60 =	vsub.f32 v54, v29;
	v26 =	vperm.xlane v28, v15;
	v30 =	vadd.f32 v51, v30  }
0x1bf: {  	v63 =	vld [tilespmem:$0x1A10];
	v55 =	vmul.f32 v52, v52;
	v27 =	vsub.f32 v46, v29;
	v22 =	vadd.f32 v45, v24  }
0x1c0: {  	v43 =	vld [tilespmem:$0x1A20];
	v31 =	vsub.f32 v41, v26;
	v36 =	vsub.f32 v44, v26  }
0x1c1: {  	v61 =	vld [tilespmem:$0x1A00];
	v40 =	vmul.f32 v60, v60;
	v34 =	vsub.f32 v49, v26;
	v30 =	vadd.f32 v55, v30  }
0x1c2: {  	v48 =	vld [tilespmem:$0x1A80];
	v27 =	vmul.f32 v27, v27;
	v24 =	vsub.f32 v50, v29;
	v35 =	vsub.f32 v53, v26  }
0x1c3: {  	v33 =	vsub.f32 v56, v26;
	v29 =	vsub.f32 v57, v29;
	v45 =	vld [tilespmem:$0x1A30];
	v31 =	vmul.f32 v31, v31  }
0x1c4: {  	v32 =	vsub.f32 v58, v26;
	v49 =	vld [tilespmem:$0x1A90];
	v36 =	vmul.f32 v36, v36;
	v24 =	vmul.f32 v24, v24  }
0x1c5: {  	v56 =	vld [tilespmem:$0x19F0];
	v27 =	vadd.f32 v27, v30;
	v44 =	vmul.f32 v29, v29;
	v29 =	vperm.xlane v28, v16  }
0x1c6: {  	v47 =	vsub.f32 v59, v26;
	v62 =	vmul.f32 v35, v35;
	v31 =	vadd.f32 v36, v31  }
0x1c7: {  	v54 =	vld [tilespmem:$0x1AA0];
	v28 =	vperm.xlane v28, v17;
	v24 =	vadd.f32 v24, v27;
	v37 =	vsub.f32 v61, v29  }
0x1c8: {  	v60 =	vld [tilespmem:$0x1AB0];
	v42 =	vmul.f32 v33, v33;
	v35 =	vsub.f32 v63, v29;
	v33 =	vsub.f32 v43, v29  }
0x1c9: {  	v52 =	vld [tilespmem:$0x1A40];
	v34 =	vmul.f32 v34, v34;
	v36 =	vsub.f32 v48, v28;
	v59 =	vsub.f32 v45, v29  }
0x1ca: {  	v46 =	vmul.f32 v32, v32;
	v61 =	vld [tilespmem:$0x1A50];
	v38 =	vsub.f32 v49, v28;
	v26 =	vsub.f32 v56, v26  }
0x1cb: {  	v51 =	vmul.f32 v47, v47;
	v63 =	vld [tilespmem:$0x1AC0];
	v31 =	vadd.f32 v34, v31;
	v24 =	vadd.f32 v40, v24  }
0x1cc: {  	v53 =	vmul.f32 v37, v37;
	v35 =	vmul.f32 v35, v35;
	v37 =	vsub.f32 v54, v28  }
0x1cd: {  	v58 =	vmul.f32 v33, v33;
	v34 =	vsub.f32 v60, v28;
	v41 =	vadd.f32 v62, v31  }
0x1ce: {  	v36 =	vmul.f32 v36, v36;
	v24 =	vadd.f32 v44, v24;
	v57 =	vadd.f32 v35, v53  }
0x1cf: {  	v45 =	vld [tilespmem:$0x1AD0];
	v38 =	vmul.f32 v38, v38;
	v31 =	vsub.f32 v52, v29;
	v30 =	vadd.f32 v42, v41  }
0x1d0: {  	v26 =	vmul.f32 v26, v26;
	v48 =	vsub.f32 v61, v29;
	v33 =	vsub.f32 v63, v28;
	v42 =	vld [tilespmem:$0x1A60]  }
0x1d1: {  	v49 =	vld [tilespmem:$0x1A70];
	v62 =	vmul.f32 v59, v59;
	v50 =	vadd.f32 v46, v30;
	v30 =	vadd.f32 v58, v57  }
0x1d2: {  	v47 =	vmul.f32 v37, v37;
	v22 =	vadd.f32 v24, v22;
	v46 =	vadd.f32 v38, v36  }
0x1d3: {  	v44 =	vmul.f32 v31, v31;
	v55 =	vadd.f32 v51, v50;
	v43 =	vadd.f32 v62, v30;
	v50 =	vld [tilespmem:$0x1AE0]  }
0x1d4: {  	v34 =	vmul.f32 v34, v34;
	v52 =	vld [tilespmem:$0x1AF0];
	v31 =	vsub.f32 v45, v28;
	v32 =	vadd.f32 v47, v46  }
0x1d5: {  	v30 =	vmul.f32 v48, v48;
	v51 =	vsub.f32 v42, v29;
	v27 =	vadd.f32 v44, v43  }
0x1d6: {  	v33 =	vmul.f32 v33, v33;
	v29 =	vsub.f32 v49, v29;
	v32 =	vadd.f32 v34, v32  }
0x1d7: {  	v31 =	vmul.f32 v31, v31;
	v24 =	vadd.f32 v26, v55;
	v53 =	vadd.f32 v30, v27  }
0x1d8: {  	v55 =	vmul.f32 v51, v51;
	v54 =	vadd.f32 v33, v32;
	v56 =	vsub.f32 v50, v28  }
0x1d9: {  	v29 =	vmul.f32 v29, v29;
	v28 =	vsub.f32 v52, v28  }
0x1da: {  	v26 =	vadd.f32 v55, v53;
	v27 =	vadd.f32 v31, v54;
	v57 =	vmul.f32 v56, v56  }
0x1db: {  	v21 =	vmul.f32 v21, v21;
	v58 =	vmul.f32 v25, v25;
	v22 =	vadd.f32 v24, v22  }
0x1dc: {  	v61 =	vmul.f32 v28, v28;
	v59 =	vadd.f32 v29, v26;
	v60 =	vadd.f32 v57, v27  }
0x1dd: {  	v19 =	vmul.f32 v19, v19;
	v21 =	vadd.f32 v21, v23;
	v20 =	vadd.f32 v58, v20  }
0x1de: {  	v22 =	vadd.f32 v59, v22;
	v62 =	vadd.f32 v61, v60  }
0x1df: {  	v19 =	vadd.f32 v19, v21;
	v18 =	vadd.f32 v20, v18  }
0x1e0: {  	v63 =	vadd.f32 v62, v22  }
0x1e1: {  	v18 =	vadd.f32 v19, v18  }
0x1e2: {  	v19 =	vpsel !p1, $0x0, v63  }
0x1e3: {  	v18 =	vadd.f32 v19, v18  }
0x1e4: {  	p2 =	sne.s32 s7, $0x1  }
.Ltmp0:
0x1e5: {  	[tilespmem:$0x1B00] =	vst v18;
	(pc) =	sbr.rel @p2 .LBB2_1-.Ltmp0, $4  }
0x1e6: {  	[hbm4b:s6+s4] =	stream.linear.scatter [tilespmem:s22], [sflag:$0x2], $0x80, $0x38;
	[tilespmem:$0x1B80] =	vst v63  }
0x1e7: {  	_ =	swait.ge [sflag:s9], $0x80  }
0x1e8: {  	[sflag:s9] =	ssyncset.done $0x0  }
0x1e9: {  	s7 =	sadd.s32 $0xFFFFFFFF, s7;
	[sflag:s9] =	ssyncadd.s32 $0xFFFFFF80  }
0x1ea: {  	_ =	sfence.sel $0x180000  }
0x1eb: {  	[bflag:$0x0] =	sbarrier.arrive $0xFFFF  }
0x1ec: {  	p0 =	sne.s32 s2, $0x0;
	_ =	strace $0x90000047  }
0x1ed: {  	s0 =	sadd.s32 @!p0 $0x100000, s0;
	[bflag:$0x2] =	sbarrier.arrive $0xFFFF  }
0x1ee: {  	[sflag:s0] =	ssyncadd.tile.s32 @!p0 $0x1;
	_ =	shalt  }
.Lfunc_end2:
_tile_overlayer_lowered:
.L_overlay_start_2:
0x1ef: {  	(tag) =	ssettag $0x2  }
0x1f0: {  	s0 =	rddreg [dreg:$0x0];
	s2 =	stileid.u32  }
0x1f1: {  	s1 =	rddreg [dreg:$0x1];
	p0 =	sne.s32 s2, $0x0  }
0x1f2: {  	s3 =	rddreg [dreg:$0x2];
	[bflag:$0x3] =	sbarrier.arrive $0xFFFF;
	s2 =	simm.s32 @!p0 $0x1C02  }
0x1f3: {  	[timem:s3], [sflag:s2] =	dma.local @!p0 [hbm:s0], s1  }
0x1f4: {  	s0 =	simm.s32 @!p0 $0x2  }
0x1f5: {  	_ =	swait.ge @!p0 [sflag:s0], s1  }
0x1f6: {  	s1 =	ssub.s32 @!p0 $0x0, s1;
	[sflag:s0] =	ssyncset.done @!p0 $0x0  }
0x1f7: {  	[sflag:s0] =	ssyncadd.s32 @!p0 s1  }
0x1f8: {  	[bflag:$0x3] =	sbarrier.arrive $0xFFFF  }
0x1f9: {  	_ =	shalt  }

</sc_bundles>
